<compile_context>
chip_gen: v7x
topology: tpu7x:2x2x1
jax: 0.10.2.dev20260603
libtpu: 0.0.44.dev20260713+nightly
codegen_flags: <defaults>
</compile_context>

<pallas_src>
import jax
import jax.numpy as jnp
from jax import lax
from jax.experimental import pallas as pl
from jax.experimental.pallas import tpu as pltpu
from jax.experimental.pallas import tpu_sc as plsc

NB, SEQ = 16384, 20
DIM = 64
NC, NS = 2, 16
NW = NC * NS
ROWS_PER_W = NB * SEQ // NW
BROW_PER_W = NB // NW
K = 8
CHUNK = K * SEQ
NCHUNK = BROW_PER_W // K
NBUF = 4
LAG = 2
NGROUP = NCHUNK // NBUF


def _emb_body(idx_hbm, table_hbm, out_hbm, idx_v, rows_v, *sems):
    gsem = sems[:NBUF]
    osem = sems[NBUF:]
    wid = lax.axis_index("s") * NC + lax.axis_index("c")
    pltpu.sync_copy(idx_hbm.at[wid], idx_v)

    rows4 = rows_v.reshape(NBUF, K, SEQ, 2 * DIM)

    def enqueue_rows(c, b):
        def vgroup(v, carry):
            vec = idx_v[pl.ds(c * CHUNK + v * 16, 16)]
            for j in range(16):
                pltpu.async_copy(table_hbm.at[vec[j]],
                                 rows_v.at[b, v * 16 + j, pl.ds(0, DIM)],
                                 gsem[b])
            return carry
        lax.fori_loop(0, CHUNK // 16, vgroup, 0)

    def drain_rows(bo):
        def dwait(t, carry):
            for _ in range(16):
                pltpu.make_async_copy(table_hbm.at[0],
                                      rows_v.at[bo, 0, pl.ds(0, DIM)],
                                      gsem[bo]).wait()
            return carry
        lax.fori_loop(0, CHUNK // 16, dwait, 0)

    def writeback(c, b):
        gb = wid * BROW_PER_W + c * K
        return pltpu.make_async_copy(
            rows4.at[b], out_hbm.at[pl.ds(gb, K)], osem[b])

    def group(g, carry):
        for b in range(NBUF):
            c = g * NBUF + b
            co = c - LAG
            bo = (b - LAG) % NBUF

            @pl.when(c < NCHUNK)
            def _():
                @pl.when(c >= NBUF)
                def _():
                    writeback(c - NBUF, b).wait()
                enqueue_rows(c, b)

            @pl.when((co >= 0) & (co < NCHUNK))
            def _():
                drain_rows(bo)
                writeback(co, bo).start()
        return carry

    lax.fori_loop(0, NGROUP + 1, group, 0)
    for b in range(NBUF):
        writeback(0, b).wait()


@jax.jit
def _embed(idx, table):
    mesh = plsc.VectorSubcoreMesh(core_axis_name="c", subcore_axis_name="s")
    return pl.kernel(
        _emb_body,
        mesh=mesh,
        out_type=jax.ShapeDtypeStruct((NB, SEQ, 2 * DIM), jnp.float32),
        scratch_types=[
            pltpu.VMEM((ROWS_PER_W,), jnp.int32),
            pltpu.VMEM((NBUF, CHUNK, 2 * DIM), jnp.float32),
        ] + [pltpu.SemaphoreType.DMA] * (2 * NBUF),
    )(idx, table)


def kernel(token_ids, weight):
    idx = token_ids.reshape(NW, ROWS_PER_W).astype(jnp.int32)
    return _embed(idx, weight)[:, :, :DIM]

# --- scband reference (transcript-rebuilt; emitter-appended) ---
"""Pipeline reference for scband-embedding-12936441495622 (READ-ONLY COPY).

The authoritative reference and input builder live on the scoring server;
editing this copy changes nothing except your own understanding.
"""

import jax, jax.numpy as jnp
import numpy as np

NUM_EMBEDDINGS = 1000000
EMBEDDING_DIM = 64

def setup_inputs(seed: int = 0) -> dict:
    key = jax.random.key(seed)
    k_idx, k_w = jax.random.split(key)
    token_ids = jax.random.randint(k_idx, (16384, 20), 0, NUM_EMBEDDINGS, dtype=jnp.int64 if jax.config.jax_enable_x64 else jnp.int32)
    # trunc_normal_(mean=0, std=1, a=-3, b=3)
    weight = jax.random.truncated_normal(k_w, -3.0, 3.0, (NUM_EMBEDDINGS, EMBEDDING_DIM), dtype=jnp.float32)
    return {"token_ids": token_ids, "weight": weight}

def reference(token_ids, weight):
    # y[..., k] = E[token_ids[...], k]
    return jnp.take(weight, token_ids, axis=0)

if __name__ == "__main__":
    import jax
    _d = setup_inputs()
    print(jax.jit(kernel)(*tuple(_d.values())))

</pallas_src>

<mosaic_0001>
#map = affine_map<(d0, d1) -> (0, 0)>
#map1 = affine_map<(d0, d1) -> (0, 0, 0)>
module attributes {stable_mosaic.version = 14 : i64} {
  func.func @_emb_body(%arg0: i32, %arg1: i32, %arg2: memref<32x10240xi32, #tpu.memory_space<hbm>>, %arg3: memref<1000000x64xf32, #tpu.memory_space<hbm>>, %arg4: memref<16384x20x128xf32, #tpu.memory_space<hbm>>, %arg5: memref<10240xi32, #tpu.memory_space<vmem>>, %arg6: memref<4x160x128xf32, #tpu.memory_space<vmem>>, %arg7: memref<!tpu.dma_semaphore, #tpu.memory_space<semaphore_mem>>, %arg8: memref<!tpu.dma_semaphore, #tpu.memory_space<semaphore_mem>>, %arg9: memref<!tpu.dma_semaphore, #tpu.memory_space<semaphore_mem>>, %arg10: memref<!tpu.dma_semaphore, #tpu.memory_space<semaphore_mem>>, %arg11: memref<!tpu.dma_semaphore, #tpu.memory_space<semaphore_mem>>, %arg12: memref<!tpu.dma_semaphore, #tpu.memory_space<semaphore_mem>>, %arg13: memref<!tpu.dma_semaphore, #tpu.memory_space<semaphore_mem>>, %arg14: memref<!tpu.dma_semaphore, #tpu.memory_space<semaphore_mem>>) attributes {dimension_semantics = [#tpu.dimension_semantics<core_parallel>, #tpu.dimension_semantics<subcore_parallel>], iteration_bounds = array<i64: 2, 16>, scalar_prefetch = 0 : i64, scratch_operands = 10 : i64, tpu.core_type = #tpu.core_type<sc_vector_subcore>, window_params = [{transform_indices = #map}, {transform_indices = #map}, {transform_indices = #map1}]} {
    %mul3A = arith.constant 2 : i32
    %mul3A_0 = arith.muli %arg1, %mul3A : i32
    %add3A = arith.addi %mul3A_0, %arg0 : i32
    "tpu.region"() ({
      %run_scoped3A = tpu.sem_alloc : memref<!tpu.dma_semaphore, #tpu.memory_space<semaphore_mem>>
      %dma_start3A = arith.constant 0 : i32
      %dma_start3A_97 = tpu.memref_slice %arg2[%add3A, %dma_start3A] : memref<32x10240xi32, #tpu.memory_space<hbm>> -> memref<1x10240xi32, #tpu.memory_space<hbm>>
      %dma_start3A_98 = tpu.memref_squeeze %dma_start3A_97 : memref<1x10240xi32, #tpu.memory_space<hbm>> -> memref<10240xi32, #tpu.memory_space<hbm>>
      %dma_start3A_99 = arith.constant 0 : i32
      %dma_start3A_100 = tpu.memref_slice %arg2[%add3A, %dma_start3A_99] : memref<32x10240xi32, #tpu.memory_space<hbm>> -> memref<1x10240xi32, #tpu.memory_space<hbm>>
      %dma_start3A_101 = tpu.memref_squeeze %dma_start3A_100 : memref<1x10240xi32, #tpu.memory_space<hbm>> -> memref<10240xi32, #tpu.memory_space<hbm>>
      tpu.enqueue_dma source(%dma_start3A_101 : memref<10240xi32, #tpu.memory_space<hbm>>) target(%arg5 : memref<10240xi32, #tpu.memory_space<vmem>>) target_semaphore(%run_scoped3A : memref<!tpu.dma_semaphore, #tpu.memory_space<semaphore_mem>>)
      %dma_wait3A_102 = arith.constant 0 : i32
      %dma_wait3A_103 = tpu.memref_slice %arg2[%add3A, %dma_wait3A_102] : memref<32x10240xi32, #tpu.memory_space<hbm>> -> memref<1x10240xi32, #tpu.memory_space<hbm>>
      %dma_wait3A_104 = tpu.memref_squeeze %dma_wait3A_103 : memref<1x10240xi32, #tpu.memory_space<hbm>> -> memref<10240xi32, #tpu.memory_space<hbm>>
      %dma_wait3A_105 = arith.constant 0 : i32
      %dma_wait3A_106 = tpu.memref_slice %arg2[%add3A, %dma_wait3A_105] : memref<32x10240xi32, #tpu.memory_space<hbm>> -> memref<1x10240xi32, #tpu.memory_space<hbm>>
      %dma_wait3A_107 = tpu.memref_squeeze %dma_wait3A_106 : memref<1x10240xi32, #tpu.memory_space<hbm>> -> memref<10240xi32, #tpu.memory_space<hbm>>
      tpu.wait_dma2 semaphore(%run_scoped3A : memref<!tpu.dma_semaphore, #tpu.memory_space<semaphore_mem>>) src(%dma_wait3A_107 : memref<10240xi32, #tpu.memory_space<hbm>>) dst(%arg5 : memref<10240xi32, #tpu.memory_space<vmem>>)
      tpu.yield
    }) : () -> ()
    %scan3A = arith.constant 0 : i32
    %scan3A_1 = arith.constant 0 : i32
    %scan3A_2 = arith.constant 17 : i32
    %scan3A_3 = arith.addi %scan3A_1, %scan3A_2 : i32
    %scan3A_4 = arith.constant 1 : i32
    scf.for %scan3A_97 = %scan3A_1 to %scan3A_3 step %scan3A_4  : i32 {
      %mul3A_98 = arith.constant 4 : i32
      %mul3A_99 = arith.muli %scan3A_97, %mul3A_98 : i32
      %add3A_100 = arith.constant 0 : i32
      %add3A_101 = arith.addi %mul3A_99, %add3A_100 : i32
      %sub3A = arith.constant 2 : i32
      %sub3A_102 = arith.subi %add3A_101, %sub3A : i32
      %lt3A = arith.constant 64 : i32
      %lt3A_103 = arith.cmpi slt, %add3A_101, %lt3A : i32
      %convert_element_type3A = arith.extui %lt3A_103 : i1 to i32
      %cond3A = arith.constant 0 : i32
      %cond3A_104 = arith.cmpi ne, %convert_element_type3A, %cond3A : i32
      scf.if %cond3A_104 {
        %ge3A_168 = arith.constant 4 : i32
        %ge3A_169 = arith.cmpi sge, %add3A_101, %ge3A_168 : i32
        %convert_element_type3A_170 = arith.extui %ge3A_169 : i1 to i32
        %cond3A_171 = arith.constant 0 : i32
        %cond3A_172 = arith.cmpi ne, %convert_element_type3A_170, %cond3A_171 : i32
        scf.if %cond3A_172 {
          %sub3A_179 = arith.constant 4 : i32
          %sub3A_180 = arith.subi %add3A_101, %sub3A_179 : i32
          %mul3A_181 = arith.constant 512 : i32
          %mul3A_182 = arith.muli %add3A, %mul3A_181 : i32
          %mul3A_183 = arith.constant 8 : i32
          %mul3A_184 = arith.muli %sub3A_180, %mul3A_183 : i32
          %add3A_185 = arith.addi %mul3A_182, %mul3A_184 : i32
          %dma_wait3A_186 = arith.constant 0 : i32
          %dma_wait3A_187 = tpu.memref_reshape %arg6 : memref<4x160x128xf32, #tpu.memory_space<vmem>> -> memref<4x8x20x128xf32, #tpu.memory_space<vmem>>
          %dma_wait3A_188 = arith.constant 0 : i32
          %dma_wait3A_189 = arith.constant 0 : i32
          %dma_wait3A_190 = arith.constant 0 : i32
          %dma_wait3A_191 = tpu.memref_slice %dma_wait3A_187[%dma_wait3A_186, %dma_wait3A_188, %dma_wait3A_189, %dma_wait3A_190] : memref<4x8x20x128xf32, #tpu.memory_space<vmem>> -> memref<1x8x20x128xf32, #tpu.memory_space<vmem>>
          %dma_wait3A_192 = tpu.memref_squeeze %dma_wait3A_191 : memref<1x8x20x128xf32, #tpu.memory_space<vmem>> -> memref<8x20x128xf32, #tpu.memory_space<vmem>>
          %dma_wait3A_193 = arith.constant 0 : i32
          %dma_wait3A_194 = arith.constant 0 : i32
          %dma_wait3A_195 = tpu.memref_slice %arg4[%add3A_185, %dma_wait3A_193, %dma_wait3A_194] : memref<16384x20x128xf32, #tpu.memory_space<hbm>> -> memref<8x20x128xf32, #tpu.memory_space<hbm>>
          %dma_wait3A_196 = arith.constant 0 : i32
          %dma_wait3A_197 = arith.constant 0 : i32
          %dma_wait3A_198 = tpu.memref_slice %arg4[%add3A_185, %dma_wait3A_196, %dma_wait3A_197] : memref<16384x20x128xf32, #tpu.memory_space<hbm>> -> memref<8x20x128xf32, #tpu.memory_space<hbm>>
          %dma_wait3A_199 = tpu.memref_reshape %arg6 : memref<4x160x128xf32, #tpu.memory_space<vmem>> -> memref<4x8x20x128xf32, #tpu.memory_space<vmem>>
          %dma_wait3A_200 = arith.constant 0 : i32
          %dma_wait3A_201 = arith.constant 0 : i32
          %dma_wait3A_202 = arith.constant 0 : i32
          %dma_wait3A_203 = tpu.memref_slice %dma_wait3A_199[%dma_wait3A_186, %dma_wait3A_200, %dma_wait3A_201, %dma_wait3A_202] : memref<4x8x20x128xf32, #tpu.memory_space<vmem>> -> memref<1x8x20x128xf32, #tpu.memory_space<vmem>>
          %dma_wait3A_204 = tpu.memref_squeeze %dma_wait3A_203 : memref<1x8x20x128xf32, #tpu.memory_space<vmem>> -> memref<8x20x128xf32, #tpu.memory_space<vmem>>
          tpu.wait_dma2 semaphore(%arg11 : memref<!tpu.dma_semaphore, #tpu.memory_space<semaphore_mem>>) src(%dma_wait3A_204 : memref<8x20x128xf32, #tpu.memory_space<vmem>>) dst(%dma_wait3A_198 : memref<8x20x128xf32, #tpu.memory_space<hbm>>)
        } else {
        }
        %scan3A_173 = arith.constant 0 : i32
        %scan3A_174 = arith.constant 0 : i32
        %scan3A_175 = arith.constant 10 : i32
        %scan3A_176 = arith.addi %scan3A_174, %scan3A_175 : i32
        %scan3A_177 = arith.constant 1 : i32
        scf.for %scan3A_179 = %scan3A_174 to %scan3A_176 step %scan3A_177  : i32 {
          %mul3A_180 = arith.constant 160 : i32
          %mul3A_181 = arith.muli %add3A_101, %mul3A_180 : i32
          %mul3A_182 = arith.constant 16 : i32
          %mul3A_183 = arith.muli %scan3A_179, %mul3A_182 : i32
          %add3A_184 = arith.addi %mul3A_181, %mul3A_183 : i32
          %get3A = arith.index_cast %add3A_184 : i32 to index
          %get3A_185 = tpu.vector_load %arg5[%get3A] {strides = array<i32>} : memref<10240xi32, #tpu.memory_space<vmem>>, vector<16xi32>,
          %get3A_186 = vector.shape_cast %get3A_185 : vector<16xi32> to vector<16xi32>
          %slice3A = vector.extract_strided_slice %get3A_186 {offsets = [0], sizes = [1], strides = [1]} : vector<16xi32> to vector<1xi32>
          %squeeze3A = vector.extract %slice3A[0] : i32 from vector<1xi32>
          %mul3A_187 = arith.constant 16 : i32
          %mul3A_188 = arith.muli %scan3A_179, %mul3A_187 : i32
          %add3A_189 = arith.constant 0 : i32
          %add3A_190 = arith.addi %mul3A_188, %add3A_189 : i32
          %dma_start3A = arith.constant 0 : i32
          %dma_start3A_191 = arith.constant 0 : i32
          %dma_start3A_192 = tpu.memref_slice %arg6[%dma_start3A, %add3A_190, %dma_start3A_191] : memref<4x160x128xf32, #tpu.memory_space<vmem>> -> memref<1x1x64xf32, #tpu.memory_space<vmem>>
          %dma_start3A_193 = tpu.memref_squeeze %dma_start3A_192 : memref<1x1x64xf32, #tpu.memory_space<vmem>> -> memref<64xf32, #tpu.memory_space<vmem>>
          %dma_start3A_194 = arith.constant 0 : i32
          %dma_start3A_195 = tpu.memref_slice %arg3[%squeeze3A, %dma_start3A_194] : memref<1000000x64xf32, #tpu.memory_space<hbm>> -> memref<1x64xf32, #tpu.memory_space<hbm>>
          %dma_start3A_196 = tpu.memref_squeeze %dma_start3A_195 : memref<1x64xf32, #tpu.memory_space<hbm>> -> memref<64xf32, #tpu.memory_space<hbm>>
          %dma_start3A_197 = arith.constant 0 : i32
          %dma_start3A_198 = tpu.memref_slice %arg6[%dma_start3A, %add3A_190, %dma_start3A_197] : memref<4x160x128xf32, #tpu.memory_space<vmem>> -> memref<1x1x64xf32, #tpu.memory_space<vmem>>
          %dma_start3A_199 = tpu.memref_squeeze %dma_start3A_198 : memref<1x1x64xf32, #tpu.memory_space<vmem>> -> memref<64xf32, #tpu.memory_space<vmem>>
          %dma_start3A_200 = arith.constant 0 : i32
          %dma_start3A_201 = tpu.memref_slice %arg3[%squeeze3A, %dma_start3A_200] : memref<1000000x64xf32, #tpu.memory_space<hbm>> -> memref<1x64xf32, #tpu.memory_space<hbm>>
          %dma_start3A_202 = tpu.memref_squeeze %dma_start3A_201 : memref<1x64xf32, #tpu.memory_space<hbm>> -> memref<64xf32, #tpu.memory_space<hbm>>
          tpu.enqueue_dma source(%dma_start3A_202 : memref<64xf32, #tpu.memory_space<hbm>>) target(%dma_start3A_199 : memref<64xf32, #tpu.memory_space<vmem>>) target_semaphore(%arg7 : memref<!tpu.dma_semaphore, #tpu.memory_space<semaphore_mem>>)
          %slice3A_203 = vector.extract_strided_slice %get3A_186 {offsets = [1], sizes = [1], strides = [1]} : vector<16xi32> to vector<1xi32>
          %squeeze3A_204 = vector.extract %slice3A_203[0] : i32 from vector<1xi32>
          %mul3A_205 = arith.constant 16 : i32
          %mul3A_206 = arith.muli %scan3A_179, %mul3A_205 : i32
          %add3A_207 = arith.constant 1 : i32
          %add3A_208 = arith.addi %mul3A_206, %add3A_207 : i32
          %dma_start3A_209 = arith.constant 0 : i32
          %dma_start3A_210 = arith.constant 0 : i32
          %dma_start3A_211 = tpu.memref_slice %arg6[%dma_start3A_209, %add3A_208, %dma_start3A_210] : memref<4x160x128xf32, #tpu.memory_space<vmem>> -> memref<1x1x64xf32, #tpu.memory_space<vmem>>
          %dma_start3A_212 = tpu.memref_squeeze %dma_start3A_211 : memref<1x1x64xf32, #tpu.memory_space<vmem>> -> memref<64xf32, #tpu.memory_space<vmem>>
          %dma_start3A_213 = arith.constant 0 : i32
          %dma_start3A_214 = tpu.memref_slice %arg3[%squeeze3A_204, %dma_start3A_213] : memref<1000000x64xf32, #tpu.memory_space<hbm>> -> memref<1x64xf32, #tpu.memory_space<hbm>>
          %dma_start3A_215 = tpu.memref_squeeze %dma_start3A_214 : memref<1x64xf32, #tpu.memory_space<hbm>> -> memref<64xf32, #tpu.memory_space<hbm>>
          %dma_start3A_216 = arith.constant 0 : i32
          %dma_start3A_217 = tpu.memref_slice %arg6[%dma_start3A_209, %add3A_208, %dma_start3A_216] : memref<4x160x128xf32, #tpu.memory_space<vmem>> -> memref<1x1x64xf32, #tpu.memory_space<vmem>>
          %dma_start3A_218 = tpu.memref_squeeze %dma_start3A_217 : memref<1x1x64xf32, #tpu.memory_space<vmem>> -> memref<64xf32, #tpu.memory_space<vmem>>
          %dma_start3A_219 = arith.constant 0 : i32
          %dma_start3A_220 = tpu.memref_slice %arg3[%squeeze3A_204, %dma_start3A_219] : memref<1000000x64xf32, #tpu.memory_space<hbm>> -> memref<1x64xf32, #tpu.memory_space<hbm>>
          %dma_start3A_221 = tpu.memref_squeeze %dma_start3A_220 : memref<1x64xf32, #tpu.memory_space<hbm>> -> memref<64xf32, #tpu.memory_space<hbm>>
          tpu.enqueue_dma source(%dma_start3A_221 : memref<64xf32, #tpu.memory_space<hbm>>) target(%dma_start3A_218 : memref<64xf32, #tpu.memory_space<vmem>>) target_semaphore(%arg7 : memref<!tpu.dma_semaphore, #tpu.memory_space<semaphore_mem>>)
          %slice3A_222 = vector.extract_strided_slice %get3A_186 {offsets = [2], sizes = [1], strides = [1]} : vector<16xi32> to vector<1xi32>
          %squeeze3A_223 = vector.extract %slice3A_222[0] : i32 from vector<1xi32>
          %mul3A_224 = arith.constant 16 : i32
          %mul3A_225 = arith.muli %scan3A_179, %mul3A_224 : i32
          %add3A_226 = arith.constant 2 : i32
          %add3A_227 = arith.addi %mul3A_225, %add3A_226 : i32
          %dma_start3A_228 = arith.constant 0 : i32
          %dma_start3A_229 = arith.constant 0 : i32
          %dma_start3A_230 = tpu.memref_slice %arg6[%dma_start3A_228, %add3A_227, %dma_start3A_229] : memref<4x160x128xf32, #tpu.memory_space<vmem>> -> memref<1x1x64xf32, #tpu.memory_space<vmem>>
          %dma_start3A_231 = tpu.memref_squeeze %dma_start3A_230 : memref<1x1x64xf32, #tpu.memory_space<vmem>> -> memref<64xf32, #tpu.memory_space<vmem>>
          %dma_start3A_232 = arith.constant 0 : i32
          %dma_start3A_233 = tpu.memref_slice %arg3[%squeeze3A_223, %dma_start3A_232] : memref<1000000x64xf32, #tpu.memory_space<hbm>> -> memref<1x64xf32, #tpu.memory_space<hbm>>
          %dma_start3A_234 = tpu.memref_squeeze %dma_start3A_233 : memref<1x64xf32, #tpu.memory_space<hbm>> -> memref<64xf32, #tpu.memory_space<hbm>>
          %dma_start3A_235 = arith.constant 0 : i32
          %dma_start3A_236 = tpu.memref_slice %arg6[%dma_start3A_228, %add3A_227, %dma_start3A_235] : memref<4x160x128xf32, #tpu.memory_space<vmem>> -> memref<1x1x64xf32, #tpu.memory_space<vmem>>
          %dma_start3A_237 = tpu.memref_squeeze %dma_start3A_236 : memref<1x1x64xf32, #tpu.memory_space<vmem>> -> memref<64xf32, #tpu.memory_space<vmem>>
          %dma_start3A_238 = arith.constant 0 : i32
          %dma_start3A_239 = tpu.memref_slice %arg3[%squeeze3A_223, %dma_start3A_238] : memref<1000000x64xf32, #tpu.memory_space<hbm>> -> memref<1x64xf32, #tpu.memory_space<hbm>>
          %dma_start3A_240 = tpu.memref_squeeze %dma_start3A_239 : memref<1x64xf32, #tpu.memory_space<hbm>> -> memref<64xf32, #tpu.memory_space<hbm>>
          tpu.enqueue_dma source(%dma_start3A_240 : memref<64xf32, #tpu.memory_space<hbm>>) target(%dma_start3A_237 : memref<64xf32, #tpu.memory_space<vmem>>) target_semaphore(%arg7 : memref<!tpu.dma_semaphore, #tpu.memory_space<semaphore_mem>>)
          %slice3A_241 = vector.extract_strided_slice %get3A_186 {offsets = [3], sizes = [1], strides = [1]} : vector<16xi32> to vector<1xi32>
          %squeeze3A_242 = vector.extract %slice3A_241[0] : i32 from vector<1xi32>
          %mul3A_243 = arith.constant 16 : i32
          %mul3A_244 = arith.muli %scan3A_179, %mul3A_243 : i32
          %add3A_245 = arith.constant 3 : i32
          %add3A_246 = arith.addi %mul3A_244, %add3A_245 : i32
          %dma_start3A_247 = arith.constant 0 : i32
          %dma_start3A_248 = arith.constant 0 : i32
          %dma_start3A_249 = tpu.memref_slice %arg6[%dma_start3A_247, %add3A_246, %dma_start3A_248] : memref<4x160x128xf32, #tpu.memory_space<vmem>> -> memref<1x1x64xf32, #tpu.memory_space<vmem>>
          %dma_start3A_250 = tpu.memref_squeeze %dma_start3A_249 : memref<1x1x64xf32, #tpu.memory_space<vmem>> -> memref<64xf32, #tpu.memory_space<vmem>>
          %dma_start3A_251 = arith.constant 0 : i32
          %dma_start3A_252 = tpu.memref_slice %arg3[%squeeze3A_242, %dma_start3A_251] : memref<1000000x64xf32, #tpu.memory_space<hbm>> -> memref<1x64xf32, #tpu.memory_space<hbm>>
          %dma_start3A_253 = tpu.memref_squeeze %dma_start3A_252 : memref<1x64xf32, #tpu.memory_space<hbm>> -> memref<64xf32, #tpu.memory_space<hbm>>
          %dma_start3A_254 = arith.constant 0 : i32
          %dma_start3A_255 = tpu.memref_slice %arg6[%dma_start3A_247, %add3A_246, %dma_start3A_254] : memref<4x160x128xf32, #tpu.memory_space<vmem>> -> memref<1x1x64xf32, #tpu.memory_space<vmem>>
          %dma_start3A_256 = tpu.memref_squeeze %dma_start3A_255 : memref<1x1x64xf32, #tpu.memory_space<vmem>> -> memref<64xf32, #tpu.memory_space<vmem>>
          %dma_start3A_257 = arith.constant 0 : i32
          %dma_start3A_258 = tpu.memref_slice %arg3[%squeeze3A_242, %dma_start3A_257] : memref<1000000x64xf32, #tpu.memory_space<hbm>> -> memref<1x64xf32, #tpu.memory_space<hbm>>
          %dma_start3A_259 = tpu.memref_squeeze %dma_start3A_258 : memref<1x64xf32, #tpu.memory_space<hbm>> -> memref<64xf32, #tpu.memory_space<hbm>>
          tpu.enqueue_dma source(%dma_start3A_259 : memref<64xf32, #tpu.memory_space<hbm>>) target(%dma_start3A_256 : memref<64xf32, #tpu.memory_space<vmem>>) target_semaphore(%arg7 : memref<!tpu.dma_semaphore, #tpu.memory_space<semaphore_mem>>)
          %slice3A_260 = vector.extract_strided_slice %get3A_186 {offsets = [4], sizes = [1], strides = [1]} : vector<16xi32> to vector<1xi32>
          %squeeze3A_261 = vector.extract %slice3A_260[0] : i32 from vector<1xi32>
          %mul3A_262 = arith.constant 16 : i32
          %mul3A_263 = arith.muli %scan3A_179, %mul3A_262 : i32
          %add3A_264 = arith.constant 4 : i32
          %add3A_265 = arith.addi %mul3A_263, %add3A_264 : i32
          %dma_start3A_266 = arith.constant 0 : i32
          %dma_start3A_267 = arith.constant 0 : i32
          %dma_start3A_268 = tpu.memref_slice %arg6[%dma_start3A_266, %add3A_265, %dma_start3A_267] : memref<4x160x128xf32, #tpu.memory_space<vmem>> -> memref<1x1x64xf32, #tpu.memory_space<vmem>>
          %dma_start3A_269 = tpu.memref_squeeze %dma_start3A_268 : memref<1x1x64xf32, #tpu.memory_space<vmem>> -> memref<64xf32, #tpu.memory_space<vmem>>
          %dma_start3A_270 = arith.constant 0 : i32
          %dma_start3A_271 = tpu.memref_slice %arg3[%squeeze3A_261, %dma_start3A_270] : memref<1000000x64xf32, #tpu.memory_space<hbm>> -> memref<1x64xf32, #tpu.memory_space<hbm>>
          %dma_start3A_272 = tpu.memref_squeeze %dma_start3A_271 : memref<1x64xf32, #tpu.memory_space<hbm>> -> memref<64xf32, #tpu.memory_space<hbm>>
          %dma_start3A_273 = arith.constant 0 : i32
          %dma_start3A_274 = tpu.memref_slice %arg6[%dma_start3A_266, %add3A_265, %dma_start3A_273] : memref<4x160x128xf32, #tpu.memory_space<vmem>> -> memref<1x1x64xf32, #tpu.memory_space<vmem>>
          %dma_start3A_275 = tpu.memref_squeeze %dma_start3A_274 : memref<1x1x64xf32, #tpu.memory_space<vmem>> -> memref<64xf32, #tpu.memory_space<vmem>>
          %dma_start3A_276 = arith.constant 0 : i32
          %dma_start3A_277 = tpu.memref_slice %arg3[%squeeze3A_261, %dma_start3A_276] : memref<1000000x64xf32, #tpu.memory_space<hbm>> -> memref<1x64xf32, #tpu.memory_space<hbm>>
          %dma_start3A_278 = tpu.memref_squeeze %dma_start3A_277 : memref<1x64xf32, #tpu.memory_space<hbm>> -> memref<64xf32, #tpu.memory_space<hbm>>
          tpu.enqueue_dma source(%dma_start3A_278 : memref<64xf32, #tpu.memory_space<hbm>>) target(%dma_start3A_275 : memref<64xf32, #tpu.memory_space<vmem>>) target_semaphore(%arg7 : memref<!tpu.dma_semaphore, #tpu.memory_space<semaphore_mem>>)
          %slice3A_279 = vector.extract_strided_slice %get3A_186 {offsets = [5], sizes = [1], strides = [1]} : vector<16xi32> to vector<1xi32>
          %squeeze3A_280 = vector.extract %slice3A_279[0] : i32 from vector<1xi32>
          %mul3A_281 = arith.constant 16 : i32
          %mul3A_282 = arith.muli %scan3A_179, %mul3A_281 : i32
          %add3A_283 = arith.constant 5 : i32
          %add3A_284 = arith.addi %mul3A_282, %add3A_283 : i32
          %dma_start3A_285 = arith.constant 0 : i32
          %dma_start3A_286 = arith.constant 0 : i32
          %dma_start3A_287 = tpu.memref_slice %arg6[%dma_start3A_285, %add3A_284, %dma_start3A_286] : memref<4x160x128xf32, #tpu.memory_space<vmem>> -> memref<1x1x64xf32, #tpu.memory_space<vmem>>
          %dma_start3A_288 = tpu.memref_squeeze %dma_start3A_287 : memref<1x1x64xf32, #tpu.memory_space<vmem>> -> memref<64xf32, #tpu.memory_space<vmem>>
          %dma_start3A_289 = arith.constant 0 : i32
          %dma_start3A_290 = tpu.memref_slice %arg3[%squeeze3A_280, %dma_start3A_289] : memref<1000000x64xf32, #tpu.memory_space<hbm>> -> memref<1x64xf32, #tpu.memory_space<hbm>>
          %dma_start3A_291 = tpu.memref_squeeze %dma_start3A_290 : memref<1x64xf32, #tpu.memory_space<hbm>> -> memref<64xf32, #tpu.memory_space<hbm>>
          %dma_start3A_292 = arith.constant 0 : i32
          %dma_start3A_293 = tpu.memref_slice %arg6[%dma_start3A_285, %add3A_284, %dma_start3A_292] : memref<4x160x128xf32, #tpu.memory_space<vmem>> -> memref<1x1x64xf32, #tpu.memory_space<vmem>>
          %dma_start3A_294 = tpu.memref_squeeze %dma_start3A_293 : memref<1x1x64xf32, #tpu.memory_space<vmem>> -> memref<64xf32, #tpu.memory_space<vmem>>
          %dma_start3A_295 = arith.constant 0 : i32
          %dma_start3A_296 = tpu.memref_slice %arg3[%squeeze3A_280, %dma_start3A_295] : memref<1000000x64xf32, #tpu.memory_space<hbm>> -> memref<1x64xf32, #tpu.memory_space<hbm>>
          %dma_start3A_297 = tpu.memref_squeeze %dma_start3A_296 : memref<1x64xf32, #tpu.memory_space<hbm>> -> memref<64xf32, #tpu.memory_space<hbm>>
          tpu.enqueue_dma source(%dma_start3A_297 : memref<64xf32, #tpu.memory_space<hbm>>) target(%dma_start3A_294 : memref<64xf32, #tpu.memory_space<vmem>>) target_semaphore(%arg7 : memref<!tpu.dma_semaphore, #tpu.memory_space<semaphore_mem>>)
          %slice3A_298 = vector.extract_strided_slice %get3A_186 {offsets = [6], sizes = [1], strides = [1]} : vector<16xi32> to vector<1xi32>
          %squeeze3A_299 = vector.extract %slice3A_298[0] : i32 from vector<1xi32>
          %mul3A_300 = arith.constant 16 : i32
          %mul3A_301 = arith.muli %scan3A_179, %mul3A_300 : i32
          %add3A_302 = arith.constant 6 : i32
          %add3A_303 = arith.addi %mul3A_301, %add3A_302 : i32
          %dma_start3A_304 = arith.constant 0 : i32
          %dma_start3A_305 = arith.constant 0 : i32
          %dma_start3A_306 = tpu.memref_slice %arg6[%dma_start3A_304, %add3A_303, %dma_start3A_305] : memref<4x160x128xf32, #tpu.memory_space<vmem>> -> memref<1x1x64xf32, #tpu.memory_space<vmem>>
          %dma_start3A_307 = tpu.memref_squeeze %dma_start3A_306 : memref<1x1x64xf32, #tpu.memory_space<vmem>> -> memref<64xf32, #tpu.memory_space<vmem>>
          %dma_start3A_308 = arith.constant 0 : i32
          %dma_start3A_309 = tpu.memref_slice %arg3[%squeeze3A_299, %dma_start3A_308] : memref<1000000x64xf32, #tpu.memory_space<hbm>> -> memref<1x64xf32, #tpu.memory_space<hbm>>
          %dma_start3A_310 = tpu.memref_squeeze %dma_start3A_309 : memref<1x64xf32, #tpu.memory_space<hbm>> -> memref<64xf32, #tpu.memory_space<hbm>>
          %dma_start3A_311 = arith.constant 0 : i32
          %dma_start3A_312 = tpu.memref_slice %arg6[%dma_start3A_304, %add3A_303, %dma_start3A_311] : memref<4x160x128xf32, #tpu.memory_space<vmem>> -> memref<1x1x64xf32, #tpu.memory_space<vmem>>
          %dma_start3A_313 = tpu.memref_squeeze %dma_start3A_312 : memref<1x1x64xf32, #tpu.memory_space<vmem>> -> memref<64xf32, #tpu.memory_space<vmem>>
          %dma_start3A_314 = arith.constant 0 : i32
          %dma_start3A_315 = tpu.memref_slice %arg3[%squeeze3A_299, %dma_start3A_314] : memref<1000000x64xf32, #tpu.memory_space<hbm>> -> memref<1x64xf32, #tpu.memory_space<hbm>>
          %dma_start3A_316 = tpu.memref_squeeze %dma_start3A_315 : memref<1x64xf32, #tpu.memory_space<hbm>> -> memref<64xf32, #tpu.memory_space<hbm>>
          tpu.enqueue_dma source(%dma_start3A_316 : memref<64xf32, #tpu.memory_space<hbm>>) target(%dma_start3A_313 : memref<64xf32, #tpu.memory_space<vmem>>) target_semaphore(%arg7 : memref<!tpu.dma_semaphore, #tpu.memory_space<semaphore_mem>>)
          %slice3A_317 = vector.extract_strided_slice %get3A_186 {offsets = [7], sizes = [1], strides = [1]} : vector<16xi32> to vector<1xi32>
          %squeeze3A_318 = vector.extract %slice3A_317[0] : i32 from vector<1xi32>
          %mul3A_319 = arith.constant 16 : i32
          %mul3A_320 = arith.muli %scan3A_179, %mul3A_319 : i32
          %add3A_321 = arith.constant 7 : i32
          %add3A_322 = arith.addi %mul3A_320, %add3A_321 : i32
          %dma_start3A_323 = arith.constant 0 : i32
          %dma_start3A_324 = arith.constant 0 : i32
          %dma_start3A_325 = tpu.memref_slice %arg6[%dma_start3A_323, %add3A_322, %dma_start3A_324] : memref<4x160x128xf32, #tpu.memory_space<vmem>> -> memref<1x1x64xf32, #tpu.memory_space<vmem>>
          %dma_start3A_326 = tpu.memref_squeeze %dma_start3A_325 : memref<1x1x64xf32, #tpu.memory_space<vmem>> -> memref<64xf32, #tpu.memory_space<vmem>>
          %dma_start3A_327 = arith.constant 0 : i32
          %dma_start3A_328 = tpu.memref_slice %arg3[%squeeze3A_318, %dma_start3A_327] : memref<1000000x64xf32, #tpu.memory_space<hbm>> -> memref<1x64xf32, #tpu.memory_space<hbm>>
          %dma_start3A_329 = tpu.memref_squeeze %dma_start3A_328 : memref<1x64xf32, #tpu.memory_space<hbm>> -> memref<64xf32, #tpu.memory_space<hbm>>
          %dma_start3A_330 = arith.constant 0 : i32
          %dma_start3A_331 = tpu.memref_slice %arg6[%dma_start3A_323, %add3A_322, %dma_start3A_330] : memref<4x160x128xf32, #tpu.memory_space<vmem>> -> memref<1x1x64xf32, #tpu.memory_space<vmem>>
          %dma_start3A_332 = tpu.memref_squeeze %dma_start3A_331 : memref<1x1x64xf32, #tpu.memory_space<vmem>> -> memref<64xf32, #tpu.memory_space<vmem>>
          %dma_start3A_333 = arith.constant 0 : i32
          %dma_start3A_334 = tpu.memref_slice %arg3[%squeeze3A_318, %dma_start3A_333] : memref<1000000x64xf32, #tpu.memory_space<hbm>> -> memref<1x64xf32, #tpu.memory_space<hbm>>
          %dma_start3A_335 = tpu.memref_squeeze %dma_start3A_334 : memref<1x64xf32, #tpu.memory_space<hbm>> -> memref<64xf32, #tpu.memory_space<hbm>>
          tpu.enqueue_dma source(%dma_start3A_335 : memref<64xf32, #tpu.memory_space<hbm>>) target(%dma_start3A_332 : memref<64xf32, #tpu.memory_space<vmem>>) target_semaphore(%arg7 : memref<!tpu.dma_semaphore, #tpu.memory_space<semaphore_mem>>)
          %slice3A_336 = vector.extract_strided_slice %get3A_186 {offsets = [8], sizes = [1], strides = [1]} : vector<16xi32> to vector<1xi32>
          %squeeze3A_337 = vector.extract %slice3A_336[0] : i32 from vector<1xi32>
          %mul3A_338 = arith.constant 16 : i32
          %mul3A_339 = arith.muli %scan3A_179, %mul3A_338 : i32
          %add3A_340 = arith.constant 8 : i32
          %add3A_341 = arith.addi %mul3A_339, %add3A_340 : i32
          %dma_start3A_342 = arith.constant 0 : i32
          %dma_start3A_343 = arith.constant 0 : i32
          %dma_start3A_344 = tpu.memref_slice %arg6[%dma_start3A_342, %add3A_341, %dma_start3A_343] : memref<4x160x128xf32, #tpu.memory_space<vmem>> -> memref<1x1x64xf32, #tpu.memory_space<vmem>>
          %dma_start3A_345 = tpu.memref_squeeze %dma_start3A_344 : memref<1x1x64xf32, #tpu.memory_space<vmem>> -> memref<64xf32, #tpu.memory_space<vmem>>
          %dma_start3A_346 = arith.constant 0 : i32
          %dma_start3A_347 = tpu.memref_slice %arg3[%squeeze3A_337, %dma_start3A_346] : memref<1000000x64xf32, #tpu.memory_space<hbm>> -> memref<1x64xf32, #tpu.memory_space<hbm>>
          %dma_start3A_348 = tpu.memref_squeeze %dma_start3A_347 : memref<1x64xf32, #tpu.memory_space<hbm>> -> memref<64xf32, #tpu.memory_space<hbm>>
          %dma_start3A_349 = arith.constant 0 : i32
          %dma_start3A_350 = tpu.memref_slice %arg6[%dma_start3A_342, %add3A_341, %dma_start3A_349] : memref<4x160x128xf32, #tpu.memory_space<vmem>> -> memref<1x1x64xf32, #tpu.memory_space<vmem>>
          %dma_start3A_351 = tpu.memref_squeeze %dma_start3A_350 : memref<1x1x64xf32, #tpu.memory_space<vmem>> -> memref<64xf32, #tpu.memory_space<vmem>>
          %dma_start3A_352 = arith.constant 0 : i32
          %dma_start3A_353 = tpu.memref_slice %arg3[%squeeze3A_337, %dma_start3A_352] : memref<1000000x64xf32, #tpu.memory_space<hbm>> -> memref<1x64xf32, #tpu.memory_space<hbm>>
          %dma_start3A_354 = tpu.memref_squeeze %dma_start3A_353 : memref<1x64xf32, #tpu.memory_space<hbm>> -> memref<64xf32, #tpu.memory_space<hbm>>
          tpu.enqueue_dma source(%dma_start3A_354 : memref<64xf32, #tpu.memory_space<hbm>>) target(%dma_start3A_351 : memref<64xf32, #tpu.memory_space<vmem>>) target_semaphore(%arg7 : memref<!tpu.dma_semaphore, #tpu.memory_space<semaphore_mem>>)
          %slice3A_355 = vector.extract_strided_slice %get3A_186 {offsets = [9], sizes = [1], strides = [1]} : vector<16xi32> to vector<1xi32>
          %squeeze3A_356 = vector.extract %slice3A_355[0] : i32 from vector<1xi32>
          %mul3A_357 = arith.constant 16 : i32
          %mul3A_358 = arith.muli %scan3A_179, %mul3A_357 : i32
          %add3A_359 = arith.constant 9 : i32
          %add3A_360 = arith.addi %mul3A_358, %add3A_359 : i32
          %dma_start3A_361 = arith.constant 0 : i32
          %dma_start3A_362 = arith.constant 0 : i32
          %dma_start3A_363 = tpu.memref_slice %arg6[%dma_start3A_361, %add3A_360, %dma_start3A_362] : memref<4x160x128xf32, #tpu.memory_space<vmem>> -> memref<1x1x64xf32, #tpu.memory_space<vmem>>
          %dma_start3A_364 = tpu.memref_squeeze %dma_start3A_363 : memref<1x1x64xf32, #tpu.memory_space<vmem>> -> memref<64xf32, #tpu.memory_space<vmem>>
          %dma_start3A_365 = arith.constant 0 : i32
          %dma_start3A_366 = tpu.memref_slice %arg3[%squeeze3A_356, %dma_start3A_365] : memref<1000000x64xf32, #tpu.memory_space<hbm>> -> memref<1x64xf32, #tpu.memory_space<hbm>>
          %dma_start3A_367 = tpu.memref_squeeze %dma_start3A_366 : memref<1x64xf32, #tpu.memory_space<hbm>> -> memref<64xf32, #tpu.memory_space<hbm>>
          %dma_start3A_368 = arith.constant 0 : i32
          %dma_start3A_369 = tpu.memref_slice %arg6[%dma_start3A_361, %add3A_360, %dma_start3A_368] : memref<4x160x128xf32, #tpu.memory_space<vmem>> -> memref<1x1x64xf32, #tpu.memory_space<vmem>>
          %dma_start3A_370 = tpu.memref_squeeze %dma_start3A_369 : memref<1x1x64xf32, #tpu.memory_space<vmem>> -> memref<64xf32, #tpu.memory_space<vmem>>
          %dma_start3A_371 = arith.constant 0 : i32
          %dma_start3A_372 = tpu.memref_slice %arg3[%squeeze3A_356, %dma_start3A_371] : memref<1000000x64xf32, #tpu.memory_space<hbm>> -> memref<1x64xf32, #tpu.memory_space<hbm>>
          %dma_start3A_373 = tpu.memref_squeeze %dma_start3A_372 : memref<1x64xf32, #tpu.memory_space<hbm>> -> memref<64xf32, #tpu.memory_space<hbm>>
          tpu.enqueue_dma source(%dma_start3A_373 : memref<64xf32, #tpu.memory_space<hbm>>) target(%dma_start3A_370 : memref<64xf32, #tpu.memory_space<vmem>>) target_semaphore(%arg7 : memref<!tpu.dma_semaphore, #tpu.memory_space<semaphore_mem>>)
          %slice3A_374 = vector.extract_strided_slice %get3A_186 {offsets = [10], sizes = [1], strides = [1]} : vector<16xi32> to vector<1xi32>
          %squeeze3A_375 = vector.extract %slice3A_374[0] : i32 from vector<1xi32>
          %mul3A_376 = arith.constant 16 : i32
          %mul3A_377 = arith.muli %scan3A_179, %mul3A_376 : i32
          %add3A_378 = arith.constant 10 : i32
          %add3A_379 = arith.addi %mul3A_377, %add3A_378 : i32
          %dma_start3A_380 = arith.constant 0 : i32
          %dma_start3A_381 = arith.constant 0 : i32
          %dma_start3A_382 = tpu.memref_slice %arg6[%dma_start3A_380, %add3A_379, %dma_start3A_381] : memref<4x160x128xf32, #tpu.memory_space<vmem>> -> memref<1x1x64xf32, #tpu.memory_space<vmem>>
          %dma_start3A_383 = tpu.memref_squeeze %dma_start3A_382 : memref<1x1x64xf32, #tpu.memory_space<vmem>> -> memref<64xf32, #tpu.memory_space<vmem>>
          %dma_start3A_384 = arith.constant 0 : i32
          %dma_start3A_385 = tpu.memref_slice %arg3[%squeeze3A_375, %dma_start3A_384] : memref<1000000x64xf32, #tpu.memory_space<hbm>> -> memref<1x64xf32, #tpu.memory_space<hbm>>
          %dma_start3A_386 = tpu.memref_squeeze %dma_start3A_385 : memref<1x64xf32, #tpu.memory_space<hbm>> -> memref<64xf32, #tpu.memory_space<hbm>>
          %dma_start3A_387 = arith.constant 0 : i32
          %dma_start3A_388 = tpu.memref_slice %arg6[%dma_start3A_380, %add3A_379, %dma_start3A_387] : memref<4x160x128xf32, #tpu.memory_space<vmem>> -> memref<1x1x64xf32, #tpu.memory_space<vmem>>
          %dma_start3A_389 = tpu.memref_squeeze %dma_start3A_388 : memref<1x1x64xf32, #tpu.memory_space<vmem>> -> memref<64xf32, #tpu.memory_space<vmem>>
          %dma_start3A_390 = arith.constant 0 : i32
          %dma_start3A_391 = tpu.memref_slice %arg3[%squeeze3A_375, %dma_start3A_390] : memref<1000000x64xf32, #tpu.memory_space<hbm>> -> memref<1x64xf32, #tpu.memory_space<hbm>>
          %dma_start3A_392 = tpu.memref_squeeze %dma_start3A_391 : memref<1x64xf32, #tpu.memory_space<hbm>> -> memref<64xf32, #tpu.memory_space<hbm>>
          tpu.enqueue_dma source(%dma_start3A_392 : memref<64xf32, #tpu.memory_space<hbm>>) target(%dma_start3A_389 : memref<64xf32, #tpu.memory_space<vmem>>) target_semaphore(%arg7 : memref<!tpu.dma_semaphore, #tpu.memory_space<semaphore_mem>>)
          %slice3A_393 = vector.extract_strided_slice %get3A_186 {offsets = [11], sizes = [1], strides = [1]} : vector<16xi32> to vector<1xi32>
          %squeeze3A_394 = vector.extract %slice3A_393[0] : i32 from vector<1xi32>
          %mul3A_395 = arith.constant 16 : i32
          %mul3A_396 = arith.muli %scan3A_179, %mul3A_395 : i32
          %add3A_397 = arith.constant 11 : i32
          %add3A_398 = arith.addi %mul3A_396, %add3A_397 : i32
          %dma_start3A_399 = arith.constant 0 : i32
          %dma_start3A_400 = arith.constant 0 : i32
          %dma_start3A_401 = tpu.memref_slice %arg6[%dma_start3A_399, %add3A_398, %dma_start3A_400] : memref<4x160x128xf32, #tpu.memory_space<vmem>> -> memref<1x1x64xf32, #tpu.memory_space<vmem>>
          %dma_start3A_402 = tpu.memref_squeeze %dma_start3A_401 : memref<1x1x64xf32, #tpu.memory_space<vmem>> -> memref<64xf32, #tpu.memory_space<vmem>>
          %dma_start3A_403 = arith.constant 0 : i32
          %dma_start3A_404 = tpu.memref_slice %arg3[%squeeze3A_394, %dma_start3A_403] : memref<1000000x64xf32, #tpu.memory_space<hbm>> -> memref<1x64xf32, #tpu.memory_space<hbm>>
          %dma_start3A_405 = tpu.memref_squeeze %dma_start3A_404 : memref<1x64xf32, #tpu.memory_space<hbm>> -> memref<64xf32, #tpu.memory_space<hbm>>
          %dma_start3A_406 = arith.constant 0 : i32
          %dma_start3A_407 = tpu.memref_slice %arg6[%dma_start3A_399, %add3A_398, %dma_start3A_406] : memref<4x160x128xf32, #tpu.memory_space<vmem>> -> memref<1x1x64xf32, #tpu.memory_space<vmem>>
          %dma_start3A_408 = tpu.memref_squeeze %dma_start3A_407 : memref<1x1x64xf32, #tpu.memory_space<vmem>> -> memref<64xf32, #tpu.memory_space<vmem>>
          %dma_start3A_409 = arith.constant 0 : i32
          %dma_start3A_410 = tpu.memref_slice %arg3[%squeeze3A_394, %dma_start3A_409] : memref<1000000x64xf32, #tpu.memory_space<hbm>> -> memref<1x64xf32, #tpu.memory_space<hbm>>
          %dma_start3A_411 = tpu.memref_squeeze %dma_start3A_410 : memref<1x64xf32, #tpu.memory_space<hbm>> -> memref<64xf32, #tpu.memory_space<hbm>>
          tpu.enqueue_dma source(%dma_start3A_411 : memref<64xf32, #tpu.memory_space<hbm>>) target(%dma_start3A_408 : memref<64xf32, #tpu.memory_space<vmem>>) target_semaphore(%arg7 : memref<!tpu.dma_semaphore, #tpu.memory_space<semaphore_mem>>)
          %slice3A_412 = vector.extract_strided_slice %get3A_186 {offsets = [12], sizes = [1], strides = [1]} : vector<16xi32> to vector<1xi32>
          %squeeze3A_413 = vector.extract %slice3A_412[0] : i32 from vector<1xi32>
          %mul3A_414 = arith.constant 16 : i32
          %mul3A_415 = arith.muli %scan3A_179, %mul3A_414 : i32
          %add3A_416 = arith.constant 12 : i32
          %add3A_417 = arith.addi %mul3A_415, %add3A_416 : i32
          %dma_start3A_418 = arith.constant 0 : i32
          %dma_start3A_419 = arith.constant 0 : i32
          %dma_start3A_420 = tpu.memref_slice %arg6[%dma_start3A_418, %add3A_417, %dma_start3A_419] : memref<4x160x128xf32, #tpu.memory_space<vmem>> -> memref<1x1x64xf32, #tpu.memory_space<vmem>>
          %dma_start3A_421 = tpu.memref_squeeze %dma_start3A_420 : memref<1x1x64xf32, #tpu.memory_space<vmem>> -> memref<64xf32, #tpu.memory_space<vmem>>
          %dma_start3A_422 = arith.constant 0 : i32
          %dma_start3A_423 = tpu.memref_slice %arg3[%squeeze3A_413, %dma_start3A_422] : memref<1000000x64xf32, #tpu.memory_space<hbm>> -> memref<1x64xf32, #tpu.memory_space<hbm>>
          %dma_start3A_424 = tpu.memref_squeeze %dma_start3A_423 : memref<1x64xf32, #tpu.memory_space<hbm>> -> memref<64xf32, #tpu.memory_space<hbm>>
          %dma_start3A_425 = arith.constant 0 : i32
          %dma_start3A_426 = tpu.memref_slice %arg6[%dma_start3A_418, %add3A_417, %dma_start3A_425] : memref<4x160x128xf32, #tpu.memory_space<vmem>> -> memref<1x1x64xf32, #tpu.memory_space<vmem>>
          %dma_start3A_427 = tpu.memref_squeeze %dma_start3A_426 : memref<1x1x64xf32, #tpu.memory_space<vmem>> -> memref<64xf32, #tpu.memory_space<vmem>>
          %dma_start3A_428 = arith.constant 0 : i32
          %dma_start3A_429 = tpu.memref_slice %arg3[%squeeze3A_413, %dma_start3A_428] : memref<1000000x64xf32, #tpu.memory_space<hbm>> -> memref<1x64xf32, #tpu.memory_space<hbm>>
          %dma_start3A_430 = tpu.memref_squeeze %dma_start3A_429 : memref<1x64xf32, #tpu.memory_space<hbm>> -> memref<64xf32, #tpu.memory_space<hbm>>
          tpu.enqueue_dma source(%dma_start3A_430 : memref<64xf32, #tpu.memory_space<hbm>>) target(%dma_start3A_427 : memref<64xf32, #tpu.memory_space<vmem>>) target_semaphore(%arg7 : memref<!tpu.dma_semaphore, #tpu.memory_space<semaphore_mem>>)
          %slice3A_431 = vector.extract_strided_slice %get3A_186 {offsets = [13], sizes = [1], strides = [1]} : vector<16xi32> to vector<1xi32>
          %squeeze3A_432 = vector.extract %slice3A_431[0] : i32 from vector<1xi32>
          %mul3A_433 = arith.constant 16 : i32
          %mul3A_434 = arith.muli %scan3A_179, %mul3A_433 : i32
          %add3A_435 = arith.constant 13 : i32
          %add3A_436 = arith.addi %mul3A_434, %add3A_435 : i32
          %dma_start3A_437 = arith.constant 0 : i32
          %dma_start3A_438 = arith.constant 0 : i32
          %dma_start3A_439 = tpu.memref_slice %arg6[%dma_start3A_437, %add3A_436, %dma_start3A_438] : memref<4x160x128xf32, #tpu.memory_space<vmem>> -> memref<1x1x64xf32, #tpu.memory_space<vmem>>
          %dma_start3A_440 = tpu.memref_squeeze %dma_start3A_439 : memref<1x1x64xf32, #tpu.memory_space<vmem>> -> memref<64xf32, #tpu.memory_space<vmem>>
          %dma_start3A_441 = arith.constant 0 : i32
          %dma_start3A_442 = tpu.memref_slice %arg3[%squeeze3A_432, %dma_start3A_441] : memref<1000000x64xf32, #tpu.memory_space<hbm>> -> memref<1x64xf32, #tpu.memory_space<hbm>>
          %dma_start3A_443 = tpu.memref_squeeze %dma_start3A_442 : memref<1x64xf32, #tpu.memory_space<hbm>> -> memref<64xf32, #tpu.memory_space<hbm>>
          %dma_start3A_444 = arith.constant 0 : i32
          %dma_start3A_445 = tpu.memref_slice %arg6[%dma_start3A_437, %add3A_436, %dma_start3A_444] : memref<4x160x128xf32, #tpu.memory_space<vmem>> -> memref<1x1x64xf32, #tpu.memory_space<vmem>>
          %dma_start3A_446 = tpu.memref_squeeze %dma_start3A_445 : memref<1x1x64xf32, #tpu.memory_space<vmem>> -> memref<64xf32, #tpu.memory_space<vmem>>
          %dma_start3A_447 = arith.constant 0 : i32
          %dma_start3A_448 = tpu.memref_slice %arg3[%squeeze3A_432, %dma_start3A_447] : memref<1000000x64xf32, #tpu.memory_space<hbm>> -> memref<1x64xf32, #tpu.memory_space<hbm>>
          %dma_start3A_449 = tpu.memref_squeeze %dma_start3A_448 : memref<1x64xf32, #tpu.memory_space<hbm>> -> memref<64xf32, #tpu.memory_space<hbm>>
          tpu.enqueue_dma source(%dma_start3A_449 : memref<64xf32, #tpu.memory_space<hbm>>) target(%dma_start3A_446 : memref<64xf32, #tpu.memory_space<vmem>>) target_semaphore(%arg7 : memref<!tpu.dma_semaphore, #tpu.memory_space<semaphore_mem>>)
          %slice3A_450 = vector.extract_strided_slice %get3A_186 {offsets = [14], sizes = [1], strides = [1]} : vector<16xi32> to vector<1xi32>
          %squeeze3A_451 = vector.extract %slice3A_450[0] : i32 from vector<1xi32>
          %mul3A_452 = arith.constant 16 : i32
          %mul3A_453 = arith.muli %scan3A_179, %mul3A_452 : i32
          %add3A_454 = arith.constant 14 : i32
          %add3A_455 = arith.addi %mul3A_453, %add3A_454 : i32
          %dma_start3A_456 = arith.constant 0 : i32
          %dma_start3A_457 = arith.constant 0 : i32
          %dma_start3A_458 = tpu.memref_slice %arg6[%dma_start3A_456, %add3A_455, %dma_start3A_457] : memref<4x160x128xf32, #tpu.memory_space<vmem>> -> memref<1x1x64xf32, #tpu.memory_space<vmem>>
          %dma_start3A_459 = tpu.memref_squeeze %dma_start3A_458 : memref<1x1x64xf32, #tpu.memory_space<vmem>> -> memref<64xf32, #tpu.memory_space<vmem>>
          %dma_start3A_460 = arith.constant 0 : i32
          %dma_start3A_461 = tpu.memref_slice %arg3[%squeeze3A_451, %dma_start3A_460] : memref<1000000x64xf32, #tpu.memory_space<hbm>> -> memref<1x64xf32, #tpu.memory_space<hbm>>
          %dma_start3A_462 = tpu.memref_squeeze %dma_start3A_461 : memref<1x64xf32, #tpu.memory_space<hbm>> -> memref<64xf32, #tpu.memory_space<hbm>>
          %dma_start3A_463 = arith.constant 0 : i32
          %dma_start3A_464 = tpu.memref_slice %arg6[%dma_start3A_456, %add3A_455, %dma_start3A_463] : memref<4x160x128xf32, #tpu.memory_space<vmem>> -> memref<1x1x64xf32, #tpu.memory_space<vmem>>
          %dma_start3A_465 = tpu.memref_squeeze %dma_start3A_464 : memref<1x1x64xf32, #tpu.memory_space<vmem>> -> memref<64xf32, #tpu.memory_space<vmem>>
          %dma_start3A_466 = arith.constant 0 : i32
          %dma_start3A_467 = tpu.memref_slice %arg3[%squeeze3A_451, %dma_start3A_466] : memref<1000000x64xf32, #tpu.memory_space<hbm>> -> memref<1x64xf32, #tpu.memory_space<hbm>>
          %dma_start3A_468 = tpu.memref_squeeze %dma_start3A_467 : memref<1x64xf32, #tpu.memory_space<hbm>> -> memref<64xf32, #tpu.memory_space<hbm>>
          tpu.enqueue_dma source(%dma_start3A_468 : memref<64xf32, #tpu.memory_space<hbm>>) target(%dma_start3A_465 : memref<64xf32, #tpu.memory_space<vmem>>) target_semaphore(%arg7 : memref<!tpu.dma_semaphore, #tpu.memory_space<semaphore_mem>>)
          %slice3A_469 = vector.extract_strided_slice %get3A_186 {offsets = [15], sizes = [1], strides = [1]} : vector<16xi32> to vector<1xi32>
          %squeeze3A_470 = vector.extract %slice3A_469[0] : i32 from vector<1xi32>
          %mul3A_471 = arith.constant 16 : i32
          %mul3A_472 = arith.muli %scan3A_179, %mul3A_471 : i32
          %add3A_473 = arith.constant 15 : i32
          %add3A_474 = arith.addi %mul3A_472, %add3A_473 : i32
          %dma_start3A_475 = arith.constant 0 : i32
          %dma_start3A_476 = arith.constant 0 : i32
          %dma_start3A_477 = tpu.memref_slice %arg6[%dma_start3A_475, %add3A_474, %dma_start3A_476] : memref<4x160x128xf32, #tpu.memory_space<vmem>> -> memref<1x1x64xf32, #tpu.memory_space<vmem>>
          %dma_start3A_478 = tpu.memref_squeeze %dma_start3A_477 : memref<1x1x64xf32, #tpu.memory_space<vmem>> -> memref<64xf32, #tpu.memory_space<vmem>>
          %dma_start3A_479 = arith.constant 0 : i32
          %dma_start3A_480 = tpu.memref_slice %arg3[%squeeze3A_470, %dma_start3A_479] : memref<1000000x64xf32, #tpu.memory_space<hbm>> -> memref<1x64xf32, #tpu.memory_space<hbm>>
          %dma_start3A_481 = tpu.memref_squeeze %dma_start3A_480 : memref<1x64xf32, #tpu.memory_space<hbm>> -> memref<64xf32, #tpu.memory_space<hbm>>
          %dma_start3A_482 = arith.constant 0 : i32
          %dma_start3A_483 = tpu.memref_slice %arg6[%dma_start3A_475, %add3A_474, %dma_start3A_482] : memref<4x160x128xf32, #tpu.memory_space<vmem>> -> memref<1x1x64xf32, #tpu.memory_space<vmem>>
          %dma_start3A_484 = tpu.memref_squeeze %dma_start3A_483 : memref<1x1x64xf32, #tpu.memory_space<vmem>> -> memref<64xf32, #tpu.memory_space<vmem>>
          %dma_start3A_485 = arith.constant 0 : i32
          %dma_start3A_486 = tpu.memref_slice %arg3[%squeeze3A_470, %dma_start3A_485] : memref<1000000x64xf32, #tpu.memory_space<hbm>> -> memref<1x64xf32, #tpu.memory_space<hbm>>
          %dma_start3A_487 = tpu.memref_squeeze %dma_start3A_486 : memref<1x64xf32, #tpu.memory_space<hbm>> -> memref<64xf32, #tpu.memory_space<hbm>>
          tpu.enqueue_dma source(%dma_start3A_487 : memref<64xf32, #tpu.memory_space<hbm>>) target(%dma_start3A_484 : memref<64xf32, #tpu.memory_space<vmem>>) target_semaphore(%arg7 : memref<!tpu.dma_semaphore, #tpu.memory_space<semaphore_mem>>)
        }
        %scan3A_178 = arith.constant 10 : i32
      } else {
      }
      %ge3A = arith.constant 0 : i32
      %ge3A_105 = arith.cmpi sge, %sub3A_102, %ge3A : i32
      %lt3A_106 = arith.constant 64 : i32
      %lt3A_107 = arith.cmpi slt, %sub3A_102, %lt3A_106 : i32
      %and3A = arith.andi %ge3A_105, %lt3A_107 : i1
      %convert_element_type3A_108 = arith.extui %and3A : i1 to i32
      %cond3A_109 = arith.constant 0 : i32
      %cond3A_110 = arith.cmpi ne, %convert_element_type3A_108, %cond3A_109 : i32
      scf.if %cond3A_110 {
        %scan3A_168 = arith.constant 0 : i32
        %scan3A_169 = arith.constant 0 : i32
        %scan3A_170 = arith.constant 10 : i32
        %scan3A_171 = arith.addi %scan3A_169, %scan3A_170 : i32
        %scan3A_172 = arith.constant 1 : i32
        scf.for %scan3A_197 = %scan3A_169 to %scan3A_171 step %scan3A_172  : i32 {
          %dma_wait3A_198 = arith.constant 0 : i32
          %dma_wait3A_199 = arith.constant 2 : i32
          %dma_wait3A_200 = arith.constant 0 : i32
          %dma_wait3A_201 = arith.constant 0 : i32
          %dma_wait3A_202 = tpu.memref_slice %arg6[%dma_wait3A_199, %dma_wait3A_200, %dma_wait3A_201] : memref<4x160x128xf32, #tpu.memory_space<vmem>> -> memref<1x1x64xf32, #tpu.memory_space<vmem>>
          %dma_wait3A_203 = tpu.memref_squeeze %dma_wait3A_202 : memref<1x1x64xf32, #tpu.memory_space<vmem>> -> memref<64xf32, #tpu.memory_space<vmem>>
          %dma_wait3A_204 = arith.constant 0 : i32
          %dma_wait3A_205 = tpu.memref_slice %arg3[%dma_wait3A_198, %dma_wait3A_204] : memref<1000000x64xf32, #tpu.memory_space<hbm>> -> memref<1x64xf32, #tpu.memory_space<hbm>>
          %dma_wait3A_206 = tpu.memref_squeeze %dma_wait3A_205 : memref<1x64xf32, #tpu.memory_space<hbm>> -> memref<64xf32, #tpu.memory_space<hbm>>
          %dma_wait3A_207 = arith.constant 0 : i32
          %dma_wait3A_208 = tpu.memref_slice %arg6[%dma_wait3A_199, %dma_wait3A_200, %dma_wait3A_207] : memref<4x160x128xf32, #tpu.memory_space<vmem>> -> memref<1x1x64xf32, #tpu.memory_space<vmem>>
          %dma_wait3A_209 = tpu.memref_squeeze %dma_wait3A_208 : memref<1x1x64xf32, #tpu.memory_space<vmem>> -> memref<64xf32, #tpu.memory_space<vmem>>
          %dma_wait3A_210 = arith.constant 0 : i32
          %dma_wait3A_211 = tpu.memref_slice %arg3[%dma_wait3A_198, %dma_wait3A_210] : memref<1000000x64xf32, #tpu.memory_space<hbm>> -> memref<1x64xf32, #tpu.memory_space<hbm>>
          %dma_wait3A_212 = tpu.memref_squeeze %dma_wait3A_211 : memref<1x64xf32, #tpu.memory_space<hbm>> -> memref<64xf32, #tpu.memory_space<hbm>>
          tpu.wait_dma2 semaphore(%arg9 : memref<!tpu.dma_semaphore, #tpu.memory_space<semaphore_mem>>) src(%dma_wait3A_212 : memref<64xf32, #tpu.memory_space<hbm>>) dst(%dma_wait3A_209 : memref<64xf32, #tpu.memory_space<vmem>>)
          %dma_wait3A_213 = arith.constant 0 : i32
          %dma_wait3A_214 = arith.constant 2 : i32
          %dma_wait3A_215 = arith.constant 0 : i32
          %dma_wait3A_216 = arith.constant 0 : i32
          %dma_wait3A_217 = tpu.memref_slice %arg6[%dma_wait3A_214, %dma_wait3A_215, %dma_wait3A_216] : memref<4x160x128xf32, #tpu.memory_space<vmem>> -> memref<1x1x64xf32, #tpu.memory_space<vmem>>
          %dma_wait3A_218 = tpu.memref_squeeze %dma_wait3A_217 : memref<1x1x64xf32, #tpu.memory_space<vmem>> -> memref<64xf32, #tpu.memory_space<vmem>>
          %dma_wait3A_219 = arith.constant 0 : i32
          %dma_wait3A_220 = tpu.memref_slice %arg3[%dma_wait3A_213, %dma_wait3A_219] : memref<1000000x64xf32, #tpu.memory_space<hbm>> -> memref<1x64xf32, #tpu.memory_space<hbm>>
          %dma_wait3A_221 = tpu.memref_squeeze %dma_wait3A_220 : memref<1x64xf32, #tpu.memory_space<hbm>> -> memref<64xf32, #tpu.memory_space<hbm>>
          %dma_wait3A_222 = arith.constant 0 : i32
          %dma_wait3A_223 = tpu.memref_slice %arg6[%dma_wait3A_214, %dma_wait3A_215, %dma_wait3A_222] : memref<4x160x128xf32, #tpu.memory_space<vmem>> -> memref<1x1x64xf32, #tpu.memory_space<vmem>>
          %dma_wait3A_224 = tpu.memref_squeeze %dma_wait3A_223 : memref<1x1x64xf32, #tpu.memory_space<vmem>> -> memref<64xf32, #tpu.memory_space<vmem>>
          %dma_wait3A_225 = arith.constant 0 : i32
          %dma_wait3A_226 = tpu.memref_slice %arg3[%dma_wait3A_213, %dma_wait3A_225] : memref<1000000x64xf32, #tpu.memory_space<hbm>> -> memref<1x64xf32, #tpu.memory_space<hbm>>
          %dma_wait3A_227 = tpu.memref_squeeze %dma_wait3A_226 : memref<1x64xf32, #tpu.memory_space<hbm>> -> memref<64xf32, #tpu.memory_space<hbm>>
          tpu.wait_dma2 semaphore(%arg9 : memref<!tpu.dma_semaphore, #tpu.memory_space<semaphore_mem>>) src(%dma_wait3A_227 : memref<64xf32, #tpu.memory_space<hbm>>) dst(%dma_wait3A_224 : memref<64xf32, #tpu.memory_space<vmem>>)
          %dma_wait3A_228 = arith.constant 0 : i32
          %dma_wait3A_229 = arith.constant 2 : i32
          %dma_wait3A_230 = arith.constant 0 : i32
          %dma_wait3A_231 = arith.constant 0 : i32
          %dma_wait3A_232 = tpu.memref_slice %arg6[%dma_wait3A_229, %dma_wait3A_230, %dma_wait3A_231] : memref<4x160x128xf32, #tpu.memory_space<vmem>> -> memref<1x1x64xf32, #tpu.memory_space<vmem>>
          %dma_wait3A_233 = tpu.memref_squeeze %dma_wait3A_232 : memref<1x1x64xf32, #tpu.memory_space<vmem>> -> memref<64xf32, #tpu.memory_space<vmem>>
          %dma_wait3A_234 = arith.constant 0 : i32
          %dma_wait3A_235 = tpu.memref_slice %arg3[%dma_wait3A_228, %dma_wait3A_234] : memref<1000000x64xf32, #tpu.memory_space<hbm>> -> memref<1x64xf32, #tpu.memory_space<hbm>>
          %dma_wait3A_236 = tpu.memref_squeeze %dma_wait3A_235 : memref<1x64xf32, #tpu.memory_space<hbm>> -> memref<64xf32, #tpu.memory_space<hbm>>
          %dma_wait3A_237 = arith.constant 0 : i32
          %dma_wait3A_238 = tpu.memref_slice %arg6[%dma_wait3A_229, %dma_wait3A_230, %dma_wait3A_237] : memref<4x160x128xf32, #tpu.memory_space<vmem>> -> memref<1x1x64xf32, #tpu.memory_space<vmem>>
          %dma_wait3A_239 = tpu.memref_squeeze %dma_wait3A_238 : memref<1x1x64xf32, #tpu.memory_space<vmem>> -> memref<64xf32, #tpu.memory_space<vmem>>
          %dma_wait3A_240 = arith.constant 0 : i32
          %dma_wait3A_241 = tpu.memref_slice %arg3[%dma_wait3A_228, %dma_wait3A_240] : memref<1000000x64xf32, #tpu.memory_space<hbm>> -> memref<1x64xf32, #tpu.memory_space<hbm>>
          %dma_wait3A_242 = tpu.memref_squeeze %dma_wait3A_241 : memref<1x64xf32, #tpu.memory_space<hbm>> -> memref<64xf32, #tpu.memory_space<hbm>>
          tpu.wait_dma2 semaphore(%arg9 : memref<!tpu.dma_semaphore, #tpu.memory_space<semaphore_mem>>) src(%dma_wait3A_242 : memref<64xf32, #tpu.memory_space<hbm>>) dst(%dma_wait3A_239 : memref<64xf32, #tpu.memory_space<vmem>>)
          %dma_wait3A_243 = arith.constant 0 : i32
          %dma_wait3A_244 = arith.constant 2 : i32
          %dma_wait3A_245 = arith.constant 0 : i32
          %dma_wait3A_246 = arith.constant 0 : i32
          %dma_wait3A_247 = tpu.memref_slice %arg6[%dma_wait3A_244, %dma_wait3A_245, %dma_wait3A_246] : memref<4x160x128xf32, #tpu.memory_space<vmem>> -> memref<1x1x64xf32, #tpu.memory_space<vmem>>
          %dma_wait3A_248 = tpu.memref_squeeze %dma_wait3A_247 : memref<1x1x64xf32, #tpu.memory_space<vmem>> -> memref<64xf32, #tpu.memory_space<vmem>>
          %dma_wait3A_249 = arith.constant 0 : i32
          %dma_wait3A_250 = tpu.memref_slice %arg3[%dma_wait3A_243, %dma_wait3A_249] : memref<1000000x64xf32, #tpu.memory_space<hbm>> -> memref<1x64xf32, #tpu.memory_space<hbm>>
          %dma_wait3A_251 = tpu.memref_squeeze %dma_wait3A_250 : memref<1x64xf32, #tpu.memory_space<hbm>> -> memref<64xf32, #tpu.memory_space<hbm>>
          %dma_wait3A_252 = arith.constant 0 : i32
          %dma_wait3A_253 = tpu.memref_slice %arg6[%dma_wait3A_244, %dma_wait3A_245, %dma_wait3A_252] : memref<4x160x128xf32, #tpu.memory_space<vmem>> -> memref<1x1x64xf32, #tpu.memory_space<vmem>>
          %dma_wait3A_254 = tpu.memref_squeeze %dma_wait3A_253 : memref<1x1x64xf32, #tpu.memory_space<vmem>> -> memref<64xf32, #tpu.memory_space<vmem>>
          %dma_wait3A_255 = arith.constant 0 : i32
          %dma_wait3A_256 = tpu.memref_slice %arg3[%dma_wait3A_243, %dma_wait3A_255] : memref<1000000x64xf32, #tpu.memory_space<hbm>> -> memref<1x64xf32, #tpu.memory_space<hbm>>
          %dma_wait3A_257 = tpu.memref_squeeze %dma_wait3A_256 : memref<1x64xf32, #tpu.memory_space<hbm>> -> memref<64xf32, #tpu.memory_space<hbm>>
          tpu.wait_dma2 semaphore(%arg9 : memref<!tpu.dma_semaphore, #tpu.memory_space<semaphore_mem>>) src(%dma_wait3A_257 : memref<64xf32, #tpu.memory_space<hbm>>) dst(%dma_wait3A_254 : memref<64xf32, #tpu.memory_space<vmem>>)
          %dma_wait3A_258 = arith.constant 0 : i32
          %dma_wait3A_259 = arith.constant 2 : i32
          %dma_wait3A_260 = arith.constant 0 : i32
          %dma_wait3A_261 = arith.constant 0 : i32
          %dma_wait3A_262 = tpu.memref_slice %arg6[%dma_wait3A_259, %dma_wait3A_260, %dma_wait3A_261] : memref<4x160x128xf32, #tpu.memory_space<vmem>> -> memref<1x1x64xf32, #tpu.memory_space<vmem>>
          %dma_wait3A_263 = tpu.memref_squeeze %dma_wait3A_262 : memref<1x1x64xf32, #tpu.memory_space<vmem>> -> memref<64xf32, #tpu.memory_space<vmem>>
          %dma_wait3A_264 = arith.constant 0 : i32
          %dma_wait3A_265 = tpu.memref_slice %arg3[%dma_wait3A_258, %dma_wait3A_264] : memref<1000000x64xf32, #tpu.memory_space<hbm>> -> memref<1x64xf32, #tpu.memory_space<hbm>>
          %dma_wait3A_266 = tpu.memref_squeeze %dma_wait3A_265 : memref<1x64xf32, #tpu.memory_space<hbm>> -> memref<64xf32, #tpu.memory_space<hbm>>
          %dma_wait3A_267 = arith.constant 0 : i32
          %dma_wait3A_268 = tpu.memref_slice %arg6[%dma_wait3A_259, %dma_wait3A_260, %dma_wait3A_267] : memref<4x160x128xf32, #tpu.memory_space<vmem>> -> memref<1x1x64xf32, #tpu.memory_space<vmem>>
          %dma_wait3A_269 = tpu.memref_squeeze %dma_wait3A_268 : memref<1x1x64xf32, #tpu.memory_space<vmem>> -> memref<64xf32, #tpu.memory_space<vmem>>
          %dma_wait3A_270 = arith.constant 0 : i32
          %dma_wait3A_271 = tpu.memref_slice %arg3[%dma_wait3A_258, %dma_wait3A_270] : memref<1000000x64xf32, #tpu.memory_space<hbm>> -> memref<1x64xf32, #tpu.memory_space<hbm>>
          %dma_wait3A_272 = tpu.memref_squeeze %dma_wait3A_271 : memref<1x64xf32, #tpu.memory_space<hbm>> -> memref<64xf32, #tpu.memory_space<hbm>>
          tpu.wait_dma2 semaphore(%arg9 : memref<!tpu.dma_semaphore, #tpu.memory_space<semaphore_mem>>) src(%dma_wait3A_272 : memref<64xf32, #tpu.memory_space<hbm>>) dst(%dma_wait3A_269 : memref<64xf32, #tpu.memory_space<vmem>>)
          %dma_wait3A_273 = arith.constant 0 : i32
          %dma_wait3A_274 = arith.constant 2 : i32
          %dma_wait3A_275 = arith.constant 0 : i32
          %dma_wait3A_276 = arith.constant 0 : i32
          %dma_wait3A_277 = tpu.memref_slice %arg6[%dma_wait3A_274, %dma_wait3A_275, %dma_wait3A_276] : memref<4x160x128xf32, #tpu.memory_space<vmem>> -> memref<1x1x64xf32, #tpu.memory_space<vmem>>
          %dma_wait3A_278 = tpu.memref_squeeze %dma_wait3A_277 : memref<1x1x64xf32, #tpu.memory_space<vmem>> -> memref<64xf32, #tpu.memory_space<vmem>>
          %dma_wait3A_279 = arith.constant 0 : i32
          %dma_wait3A_280 = tpu.memref_slice %arg3[%dma_wait3A_273, %dma_wait3A_279] : memref<1000000x64xf32, #tpu.memory_space<hbm>> -> memref<1x64xf32, #tpu.memory_space<hbm>>
          %dma_wait3A_281 = tpu.memref_squeeze %dma_wait3A_280 : memref<1x64xf32, #tpu.memory_space<hbm>> -> memref<64xf32, #tpu.memory_space<hbm>>
          %dma_wait3A_282 = arith.constant 0 : i32
          %dma_wait3A_283 = tpu.memref_slice %arg6[%dma_wait3A_274, %dma_wait3A_275, %dma_wait3A_282] : memref<4x160x128xf32, #tpu.memory_space<vmem>> -> memref<1x1x64xf32, #tpu.memory_space<vmem>>
          %dma_wait3A_284 = tpu.memref_squeeze %dma_wait3A_283 : memref<1x1x64xf32, #tpu.memory_space<vmem>> -> memref<64xf32, #tpu.memory_space<vmem>>
          %dma_wait3A_285 = arith.constant 0 : i32
          %dma_wait3A_286 = tpu.memref_slice %arg3[%dma_wait3A_273, %dma_wait3A_285] : memref<1000000x64xf32, #tpu.memory_space<hbm>> -> memref<1x64xf32, #tpu.memory_space<hbm>>
          %dma_wait3A_287 = tpu.memref_squeeze %dma_wait3A_286 : memref<1x64xf32, #tpu.memory_space<hbm>> -> memref<64xf32, #tpu.memory_space<hbm>>
          tpu.wait_dma2 semaphore(%arg9 : memref<!tpu.dma_semaphore, #tpu.memory_space<semaphore_mem>>) src(%dma_wait3A_287 : memref<64xf32, #tpu.memory_space<hbm>>) dst(%dma_wait3A_284 : memref<64xf32, #tpu.memory_space<vmem>>)
          %dma_wait3A_288 = arith.constant 0 : i32
          %dma_wait3A_289 = arith.constant 2 : i32
          %dma_wait3A_290 = arith.constant 0 : i32
          %dma_wait3A_291 = arith.constant 0 : i32
          %dma_wait3A_292 = tpu.memref_slice %arg6[%dma_wait3A_289, %dma_wait3A_290, %dma_wait3A_291] : memref<4x160x128xf32, #tpu.memory_space<vmem>> -> memref<1x1x64xf32, #tpu.memory_space<vmem>>
          %dma_wait3A_293 = tpu.memref_squeeze %dma_wait3A_292 : memref<1x1x64xf32, #tpu.memory_space<vmem>> -> memref<64xf32, #tpu.memory_space<vmem>>
          %dma_wait3A_294 = arith.constant 0 : i32
          %dma_wait3A_295 = tpu.memref_slice %arg3[%dma_wait3A_288, %dma_wait3A_294] : memref<1000000x64xf32, #tpu.memory_space<hbm>> -> memref<1x64xf32, #tpu.memory_space<hbm>>
          %dma_wait3A_296 = tpu.memref_squeeze %dma_wait3A_295 : memref<1x64xf32, #tpu.memory_space<hbm>> -> memref<64xf32, #tpu.memory_space<hbm>>
          %dma_wait3A_297 = arith.constant 0 : i32
          %dma_wait3A_298 = tpu.memref_slice %arg6[%dma_wait3A_289, %dma_wait3A_290, %dma_wait3A_297] : memref<4x160x128xf32, #tpu.memory_space<vmem>> -> memref<1x1x64xf32, #tpu.memory_space<vmem>>
          %dma_wait3A_299 = tpu.memref_squeeze %dma_wait3A_298 : memref<1x1x64xf32, #tpu.memory_space<vmem>> -> memref<64xf32, #tpu.memory_space<vmem>>
          %dma_wait3A_300 = arith.constant 0 : i32
          %dma_wait3A_301 = tpu.memref_slice %arg3[%dma_wait3A_288, %dma_wait3A_300] : memref<1000000x64xf32, #tpu.memory_space<hbm>> -> memref<1x64xf32, #tpu.memory_space<hbm>>
          %dma_wait3A_302 = tpu.memref_squeeze %dma_wait3A_301 : memref<1x64xf32, #tpu.memory_space<hbm>> -> memref<64xf32, #tpu.memory_space<hbm>>
          tpu.wait_dma2 semaphore(%arg9 : memref<!tpu.dma_semaphore, #tpu.memory_space<semaphore_mem>>) src(%dma_wait3A_302 : memref<64xf32, #tpu.memory_space<hbm>>) dst(%dma_wait3A_299 : memref<64xf32, #tpu.memory_space<vmem>>)
          %dma_wait3A_303 = arith.constant 0 : i32
          %dma_wait3A_304 = arith.constant 2 : i32
          %dma_wait3A_305 = arith.constant 0 : i32
          %dma_wait3A_306 = arith.constant 0 : i32
          %dma_wait3A_307 = tpu.memref_slice %arg6[%dma_wait3A_304, %dma_wait3A_305, %dma_wait3A_306] : memref<4x160x128xf32, #tpu.memory_space<vmem>> -> memref<1x1x64xf32, #tpu.memory_space<vmem>>
          %dma_wait3A_308 = tpu.memref_squeeze %dma_wait3A_307 : memref<1x1x64xf32, #tpu.memory_space<vmem>> -> memref<64xf32, #tpu.memory_space<vmem>>
          %dma_wait3A_309 = arith.constant 0 : i32
          %dma_wait3A_310 = tpu.memref_slice %arg3[%dma_wait3A_303, %dma_wait3A_309] : memref<1000000x64xf32, #tpu.memory_space<hbm>> -> memref<1x64xf32, #tpu.memory_space<hbm>>
          %dma_wait3A_311 = tpu.memref_squeeze %dma_wait3A_310 : memref<1x64xf32, #tpu.memory_space<hbm>> -> memref<64xf32, #tpu.memory_space<hbm>>
          %dma_wait3A_312 = arith.constant 0 : i32
          %dma_wait3A_313 = tpu.memref_slice %arg6[%dma_wait3A_304, %dma_wait3A_305, %dma_wait3A_312] : memref<4x160x128xf32, #tpu.memory_space<vmem>> -> memref<1x1x64xf32, #tpu.memory_space<vmem>>
          %dma_wait3A_314 = tpu.memref_squeeze %dma_wait3A_313 : memref<1x1x64xf32, #tpu.memory_space<vmem>> -> memref<64xf32, #tpu.memory_space<vmem>>
          %dma_wait3A_315 = arith.constant 0 : i32
          %dma_wait3A_316 = tpu.memref_slice %arg3[%dma_wait3A_303, %dma_wait3A_315] : memref<1000000x64xf32, #tpu.memory_space<hbm>> -> memref<1x64xf32, #tpu.memory_space<hbm>>
          %dma_wait3A_317 = tpu.memref_squeeze %dma_wait3A_316 : memref<1x64xf32, #tpu.memory_space<hbm>> -> memref<64xf32, #tpu.memory_space<hbm>>
          tpu.wait_dma2 semaphore(%arg9 : memref<!tpu.dma_semaphore, #tpu.memory_space<semaphore_mem>>) src(%dma_wait3A_317 : memref<64xf32, #tpu.memory_space<hbm>>) dst(%dma_wait3A_314 : memref<64xf32, #tpu.memory_space<vmem>>)
          %dma_wait3A_318 = arith.constant 0 : i32
          %dma_wait3A_319 = arith.constant 2 : i32
          %dma_wait3A_320 = arith.constant 0 : i32
          %dma_wait3A_321 = arith.constant 0 : i32
          %dma_wait3A_322 = tpu.memref_slice %arg6[%dma_wait3A_319, %dma_wait3A_320, %dma_wait3A_321] : memref<4x160x128xf32, #tpu.memory_space<vmem>> -> memref<1x1x64xf32, #tpu.memory_space<vmem>>
          %dma_wait3A_323 = tpu.memref_squeeze %dma_wait3A_322 : memref<1x1x64xf32, #tpu.memory_space<vmem>> -> memref<64xf32, #tpu.memory_space<vmem>>
          %dma_wait3A_324 = arith.constant 0 : i32
          %dma_wait3A_325 = tpu.memref_slice %arg3[%dma_wait3A_318, %dma_wait3A_324] : memref<1000000x64xf32, #tpu.memory_space<hbm>> -> memref<1x64xf32, #tpu.memory_space<hbm>>
          %dma_wait3A_326 = tpu.memref_squeeze %dma_wait3A_325 : memref<1x64xf32, #tpu.memory_space<hbm>> -> memref<64xf32, #tpu.memory_space<hbm>>
          %dma_wait3A_327 = arith.constant 0 : i32
          %dma_wait3A_328 = tpu.memref_slice %arg6[%dma_wait3A_319, %dma_wait3A_320, %dma_wait3A_327] : memref<4x160x128xf32, #tpu.memory_space<vmem>> -> memref<1x1x64xf32, #tpu.memory_space<vmem>>
          %dma_wait3A_329 = tpu.memref_squeeze %dma_wait3A_328 : memref<1x1x64xf32, #tpu.memory_space<vmem>> -> memref<64xf32, #tpu.memory_space<vmem>>
          %dma_wait3A_330 = arith.constant 0 : i32
          %dma_wait3A_331 = tpu.memref_slice %arg3[%dma_wait3A_318, %dma_wait3A_330] : memref<1000000x64xf32, #tpu.memory_space<hbm>> -> memref<1x64xf32, #tpu.memory_space<hbm>>
          %dma_wait3A_332 = tpu.memref_squeeze %dma_wait3A_331 : memref<1x64xf32, #tpu.memory_space<hbm>> -> memref<64xf32, #tpu.memory_space<hbm>>
          tpu.wait_dma2 semaphore(%arg9 : memref<!tpu.dma_semaphore, #tpu.memory_space<semaphore_mem>>) src(%dma_wait3A_332 : memref<64xf32, #tpu.memory_space<hbm>>) dst(%dma_wait3A_329 : memref<64xf32, #tpu.memory_space<vmem>>)
          %dma_wait3A_333 = arith.constant 0 : i32
          %dma_wait3A_334 = arith.constant 2 : i32
          %dma_wait3A_335 = arith.constant 0 : i32
          %dma_wait3A_336 = arith.constant 0 : i32
          %dma_wait3A_337 = tpu.memref_slice %arg6[%dma_wait3A_334, %dma_wait3A_335, %dma_wait3A_336] : memref<4x160x128xf32, #tpu.memory_space<vmem>> -> memref<1x1x64xf32, #tpu.memory_space<vmem>>
          %dma_wait3A_338 = tpu.memref_squeeze %dma_wait3A_337 : memref<1x1x64xf32, #tpu.memory_space<vmem>> -> memref<64xf32, #tpu.memory_space<vmem>>
          %dma_wait3A_339 = arith.constant 0 : i32
          %dma_wait3A_340 = tpu.memref_slice %arg3[%dma_wait3A_333, %dma_wait3A_339] : memref<1000000x64xf32, #tpu.memory_space<hbm>> -> memref<1x64xf32, #tpu.memory_space<hbm>>
          %dma_wait3A_341 = tpu.memref_squeeze %dma_wait3A_340 : memref<1x64xf32, #tpu.memory_space<hbm>> -> memref<64xf32, #tpu.memory_space<hbm>>
          %dma_wait3A_342 = arith.constant 0 : i32
          %dma_wait3A_343 = tpu.memref_slice %arg6[%dma_wait3A_334, %dma_wait3A_335, %dma_wait3A_342] : memref<4x160x128xf32, #tpu.memory_space<vmem>> -> memref<1x1x64xf32, #tpu.memory_space<vmem>>
          %dma_wait3A_344 = tpu.memref_squeeze %dma_wait3A_343 : memref<1x1x64xf32, #tpu.memory_space<vmem>> -> memref<64xf32, #tpu.memory_space<vmem>>
          %dma_wait3A_345 = arith.constant 0 : i32
          %dma_wait3A_346 = tpu.memref_slice %arg3[%dma_wait3A_333, %dma_wait3A_345] : memref<1000000x64xf32, #tpu.memory_space<hbm>> -> memref<1x64xf32, #tpu.memory_space<hbm>>
          %dma_wait3A_347 = tpu.memref_squeeze %dma_wait3A_346 : memref<1x64xf32, #tpu.memory_space<hbm>> -> memref<64xf32, #tpu.memory_space<hbm>>
          tpu.wait_dma2 semaphore(%arg9 : memref<!tpu.dma_semaphore, #tpu.memory_space<semaphore_mem>>) src(%dma_wait3A_347 : memref<64xf32, #tpu.memory_space<hbm>>) dst(%dma_wait3A_344 : memref<64xf32, #tpu.memory_space<vmem>>)
          %dma_wait3A_348 = arith.constant 0 : i32
          %dma_wait3A_349 = arith.constant 2 : i32
          %dma_wait3A_350 = arith.constant 0 : i32
          %dma_wait3A_351 = arith.constant 0 : i32
          %dma_wait3A_352 = tpu.memref_slice %arg6[%dma_wait3A_349, %dma_wait3A_350, %dma_wait3A_351] : memref<4x160x128xf32, #tpu.memory_space<vmem>> -> memref<1x1x64xf32, #tpu.memory_space<vmem>>
          %dma_wait3A_353 = tpu.memref_squeeze %dma_wait3A_352 : memref<1x1x64xf32, #tpu.memory_space<vmem>> -> memref<64xf32, #tpu.memory_space<vmem>>
          %dma_wait3A_354 = arith.constant 0 : i32
          %dma_wait3A_355 = tpu.memref_slice %arg3[%dma_wait3A_348, %dma_wait3A_354] : memref<1000000x64xf32, #tpu.memory_space<hbm>> -> memref<1x64xf32, #tpu.memory_space<hbm>>
          %dma_wait3A_356 = tpu.memref_squeeze %dma_wait3A_355 : memref<1x64xf32, #tpu.memory_space<hbm>> -> memref<64xf32, #tpu.memory_space<hbm>>
          %dma_wait3A_357 = arith.constant 0 : i32
          %dma_wait3A_358 = tpu.memref_slice %arg6[%dma_wait3A_349, %dma_wait3A_350, %dma_wait3A_357] : memref<4x160x128xf32, #tpu.memory_space<vmem>> -> memref<1x1x64xf32, #tpu.memory_space<vmem>>
          %dma_wait3A_359 = tpu.memref_squeeze %dma_wait3A_358 : memref<1x1x64xf32, #tpu.memory_space<vmem>> -> memref<64xf32, #tpu.memory_space<vmem>>
          %dma_wait3A_360 = arith.constant 0 : i32
          %dma_wait3A_361 = tpu.memref_slice %arg3[%dma_wait3A_348, %dma_wait3A_360] : memref<1000000x64xf32, #tpu.memory_space<hbm>> -> memref<1x64xf32, #tpu.memory_space<hbm>>
          %dma_wait3A_362 = tpu.memref_squeeze %dma_wait3A_361 : memref<1x64xf32, #tpu.memory_space<hbm>> -> memref<64xf32, #tpu.memory_space<hbm>>
          tpu.wait_dma2 semaphore(%arg9 : memref<!tpu.dma_semaphore, #tpu.memory_space<semaphore_mem>>) src(%dma_wait3A_362 : memref<64xf32, #tpu.memory_space<hbm>>) dst(%dma_wait3A_359 : memref<64xf32, #tpu.memory_space<vmem>>)
          %dma_wait3A_363 = arith.constant 0 : i32
          %dma_wait3A_364 = arith.constant 2 : i32
          %dma_wait3A_365 = arith.constant 0 : i32
          %dma_wait3A_366 = arith.constant 0 : i32
          %dma_wait3A_367 = tpu.memref_slice %arg6[%dma_wait3A_364, %dma_wait3A_365, %dma_wait3A_366] : memref<4x160x128xf32, #tpu.memory_space<vmem>> -> memref<1x1x64xf32, #tpu.memory_space<vmem>>
          %dma_wait3A_368 = tpu.memref_squeeze %dma_wait3A_367 : memref<1x1x64xf32, #tpu.memory_space<vmem>> -> memref<64xf32, #tpu.memory_space<vmem>>
          %dma_wait3A_369 = arith.constant 0 : i32
          %dma_wait3A_370 = tpu.memref_slice %arg3[%dma_wait3A_363, %dma_wait3A_369] : memref<1000000x64xf32, #tpu.memory_space<hbm>> -> memref<1x64xf32, #tpu.memory_space<hbm>>
          %dma_wait3A_371 = tpu.memref_squeeze %dma_wait3A_370 : memref<1x64xf32, #tpu.memory_space<hbm>> -> memref<64xf32, #tpu.memory_space<hbm>>
          %dma_wait3A_372 = arith.constant 0 : i32
          %dma_wait3A_373 = tpu.memref_slice %arg6[%dma_wait3A_364, %dma_wait3A_365, %dma_wait3A_372] : memref<4x160x128xf32, #tpu.memory_space<vmem>> -> memref<1x1x64xf32, #tpu.memory_space<vmem>>
          %dma_wait3A_374 = tpu.memref_squeeze %dma_wait3A_373 : memref<1x1x64xf32, #tpu.memory_space<vmem>> -> memref<64xf32, #tpu.memory_space<vmem>>
          %dma_wait3A_375 = arith.constant 0 : i32
          %dma_wait3A_376 = tpu.memref_slice %arg3[%dma_wait3A_363, %dma_wait3A_375] : memref<1000000x64xf32, #tpu.memory_space<hbm>> -> memref<1x64xf32, #tpu.memory_space<hbm>>
          %dma_wait3A_377 = tpu.memref_squeeze %dma_wait3A_376 : memref<1x64xf32, #tpu.memory_space<hbm>> -> memref<64xf32, #tpu.memory_space<hbm>>
          tpu.wait_dma2 semaphore(%arg9 : memref<!tpu.dma_semaphore, #tpu.memory_space<semaphore_mem>>) src(%dma_wait3A_377 : memref<64xf32, #tpu.memory_space<hbm>>) dst(%dma_wait3A_374 : memref<64xf32, #tpu.memory_space<vmem>>)
          %dma_wait3A_378 = arith.constant 0 : i32
          %dma_wait3A_379 = arith.constant 2 : i32
          %dma_wait3A_380 = arith.constant 0 : i32
          %dma_wait3A_381 = arith.constant 0 : i32
          %dma_wait3A_382 = tpu.memref_slice %arg6[%dma_wait3A_379, %dma_wait3A_380, %dma_wait3A_381] : memref<4x160x128xf32, #tpu.memory_space<vmem>> -> memref<1x1x64xf32, #tpu.memory_space<vmem>>
          %dma_wait3A_383 = tpu.memref_squeeze %dma_wait3A_382 : memref<1x1x64xf32, #tpu.memory_space<vmem>> -> memref<64xf32, #tpu.memory_space<vmem>>
          %dma_wait3A_384 = arith.constant 0 : i32
          %dma_wait3A_385 = tpu.memref_slice %arg3[%dma_wait3A_378, %dma_wait3A_384] : memref<1000000x64xf32, #tpu.memory_space<hbm>> -> memref<1x64xf32, #tpu.memory_space<hbm>>
          %dma_wait3A_386 = tpu.memref_squeeze %dma_wait3A_385 : memref<1x64xf32, #tpu.memory_space<hbm>> -> memref<64xf32, #tpu.memory_space<hbm>>
          %dma_wait3A_387 = arith.constant 0 : i32
          %dma_wait3A_388 = tpu.memref_slice %arg6[%dma_wait3A_379, %dma_wait3A_380, %dma_wait3A_387] : memref<4x160x128xf32, #tpu.memory_space<vmem>> -> memref<1x1x64xf32, #tpu.memory_space<vmem>>
          %dma_wait3A_389 = tpu.memref_squeeze %dma_wait3A_388 : memref<1x1x64xf32, #tpu.memory_space<vmem>> -> memref<64xf32, #tpu.memory_space<vmem>>
          %dma_wait3A_390 = arith.constant 0 : i32
          %dma_wait3A_391 = tpu.memref_slice %arg3[%dma_wait3A_378, %dma_wait3A_390] : memref<1000000x64xf32, #tpu.memory_space<hbm>> -> memref<1x64xf32, #tpu.memory_space<hbm>>
          %dma_wait3A_392 = tpu.memref_squeeze %dma_wait3A_391 : memref<1x64xf32, #tpu.memory_space<hbm>> -> memref<64xf32, #tpu.memory_space<hbm>>
          tpu.wait_dma2 semaphore(%arg9 : memref<!tpu.dma_semaphore, #tpu.memory_space<semaphore_mem>>) src(%dma_wait3A_392 : memref<64xf32, #tpu.memory_space<hbm>>) dst(%dma_wait3A_389 : memref<64xf32, #tpu.memory_space<vmem>>)
          %dma_wait3A_393 = arith.constant 0 : i32
          %dma_wait3A_394 = arith.constant 2 : i32
          %dma_wait3A_395 = arith.constant 0 : i32
          %dma_wait3A_396 = arith.constant 0 : i32
          %dma_wait3A_397 = tpu.memref_slice %arg6[%dma_wait3A_394, %dma_wait3A_395, %dma_wait3A_396] : memref<4x160x128xf32, #tpu.memory_space<vmem>> -> memref<1x1x64xf32, #tpu.memory_space<vmem>>
          %dma_wait3A_398 = tpu.memref_squeeze %dma_wait3A_397 : memref<1x1x64xf32, #tpu.memory_space<vmem>> -> memref<64xf32, #tpu.memory_space<vmem>>
          %dma_wait3A_399 = arith.constant 0 : i32
          %dma_wait3A_400 = tpu.memref_slice %arg3[%dma_wait3A_393, %dma_wait3A_399] : memref<1000000x64xf32, #tpu.memory_space<hbm>> -> memref<1x64xf32, #tpu.memory_space<hbm>>
          %dma_wait3A_401 = tpu.memref_squeeze %dma_wait3A_400 : memref<1x64xf32, #tpu.memory_space<hbm>> -> memref<64xf32, #tpu.memory_space<hbm>>
          %dma_wait3A_402 = arith.constant 0 : i32
          %dma_wait3A_403 = tpu.memref_slice %arg6[%dma_wait3A_394, %dma_wait3A_395, %dma_wait3A_402] : memref<4x160x128xf32, #tpu.memory_space<vmem>> -> memref<1x1x64xf32, #tpu.memory_space<vmem>>
          %dma_wait3A_404 = tpu.memref_squeeze %dma_wait3A_403 : memref<1x1x64xf32, #tpu.memory_space<vmem>> -> memref<64xf32, #tpu.memory_space<vmem>>
          %dma_wait3A_405 = arith.constant 0 : i32
          %dma_wait3A_406 = tpu.memref_slice %arg3[%dma_wait3A_393, %dma_wait3A_405] : memref<1000000x64xf32, #tpu.memory_space<hbm>> -> memref<1x64xf32, #tpu.memory_space<hbm>>
          %dma_wait3A_407 = tpu.memref_squeeze %dma_wait3A_406 : memref<1x64xf32, #tpu.memory_space<hbm>> -> memref<64xf32, #tpu.memory_space<hbm>>
          tpu.wait_dma2 semaphore(%arg9 : memref<!tpu.dma_semaphore, #tpu.memory_space<semaphore_mem>>) src(%dma_wait3A_407 : memref<64xf32, #tpu.memory_space<hbm>>) dst(%dma_wait3A_404 : memref<64xf32, #tpu.memory_space<vmem>>)
          %dma_wait3A_408 = arith.constant 0 : i32
          %dma_wait3A_409 = arith.constant 2 : i32
          %dma_wait3A_410 = arith.constant 0 : i32
          %dma_wait3A_411 = arith.constant 0 : i32
          %dma_wait3A_412 = tpu.memref_slice %arg6[%dma_wait3A_409, %dma_wait3A_410, %dma_wait3A_411] : memref<4x160x128xf32, #tpu.memory_space<vmem>> -> memref<1x1x64xf32, #tpu.memory_space<vmem>>
          %dma_wait3A_413 = tpu.memref_squeeze %dma_wait3A_412 : memref<1x1x64xf32, #tpu.memory_space<vmem>> -> memref<64xf32, #tpu.memory_space<vmem>>
          %dma_wait3A_414 = arith.constant 0 : i32
          %dma_wait3A_415 = tpu.memref_slice %arg3[%dma_wait3A_408, %dma_wait3A_414] : memref<1000000x64xf32, #tpu.memory_space<hbm>> -> memref<1x64xf32, #tpu.memory_space<hbm>>
          %dma_wait3A_416 = tpu.memref_squeeze %dma_wait3A_415 : memref<1x64xf32, #tpu.memory_space<hbm>> -> memref<64xf32, #tpu.memory_space<hbm>>
          %dma_wait3A_417 = arith.constant 0 : i32
          %dma_wait3A_418 = tpu.memref_slice %arg6[%dma_wait3A_409, %dma_wait3A_410, %dma_wait3A_417] : memref<4x160x128xf32, #tpu.memory_space<vmem>> -> memref<1x1x64xf32, #tpu.memory_space<vmem>>
          %dma_wait3A_419 = tpu.memref_squeeze %dma_wait3A_418 : memref<1x1x64xf32, #tpu.memory_space<vmem>> -> memref<64xf32, #tpu.memory_space<vmem>>
          %dma_wait3A_420 = arith.constant 0 : i32
          %dma_wait3A_421 = tpu.memref_slice %arg3[%dma_wait3A_408, %dma_wait3A_420] : memref<1000000x64xf32, #tpu.memory_space<hbm>> -> memref<1x64xf32, #tpu.memory_space<hbm>>
          %dma_wait3A_422 = tpu.memref_squeeze %dma_wait3A_421 : memref<1x64xf32, #tpu.memory_space<hbm>> -> memref<64xf32, #tpu.memory_space<hbm>>
          tpu.wait_dma2 semaphore(%arg9 : memref<!tpu.dma_semaphore, #tpu.memory_space<semaphore_mem>>) src(%dma_wait3A_422 : memref<64xf32, #tpu.memory_space<hbm>>) dst(%dma_wait3A_419 : memref<64xf32, #tpu.memory_space<vmem>>)
          %dma_wait3A_423 = arith.constant 0 : i32
          %dma_wait3A_424 = arith.constant 2 : i32
          %dma_wait3A_425 = arith.constant 0 : i32
          %dma_wait3A_426 = arith.constant 0 : i32
          %dma_wait3A_427 = tpu.memref_slice %arg6[%dma_wait3A_424, %dma_wait3A_425, %dma_wait3A_426] : memref<4x160x128xf32, #tpu.memory_space<vmem>> -> memref<1x1x64xf32, #tpu.memory_space<vmem>>
          %dma_wait3A_428 = tpu.memref_squeeze %dma_wait3A_427 : memref<1x1x64xf32, #tpu.memory_space<vmem>> -> memref<64xf32, #tpu.memory_space<vmem>>
          %dma_wait3A_429 = arith.constant 0 : i32
          %dma_wait3A_430 = tpu.memref_slice %arg3[%dma_wait3A_423, %dma_wait3A_429] : memref<1000000x64xf32, #tpu.memory_space<hbm>> -> memref<1x64xf32, #tpu.memory_space<hbm>>
          %dma_wait3A_431 = tpu.memref_squeeze %dma_wait3A_430 : memref<1x64xf32, #tpu.memory_space<hbm>> -> memref<64xf32, #tpu.memory_space<hbm>>
          %dma_wait3A_432 = arith.constant 0 : i32
          %dma_wait3A_433 = tpu.memref_slice %arg6[%dma_wait3A_424, %dma_wait3A_425, %dma_wait3A_432] : memref<4x160x128xf32, #tpu.memory_space<vmem>> -> memref<1x1x64xf32, #tpu.memory_space<vmem>>
          %dma_wait3A_434 = tpu.memref_squeeze %dma_wait3A_433 : memref<1x1x64xf32, #tpu.memory_space<vmem>> -> memref<64xf32, #tpu.memory_space<vmem>>
          %dma_wait3A_435 = arith.constant 0 : i32
          %dma_wait3A_436 = tpu.memref_slice %arg3[%dma_wait3A_423, %dma_wait3A_435] : memref<1000000x64xf32, #tpu.memory_space<hbm>> -> memref<1x64xf32, #tpu.memory_space<hbm>>
          %dma_wait3A_437 = tpu.memref_squeeze %dma_wait3A_436 : memref<1x64xf32, #tpu.memory_space<hbm>> -> memref<64xf32, #tpu.memory_space<hbm>>
          tpu.wait_dma2 semaphore(%arg9 : memref<!tpu.dma_semaphore, #tpu.memory_space<semaphore_mem>>) src(%dma_wait3A_437 : memref<64xf32, #tpu.memory_space<hbm>>) dst(%dma_wait3A_434 : memref<64xf32, #tpu.memory_space<vmem>>)
        }
        %scan3A_173 = arith.constant 10 : i32
        %mul3A_174 = arith.constant 512 : i32
        %mul3A_175 = arith.muli %add3A, %mul3A_174 : i32
        %mul3A_176 = arith.constant 8 : i32
        %mul3A_177 = arith.muli %sub3A_102, %mul3A_176 : i32
        %add3A_178 = arith.addi %mul3A_175, %mul3A_177 : i32
        %dma_start3A = arith.constant 2 : i32
        %dma_start3A_179 = tpu.memref_reshape %arg6 : memref<4x160x128xf32, #tpu.memory_space<vmem>> -> memref<4x8x20x128xf32, #tpu.memory_space<vmem>>
        %dma_start3A_180 = arith.constant 0 : i32
        %dma_start3A_181 = arith.constant 0 : i32
        %dma_start3A_182 = arith.constant 0 : i32
        %dma_start3A_183 = tpu.memref_slice %dma_start3A_179[%dma_start3A, %dma_start3A_180, %dma_start3A_181, %dma_start3A_182] : memref<4x8x20x128xf32, #tpu.memory_space<vmem>> -> memref<1x8x20x128xf32, #tpu.memory_space<vmem>>
        %dma_start3A_184 = tpu.memref_squeeze %dma_start3A_183 : memref<1x8x20x128xf32, #tpu.memory_space<vmem>> -> memref<8x20x128xf32, #tpu.memory_space<vmem>>
        %dma_start3A_185 = arith.constant 0 : i32
        %dma_start3A_186 = arith.constant 0 : i32
        %dma_start3A_187 = tpu.memref_slice %arg4[%add3A_178, %dma_start3A_185, %dma_start3A_186] : memref<16384x20x128xf32, #tpu.memory_space<hbm>> -> memref<8x20x128xf32, #tpu.memory_space<hbm>>
        %dma_start3A_188 = arith.constant 0 : i32
        %dma_start3A_189 = arith.constant 0 : i32
        %dma_start3A_190 = tpu.memref_slice %arg4[%add3A_178, %dma_start3A_188, %dma_start3A_189] : memref<16384x20x128xf32, #tpu.memory_space<hbm>> -> memref<8x20x128xf32, #tpu.memory_space<hbm>>
        %dma_start3A_191 = tpu.memref_reshape %arg6 : memref<4x160x128xf32, #tpu.memory_space<vmem>> -> memref<4x8x20x128xf32, #tpu.memory_space<vmem>>
        %dma_start3A_192 = arith.constant 0 : i32
        %dma_start3A_193 = arith.constant 0 : i32
        %dma_start3A_194 = arith.constant 0 : i32
        %dma_start3A_195 = tpu.memref_slice %dma_start3A_191[%dma_start3A, %dma_start3A_192, %dma_start3A_193, %dma_start3A_194] : memref<4x8x20x128xf32, #tpu.memory_space<vmem>> -> memref<1x8x20x128xf32, #tpu.memory_space<vmem>>
        %dma_start3A_196 = tpu.memref_squeeze %dma_start3A_195 : memref<1x8x20x128xf32, #tpu.memory_space<vmem>> -> memref<8x20x128xf32, #tpu.memory_space<vmem>>
        tpu.enqueue_dma source(%dma_start3A_196 : memref<8x20x128xf32, #tpu.memory_space<vmem>>) target(%dma_start3A_190 : memref<8x20x128xf32, #tpu.memory_space<hbm>>) target_semaphore(%arg13 : memref<!tpu.dma_semaphore, #tpu.memory_space<semaphore_mem>>)
      } else {
      }
      %mul3A_111 = arith.constant 4 : i32
      %mul3A_112 = arith.muli %scan3A_97, %mul3A_111 : i32
      %add3A_113 = arith.constant 1 : i32
      %add3A_114 = arith.addi %mul3A_112, %add3A_113 : i32
      %sub3A_115 = arith.constant 2 : i32
      %sub3A_116 = arith.subi %add3A_114, %sub3A_115 : i32
      %lt3A_117 = arith.constant 64 : i32
      %lt3A_118 = arith.cmpi slt, %add3A_114, %lt3A_117 : i32
      %convert_element_type3A_119 = arith.extui %lt3A_118 : i1 to i32
      %cond3A_120 = arith.constant 0 : i32
      %cond3A_121 = arith.cmpi ne, %convert_element_type3A_119, %cond3A_120 : i32
      scf.if %cond3A_121 {
        %ge3A_168 = arith.constant 4 : i32
        %ge3A_169 = arith.cmpi sge, %add3A_114, %ge3A_168 : i32
        %convert_element_type3A_170 = arith.extui %ge3A_169 : i1 to i32
        %cond3A_171 = arith.constant 0 : i32
        %cond3A_172 = arith.cmpi ne, %convert_element_type3A_170, %cond3A_171 : i32
        scf.if %cond3A_172 {
          %sub3A_179 = arith.constant 4 : i32
          %sub3A_180 = arith.subi %add3A_114, %sub3A_179 : i32
          %mul3A_181 = arith.constant 512 : i32
          %mul3A_182 = arith.muli %add3A, %mul3A_181 : i32
          %mul3A_183 = arith.constant 8 : i32
          %mul3A_184 = arith.muli %sub3A_180, %mul3A_183 : i32
          %add3A_185 = arith.addi %mul3A_182, %mul3A_184 : i32
          %dma_wait3A_186 = arith.constant 1 : i32
          %dma_wait3A_187 = tpu.memref_reshape %arg6 : memref<4x160x128xf32, #tpu.memory_space<vmem>> -> memref<4x8x20x128xf32, #tpu.memory_space<vmem>>
          %dma_wait3A_188 = arith.constant 0 : i32
          %dma_wait3A_189 = arith.constant 0 : i32
          %dma_wait3A_190 = arith.constant 0 : i32
          %dma_wait3A_191 = tpu.memref_slice %dma_wait3A_187[%dma_wait3A_186, %dma_wait3A_188, %dma_wait3A_189, %dma_wait3A_190] : memref<4x8x20x128xf32, #tpu.memory_space<vmem>> -> memref<1x8x20x128xf32, #tpu.memory_space<vmem>>
          %dma_wait3A_192 = tpu.memref_squeeze %dma_wait3A_191 : memref<1x8x20x128xf32, #tpu.memory_space<vmem>> -> memref<8x20x128xf32, #tpu.memory_space<vmem>>
          %dma_wait3A_193 = arith.constant 0 : i32
          %dma_wait3A_194 = arith.constant 0 : i32
          %dma_wait3A_195 = tpu.memref_slice %arg4[%add3A_185, %dma_wait3A_193, %dma_wait3A_194] : memref<16384x20x128xf32, #tpu.memory_space<hbm>> -> memref<8x20x128xf32, #tpu.memory_space<hbm>>
          %dma_wait3A_196 = arith.constant 0 : i32
          %dma_wait3A_197 = arith.constant 0 : i32
          %dma_wait3A_198 = tpu.memref_slice %arg4[%add3A_185, %dma_wait3A_196, %dma_wait3A_197] : memref<16384x20x128xf32, #tpu.memory_space<hbm>> -> memref<8x20x128xf32, #tpu.memory_space<hbm>>
          %dma_wait3A_199 = tpu.memref_reshape %arg6 : memref<4x160x128xf32, #tpu.memory_space<vmem>> -> memref<4x8x20x128xf32, #tpu.memory_space<vmem>>
          %dma_wait3A_200 = arith.constant 0 : i32
          %dma_wait3A_201 = arith.constant 0 : i32
          %dma_wait3A_202 = arith.constant 0 : i32
          %dma_wait3A_203 = tpu.memref_slice %dma_wait3A_199[%dma_wait3A_186, %dma_wait3A_200, %dma_wait3A_201, %dma_wait3A_202] : memref<4x8x20x128xf32, #tpu.memory_space<vmem>> -> memref<1x8x20x128xf32, #tpu.memory_space<vmem>>
          %dma_wait3A_204 = tpu.memref_squeeze %dma_wait3A_203 : memref<1x8x20x128xf32, #tpu.memory_space<vmem>> -> memref<8x20x128xf32, #tpu.memory_space<vmem>>
          tpu.wait_dma2 semaphore(%arg12 : memref<!tpu.dma_semaphore, #tpu.memory_space<semaphore_mem>>) src(%dma_wait3A_204 : memref<8x20x128xf32, #tpu.memory_space<vmem>>) dst(%dma_wait3A_198 : memref<8x20x128xf32, #tpu.memory_space<hbm>>)
        } else {
        }
        %scan3A_173 = arith.constant 0 : i32
        %scan3A_174 = arith.constant 0 : i32
        %scan3A_175 = arith.constant 10 : i32
        %scan3A_176 = arith.addi %scan3A_174, %scan3A_175 : i32
        %scan3A_177 = arith.constant 1 : i32
        scf.for %scan3A_179 = %scan3A_174 to %scan3A_176 step %scan3A_177  : i32 {
          %mul3A_180 = arith.constant 160 : i32
          %mul3A_181 = arith.muli %add3A_114, %mul3A_180 : i32
          %mul3A_182 = arith.constant 16 : i32
          %mul3A_183 = arith.muli %scan3A_179, %mul3A_182 : i32
          %add3A_184 = arith.addi %mul3A_181, %mul3A_183 : i32
          %get3A = arith.index_cast %add3A_184 : i32 to index
          %get3A_185 = tpu.vector_load %arg5[%get3A] {strides = array<i32>} : memref<10240xi32, #tpu.memory_space<vmem>>, vector<16xi32>,
          %get3A_186 = vector.shape_cast %get3A_185 : vector<16xi32> to vector<16xi32>
          %slice3A = vector.extract_strided_slice %get3A_186 {offsets = [0], sizes = [1], strides = [1]} : vector<16xi32> to vector<1xi32>
          %squeeze3A = vector.extract %slice3A[0] : i32 from vector<1xi32>
          %mul3A_187 = arith.constant 16 : i32
          %mul3A_188 = arith.muli %scan3A_179, %mul3A_187 : i32
          %add3A_189 = arith.constant 0 : i32
          %add3A_190 = arith.addi %mul3A_188, %add3A_189 : i32
          %dma_start3A = arith.constant 1 : i32
          %dma_start3A_191 = arith.constant 0 : i32
          %dma_start3A_192 = tpu.memref_slice %arg6[%dma_start3A, %add3A_190, %dma_start3A_191] : memref<4x160x128xf32, #tpu.memory_space<vmem>> -> memref<1x1x64xf32, #tpu.memory_space<vmem>>
          %dma_start3A_193 = tpu.memref_squeeze %dma_start3A_192 : memref<1x1x64xf32, #tpu.memory_space<vmem>> -> memref<64xf32, #tpu.memory_space<vmem>>
          %dma_start3A_194 = arith.constant 0 : i32
          %dma_start3A_195 = tpu.memref_slice %arg3[%squeeze3A, %dma_start3A_194] : memref<1000000x64xf32, #tpu.memory_space<hbm>> -> memref<1x64xf32, #tpu.memory_space<hbm>>
          %dma_start3A_196 = tpu.memref_squeeze %dma_start3A_195 : memref<1x64xf32, #tpu.memory_space<hbm>> -> memref<64xf32, #tpu.memory_space<hbm>>
          %dma_start3A_197 = arith.constant 0 : i32
          %dma_start3A_198 = tpu.memref_slice %arg6[%dma_start3A, %add3A_190, %dma_start3A_197] : memref<4x160x128xf32, #tpu.memory_space<vmem>> -> memref<1x1x64xf32, #tpu.memory_space<vmem>>
          %dma_start3A_199 = tpu.memref_squeeze %dma_start3A_198 : memref<1x1x64xf32, #tpu.memory_space<vmem>> -> memref<64xf32, #tpu.memory_space<vmem>>
          %dma_start3A_200 = arith.constant 0 : i32
          %dma_start3A_201 = tpu.memref_slice %arg3[%squeeze3A, %dma_start3A_200] : memref<1000000x64xf32, #tpu.memory_space<hbm>> -> memref<1x64xf32, #tpu.memory_space<hbm>>
          %dma_start3A_202 = tpu.memref_squeeze %dma_start3A_201 : memref<1x64xf32, #tpu.memory_space<hbm>> -> memref<64xf32, #tpu.memory_space<hbm>>
          tpu.enqueue_dma source(%dma_start3A_202 : memref<64xf32, #tpu.memory_space<hbm>>) target(%dma_start3A_199 : memref<64xf32, #tpu.memory_space<vmem>>) target_semaphore(%arg8 : memref<!tpu.dma_semaphore, #tpu.memory_space<semaphore_mem>>)
          %slice3A_203 = vector.extract_strided_slice %get3A_186 {offsets = [1], sizes = [1], strides = [1]} : vector<16xi32> to vector<1xi32>
          %squeeze3A_204 = vector.extract %slice3A_203[0] : i32 from vector<1xi32>
          %mul3A_205 = arith.constant 16 : i32
          %mul3A_206 = arith.muli %scan3A_179, %mul3A_205 : i32
          %add3A_207 = arith.constant 1 : i32
          %add3A_208 = arith.addi %mul3A_206, %add3A_207 : i32
          %dma_start3A_209 = arith.constant 1 : i32
          %dma_start3A_210 = arith.constant 0 : i32
          %dma_start3A_211 = tpu.memref_slice %arg6[%dma_start3A_209, %add3A_208, %dma_start3A_210] : memref<4x160x128xf32, #tpu.memory_space<vmem>> -> memref<1x1x64xf32, #tpu.memory_space<vmem>>
          %dma_start3A_212 = tpu.memref_squeeze %dma_start3A_211 : memref<1x1x64xf32, #tpu.memory_space<vmem>> -> memref<64xf32, #tpu.memory_space<vmem>>
          %dma_start3A_213 = arith.constant 0 : i32
          %dma_start3A_214 = tpu.memref_slice %arg3[%squeeze3A_204, %dma_start3A_213] : memref<1000000x64xf32, #tpu.memory_space<hbm>> -> memref<1x64xf32, #tpu.memory_space<hbm>>
          %dma_start3A_215 = tpu.memref_squeeze %dma_start3A_214 : memref<1x64xf32, #tpu.memory_space<hbm>> -> memref<64xf32, #tpu.memory_space<hbm>>
          %dma_start3A_216 = arith.constant 0 : i32
          %dma_start3A_217 = tpu.memref_slice %arg6[%dma_start3A_209, %add3A_208, %dma_start3A_216] : memref<4x160x128xf32, #tpu.memory_space<vmem>> -> memref<1x1x64xf32, #tpu.memory_space<vmem>>
          %dma_start3A_218 = tpu.memref_squeeze %dma_start3A_217 : memref<1x1x64xf32, #tpu.memory_space<vmem>> -> memref<64xf32, #tpu.memory_space<vmem>>
          %dma_start3A_219 = arith.constant 0 : i32
          %dma_start3A_220 = tpu.memref_slice %arg3[%squeeze3A_204, %dma_start3A_219] : memref<1000000x64xf32, #tpu.memory_space<hbm>> -> memref<1x64xf32, #tpu.memory_space<hbm>>
          %dma_start3A_221 = tpu.memref_squeeze %dma_start3A_220 : memref<1x64xf32, #tpu.memory_space<hbm>> -> memref<64xf32, #tpu.memory_space<hbm>>
          tpu.enqueue_dma source(%dma_start3A_221 : memref<64xf32, #tpu.memory_space<hbm>>) target(%dma_start3A_218 : memref<64xf32, #tpu.memory_space<vmem>>) target_semaphore(%arg8 : memref<!tpu.dma_semaphore, #tpu.memory_space<semaphore_mem>>)
          %slice3A_222 = vector.extract_strided_slice %get3A_186 {offsets = [2], sizes = [1], strides = [1]} : vector<16xi32> to vector<1xi32>
          %squeeze3A_223 = vector.extract %slice3A_222[0] : i32 from vector<1xi32>
          %mul3A_224 = arith.constant 16 : i32
          %mul3A_225 = arith.muli %scan3A_179, %mul3A_224 : i32
          %add3A_226 = arith.constant 2 : i32
          %add3A_227 = arith.addi %mul3A_225, %add3A_226 : i32
          %dma_start3A_228 = arith.constant 1 : i32
          %dma_start3A_229 = arith.constant 0 : i32
          %dma_start3A_230 = tpu.memref_slice %arg6[%dma_start3A_228, %add3A_227, %dma_start3A_229] : memref<4x160x128xf32, #tpu.memory_space<vmem>> -> memref<1x1x64xf32, #tpu.memory_space<vmem>>
          %dma_start3A_231 = tpu.memref_squeeze %dma_start3A_230 : memref<1x1x64xf32, #tpu.memory_space<vmem>> -> memref<64xf32, #tpu.memory_space<vmem>>
          %dma_start3A_232 = arith.constant 0 : i32
          %dma_start3A_233 = tpu.memref_slice %arg3[%squeeze3A_223, %dma_start3A_232] : memref<1000000x64xf32, #tpu.memory_space<hbm>> -> memref<1x64xf32, #tpu.memory_space<hbm>>
          %dma_start3A_234 = tpu.memref_squeeze %dma_start3A_233 : memref<1x64xf32, #tpu.memory_space<hbm>> -> memref<64xf32, #tpu.memory_space<hbm>>
          %dma_start3A_235 = arith.constant 0 : i32
          %dma_start3A_236 = tpu.memref_slice %arg6[%dma_start3A_228, %add3A_227, %dma_start3A_235] : memref<4x160x128xf32, #tpu.memory_space<vmem>> -> memref<1x1x64xf32, #tpu.memory_space<vmem>>
          %dma_start3A_237 = tpu.memref_squeeze %dma_start3A_236 : memref<1x1x64xf32, #tpu.memory_space<vmem>> -> memref<64xf32, #tpu.memory_space<vmem>>
          %dma_start3A_238 = arith.constant 0 : i32
          %dma_start3A_239 = tpu.memref_slice %arg3[%squeeze3A_223, %dma_start3A_238] : memref<1000000x64xf32, #tpu.memory_space<hbm>> -> memref<1x64xf32, #tpu.memory_space<hbm>>
          %dma_start3A_240 = tpu.memref_squeeze %dma_start3A_239 : memref<1x64xf32, #tpu.memory_space<hbm>> -> memref<64xf32, #tpu.memory_space<hbm>>
          tpu.enqueue_dma source(%dma_start3A_240 : memref<64xf32, #tpu.memory_space<hbm>>) target(%dma_start3A_237 : memref<64xf32, #tpu.memory_space<vmem>>) target_semaphore(%arg8 : memref<!tpu.dma_semaphore, #tpu.memory_space<semaphore_mem>>)
          %slice3A_241 = vector.extract_strided_slice %get3A_186 {offsets = [3], sizes = [1], strides = [1]} : vector<16xi32> to vector<1xi32>
          %squeeze3A_242 = vector.extract %slice3A_241[0] : i32 from vector<1xi32>
          %mul3A_243 = arith.constant 16 : i32
          %mul3A_244 = arith.muli %scan3A_179, %mul3A_243 : i32
          %add3A_245 = arith.constant 3 : i32
          %add3A_246 = arith.addi %mul3A_244, %add3A_245 : i32
          %dma_start3A_247 = arith.constant 1 : i32
          %dma_start3A_248 = arith.constant 0 : i32
          %dma_start3A_249 = tpu.memref_slice %arg6[%dma_start3A_247, %add3A_246, %dma_start3A_248] : memref<4x160x128xf32, #tpu.memory_space<vmem>> -> memref<1x1x64xf32, #tpu.memory_space<vmem>>
          %dma_start3A_250 = tpu.memref_squeeze %dma_start3A_249 : memref<1x1x64xf32, #tpu.memory_space<vmem>> -> memref<64xf32, #tpu.memory_space<vmem>>
          %dma_start3A_251 = arith.constant 0 : i32
          %dma_start3A_252 = tpu.memref_slice %arg3[%squeeze3A_242, %dma_start3A_251] : memref<1000000x64xf32, #tpu.memory_space<hbm>> -> memref<1x64xf32, #tpu.memory_space<hbm>>
          %dma_start3A_253 = tpu.memref_squeeze %dma_start3A_252 : memref<1x64xf32, #tpu.memory_space<hbm>> -> memref<64xf32, #tpu.memory_space<hbm>>
          %dma_start3A_254 = arith.constant 0 : i32
          %dma_start3A_255 = tpu.memref_slice %arg6[%dma_start3A_247, %add3A_246, %dma_start3A_254] : memref<4x160x128xf32, #tpu.memory_space<vmem>> -> memref<1x1x64xf32, #tpu.memory_space<vmem>>
          %dma_start3A_256 = tpu.memref_squeeze %dma_start3A_255 : memref<1x1x64xf32, #tpu.memory_space<vmem>> -> memref<64xf32, #tpu.memory_space<vmem>>
          %dma_start3A_257 = arith.constant 0 : i32
          %dma_start3A_258 = tpu.memref_slice %arg3[%squeeze3A_242, %dma_start3A_257] : memref<1000000x64xf32, #tpu.memory_space<hbm>> -> memref<1x64xf32, #tpu.memory_space<hbm>>
          %dma_start3A_259 = tpu.memref_squeeze %dma_start3A_258 : memref<1x64xf32, #tpu.memory_space<hbm>> -> memref<64xf32, #tpu.memory_space<hbm>>
          tpu.enqueue_dma source(%dma_start3A_259 : memref<64xf32, #tpu.memory_space<hbm>>) target(%dma_start3A_256 : memref<64xf32, #tpu.memory_space<vmem>>) target_semaphore(%arg8 : memref<!tpu.dma_semaphore, #tpu.memory_space<semaphore_mem>>)
          %slice3A_260 = vector.extract_strided_slice %get3A_186 {offsets = [4], sizes = [1], strides = [1]} : vector<16xi32> to vector<1xi32>
          %squeeze3A_261 = vector.extract %slice3A_260[0] : i32 from vector<1xi32>
          %mul3A_262 = arith.constant 16 : i32
          %mul3A_263 = arith.muli %scan3A_179, %mul3A_262 : i32
          %add3A_264 = arith.constant 4 : i32
          %add3A_265 = arith.addi %mul3A_263, %add3A_264 : i32
          %dma_start3A_266 = arith.constant 1 : i32
          %dma_start3A_267 = arith.constant 0 : i32
          %dma_start3A_268 = tpu.memref_slice %arg6[%dma_start3A_266, %add3A_265, %dma_start3A_267] : memref<4x160x128xf32, #tpu.memory_space<vmem>> -> memref<1x1x64xf32, #tpu.memory_space<vmem>>
          %dma_start3A_269 = tpu.memref_squeeze %dma_start3A_268 : memref<1x1x64xf32, #tpu.memory_space<vmem>> -> memref<64xf32, #tpu.memory_space<vmem>>
          %dma_start3A_270 = arith.constant 0 : i32
          %dma_start3A_271 = tpu.memref_slice %arg3[%squeeze3A_261, %dma_start3A_270] : memref<1000000x64xf32, #tpu.memory_space<hbm>> -> memref<1x64xf32, #tpu.memory_space<hbm>>
          %dma_start3A_272 = tpu.memref_squeeze %dma_start3A_271 : memref<1x64xf32, #tpu.memory_space<hbm>> -> memref<64xf32, #tpu.memory_space<hbm>>
          %dma_start3A_273 = arith.constant 0 : i32
          %dma_start3A_274 = tpu.memref_slice %arg6[%dma_start3A_266, %add3A_265, %dma_start3A_273] : memref<4x160x128xf32, #tpu.memory_space<vmem>> -> memref<1x1x64xf32, #tpu.memory_space<vmem>>
          %dma_start3A_275 = tpu.memref_squeeze %dma_start3A_274 : memref<1x1x64xf32, #tpu.memory_space<vmem>> -> memref<64xf32, #tpu.memory_space<vmem>>
          %dma_start3A_276 = arith.constant 0 : i32
          %dma_start3A_277 = tpu.memref_slice %arg3[%squeeze3A_261, %dma_start3A_276] : memref<1000000x64xf32, #tpu.memory_space<hbm>> -> memref<1x64xf32, #tpu.memory_space<hbm>>
          %dma_start3A_278 = tpu.memref_squeeze %dma_start3A_277 : memref<1x64xf32, #tpu.memory_space<hbm>> -> memref<64xf32, #tpu.memory_space<hbm>>
          tpu.enqueue_dma source(%dma_start3A_278 : memref<64xf32, #tpu.memory_space<hbm>>) target(%dma_start3A_275 : memref<64xf32, #tpu.memory_space<vmem>>) target_semaphore(%arg8 : memref<!tpu.dma_semaphore, #tpu.memory_space<semaphore_mem>>)
          %slice3A_279 = vector.extract_strided_slice %get3A_186 {offsets = [5], sizes = [1], strides = [1]} : vector<16xi32> to vector<1xi32>
          %squeeze3A_280 = vector.extract %slice3A_279[0] : i32 from vector<1xi32>
          %mul3A_281 = arith.constant 16 : i32
          %mul3A_282 = arith.muli %scan3A_179, %mul3A_281 : i32
          %add3A_283 = arith.constant 5 : i32
          %add3A_284 = arith.addi %mul3A_282, %add3A_283 : i32
          %dma_start3A_285 = arith.constant 1 : i32
          %dma_start3A_286 = arith.constant 0 : i32
          %dma_start3A_287 = tpu.memref_slice %arg6[%dma_start3A_285, %add3A_284, %dma_start3A_286] : memref<4x160x128xf32, #tpu.memory_space<vmem>> -> memref<1x1x64xf32, #tpu.memory_space<vmem>>
          %dma_start3A_288 = tpu.memref_squeeze %dma_start3A_287 : memref<1x1x64xf32, #tpu.memory_space<vmem>> -> memref<64xf32, #tpu.memory_space<vmem>>
          %dma_start3A_289 = arith.constant 0 : i32
          %dma_start3A_290 = tpu.memref_slice %arg3[%squeeze3A_280, %dma_start3A_289] : memref<1000000x64xf32, #tpu.memory_space<hbm>> -> memref<1x64xf32, #tpu.memory_space<hbm>>
          %dma_start3A_291 = tpu.memref_squeeze %dma_start3A_290 : memref<1x64xf32, #tpu.memory_space<hbm>> -> memref<64xf32, #tpu.memory_space<hbm>>
          %dma_start3A_292 = arith.constant 0 : i32
          %dma_start3A_293 = tpu.memref_slice %arg6[%dma_start3A_285, %add3A_284, %dma_start3A_292] : memref<4x160x128xf32, #tpu.memory_space<vmem>> -> memref<1x1x64xf32, #tpu.memory_space<vmem>>
          %dma_start3A_294 = tpu.memref_squeeze %dma_start3A_293 : memref<1x1x64xf32, #tpu.memory_space<vmem>> -> memref<64xf32, #tpu.memory_space<vmem>>
          %dma_start3A_295 = arith.constant 0 : i32
          %dma_start3A_296 = tpu.memref_slice %arg3[%squeeze3A_280, %dma_start3A_295] : memref<1000000x64xf32, #tpu.memory_space<hbm>> -> memref<1x64xf32, #tpu.memory_space<hbm>>
          %dma_start3A_297 = tpu.memref_squeeze %dma_start3A_296 : memref<1x64xf32, #tpu.memory_space<hbm>> -> memref<64xf32, #tpu.memory_space<hbm>>
          tpu.enqueue_dma source(%dma_start3A_297 : memref<64xf32, #tpu.memory_space<hbm>>) target(%dma_start3A_294 : memref<64xf32, #tpu.memory_space<vmem>>) target_semaphore(%arg8 : memref<!tpu.dma_semaphore, #tpu.memory_space<semaphore_mem>>)
          %slice3A_298 = vector.extract_strided_slice %get3A_186 {offsets = [6], sizes = [1], strides = [1]} : vector<16xi32> to vector<1xi32>
          %squeeze3A_299 = vector.extract %slice3A_298[0] : i32 from vector<1xi32>
          %mul3A_300 = arith.constant 16 : i32
          %mul3A_301 = arith.muli %scan3A_179, %mul3A_300 : i32
          %add3A_302 = arith.constant 6 : i32
          %add3A_303 = arith.addi %mul3A_301, %add3A_302 : i32
          %dma_start3A_304 = arith.constant 1 : i32
          %dma_start3A_305 = arith.constant 0 : i32
          %dma_start3A_306 = tpu.memref_slice %arg6[%dma_start3A_304, %add3A_303, %dma_start3A_305] : memref<4x160x128xf32, #tpu.memory_space<vmem>> -> memref<1x1x64xf32, #tpu.memory_space<vmem>>
          %dma_start3A_307 = tpu.memref_squeeze %dma_start3A_306 : memref<1x1x64xf32, #tpu.memory_space<vmem>> -> memref<64xf32, #tpu.memory_space<vmem>>
          %dma_start3A_308 = arith.constant 0 : i32
          %dma_start3A_309 = tpu.memref_slice %arg3[%squeeze3A_299, %dma_start3A_308] : memref<1000000x64xf32, #tpu.memory_space<hbm>> -> memref<1x64xf32, #tpu.memory_space<hbm>>
          %dma_start3A_310 = tpu.memref_squeeze %dma_start3A_309 : memref<1x64xf32, #tpu.memory_space<hbm>> -> memref<64xf32, #tpu.memory_space<hbm>>
          %dma_start3A_311 = arith.constant 0 : i32
          %dma_start3A_312 = tpu.memref_slice %arg6[%dma_start3A_304, %add3A_303, %dma_start3A_311] : memref<4x160x128xf32, #tpu.memory_space<vmem>> -> memref<1x1x64xf32, #tpu.memory_space<vmem>>
          %dma_start3A_313 = tpu.memref_squeeze %dma_start3A_312 : memref<1x1x64xf32, #tpu.memory_space<vmem>> -> memref<64xf32, #tpu.memory_space<vmem>>
          %dma_start3A_314 = arith.constant 0 : i32
          %dma_start3A_315 = tpu.memref_slice %arg3[%squeeze3A_299, %dma_start3A_314] : memref<1000000x64xf32, #tpu.memory_space<hbm>> -> memref<1x64xf32, #tpu.memory_space<hbm>>
          %dma_start3A_316 = tpu.memref_squeeze %dma_start3A_315 : memref<1x64xf32, #tpu.memory_space<hbm>> -> memref<64xf32, #tpu.memory_space<hbm>>
          tpu.enqueue_dma source(%dma_start3A_316 : memref<64xf32, #tpu.memory_space<hbm>>) target(%dma_start3A_313 : memref<64xf32, #tpu.memory_space<vmem>>) target_semaphore(%arg8 : memref<!tpu.dma_semaphore, #tpu.memory_space<semaphore_mem>>)
          %slice3A_317 = vector.extract_strided_slice %get3A_186 {offsets = [7], sizes = [1], strides = [1]} : vector<16xi32> to vector<1xi32>
          %squeeze3A_318 = vector.extract %slice3A_317[0] : i32 from vector<1xi32>
          %mul3A_319 = arith.constant 16 : i32
          %mul3A_320 = arith.muli %scan3A_179, %mul3A_319 : i32
          %add3A_321 = arith.constant 7 : i32
          %add3A_322 = arith.addi %mul3A_320, %add3A_321 : i32
          %dma_start3A_323 = arith.constant 1 : i32
          %dma_start3A_324 = arith.constant 0 : i32
          %dma_start3A_325 = tpu.memref_slice %arg6[%dma_start3A_323, %add3A_322, %dma_start3A_324] : memref<4x160x128xf32, #tpu.memory_space<vmem>> -> memref<1x1x64xf32, #tpu.memory_space<vmem>>
          %dma_start3A_326 = tpu.memref_squeeze %dma_start3A_325 : memref<1x1x64xf32, #tpu.memory_space<vmem>> -> memref<64xf32, #tpu.memory_space<vmem>>
          %dma_start3A_327 = arith.constant 0 : i32
          %dma_start3A_328 = tpu.memref_slice %arg3[%squeeze3A_318, %dma_start3A_327] : memref<1000000x64xf32, #tpu.memory_space<hbm>> -> memref<1x64xf32, #tpu.memory_space<hbm>>
          %dma_start3A_329 = tpu.memref_squeeze %dma_start3A_328 : memref<1x64xf32, #tpu.memory_space<hbm>> -> memref<64xf32, #tpu.memory_space<hbm>>
          %dma_start3A_330 = arith.constant 0 : i32
          %dma_start3A_331 = tpu.memref_slice %arg6[%dma_start3A_323, %add3A_322, %dma_start3A_330] : memref<4x160x128xf32, #tpu.memory_space<vmem>> -> memref<1x1x64xf32, #tpu.memory_space<vmem>>
          %dma_start3A_332 = tpu.memref_squeeze %dma_start3A_331 : memref<1x1x64xf32, #tpu.memory_space<vmem>> -> memref<64xf32, #tpu.memory_space<vmem>>
          %dma_start3A_333 = arith.constant 0 : i32
          %dma_start3A_334 = tpu.memref_slice %arg3[%squeeze3A_318, %dma_start3A_333] : memref<1000000x64xf32, #tpu.memory_space<hbm>> -> memref<1x64xf32, #tpu.memory_space<hbm>>
          %dma_start3A_335 = tpu.memref_squeeze %dma_start3A_334 : memref<1x64xf32, #tpu.memory_space<hbm>> -> memref<64xf32, #tpu.memory_space<hbm>>
          tpu.enqueue_dma source(%dma_start3A_335 : memref<64xf32, #tpu.memory_space<hbm>>) target(%dma_start3A_332 : memref<64xf32, #tpu.memory_space<vmem>>) target_semaphore(%arg8 : memref<!tpu.dma_semaphore, #tpu.memory_space<semaphore_mem>>)
          %slice3A_336 = vector.extract_strided_slice %get3A_186 {offsets = [8], sizes = [1], strides = [1]} : vector<16xi32> to vector<1xi32>
          %squeeze3A_337 = vector.extract %slice3A_336[0] : i32 from vector<1xi32>
          %mul3A_338 = arith.constant 16 : i32
          %mul3A_339 = arith.muli %scan3A_179, %mul3A_338 : i32
          %add3A_340 = arith.constant 8 : i32
          %add3A_341 = arith.addi %mul3A_339, %add3A_340 : i32
          %dma_start3A_342 = arith.constant 1 : i32
          %dma_start3A_343 = arith.constant 0 : i32
          %dma_start3A_344 = tpu.memref_slice %arg6[%dma_start3A_342, %add3A_341, %dma_start3A_343] : memref<4x160x128xf32, #tpu.memory_space<vmem>> -> memref<1x1x64xf32, #tpu.memory_space<vmem>>
          %dma_start3A_345 = tpu.memref_squeeze %dma_start3A_344 : memref<1x1x64xf32, #tpu.memory_space<vmem>> -> memref<64xf32, #tpu.memory_space<vmem>>
          %dma_start3A_346 = arith.constant 0 : i32
          %dma_start3A_347 = tpu.memref_slice %arg3[%squeeze3A_337, %dma_start3A_346] : memref<1000000x64xf32, #tpu.memory_space<hbm>> -> memref<1x64xf32, #tpu.memory_space<hbm>>
          %dma_start3A_348 = tpu.memref_squeeze %dma_start3A_347 : memref<1x64xf32, #tpu.memory_space<hbm>> -> memref<64xf32, #tpu.memory_space<hbm>>
          %dma_start3A_349 = arith.constant 0 : i32
          %dma_start3A_350 = tpu.memref_slice %arg6[%dma_start3A_342, %add3A_341, %dma_start3A_349] : memref<4x160x128xf32, #tpu.memory_space<vmem>> -> memref<1x1x64xf32, #tpu.memory_space<vmem>>
          %dma_start3A_351 = tpu.memref_squeeze %dma_start3A_350 : memref<1x1x64xf32, #tpu.memory_space<vmem>> -> memref<64xf32, #tpu.memory_space<vmem>>
          %dma_start3A_352 = arith.constant 0 : i32
          %dma_start3A_353 = tpu.memref_slice %arg3[%squeeze3A_337, %dma_start3A_352] : memref<1000000x64xf32, #tpu.memory_space<hbm>> -> memref<1x64xf32, #tpu.memory_space<hbm>>
          %dma_start3A_354 = tpu.memref_squeeze %dma_start3A_353 : memref<1x64xf32, #tpu.memory_space<hbm>> -> memref<64xf32, #tpu.memory_space<hbm>>
          tpu.enqueue_dma source(%dma_start3A_354 : memref<64xf32, #tpu.memory_space<hbm>>) target(%dma_start3A_351 : memref<64xf32, #tpu.memory_space<vmem>>) target_semaphore(%arg8 : memref<!tpu.dma_semaphore, #tpu.memory_space<semaphore_mem>>)
          %slice3A_355 = vector.extract_strided_slice %get3A_186 {offsets = [9], sizes = [1], strides = [1]} : vector<16xi32> to vector<1xi32>
          %squeeze3A_356 = vector.extract %slice3A_355[0] : i32 from vector<1xi32>
          %mul3A_357 = arith.constant 16 : i32
          %mul3A_358 = arith.muli %scan3A_179, %mul3A_357 : i32
          %add3A_359 = arith.constant 9 : i32
          %add3A_360 = arith.addi %mul3A_358, %add3A_359 : i32
          %dma_start3A_361 = arith.constant 1 : i32
          %dma_start3A_362 = arith.constant 0 : i32
          %dma_start3A_363 = tpu.memref_slice %arg6[%dma_start3A_361, %add3A_360, %dma_start3A_362] : memref<4x160x128xf32, #tpu.memory_space<vmem>> -> memref<1x1x64xf32, #tpu.memory_space<vmem>>
          %dma_start3A_364 = tpu.memref_squeeze %dma_start3A_363 : memref<1x1x64xf32, #tpu.memory_space<vmem>> -> memref<64xf32, #tpu.memory_space<vmem>>
          %dma_start3A_365 = arith.constant 0 : i32
          %dma_start3A_366 = tpu.memref_slice %arg3[%squeeze3A_356, %dma_start3A_365] : memref<1000000x64xf32, #tpu.memory_space<hbm>> -> memref<1x64xf32, #tpu.memory_space<hbm>>
          %dma_start3A_367 = tpu.memref_squeeze %dma_start3A_366 : memref<1x64xf32, #tpu.memory_space<hbm>> -> memref<64xf32, #tpu.memory_space<hbm>>
          %dma_start3A_368 = arith.constant 0 : i32
          %dma_start3A_369 = tpu.memref_slice %arg6[%dma_start3A_361, %add3A_360, %dma_start3A_368] : memref<4x160x128xf32, #tpu.memory_space<vmem>> -> memref<1x1x64xf32, #tpu.memory_space<vmem>>
          %dma_start3A_370 = tpu.memref_squeeze %dma_start3A_369 : memref<1x1x64xf32, #tpu.memory_space<vmem>> -> memref<64xf32, #tpu.memory_space<vmem>>
          %dma_start3A_371 = arith.constant 0 : i32
          %dma_start3A_372 = tpu.memref_slice %arg3[%squeeze3A_356, %dma_start3A_371] : memref<1000000x64xf32, #tpu.memory_space<hbm>> -> memref<1x64xf32, #tpu.memory_space<hbm>>
          %dma_start3A_373 = tpu.memref_squeeze %dma_start3A_372 : memref<1x64xf32, #tpu.memory_space<hbm>> -> memref<64xf32, #tpu.memory_space<hbm>>
          tpu.enqueue_dma source(%dma_start3A_373 : memref<64xf32, #tpu.memory_space<hbm>>) target(%dma_start3A_370 : memref<64xf32, #tpu.memory_space<vmem>>) target_semaphore(%arg8 : memref<!tpu.dma_semaphore, #tpu.memory_space<semaphore_mem>>)
          %slice3A_374 = vector.extract_strided_slice %get3A_186 {offsets = [10], sizes = [1], strides = [1]} : vector<16xi32> to vector<1xi32>
          %squeeze3A_375 = vector.extract %slice3A_374[0] : i32 from vector<1xi32>
          %mul3A_376 = arith.constant 16 : i32
          %mul3A_377 = arith.muli %scan3A_179, %mul3A_376 : i32
          %add3A_378 = arith.constant 10 : i32
          %add3A_379 = arith.addi %mul3A_377, %add3A_378 : i32
          %dma_start3A_380 = arith.constant 1 : i32
          %dma_start3A_381 = arith.constant 0 : i32
          %dma_start3A_382 = tpu.memref_slice %arg6[%dma_start3A_380, %add3A_379, %dma_start3A_381] : memref<4x160x128xf32, #tpu.memory_space<vmem>> -> memref<1x1x64xf32, #tpu.memory_space<vmem>>
          %dma_start3A_383 = tpu.memref_squeeze %dma_start3A_382 : memref<1x1x64xf32, #tpu.memory_space<vmem>> -> memref<64xf32, #tpu.memory_space<vmem>>
          %dma_start3A_384 = arith.constant 0 : i32
          %dma_start3A_385 = tpu.memref_slice %arg3[%squeeze3A_375, %dma_start3A_384] : memref<1000000x64xf32, #tpu.memory_space<hbm>> -> memref<1x64xf32, #tpu.memory_space<hbm>>
          %dma_start3A_386 = tpu.memref_squeeze %dma_start3A_385 : memref<1x64xf32, #tpu.memory_space<hbm>> -> memref<64xf32, #tpu.memory_space<hbm>>
          %dma_start3A_387 = arith.constant 0 : i32
          %dma_start3A_388 = tpu.memref_slice %arg6[%dma_start3A_380, %add3A_379, %dma_start3A_387] : memref<4x160x128xf32, #tpu.memory_space<vmem>> -> memref<1x1x64xf32, #tpu.memory_space<vmem>>
          %dma_start3A_389 = tpu.memref_squeeze %dma_start3A_388 : memref<1x1x64xf32, #tpu.memory_space<vmem>> -> memref<64xf32, #tpu.memory_space<vmem>>
          %dma_start3A_390 = arith.constant 0 : i32
          %dma_start3A_391 = tpu.memref_slice %arg3[%squeeze3A_375, %dma_start3A_390] : memref<1000000x64xf32, #tpu.memory_space<hbm>> -> memref<1x64xf32, #tpu.memory_space<hbm>>
          %dma_start3A_392 = tpu.memref_squeeze %dma_start3A_391 : memref<1x64xf32, #tpu.memory_space<hbm>> -> memref<64xf32, #tpu.memory_space<hbm>>
          tpu.enqueue_dma source(%dma_start3A_392 : memref<64xf32, #tpu.memory_space<hbm>>) target(%dma_start3A_389 : memref<64xf32, #tpu.memory_space<vmem>>) target_semaphore(%arg8 : memref<!tpu.dma_semaphore, #tpu.memory_space<semaphore_mem>>)
          %slice3A_393 = vector.extract_strided_slice %get3A_186 {offsets = [11], sizes = [1], strides = [1]} : vector<16xi32> to vector<1xi32>
          %squeeze3A_394 = vector.extract %slice3A_393[0] : i32 from vector<1xi32>
          %mul3A_395 = arith.constant 16 : i32
          %mul3A_396 = arith.muli %scan3A_179, %mul3A_395 : i32
          %add3A_397 = arith.constant 11 : i32
          %add3A_398 = arith.addi %mul3A_396, %add3A_397 : i32
          %dma_start3A_399 = arith.constant 1 : i32
          %dma_start3A_400 = arith.constant 0 : i32
          %dma_start3A_401 = tpu.memref_slice %arg6[%dma_start3A_399, %add3A_398, %dma_start3A_400] : memref<4x160x128xf32, #tpu.memory_space<vmem>> -> memref<1x1x64xf32, #tpu.memory_space<vmem>>
          %dma_start3A_402 = tpu.memref_squeeze %dma_start3A_401 : memref<1x1x64xf32, #tpu.memory_space<vmem>> -> memref<64xf32, #tpu.memory_space<vmem>>
          %dma_start3A_403 = arith.constant 0 : i32
          %dma_start3A_404 = tpu.memref_slice %arg3[%squeeze3A_394, %dma_start3A_403] : memref<1000000x64xf32, #tpu.memory_space<hbm>> -> memref<1x64xf32, #tpu.memory_space<hbm>>
          %dma_start3A_405 = tpu.memref_squeeze %dma_start3A_404 : memref<1x64xf32, #tpu.memory_space<hbm>> -> memref<64xf32, #tpu.memory_space<hbm>>
          %dma_start3A_406 = arith.constant 0 : i32
          %dma_start3A_407 = tpu.memref_slice %arg6[%dma_start3A_399, %add3A_398, %dma_start3A_406] : memref<4x160x128xf32, #tpu.memory_space<vmem>> -> memref<1x1x64xf32, #tpu.memory_space<vmem>>
          %dma_start3A_408 = tpu.memref_squeeze %dma_start3A_407 : memref<1x1x64xf32, #tpu.memory_space<vmem>> -> memref<64xf32, #tpu.memory_space<vmem>>
          %dma_start3A_409 = arith.constant 0 : i32
          %dma_start3A_410 = tpu.memref_slice %arg3[%squeeze3A_394, %dma_start3A_409] : memref<1000000x64xf32, #tpu.memory_space<hbm>> -> memref<1x64xf32, #tpu.memory_space<hbm>>
          %dma_start3A_411 = tpu.memref_squeeze %dma_start3A_410 : memref<1x64xf32, #tpu.memory_space<hbm>> -> memref<64xf32, #tpu.memory_space<hbm>>
          tpu.enqueue_dma source(%dma_start3A_411 : memref<64xf32, #tpu.memory_space<hbm>>) target(%dma_start3A_408 : memref<64xf32, #tpu.memory_space<vmem>>) target_semaphore(%arg8 : memref<!tpu.dma_semaphore, #tpu.memory_space<semaphore_mem>>)
          %slice3A_412 = vector.extract_strided_slice %get3A_186 {offsets = [12], sizes = [1], strides = [1]} : vector<16xi32> to vector<1xi32>
          %squeeze3A_413 = vector.extract %slice3A_412[0] : i32 from vector<1xi32>
          %mul3A_414 = arith.constant 16 : i32
          %mul3A_415 = arith.muli %scan3A_179, %mul3A_414 : i32
          %add3A_416 = arith.constant 12 : i32
          %add3A_417 = arith.addi %mul3A_415, %add3A_416 : i32
          %dma_start3A_418 = arith.constant 1 : i32
          %dma_start3A_419 = arith.constant 0 : i32
          %dma_start3A_420 = tpu.memref_slice %arg6[%dma_start3A_418, %add3A_417, %dma_start3A_419] : memref<4x160x128xf32, #tpu.memory_space<vmem>> -> memref<1x1x64xf32, #tpu.memory_space<vmem>>
          %dma_start3A_421 = tpu.memref_squeeze %dma_start3A_420 : memref<1x1x64xf32, #tpu.memory_space<vmem>> -> memref<64xf32, #tpu.memory_space<vmem>>
          %dma_start3A_422 = arith.constant 0 : i32
          %dma_start3A_423 = tpu.memref_slice %arg3[%squeeze3A_413, %dma_start3A_422] : memref<1000000x64xf32, #tpu.memory_space<hbm>> -> memref<1x64xf32, #tpu.memory_space<hbm>>
          %dma_start3A_424 = tpu.memref_squeeze %dma_start3A_423 : memref<1x64xf32, #tpu.memory_space<hbm>> -> memref<64xf32, #tpu.memory_space<hbm>>
          %dma_start3A_425 = arith.constant 0 : i32
          %dma_start3A_426 = tpu.memref_slice %arg6[%dma_start3A_418, %add3A_417, %dma_start3A_425] : memref<4x160x128xf32, #tpu.memory_space<vmem>> -> memref<1x1x64xf32, #tpu.memory_space<vmem>>
          %dma_start3A_427 = tpu.memref_squeeze %dma_start3A_426 : memref<1x1x64xf32, #tpu.memory_space<vmem>> -> memref<64xf32, #tpu.memory_space<vmem>>
          %dma_start3A_428 = arith.constant 0 : i32
          %dma_start3A_429 = tpu.memref_slice %arg3[%squeeze3A_413, %dma_start3A_428] : memref<1000000x64xf32, #tpu.memory_space<hbm>> -> memref<1x64xf32, #tpu.memory_space<hbm>>
          %dma_start3A_430 = tpu.memref_squeeze %dma_start3A_429 : memref<1x64xf32, #tpu.memory_space<hbm>> -> memref<64xf32, #tpu.memory_space<hbm>>
          tpu.enqueue_dma source(%dma_start3A_430 : memref<64xf32, #tpu.memory_space<hbm>>) target(%dma_start3A_427 : memref<64xf32, #tpu.memory_space<vmem>>) target_semaphore(%arg8 : memref<!tpu.dma_semaphore, #tpu.memory_space<semaphore_mem>>)
          %slice3A_431 = vector.extract_strided_slice %get3A_186 {offsets = [13], sizes = [1], strides = [1]} : vector<16xi32> to vector<1xi32>
          %squeeze3A_432 = vector.extract %slice3A_431[0] : i32 from vector<1xi32>
          %mul3A_433 = arith.constant 16 : i32
          %mul3A_434 = arith.muli %scan3A_179, %mul3A_433 : i32
          %add3A_435 = arith.constant 13 : i32
          %add3A_436 = arith.addi %mul3A_434, %add3A_435 : i32
          %dma_start3A_437 = arith.constant 1 : i32
          %dma_start3A_438 = arith.constant 0 : i32
          %dma_start3A_439 = tpu.memref_slice %arg6[%dma_start3A_437, %add3A_436, %dma_start3A_438] : memref<4x160x128xf32, #tpu.memory_space<vmem>> -> memref<1x1x64xf32, #tpu.memory_space<vmem>>
          %dma_start3A_440 = tpu.memref_squeeze %dma_start3A_439 : memref<1x1x64xf32, #tpu.memory_space<vmem>> -> memref<64xf32, #tpu.memory_space<vmem>>
          %dma_start3A_441 = arith.constant 0 : i32
          %dma_start3A_442 = tpu.memref_slice %arg3[%squeeze3A_432, %dma_start3A_441] : memref<1000000x64xf32, #tpu.memory_space<hbm>> -> memref<1x64xf32, #tpu.memory_space<hbm>>
          %dma_start3A_443 = tpu.memref_squeeze %dma_start3A_442 : memref<1x64xf32, #tpu.memory_space<hbm>> -> memref<64xf32, #tpu.memory_space<hbm>>
          %dma_start3A_444 = arith.constant 0 : i32
          %dma_start3A_445 = tpu.memref_slice %arg6[%dma_start3A_437, %add3A_436, %dma_start3A_444] : memref<4x160x128xf32, #tpu.memory_space<vmem>> -> memref<1x1x64xf32, #tpu.memory_space<vmem>>
          %dma_start3A_446 = tpu.memref_squeeze %dma_start3A_445 : memref<1x1x64xf32, #tpu.memory_space<vmem>> -> memref<64xf32, #tpu.memory_space<vmem>>
          %dma_start3A_447 = arith.constant 0 : i32
          %dma_start3A_448 = tpu.memref_slice %arg3[%squeeze3A_432, %dma_start3A_447] : memref<1000000x64xf32, #tpu.memory_space<hbm>> -> memref<1x64xf32, #tpu.memory_space<hbm>>
          %dma_start3A_449 = tpu.memref_squeeze %dma_start3A_448 : memref<1x64xf32, #tpu.memory_space<hbm>> -> memref<64xf32, #tpu.memory_space<hbm>>
          tpu.enqueue_dma source(%dma_start3A_449 : memref<64xf32, #tpu.memory_space<hbm>>) target(%dma_start3A_446 : memref<64xf32, #tpu.memory_space<vmem>>) target_semaphore(%arg8 : memref<!tpu.dma_semaphore, #tpu.memory_space<semaphore_mem>>)
          %slice3A_450 = vector.extract_strided_slice %get3A_186 {offsets = [14], sizes = [1], strides = [1]} : vector<16xi32> to vector<1xi32>
          %squeeze3A_451 = vector.extract %slice3A_450[0] : i32 from vector<1xi32>
          %mul3A_452 = arith.constant 16 : i32
          %mul3A_453 = arith.muli %scan3A_179, %mul3A_452 : i32
          %add3A_454 = arith.constant 14 : i32
          %add3A_455 = arith.addi %mul3A_453, %add3A_454 : i32
          %dma_start3A_456 = arith.constant 1 : i32
          %dma_start3A_457 = arith.constant 0 : i32
          %dma_start3A_458 = tpu.memref_slice %arg6[%dma_start3A_456, %add3A_455, %dma_start3A_457] : memref<4x160x128xf32, #tpu.memory_space<vmem>> -> memref<1x1x64xf32, #tpu.memory_space<vmem>>
          %dma_start3A_459 = tpu.memref_squeeze %dma_start3A_458 : memref<1x1x64xf32, #tpu.memory_space<vmem>> -> memref<64xf32, #tpu.memory_space<vmem>>
          %dma_start3A_460 = arith.constant 0 : i32
          %dma_start3A_461 = tpu.memref_slice %arg3[%squeeze3A_451, %dma_start3A_460] : memref<1000000x64xf32, #tpu.memory_space<hbm>> -> memref<1x64xf32, #tpu.memory_space<hbm>>
          %dma_start3A_462 = tpu.memref_squeeze %dma_start3A_461 : memref<1x64xf32, #tpu.memory_space<hbm>> -> memref<64xf32, #tpu.memory_space<hbm>>
          %dma_start3A_463 = arith.constant 0 : i32
          %dma_start3A_464 = tpu.memref_slice %arg6[%dma_start3A_456, %add3A_455, %dma_start3A_463] : memref<4x160x128xf32, #tpu.memory_space<vmem>> -> memref<1x1x64xf32, #tpu.memory_space<vmem>>
          %dma_start3A_465 = tpu.memref_squeeze %dma_start3A_464 : memref<1x1x64xf32, #tpu.memory_space<vmem>> -> memref<64xf32, #tpu.memory_space<vmem>>
          %dma_start3A_466 = arith.constant 0 : i32
          %dma_start3A_467 = tpu.memref_slice %arg3[%squeeze3A_451, %dma_start3A_466] : memref<1000000x64xf32, #tpu.memory_space<hbm>> -> memref<1x64xf32, #tpu.memory_space<hbm>>
          %dma_start3A_468 = tpu.memref_squeeze %dma_start3A_467 : memref<1x64xf32, #tpu.memory_space<hbm>> -> memref<64xf32, #tpu.memory_space<hbm>>
          tpu.enqueue_dma source(%dma_start3A_468 : memref<64xf32, #tpu.memory_space<hbm>>) target(%dma_start3A_465 : memref<64xf32, #tpu.memory_space<vmem>>) target_semaphore(%arg8 : memref<!tpu.dma_semaphore, #tpu.memory_space<semaphore_mem>>)
          %slice3A_469 = vector.extract_strided_slice %get3A_186 {offsets = [15], sizes = [1], strides = [1]} : vector<16xi32> to vector<1xi32>
          %squeeze3A_470 = vector.extract %slice3A_469[0] : i32 from vector<1xi32>
          %mul3A_471 = arith.constant 16 : i32
          %mul3A_472 = arith.muli %scan3A_179, %mul3A_471 : i32
          %add3A_473 = arith.constant 15 : i32
          %add3A_474 = arith.addi %mul3A_472, %add3A_473 : i32
          %dma_start3A_475 = arith.constant 1 : i32
          %dma_start3A_476 = arith.constant 0 : i32
          %dma_start3A_477 = tpu.memref_slice %arg6[%dma_start3A_475, %add3A_474, %dma_start3A_476] : memref<4x160x128xf32, #tpu.memory_space<vmem>> -> memref<1x1x64xf32, #tpu.memory_space<vmem>>
          %dma_start3A_478 = tpu.memref_squeeze %dma_start3A_477 : memref<1x1x64xf32, #tpu.memory_space<vmem>> -> memref<64xf32, #tpu.memory_space<vmem>>
          %dma_start3A_479 = arith.constant 0 : i32
          %dma_start3A_480 = tpu.memref_slice %arg3[%squeeze3A_470, %dma_start3A_479] : memref<1000000x64xf32, #tpu.memory_space<hbm>> -> memref<1x64xf32, #tpu.memory_space<hbm>>
          %dma_start3A_481 = tpu.memref_squeeze %dma_start3A_480 : memref<1x64xf32, #tpu.memory_space<hbm>> -> memref<64xf32, #tpu.memory_space<hbm>>
          %dma_start3A_482 = arith.constant 0 : i32
          %dma_start3A_483 = tpu.memref_slice %arg6[%dma_start3A_475, %add3A_474, %dma_start3A_482] : memref<4x160x128xf32, #tpu.memory_space<vmem>> -> memref<1x1x64xf32, #tpu.memory_space<vmem>>
          %dma_start3A_484 = tpu.memref_squeeze %dma_start3A_483 : memref<1x1x64xf32, #tpu.memory_space<vmem>> -> memref<64xf32, #tpu.memory_space<vmem>>
          %dma_start3A_485 = arith.constant 0 : i32
          %dma_start3A_486 = tpu.memref_slice %arg3[%squeeze3A_470, %dma_start3A_485] : memref<1000000x64xf32, #tpu.memory_space<hbm>> -> memref<1x64xf32, #tpu.memory_space<hbm>>
          %dma_start3A_487 = tpu.memref_squeeze %dma_start3A_486 : memref<1x64xf32, #tpu.memory_space<hbm>> -> memref<64xf32, #tpu.memory_space<hbm>>
          tpu.enqueue_dma source(%dma_start3A_487 : memref<64xf32, #tpu.memory_space<hbm>>) target(%dma_start3A_484 : memref<64xf32, #tpu.memory_space<vmem>>) target_semaphore(%arg8 : memref<!tpu.dma_semaphore, #tpu.memory_space<semaphore_mem>>)
        }
        %scan3A_178 = arith.constant 10 : i32
      } else {
      }
      %ge3A_122 = arith.constant 0 : i32
      %ge3A_123 = arith.cmpi sge, %sub3A_116, %ge3A_122 : i32
      %lt3A_124 = arith.constant 64 : i32
      %lt3A_125 = arith.cmpi slt, %sub3A_116, %lt3A_124 : i32
      %and3A_126 = arith.andi %ge3A_123, %lt3A_125 : i1
      %convert_element_type3A_127 = arith.extui %and3A_126 : i1 to i32
      %cond3A_128 = arith.constant 0 : i32
      %cond3A_129 = arith.cmpi ne, %convert_element_type3A_127, %cond3A_128 : i32
      scf.if %cond3A_129 {
        %scan3A_168 = arith.constant 0 : i32
        %scan3A_169 = arith.constant 0 : i32
        %scan3A_170 = arith.constant 10 : i32
        %scan3A_171 = arith.addi %scan3A_169, %scan3A_170 : i32
        %scan3A_172 = arith.constant 1 : i32
        scf.for %scan3A_197 = %scan3A_169 to %scan3A_171 step %scan3A_172  : i32 {
          %dma_wait3A_198 = arith.constant 0 : i32
          %dma_wait3A_199 = arith.constant 3 : i32
          %dma_wait3A_200 = arith.constant 0 : i32
          %dma_wait3A_201 = arith.constant 0 : i32
          %dma_wait3A_202 = tpu.memref_slice %arg6[%dma_wait3A_199, %dma_wait3A_200, %dma_wait3A_201] : memref<4x160x128xf32, #tpu.memory_space<vmem>> -> memref<1x1x64xf32, #tpu.memory_space<vmem>>
          %dma_wait3A_203 = tpu.memref_squeeze %dma_wait3A_202 : memref<1x1x64xf32, #tpu.memory_space<vmem>> -> memref<64xf32, #tpu.memory_space<vmem>>
          %dma_wait3A_204 = arith.constant 0 : i32
          %dma_wait3A_205 = tpu.memref_slice %arg3[%dma_wait3A_198, %dma_wait3A_204] : memref<1000000x64xf32, #tpu.memory_space<hbm>> -> memref<1x64xf32, #tpu.memory_space<hbm>>
          %dma_wait3A_206 = tpu.memref_squeeze %dma_wait3A_205 : memref<1x64xf32, #tpu.memory_space<hbm>> -> memref<64xf32, #tpu.memory_space<hbm>>
          %dma_wait3A_207 = arith.constant 0 : i32
          %dma_wait3A_208 = tpu.memref_slice %arg6[%dma_wait3A_199, %dma_wait3A_200, %dma_wait3A_207] : memref<4x160x128xf32, #tpu.memory_space<vmem>> -> memref<1x1x64xf32, #tpu.memory_space<vmem>>
          %dma_wait3A_209 = tpu.memref_squeeze %dma_wait3A_208 : memref<1x1x64xf32, #tpu.memory_space<vmem>> -> memref<64xf32, #tpu.memory_space<vmem>>
          %dma_wait3A_210 = arith.constant 0 : i32
          %dma_wait3A_211 = tpu.memref_slice %arg3[%dma_wait3A_198, %dma_wait3A_210] : memref<1000000x64xf32, #tpu.memory_space<hbm>> -> memref<1x64xf32, #tpu.memory_space<hbm>>
          %dma_wait3A_212 = tpu.memref_squeeze %dma_wait3A_211 : memref<1x64xf32, #tpu.memory_space<hbm>> -> memref<64xf32, #tpu.memory_space<hbm>>
          tpu.wait_dma2 semaphore(%arg10 : memref<!tpu.dma_semaphore, #tpu.memory_space<semaphore_mem>>) src(%dma_wait3A_212 : memref<64xf32, #tpu.memory_space<hbm>>) dst(%dma_wait3A_209 : memref<64xf32, #tpu.memory_space<vmem>>)
          %dma_wait3A_213 = arith.constant 0 : i32
          %dma_wait3A_214 = arith.constant 3 : i32
          %dma_wait3A_215 = arith.constant 0 : i32
          %dma_wait3A_216 = arith.constant 0 : i32
          %dma_wait3A_217 = tpu.memref_slice %arg6[%dma_wait3A_214, %dma_wait3A_215, %dma_wait3A_216] : memref<4x160x128xf32, #tpu.memory_space<vmem>> -> memref<1x1x64xf32, #tpu.memory_space<vmem>>
          %dma_wait3A_218 = tpu.memref_squeeze %dma_wait3A_217 : memref<1x1x64xf32, #tpu.memory_space<vmem>> -> memref<64xf32, #tpu.memory_space<vmem>>
          %dma_wait3A_219 = arith.constant 0 : i32
          %dma_wait3A_220 = tpu.memref_slice %arg3[%dma_wait3A_213, %dma_wait3A_219] : memref<1000000x64xf32, #tpu.memory_space<hbm>> -> memref<1x64xf32, #tpu.memory_space<hbm>>
          %dma_wait3A_221 = tpu.memref_squeeze %dma_wait3A_220 : memref<1x64xf32, #tpu.memory_space<hbm>> -> memref<64xf32, #tpu.memory_space<hbm>>
          %dma_wait3A_222 = arith.constant 0 : i32
          %dma_wait3A_223 = tpu.memref_slice %arg6[%dma_wait3A_214, %dma_wait3A_215, %dma_wait3A_222] : memref<4x160x128xf32, #tpu.memory_space<vmem>> -> memref<1x1x64xf32, #tpu.memory_space<vmem>>
          %dma_wait3A_224 = tpu.memref_squeeze %dma_wait3A_223 : memref<1x1x64xf32, #tpu.memory_space<vmem>> -> memref<64xf32, #tpu.memory_space<vmem>>
          %dma_wait3A_225 = arith.constant 0 : i32
          %dma_wait3A_226 = tpu.memref_slice %arg3[%dma_wait3A_213, %dma_wait3A_225] : memref<1000000x64xf32, #tpu.memory_space<hbm>> -> memref<1x64xf32, #tpu.memory_space<hbm>>
          %dma_wait3A_227 = tpu.memref_squeeze %dma_wait3A_226 : memref<1x64xf32, #tpu.memory_space<hbm>> -> memref<64xf32, #tpu.memory_space<hbm>>
          tpu.wait_dma2 semaphore(%arg10 : memref<!tpu.dma_semaphore, #tpu.memory_space<semaphore_mem>>) src(%dma_wait3A_227 : memref<64xf32, #tpu.memory_space<hbm>>) dst(%dma_wait3A_224 : memref<64xf32, #tpu.memory_space<vmem>>)
          %dma_wait3A_228 = arith.constant 0 : i32
          %dma_wait3A_229 = arith.constant 3 : i32
          %dma_wait3A_230 = arith.constant 0 : i32
          %dma_wait3A_231 = arith.constant 0 : i32
          %dma_wait3A_232 = tpu.memref_slice %arg6[%dma_wait3A_229, %dma_wait3A_230, %dma_wait3A_231] : memref<4x160x128xf32, #tpu.memory_space<vmem>> -> memref<1x1x64xf32, #tpu.memory_space<vmem>>
          %dma_wait3A_233 = tpu.memref_squeeze %dma_wait3A_232 : memref<1x1x64xf32, #tpu.memory_space<vmem>> -> memref<64xf32, #tpu.memory_space<vmem>>
          %dma_wait3A_234 = arith.constant 0 : i32
          %dma_wait3A_235 = tpu.memref_slice %arg3[%dma_wait3A_228, %dma_wait3A_234] : memref<1000000x64xf32, #tpu.memory_space<hbm>> -> memref<1x64xf32, #tpu.memory_space<hbm>>
          %dma_wait3A_236 = tpu.memref_squeeze %dma_wait3A_235 : memref<1x64xf32, #tpu.memory_space<hbm>> -> memref<64xf32, #tpu.memory_space<hbm>>
          %dma_wait3A_237 = arith.constant 0 : i32
          %dma_wait3A_238 = tpu.memref_slice %arg6[%dma_wait3A_229, %dma_wait3A_230, %dma_wait3A_237] : memref<4x160x128xf32, #tpu.memory_space<vmem>> -> memref<1x1x64xf32, #tpu.memory_space<vmem>>
          %dma_wait3A_239 = tpu.memref_squeeze %dma_wait3A_238 : memref<1x1x64xf32, #tpu.memory_space<vmem>> -> memref<64xf32, #tpu.memory_space<vmem>>
          %dma_wait3A_240 = arith.constant 0 : i32
          %dma_wait3A_241 = tpu.memref_slice %arg3[%dma_wait3A_228, %dma_wait3A_240] : memref<1000000x64xf32, #tpu.memory_space<hbm>> -> memref<1x64xf32, #tpu.memory_space<hbm>>
          %dma_wait3A_242 = tpu.memref_squeeze %dma_wait3A_241 : memref<1x64xf32, #tpu.memory_space<hbm>> -> memref<64xf32, #tpu.memory_space<hbm>>
          tpu.wait_dma2 semaphore(%arg10 : memref<!tpu.dma_semaphore, #tpu.memory_space<semaphore_mem>>) src(%dma_wait3A_242 : memref<64xf32, #tpu.memory_space<hbm>>) dst(%dma_wait3A_239 : memref<64xf32, #tpu.memory_space<vmem>>)
          %dma_wait3A_243 = arith.constant 0 : i32
          %dma_wait3A_244 = arith.constant 3 : i32
          %dma_wait3A_245 = arith.constant 0 : i32
          %dma_wait3A_246 = arith.constant 0 : i32
          %dma_wait3A_247 = tpu.memref_slice %arg6[%dma_wait3A_244, %dma_wait3A_245, %dma_wait3A_246] : memref<4x160x128xf32, #tpu.memory_space<vmem>> -> memref<1x1x64xf32, #tpu.memory_space<vmem>>
          %dma_wait3A_248 = tpu.memref_squeeze %dma_wait3A_247 : memref<1x1x64xf32, #tpu.memory_space<vmem>> -> memref<64xf32, #tpu.memory_space<vmem>>
          %dma_wait3A_249 = arith.constant 0 : i32
          %dma_wait3A_250 = tpu.memref_slice %arg3[%dma_wait3A_243, %dma_wait3A_249] : memref<1000000x64xf32, #tpu.memory_space<hbm>> -> memref<1x64xf32, #tpu.memory_space<hbm>>
          %dma_wait3A_251 = tpu.memref_squeeze %dma_wait3A_250 : memref<1x64xf32, #tpu.memory_space<hbm>> -> memref<64xf32, #tpu.memory_space<hbm>>
          %dma_wait3A_252 = arith.constant 0 : i32
          %dma_wait3A_253 = tpu.memref_slice %arg6[%dma_wait3A_244, %dma_wait3A_245, %dma_wait3A_252] : memref<4x160x128xf32, #tpu.memory_space<vmem>> -> memref<1x1x64xf32, #tpu.memory_space<vmem>>
          %dma_wait3A_254 = tpu.memref_squeeze %dma_wait3A_253 : memref<1x1x64xf32, #tpu.memory_space<vmem>> -> memref<64xf32, #tpu.memory_space<vmem>>
          %dma_wait3A_255 = arith.constant 0 : i32
          %dma_wait3A_256 = tpu.memref_slice %arg3[%dma_wait3A_243, %dma_wait3A_255] : memref<1000000x64xf32, #tpu.memory_space<hbm>> -> memref<1x64xf32, #tpu.memory_space<hbm>>
          %dma_wait3A_257 = tpu.memref_squeeze %dma_wait3A_256 : memref<1x64xf32, #tpu.memory_space<hbm>> -> memref<64xf32, #tpu.memory_space<hbm>>
          tpu.wait_dma2 semaphore(%arg10 : memref<!tpu.dma_semaphore, #tpu.memory_space<semaphore_mem>>) src(%dma_wait3A_257 : memref<64xf32, #tpu.memory_space<hbm>>) dst(%dma_wait3A_254 : memref<64xf32, #tpu.memory_space<vmem>>)
          %dma_wait3A_258 = arith.constant 0 : i32
          %dma_wait3A_259 = arith.constant 3 : i32
          %dma_wait3A_260 = arith.constant 0 : i32
          %dma_wait3A_261 = arith.constant 0 : i32
          %dma_wait3A_262 = tpu.memref_slice %arg6[%dma_wait3A_259, %dma_wait3A_260, %dma_wait3A_261] : memref<4x160x128xf32, #tpu.memory_space<vmem>> -> memref<1x1x64xf32, #tpu.memory_space<vmem>>
          %dma_wait3A_263 = tpu.memref_squeeze %dma_wait3A_262 : memref<1x1x64xf32, #tpu.memory_space<vmem>> -> memref<64xf32, #tpu.memory_space<vmem>>
          %dma_wait3A_264 = arith.constant 0 : i32
          %dma_wait3A_265 = tpu.memref_slice %arg3[%dma_wait3A_258, %dma_wait3A_264] : memref<1000000x64xf32, #tpu.memory_space<hbm>> -> memref<1x64xf32, #tpu.memory_space<hbm>>
          %dma_wait3A_266 = tpu.memref_squeeze %dma_wait3A_265 : memref<1x64xf32, #tpu.memory_space<hbm>> -> memref<64xf32, #tpu.memory_space<hbm>>
          %dma_wait3A_267 = arith.constant 0 : i32
          %dma_wait3A_268 = tpu.memref_slice %arg6[%dma_wait3A_259, %dma_wait3A_260, %dma_wait3A_267] : memref<4x160x128xf32, #tpu.memory_space<vmem>> -> memref<1x1x64xf32, #tpu.memory_space<vmem>>
          %dma_wait3A_269 = tpu.memref_squeeze %dma_wait3A_268 : memref<1x1x64xf32, #tpu.memory_space<vmem>> -> memref<64xf32, #tpu.memory_space<vmem>>
          %dma_wait3A_270 = arith.constant 0 : i32
          %dma_wait3A_271 = tpu.memref_slice %arg3[%dma_wait3A_258, %dma_wait3A_270] : memref<1000000x64xf32, #tpu.memory_space<hbm>> -> memref<1x64xf32, #tpu.memory_space<hbm>>
          %dma_wait3A_272 = tpu.memref_squeeze %dma_wait3A_271 : memref<1x64xf32, #tpu.memory_space<hbm>> -> memref<64xf32, #tpu.memory_space<hbm>>
          tpu.wait_dma2 semaphore(%arg10 : memref<!tpu.dma_semaphore, #tpu.memory_space<semaphore_mem>>) src(%dma_wait3A_272 : memref<64xf32, #tpu.memory_space<hbm>>) dst(%dma_wait3A_269 : memref<64xf32, #tpu.memory_space<vmem>>)
          %dma_wait3A_273 = arith.constant 0 : i32
          %dma_wait3A_274 = arith.constant 3 : i32
          %dma_wait3A_275 = arith.constant 0 : i32
          %dma_wait3A_276 = arith.constant 0 : i32
          %dma_wait3A_277 = tpu.memref_slice %arg6[%dma_wait3A_274, %dma_wait3A_275, %dma_wait3A_276] : memref<4x160x128xf32, #tpu.memory_space<vmem>> -> memref<1x1x64xf32, #tpu.memory_space<vmem>>
          %dma_wait3A_278 = tpu.memref_squeeze %dma_wait3A_277 : memref<1x1x64xf32, #tpu.memory_space<vmem>> -> memref<64xf32, #tpu.memory_space<vmem>>
          %dma_wait3A_279 = arith.constant 0 : i32
          %dma_wait3A_280 = tpu.memref_slice %arg3[%dma_wait3A_273, %dma_wait3A_279] : memref<1000000x64xf32, #tpu.memory_space<hbm>> -> memref<1x64xf32, #tpu.memory_space<hbm>>
          %dma_wait3A_281 = tpu.memref_squeeze %dma_wait3A_280 : memref<1x64xf32, #tpu.memory_space<hbm>> -> memref<64xf32, #tpu.memory_space<hbm>>
          %dma_wait3A_282 = arith.constant 0 : i32
          %dma_wait3A_283 = tpu.memref_slice %arg6[%dma_wait3A_274, %dma_wait3A_275, %dma_wait3A_282] : memref<4x160x128xf32, #tpu.memory_space<vmem>> -> memref<1x1x64xf32, #tpu.memory_space<vmem>>
          %dma_wait3A_284 = tpu.memref_squeeze %dma_wait3A_283 : memref<1x1x64xf32, #tpu.memory_space<vmem>> -> memref<64xf32, #tpu.memory_space<vmem>>
          %dma_wait3A_285 = arith.constant 0 : i32
          %dma_wait3A_286 = tpu.memref_slice %arg3[%dma_wait3A_273, %dma_wait3A_285] : memref<1000000x64xf32, #tpu.memory_space<hbm>> -> memref<1x64xf32, #tpu.memory_space<hbm>>
          %dma_wait3A_287 = tpu.memref_squeeze %dma_wait3A_286 : memref<1x64xf32, #tpu.memory_space<hbm>> -> memref<64xf32, #tpu.memory_space<hbm>>
          tpu.wait_dma2 semaphore(%arg10 : memref<!tpu.dma_semaphore, #tpu.memory_space<semaphore_mem>>) src(%dma_wait3A_287 : memref<64xf32, #tpu.memory_space<hbm>>) dst(%dma_wait3A_284 : memref<64xf32, #tpu.memory_space<vmem>>)
          %dma_wait3A_288 = arith.constant 0 : i32
          %dma_wait3A_289 = arith.constant 3 : i32
          %dma_wait3A_290 = arith.constant 0 : i32
          %dma_wait3A_291 = arith.constant 0 : i32
          %dma_wait3A_292 = tpu.memref_slice %arg6[%dma_wait3A_289, %dma_wait3A_290, %dma_wait3A_291] : memref<4x160x128xf32, #tpu.memory_space<vmem>> -> memref<1x1x64xf32, #tpu.memory_space<vmem>>
          %dma_wait3A_293 = tpu.memref_squeeze %dma_wait3A_292 : memref<1x1x64xf32, #tpu.memory_space<vmem>> -> memref<64xf32, #tpu.memory_space<vmem>>
          %dma_wait3A_294 = arith.constant 0 : i32
          %dma_wait3A_295 = tpu.memref_slice %arg3[%dma_wait3A_288, %dma_wait3A_294] : memref<1000000x64xf32, #tpu.memory_space<hbm>> -> memref<1x64xf32, #tpu.memory_space<hbm>>
          %dma_wait3A_296 = tpu.memref_squeeze %dma_wait3A_295 : memref<1x64xf32, #tpu.memory_space<hbm>> -> memref<64xf32, #tpu.memory_space<hbm>>
          %dma_wait3A_297 = arith.constant 0 : i32
          %dma_wait3A_298 = tpu.memref_slice %arg6[%dma_wait3A_289, %dma_wait3A_290, %dma_wait3A_297] : memref<4x160x128xf32, #tpu.memory_space<vmem>> -> memref<1x1x64xf32, #tpu.memory_space<vmem>>
          %dma_wait3A_299 = tpu.memref_squeeze %dma_wait3A_298 : memref<1x1x64xf32, #tpu.memory_space<vmem>> -> memref<64xf32, #tpu.memory_space<vmem>>
          %dma_wait3A_300 = arith.constant 0 : i32
          %dma_wait3A_301 = tpu.memref_slice %arg3[%dma_wait3A_288, %dma_wait3A_300] : memref<1000000x64xf32, #tpu.memory_space<hbm>> -> memref<1x64xf32, #tpu.memory_space<hbm>>
          %dma_wait3A_302 = tpu.memref_squeeze %dma_wait3A_301 : memref<1x64xf32, #tpu.memory_space<hbm>> -> memref<64xf32, #tpu.memory_space<hbm>>
          tpu.wait_dma2 semaphore(%arg10 : memref<!tpu.dma_semaphore, #tpu.memory_space<semaphore_mem>>) src(%dma_wait3A_302 : memref<64xf32, #tpu.memory_space<hbm>>) dst(%dma_wait3A_299 : memref<64xf32, #tpu.memory_space<vmem>>)
          %dma_wait3A_303 = arith.constant 0 : i32
          %dma_wait3A_304 = arith.constant 3 : i32
          %dma_wait3A_305 = arith.constant 0 : i32
          %dma_wait3A_306 = arith.constant 0 : i32
          %dma_wait3A_307 = tpu.memref_slice %arg6[%dma_wait3A_304, %dma_wait3A_305, %dma_wait3A_306] : memref<4x160x128xf32, #tpu.memory_space<vmem>> -> memref<1x1x64xf32, #tpu.memory_space<vmem>>
          %dma_wait3A_308 = tpu.memref_squeeze %dma_wait3A_307 : memref<1x1x64xf32, #tpu.memory_space<vmem>> -> memref<64xf32, #tpu.memory_space<vmem>>
          %dma_wait3A_309 = arith.constant 0 : i32
          %dma_wait3A_310 = tpu.memref_slice %arg3[%dma_wait3A_303, %dma_wait3A_309] : memref<1000000x64xf32, #tpu.memory_space<hbm>> -> memref<1x64xf32, #tpu.memory_space<hbm>>
          %dma_wait3A_311 = tpu.memref_squeeze %dma_wait3A_310 : memref<1x64xf32, #tpu.memory_space<hbm>> -> memref<64xf32, #tpu.memory_space<hbm>>
          %dma_wait3A_312 = arith.constant 0 : i32
          %dma_wait3A_313 = tpu.memref_slice %arg6[%dma_wait3A_304, %dma_wait3A_305, %dma_wait3A_312] : memref<4x160x128xf32, #tpu.memory_space<vmem>> -> memref<1x1x64xf32, #tpu.memory_space<vmem>>
          %dma_wait3A_314 = tpu.memref_squeeze %dma_wait3A_313 : memref<1x1x64xf32, #tpu.memory_space<vmem>> -> memref<64xf32, #tpu.memory_space<vmem>>
          %dma_wait3A_315 = arith.constant 0 : i32
          %dma_wait3A_316 = tpu.memref_slice %arg3[%dma_wait3A_303, %dma_wait3A_315] : memref<1000000x64xf32, #tpu.memory_space<hbm>> -> memref<1x64xf32, #tpu.memory_space<hbm>>
          %dma_wait3A_317 = tpu.memref_squeeze %dma_wait3A_316 : memref<1x64xf32, #tpu.memory_space<hbm>> -> memref<64xf32, #tpu.memory_space<hbm>>
          tpu.wait_dma2 semaphore(%arg10 : memref<!tpu.dma_semaphore, #tpu.memory_space<semaphore_mem>>) src(%dma_wait3A_317 : memref<64xf32, #tpu.memory_space<hbm>>) dst(%dma_wait3A_314 : memref<64xf32, #tpu.memory_space<vmem>>)
          %dma_wait3A_318 = arith.constant 0 : i32
          %dma_wait3A_319 = arith.constant 3 : i32
          %dma_wait3A_320 = arith.constant 0 : i32
          %dma_wait3A_321 = arith.constant 0 : i32
          %dma_wait3A_322 = tpu.memref_slice %arg6[%dma_wait3A_319, %dma_wait3A_320, %dma_wait3A_321] : memref<4x160x128xf32, #tpu.memory_space<vmem>> -> memref<1x1x64xf32, #tpu.memory_space<vmem>>
          %dma_wait3A_323 = tpu.memref_squeeze %dma_wait3A_322 : memref<1x1x64xf32, #tpu.memory_space<vmem>> -> memref<64xf32, #tpu.memory_space<vmem>>
          %dma_wait3A_324 = arith.constant 0 : i32
          %dma_wait3A_325 = tpu.memref_slice %arg3[%dma_wait3A_318, %dma_wait3A_324] : memref<1000000x64xf32, #tpu.memory_space<hbm>> -> memref<1x64xf32, #tpu.memory_space<hbm>>
          %dma_wait3A_326 = tpu.memref_squeeze %dma_wait3A_325 : memref<1x64xf32, #tpu.memory_space<hbm>> -> memref<64xf32, #tpu.memory_space<hbm>>
          %dma_wait3A_327 = arith.constant 0 : i32
          %dma_wait3A_328 = tpu.memref_slice %arg6[%dma_wait3A_319, %dma_wait3A_320, %dma_wait3A_327] : memref<4x160x128xf32, #tpu.memory_space<vmem>> -> memref<1x1x64xf32, #tpu.memory_space<vmem>>
          %dma_wait3A_329 = tpu.memref_squeeze %dma_wait3A_328 : memref<1x1x64xf32, #tpu.memory_space<vmem>> -> memref<64xf32, #tpu.memory_space<vmem>>
          %dma_wait3A_330 = arith.constant 0 : i32
          %dma_wait3A_331 = tpu.memref_slice %arg3[%dma_wait3A_318, %dma_wait3A_330] : memref<1000000x64xf32, #tpu.memory_space<hbm>> -> memref<1x64xf32, #tpu.memory_space<hbm>>
          %dma_wait3A_332 = tpu.memref_squeeze %dma_wait3A_331 : memref<1x64xf32, #tpu.memory_space<hbm>> -> memref<64xf32, #tpu.memory_space<hbm>>
          tpu.wait_dma2 semaphore(%arg10 : memref<!tpu.dma_semaphore, #tpu.memory_space<semaphore_mem>>) src(%dma_wait3A_332 : memref<64xf32, #tpu.memory_space<hbm>>) dst(%dma_wait3A_329 : memref<64xf32, #tpu.memory_space<vmem>>)
          %dma_wait3A_333 = arith.constant 0 : i32
          %dma_wait3A_334 = arith.constant 3 : i32
          %dma_wait3A_335 = arith.constant 0 : i32
          %dma_wait3A_336 = arith.constant 0 : i32
          %dma_wait3A_337 = tpu.memref_slice %arg6[%dma_wait3A_334, %dma_wait3A_335, %dma_wait3A_336] : memref<4x160x128xf32, #tpu.memory_space<vmem>> -> memref<1x1x64xf32, #tpu.memory_space<vmem>>
          %dma_wait3A_338 = tpu.memref_squeeze %dma_wait3A_337 : memref<1x1x64xf32, #tpu.memory_space<vmem>> -> memref<64xf32, #tpu.memory_space<vmem>>
          %dma_wait3A_339 = arith.constant 0 : i32
          %dma_wait3A_340 = tpu.memref_slice %arg3[%dma_wait3A_333, %dma_wait3A_339] : memref<1000000x64xf32, #tpu.memory_space<hbm>> -> memref<1x64xf32, #tpu.memory_space<hbm>>
          %dma_wait3A_341 = tpu.memref_squeeze %dma_wait3A_340 : memref<1x64xf32, #tpu.memory_space<hbm>> -> memref<64xf32, #tpu.memory_space<hbm>>
          %dma_wait3A_342 = arith.constant 0 : i32
          %dma_wait3A_343 = tpu.memref_slice %arg6[%dma_wait3A_334, %dma_wait3A_335, %dma_wait3A_342] : memref<4x160x128xf32, #tpu.memory_space<vmem>> -> memref<1x1x64xf32, #tpu.memory_space<vmem>>
          %dma_wait3A_344 = tpu.memref_squeeze %dma_wait3A_343 : memref<1x1x64xf32, #tpu.memory_space<vmem>> -> memref<64xf32, #tpu.memory_space<vmem>>
          %dma_wait3A_345 = arith.constant 0 : i32
          %dma_wait3A_346 = tpu.memref_slice %arg3[%dma_wait3A_333, %dma_wait3A_345] : memref<1000000x64xf32, #tpu.memory_space<hbm>> -> memref<1x64xf32, #tpu.memory_space<hbm>>
          %dma_wait3A_347 = tpu.memref_squeeze %dma_wait3A_346 : memref<1x64xf32, #tpu.memory_space<hbm>> -> memref<64xf32, #tpu.memory_space<hbm>>
          tpu.wait_dma2 semaphore(%arg10 : memref<!tpu.dma_semaphore, #tpu.memory_space<semaphore_mem>>) src(%dma_wait3A_347 : memref<64xf32, #tpu.memory_space<hbm>>) dst(%dma_wait3A_344 : memref<64xf32, #tpu.memory_space<vmem>>)
          %dma_wait3A_348 = arith.constant 0 : i32
          %dma_wait3A_349 = arith.constant 3 : i32
          %dma_wait3A_350 = arith.constant 0 : i32
          %dma_wait3A_351 = arith.constant 0 : i32
          %dma_wait3A_352 = tpu.memref_slice %arg6[%dma_wait3A_349, %dma_wait3A_350, %dma_wait3A_351] : memref<4x160x128xf32, #tpu.memory_space<vmem>> -> memref<1x1x64xf32, #tpu.memory_space<vmem>>
          %dma_wait3A_353 = tpu.memref_squeeze %dma_wait3A_352 : memref<1x1x64xf32, #tpu.memory_space<vmem>> -> memref<64xf32, #tpu.memory_space<vmem>>
          %dma_wait3A_354 = arith.constant 0 : i32
          %dma_wait3A_355 = tpu.memref_slice %arg3[%dma_wait3A_348, %dma_wait3A_354] : memref<1000000x64xf32, #tpu.memory_space<hbm>> -> memref<1x64xf32, #tpu.memory_space<hbm>>
          %dma_wait3A_356 = tpu.memref_squeeze %dma_wait3A_355 : memref<1x64xf32, #tpu.memory_space<hbm>> -> memref<64xf32, #tpu.memory_space<hbm>>
          %dma_wait3A_357 = arith.constant 0 : i32
          %dma_wait3A_358 = tpu.memref_slice %arg6[%dma_wait3A_349, %dma_wait3A_350, %dma_wait3A_357] : memref<4x160x128xf32, #tpu.memory_space<vmem>> -> memref<1x1x64xf32, #tpu.memory_space<vmem>>
          %dma_wait3A_359 = tpu.memref_squeeze %dma_wait3A_358 : memref<1x1x64xf32, #tpu.memory_space<vmem>> -> memref<64xf32, #tpu.memory_space<vmem>>
          %dma_wait3A_360 = arith.constant 0 : i32
          %dma_wait3A_361 = tpu.memref_slice %arg3[%dma_wait3A_348, %dma_wait3A_360] : memref<1000000x64xf32, #tpu.memory_space<hbm>> -> memref<1x64xf32, #tpu.memory_space<hbm>>
          %dma_wait3A_362 = tpu.memref_squeeze %dma_wait3A_361 : memref<1x64xf32, #tpu.memory_space<hbm>> -> memref<64xf32, #tpu.memory_space<hbm>>
          tpu.wait_dma2 semaphore(%arg10 : memref<!tpu.dma_semaphore, #tpu.memory_space<semaphore_mem>>) src(%dma_wait3A_362 : memref<64xf32, #tpu.memory_space<hbm>>) dst(%dma_wait3A_359 : memref<64xf32, #tpu.memory_space<vmem>>)
          %dma_wait3A_363 = arith.constant 0 : i32
          %dma_wait3A_364 = arith.constant 3 : i32
          %dma_wait3A_365 = arith.constant 0 : i32
          %dma_wait3A_366 = arith.constant 0 : i32
          %dma_wait3A_367 = tpu.memref_slice %arg6[%dma_wait3A_364, %dma_wait3A_365, %dma_wait3A_366] : memref<4x160x128xf32, #tpu.memory_space<vmem>> -> memref<1x1x64xf32, #tpu.memory_space<vmem>>
          %dma_wait3A_368 = tpu.memref_squeeze %dma_wait3A_367 : memref<1x1x64xf32, #tpu.memory_space<vmem>> -> memref<64xf32, #tpu.memory_space<vmem>>
          %dma_wait3A_369 = arith.constant 0 : i32
          %dma_wait3A_370 = tpu.memref_slice %arg3[%dma_wait3A_363, %dma_wait3A_369] : memref<1000000x64xf32, #tpu.memory_space<hbm>> -> memref<1x64xf32, #tpu.memory_space<hbm>>
          %dma_wait3A_371 = tpu.memref_squeeze %dma_wait3A_370 : memref<1x64xf32, #tpu.memory_space<hbm>> -> memref<64xf32, #tpu.memory_space<hbm>>
          %dma_wait3A_372 = arith.constant 0 : i32
          %dma_wait3A_373 = tpu.memref_slice %arg6[%dma_wait3A_364, %dma_wait3A_365, %dma_wait3A_372] : memref<4x160x128xf32, #tpu.memory_space<vmem>> -> memref<1x1x64xf32, #tpu.memory_space<vmem>>
          %dma_wait3A_374 = tpu.memref_squeeze %dma_wait3A_373 : memref<1x1x64xf32, #tpu.memory_space<vmem>> -> memref<64xf32, #tpu.memory_space<vmem>>
          %dma_wait3A_375 = arith.constant 0 : i32
          %dma_wait3A_376 = tpu.memref_slice %arg3[%dma_wait3A_363, %dma_wait3A_375] : memref<1000000x64xf32, #tpu.memory_space<hbm>> -> memref<1x64xf32, #tpu.memory_space<hbm>>
          %dma_wait3A_377 = tpu.memref_squeeze %dma_wait3A_376 : memref<1x64xf32, #tpu.memory_space<hbm>> -> memref<64xf32, #tpu.memory_space<hbm>>
          tpu.wait_dma2 semaphore(%arg10 : memref<!tpu.dma_semaphore, #tpu.memory_space<semaphore_mem>>) src(%dma_wait3A_377 : memref<64xf32, #tpu.memory_space<hbm>>) dst(%dma_wait3A_374 : memref<64xf32, #tpu.memory_space<vmem>>)
          %dma_wait3A_378 = arith.constant 0 : i32
          %dma_wait3A_379 = arith.constant 3 : i32
          %dma_wait3A_380 = arith.constant 0 : i32
          %dma_wait3A_381 = arith.constant 0 : i32
          %dma_wait3A_382 = tpu.memref_slice %arg6[%dma_wait3A_379, %dma_wait3A_380, %dma_wait3A_381] : memref<4x160x128xf32, #tpu.memory_space<vmem>> -> memref<1x1x64xf32, #tpu.memory_space<vmem>>
          %dma_wait3A_383 = tpu.memref_squeeze %dma_wait3A_382 : memref<1x1x64xf32, #tpu.memory_space<vmem>> -> memref<64xf32, #tpu.memory_space<vmem>>
          %dma_wait3A_384 = arith.constant 0 : i32
          %dma_wait3A_385 = tpu.memref_slice %arg3[%dma_wait3A_378, %dma_wait3A_384] : memref<1000000x64xf32, #tpu.memory_space<hbm>> -> memref<1x64xf32, #tpu.memory_space<hbm>>
          %dma_wait3A_386 = tpu.memref_squeeze %dma_wait3A_385 : memref<1x64xf32, #tpu.memory_space<hbm>> -> memref<64xf32, #tpu.memory_space<hbm>>
          %dma_wait3A_387 = arith.constant 0 : i32
          %dma_wait3A_388 = tpu.memref_slice %arg6[%dma_wait3A_379, %dma_wait3A_380, %dma_wait3A_387] : memref<4x160x128xf32, #tpu.memory_space<vmem>> -> memref<1x1x64xf32, #tpu.memory_space<vmem>>
          %dma_wait3A_389 = tpu.memref_squeeze %dma_wait3A_388 : memref<1x1x64xf32, #tpu.memory_space<vmem>> -> memref<64xf32, #tpu.memory_space<vmem>>
          %dma_wait3A_390 = arith.constant 0 : i32
          %dma_wait3A_391 = tpu.memref_slice %arg3[%dma_wait3A_378, %dma_wait3A_390] : memref<1000000x64xf32, #tpu.memory_space<hbm>> -> memref<1x64xf32, #tpu.memory_space<hbm>>
          %dma_wait3A_392 = tpu.memref_squeeze %dma_wait3A_391 : memref<1x64xf32, #tpu.memory_space<hbm>> -> memref<64xf32, #tpu.memory_space<hbm>>
          tpu.wait_dma2 semaphore(%arg10 : memref<!tpu.dma_semaphore, #tpu.memory_space<semaphore_mem>>) src(%dma_wait3A_392 : memref<64xf32, #tpu.memory_space<hbm>>) dst(%dma_wait3A_389 : memref<64xf32, #tpu.memory_space<vmem>>)
          %dma_wait3A_393 = arith.constant 0 : i32
          %dma_wait3A_394 = arith.constant 3 : i32
          %dma_wait3A_395 = arith.constant 0 : i32
          %dma_wait3A_396 = arith.constant 0 : i32
          %dma_wait3A_397 = tpu.memref_slice %arg6[%dma_wait3A_394, %dma_wait3A_395, %dma_wait3A_396] : memref<4x160x128xf32, #tpu.memory_space<vmem>> -> memref<1x1x64xf32, #tpu.memory_space<vmem>>
          %dma_wait3A_398 = tpu.memref_squeeze %dma_wait3A_397 : memref<1x1x64xf32, #tpu.memory_space<vmem>> -> memref<64xf32, #tpu.memory_space<vmem>>
          %dma_wait3A_399 = arith.constant 0 : i32
          %dma_wait3A_400 = tpu.memref_slice %arg3[%dma_wait3A_393, %dma_wait3A_399] : memref<1000000x64xf32, #tpu.memory_space<hbm>> -> memref<1x64xf32, #tpu.memory_space<hbm>>
          %dma_wait3A_401 = tpu.memref_squeeze %dma_wait3A_400 : memref<1x64xf32, #tpu.memory_space<hbm>> -> memref<64xf32, #tpu.memory_space<hbm>>
          %dma_wait3A_402 = arith.constant 0 : i32
          %dma_wait3A_403 = tpu.memref_slice %arg6[%dma_wait3A_394, %dma_wait3A_395, %dma_wait3A_402] : memref<4x160x128xf32, #tpu.memory_space<vmem>> -> memref<1x1x64xf32, #tpu.memory_space<vmem>>
          %dma_wait3A_404 = tpu.memref_squeeze %dma_wait3A_403 : memref<1x1x64xf32, #tpu.memory_space<vmem>> -> memref<64xf32, #tpu.memory_space<vmem>>
          %dma_wait3A_405 = arith.constant 0 : i32
          %dma_wait3A_406 = tpu.memref_slice %arg3[%dma_wait3A_393, %dma_wait3A_405] : memref<1000000x64xf32, #tpu.memory_space<hbm>> -> memref<1x64xf32, #tpu.memory_space<hbm>>
          %dma_wait3A_407 = tpu.memref_squeeze %dma_wait3A_406 : memref<1x64xf32, #tpu.memory_space<hbm>> -> memref<64xf32, #tpu.memory_space<hbm>>
          tpu.wait_dma2 semaphore(%arg10 : memref<!tpu.dma_semaphore, #tpu.memory_space<semaphore_mem>>) src(%dma_wait3A_407 : memref<64xf32, #tpu.memory_space<hbm>>) dst(%dma_wait3A_404 : memref<64xf32, #tpu.memory_space<vmem>>)
          %dma_wait3A_408 = arith.constant 0 : i32
          %dma_wait3A_409 = arith.constant 3 : i32
          %dma_wait3A_410 = arith.constant 0 : i32
          %dma_wait3A_411 = arith.constant 0 : i32
          %dma_wait3A_412 = tpu.memref_slice %arg6[%dma_wait3A_409, %dma_wait3A_410, %dma_wait3A_411] : memref<4x160x128xf32, #tpu.memory_space<vmem>> -> memref<1x1x64xf32, #tpu.memory_space<vmem>>
          %dma_wait3A_413 = tpu.memref_squeeze %dma_wait3A_412 : memref<1x1x64xf32, #tpu.memory_space<vmem>> -> memref<64xf32, #tpu.memory_space<vmem>>
          %dma_wait3A_414 = arith.constant 0 : i32
          %dma_wait3A_415 = tpu.memref_slice %arg3[%dma_wait3A_408, %dma_wait3A_414] : memref<1000000x64xf32, #tpu.memory_space<hbm>> -> memref<1x64xf32, #tpu.memory_space<hbm>>
          %dma_wait3A_416 = tpu.memref_squeeze %dma_wait3A_415 : memref<1x64xf32, #tpu.memory_space<hbm>> -> memref<64xf32, #tpu.memory_space<hbm>>
          %dma_wait3A_417 = arith.constant 0 : i32
          %dma_wait3A_418 = tpu.memref_slice %arg6[%dma_wait3A_409, %dma_wait3A_410, %dma_wait3A_417] : memref<4x160x128xf32, #tpu.memory_space<vmem>> -> memref<1x1x64xf32, #tpu.memory_space<vmem>>
          %dma_wait3A_419 = tpu.memref_squeeze %dma_wait3A_418 : memref<1x1x64xf32, #tpu.memory_space<vmem>> -> memref<64xf32, #tpu.memory_space<vmem>>
          %dma_wait3A_420 = arith.constant 0 : i32
          %dma_wait3A_421 = tpu.memref_slice %arg3[%dma_wait3A_408, %dma_wait3A_420] : memref<1000000x64xf32, #tpu.memory_space<hbm>> -> memref<1x64xf32, #tpu.memory_space<hbm>>
          %dma_wait3A_422 = tpu.memref_squeeze %dma_wait3A_421 : memref<1x64xf32, #tpu.memory_space<hbm>> -> memref<64xf32, #tpu.memory_space<hbm>>
          tpu.wait_dma2 semaphore(%arg10 : memref<!tpu.dma_semaphore, #tpu.memory_space<semaphore_mem>>) src(%dma_wait3A_422 : memref<64xf32, #tpu.memory_space<hbm>>) dst(%dma_wait3A_419 : memref<64xf32, #tpu.memory_space<vmem>>)
          %dma_wait3A_423 = arith.constant 0 : i32
          %dma_wait3A_424 = arith.constant 3 : i32
          %dma_wait3A_425 = arith.constant 0 : i32
          %dma_wait3A_426 = arith.constant 0 : i32
          %dma_wait3A_427 = tpu.memref_slice %arg6[%dma_wait3A_424, %dma_wait3A_425, %dma_wait3A_426] : memref<4x160x128xf32, #tpu.memory_space<vmem>> -> memref<1x1x64xf32, #tpu.memory_space<vmem>>
          %dma_wait3A_428 = tpu.memref_squeeze %dma_wait3A_427 : memref<1x1x64xf32, #tpu.memory_space<vmem>> -> memref<64xf32, #tpu.memory_space<vmem>>
          %dma_wait3A_429 = arith.constant 0 : i32
          %dma_wait3A_430 = tpu.memref_slice %arg3[%dma_wait3A_423, %dma_wait3A_429] : memref<1000000x64xf32, #tpu.memory_space<hbm>> -> memref<1x64xf32, #tpu.memory_space<hbm>>
          %dma_wait3A_431 = tpu.memref_squeeze %dma_wait3A_430 : memref<1x64xf32, #tpu.memory_space<hbm>> -> memref<64xf32, #tpu.memory_space<hbm>>
          %dma_wait3A_432 = arith.constant 0 : i32
          %dma_wait3A_433 = tpu.memref_slice %arg6[%dma_wait3A_424, %dma_wait3A_425, %dma_wait3A_432] : memref<4x160x128xf32, #tpu.memory_space<vmem>> -> memref<1x1x64xf32, #tpu.memory_space<vmem>>
          %dma_wait3A_434 = tpu.memref_squeeze %dma_wait3A_433 : memref<1x1x64xf32, #tpu.memory_space<vmem>> -> memref<64xf32, #tpu.memory_space<vmem>>
          %dma_wait3A_435 = arith.constant 0 : i32
          %dma_wait3A_436 = tpu.memref_slice %arg3[%dma_wait3A_423, %dma_wait3A_435] : memref<1000000x64xf32, #tpu.memory_space<hbm>> -> memref<1x64xf32, #tpu.memory_space<hbm>>
          %dma_wait3A_437 = tpu.memref_squeeze %dma_wait3A_436 : memref<1x64xf32, #tpu.memory_space<hbm>> -> memref<64xf32, #tpu.memory_space<hbm>>
          tpu.wait_dma2 semaphore(%arg10 : memref<!tpu.dma_semaphore, #tpu.memory_space<semaphore_mem>>) src(%dma_wait3A_437 : memref<64xf32, #tpu.memory_space<hbm>>) dst(%dma_wait3A_434 : memref<64xf32, #tpu.memory_space<vmem>>)
        }
        %scan3A_173 = arith.constant 10 : i32
        %mul3A_174 = arith.constant 512 : i32
        %mul3A_175 = arith.muli %add3A, %mul3A_174 : i32
        %mul3A_176 = arith.constant 8 : i32
        %mul3A_177 = arith.muli %sub3A_116, %mul3A_176 : i32
        %add3A_178 = arith.addi %mul3A_175, %mul3A_177 : i32
        %dma_start3A = arith.constant 3 : i32
        %dma_start3A_179 = tpu.memref_reshape %arg6 : memref<4x160x128xf32, #tpu.memory_space<vmem>> -> memref<4x8x20x128xf32, #tpu.memory_space<vmem>>
        %dma_start3A_180 = arith.constant 0 : i32
        %dma_start3A_181 = arith.constant 0 : i32
        %dma_start3A_182 = arith.constant 0 : i32
        %dma_start3A_183 = tpu.memref_slice %dma_start3A_179[%dma_start3A, %dma_start3A_180, %dma_start3A_181, %dma_start3A_182] : memref<4x8x20x128xf32, #tpu.memory_space<vmem>> -> memref<1x8x20x128xf32, #tpu.memory_space<vmem>>
        %dma_start3A_184 = tpu.memref_squeeze %dma_start3A_183 : memref<1x8x20x128xf32, #tpu.memory_space<vmem>> -> memref<8x20x128xf32, #tpu.memory_space<vmem>>
        %dma_start3A_185 = arith.constant 0 : i32
        %dma_start3A_186 = arith.constant 0 : i32
        %dma_start3A_187 = tpu.memref_slice %arg4[%add3A_178, %dma_start3A_185, %dma_start3A_186] : memref<16384x20x128xf32, #tpu.memory_space<hbm>> -> memref<8x20x128xf32, #tpu.memory_space<hbm>>
        %dma_start3A_188 = arith.constant 0 : i32
        %dma_start3A_189 = arith.constant 0 : i32
        %dma_start3A_190 = tpu.memref_slice %arg4[%add3A_178, %dma_start3A_188, %dma_start3A_189] : memref<16384x20x128xf32, #tpu.memory_space<hbm>> -> memref<8x20x128xf32, #tpu.memory_space<hbm>>
        %dma_start3A_191 = tpu.memref_reshape %arg6 : memref<4x160x128xf32, #tpu.memory_space<vmem>> -> memref<4x8x20x128xf32, #tpu.memory_space<vmem>>
        %dma_start3A_192 = arith.constant 0 : i32
        %dma_start3A_193 = arith.constant 0 : i32
        %dma_start3A_194 = arith.constant 0 : i32
        %dma_start3A_195 = tpu.memref_slice %dma_start3A_191[%dma_start3A, %dma_start3A_192, %dma_start3A_193, %dma_start3A_194] : memref<4x8x20x128xf32, #tpu.memory_space<vmem>> -> memref<1x8x20x128xf32, #tpu.memory_space<vmem>>
        %dma_start3A_196 = tpu.memref_squeeze %dma_start3A_195 : memref<1x8x20x128xf32, #tpu.memory_space<vmem>> -> memref<8x20x128xf32, #tpu.memory_space<vmem>>
        tpu.enqueue_dma source(%dma_start3A_196 : memref<8x20x128xf32, #tpu.memory_space<vmem>>) target(%dma_start3A_190 : memref<8x20x128xf32, #tpu.memory_space<hbm>>) target_semaphore(%arg14 : memref<!tpu.dma_semaphore, #tpu.memory_space<semaphore_mem>>)
      } else {
      }
      %mul3A_130 = arith.constant 4 : i32
      %mul3A_131 = arith.muli %scan3A_97, %mul3A_130 : i32
      %add3A_132 = arith.constant 2 : i32
      %add3A_133 = arith.addi %mul3A_131, %add3A_132 : i32
      %sub3A_134 = arith.constant 2 : i32
      %sub3A_135 = arith.subi %add3A_133, %sub3A_134 : i32
      %lt3A_136 = arith.constant 64 : i32
      %lt3A_137 = arith.cmpi slt, %add3A_133, %lt3A_136 : i32
      %convert_element_type3A_138 = arith.extui %lt3A_137 : i1 to i32
      %cond3A_139 = arith.constant 0 : i32
      %cond3A_140 = arith.cmpi ne, %convert_element_type3A_138, %cond3A_139 : i32
      scf.if %cond3A_140 {
        %ge3A_168 = arith.constant 4 : i32
        %ge3A_169 = arith.cmpi sge, %add3A_133, %ge3A_168 : i32
        %convert_element_type3A_170 = arith.extui %ge3A_169 : i1 to i32
        %cond3A_171 = arith.constant 0 : i32
        %cond3A_172 = arith.cmpi ne, %convert_element_type3A_170, %cond3A_171 : i32
        scf.if %cond3A_172 {
          %sub3A_179 = arith.constant 4 : i32
          %sub3A_180 = arith.subi %add3A_133, %sub3A_179 : i32
          %mul3A_181 = arith.constant 512 : i32
          %mul3A_182 = arith.muli %add3A, %mul3A_181 : i32
          %mul3A_183 = arith.constant 8 : i32
          %mul3A_184 = arith.muli %sub3A_180, %mul3A_183 : i32
          %add3A_185 = arith.addi %mul3A_182, %mul3A_184 : i32
          %dma_wait3A_186 = arith.constant 2 : i32
          %dma_wait3A_187 = tpu.memref_reshape %arg6 : memref<4x160x128xf32, #tpu.memory_space<vmem>> -> memref<4x8x20x128xf32, #tpu.memory_space<vmem>>
          %dma_wait3A_188 = arith.constant 0 : i32
          %dma_wait3A_189 = arith.constant 0 : i32
          %dma_wait3A_190 = arith.constant 0 : i32
          %dma_wait3A_191 = tpu.memref_slice %dma_wait3A_187[%dma_wait3A_186, %dma_wait3A_188, %dma_wait3A_189, %dma_wait3A_190] : memref<4x8x20x128xf32, #tpu.memory_space<vmem>> -> memref<1x8x20x128xf32, #tpu.memory_space<vmem>>
          %dma_wait3A_192 = tpu.memref_squeeze %dma_wait3A_191 : memref<1x8x20x128xf32, #tpu.memory_space<vmem>> -> memref<8x20x128xf32, #tpu.memory_space<vmem>>
          %dma_wait3A_193 = arith.constant 0 : i32
          %dma_wait3A_194 = arith.constant 0 : i32
          %dma_wait3A_195 = tpu.memref_slice %arg4[%add3A_185, %dma_wait3A_193, %dma_wait3A_194] : memref<16384x20x128xf32, #tpu.memory_space<hbm>> -> memref<8x20x128xf32, #tpu.memory_space<hbm>>
          %dma_wait3A_196 = arith.constant 0 : i32
          %dma_wait3A_197 = arith.constant 0 : i32
          %dma_wait3A_198 = tpu.memref_slice %arg4[%add3A_185, %dma_wait3A_196, %dma_wait3A_197] : memref<16384x20x128xf32, #tpu.memory_space<hbm>> -> memref<8x20x128xf32, #tpu.memory_space<hbm>>
          %dma_wait3A_199 = tpu.memref_reshape %arg6 : memref<4x160x128xf32, #tpu.memory_space<vmem>> -> memref<4x8x20x128xf32, #tpu.memory_space<vmem>>
          %dma_wait3A_200 = arith.constant 0 : i32
          %dma_wait3A_201 = arith.constant 0 : i32
          %dma_wait3A_202 = arith.constant 0 : i32
          %dma_wait3A_203 = tpu.memref_slice %dma_wait3A_199[%dma_wait3A_186, %dma_wait3A_200, %dma_wait3A_201, %dma_wait3A_202] : memref<4x8x20x128xf32, #tpu.memory_space<vmem>> -> memref<1x8x20x128xf32, #tpu.memory_space<vmem>>
          %dma_wait3A_204 = tpu.memref_squeeze %dma_wait3A_203 : memref<1x8x20x128xf32, #tpu.memory_space<vmem>> -> memref<8x20x128xf32, #tpu.memory_space<vmem>>
          tpu.wait_dma2 semaphore(%arg13 : memref<!tpu.dma_semaphore, #tpu.memory_space<semaphore_mem>>) src(%dma_wait3A_204 : memref<8x20x128xf32, #tpu.memory_space<vmem>>) dst(%dma_wait3A_198 : memref<8x20x128xf32, #tpu.memory_space<hbm>>)
        } else {
        }
        %scan3A_173 = arith.constant 0 : i32
        %scan3A_174 = arith.constant 0 : i32
        %scan3A_175 = arith.constant 10 : i32
        %scan3A_176 = arith.addi %scan3A_174, %scan3A_175 : i32
        %scan3A_177 = arith.constant 1 : i32
        scf.for %scan3A_179 = %scan3A_174 to %scan3A_176 step %scan3A_177  : i32 {
          %mul3A_180 = arith.constant 160 : i32
          %mul3A_181 = arith.muli %add3A_133, %mul3A_180 : i32
          %mul3A_182 = arith.constant 16 : i32
          %mul3A_183 = arith.muli %scan3A_179, %mul3A_182 : i32
          %add3A_184 = arith.addi %mul3A_181, %mul3A_183 : i32
          %get3A = arith.index_cast %add3A_184 : i32 to index
          %get3A_185 = tpu.vector_load %arg5[%get3A] {strides = array<i32>} : memref<10240xi32, #tpu.memory_space<vmem>>, vector<16xi32>,
          %get3A_186 = vector.shape_cast %get3A_185 : vector<16xi32> to vector<16xi32>
          %slice3A = vector.extract_strided_slice %get3A_186 {offsets = [0], sizes = [1], strides = [1]} : vector<16xi32> to vector<1xi32>
          %squeeze3A = vector.extract %slice3A[0] : i32 from vector<1xi32>
          %mul3A_187 = arith.constant 16 : i32
          %mul3A_188 = arith.muli %scan3A_179, %mul3A_187 : i32
          %add3A_189 = arith.constant 0 : i32
          %add3A_190 = arith.addi %mul3A_188, %add3A_189 : i32
          %dma_start3A = arith.constant 2 : i32
          %dma_start3A_191 = arith.constant 0 : i32
          %dma_start3A_192 = tpu.memref_slice %arg6[%dma_start3A, %add3A_190, %dma_start3A_191] : memref<4x160x128xf32, #tpu.memory_space<vmem>> -> memref<1x1x64xf32, #tpu.memory_space<vmem>>
          %dma_start3A_193 = tpu.memref_squeeze %dma_start3A_192 : memref<1x1x64xf32, #tpu.memory_space<vmem>> -> memref<64xf32, #tpu.memory_space<vmem>>
          %dma_start3A_194 = arith.constant 0 : i32
          %dma_start3A_195 = tpu.memref_slice %arg3[%squeeze3A, %dma_start3A_194] : memref<1000000x64xf32, #tpu.memory_space<hbm>> -> memref<1x64xf32, #tpu.memory_space<hbm>>
          %dma_start3A_196 = tpu.memref_squeeze %dma_start3A_195 : memref<1x64xf32, #tpu.memory_space<hbm>> -> memref<64xf32, #tpu.memory_space<hbm>>
          %dma_start3A_197 = arith.constant 0 : i32
          %dma_start3A_198 = tpu.memref_slice %arg6[%dma_start3A, %add3A_190, %dma_start3A_197] : memref<4x160x128xf32, #tpu.memory_space<vmem>> -> memref<1x1x64xf32, #tpu.memory_space<vmem>>
          %dma_start3A_199 = tpu.memref_squeeze %dma_start3A_198 : memref<1x1x64xf32, #tpu.memory_space<vmem>> -> memref<64xf32, #tpu.memory_space<vmem>>
          %dma_start3A_200 = arith.constant 0 : i32
          %dma_start3A_201 = tpu.memref_slice %arg3[%squeeze3A, %dma_start3A_200] : memref<1000000x64xf32, #tpu.memory_space<hbm>> -> memref<1x64xf32, #tpu.memory_space<hbm>>
          %dma_start3A_202 = tpu.memref_squeeze %dma_start3A_201 : memref<1x64xf32, #tpu.memory_space<hbm>> -> memref<64xf32, #tpu.memory_space<hbm>>
          tpu.enqueue_dma source(%dma_start3A_202 : memref<64xf32, #tpu.memory_space<hbm>>) target(%dma_start3A_199 : memref<64xf32, #tpu.memory_space<vmem>>) target_semaphore(%arg9 : memref<!tpu.dma_semaphore, #tpu.memory_space<semaphore_mem>>)
          %slice3A_203 = vector.extract_strided_slice %get3A_186 {offsets = [1], sizes = [1], strides = [1]} : vector<16xi32> to vector<1xi32>
          %squeeze3A_204 = vector.extract %slice3A_203[0] : i32 from vector<1xi32>
          %mul3A_205 = arith.constant 16 : i32
          %mul3A_206 = arith.muli %scan3A_179, %mul3A_205 : i32
          %add3A_207 = arith.constant 1 : i32
          %add3A_208 = arith.addi %mul3A_206, %add3A_207 : i32
          %dma_start3A_209 = arith.constant 2 : i32
          %dma_start3A_210 = arith.constant 0 : i32
          %dma_start3A_211 = tpu.memref_slice %arg6[%dma_start3A_209, %add3A_208, %dma_start3A_210] : memref<4x160x128xf32, #tpu.memory_space<vmem>> -> memref<1x1x64xf32, #tpu.memory_space<vmem>>
          %dma_start3A_212 = tpu.memref_squeeze %dma_start3A_211 : memref<1x1x64xf32, #tpu.memory_space<vmem>> -> memref<64xf32, #tpu.memory_space<vmem>>
          %dma_start3A_213 = arith.constant 0 : i32
          %dma_start3A_214 = tpu.memref_slice %arg3[%squeeze3A_204, %dma_start3A_213] : memref<1000000x64xf32, #tpu.memory_space<hbm>> -> memref<1x64xf32, #tpu.memory_space<hbm>>
          %dma_start3A_215 = tpu.memref_squeeze %dma_start3A_214 : memref<1x64xf32, #tpu.memory_space<hbm>> -> memref<64xf32, #tpu.memory_space<hbm>>
          %dma_start3A_216 = arith.constant 0 : i32
          %dma_start3A_217 = tpu.memref_slice %arg6[%dma_start3A_209, %add3A_208, %dma_start3A_216] : memref<4x160x128xf32, #tpu.memory_space<vmem>> -> memref<1x1x64xf32, #tpu.memory_space<vmem>>
          %dma_start3A_218 = tpu.memref_squeeze %dma_start3A_217 : memref<1x1x64xf32, #tpu.memory_space<vmem>> -> memref<64xf32, #tpu.memory_space<vmem>>
          %dma_start3A_219 = arith.constant 0 : i32
          %dma_start3A_220 = tpu.memref_slice %arg3[%squeeze3A_204, %dma_start3A_219] : memref<1000000x64xf32, #tpu.memory_space<hbm>> -> memref<1x64xf32, #tpu.memory_space<hbm>>
          %dma_start3A_221 = tpu.memref_squeeze %dma_start3A_220 : memref<1x64xf32, #tpu.memory_space<hbm>> -> memref<64xf32, #tpu.memory_space<hbm>>
          tpu.enqueue_dma source(%dma_start3A_221 : memref<64xf32, #tpu.memory_space<hbm>>) target(%dma_start3A_218 : memref<64xf32, #tpu.memory_space<vmem>>) target_semaphore(%arg9 : memref<!tpu.dma_semaphore, #tpu.memory_space<semaphore_mem>>)
          %slice3A_222 = vector.extract_strided_slice %get3A_186 {offsets = [2], sizes = [1], strides = [1]} : vector<16xi32> to vector<1xi32>
          %squeeze3A_223 = vector.extract %slice3A_222[0] : i32 from vector<1xi32>
          %mul3A_224 = arith.constant 16 : i32
          %mul3A_225 = arith.muli %scan3A_179, %mul3A_224 : i32
          %add3A_226 = arith.constant 2 : i32
          %add3A_227 = arith.addi %mul3A_225, %add3A_226 : i32
          %dma_start3A_228 = arith.constant 2 : i32
          %dma_start3A_229 = arith.constant 0 : i32
          %dma_start3A_230 = tpu.memref_slice %arg6[%dma_start3A_228, %add3A_227, %dma_start3A_229] : memref<4x160x128xf32, #tpu.memory_space<vmem>> -> memref<1x1x64xf32, #tpu.memory_space<vmem>>
          %dma_start3A_231 = tpu.memref_squeeze %dma_start3A_230 : memref<1x1x64xf32, #tpu.memory_space<vmem>> -> memref<64xf32, #tpu.memory_space<vmem>>
          %dma_start3A_232 = arith.constant 0 : i32
          %dma_start3A_233 = tpu.memref_slice %arg3[%squeeze3A_223, %dma_start3A_232] : memref<1000000x64xf32, #tpu.memory_space<hbm>> -> memref<1x64xf32, #tpu.memory_space<hbm>>
          %dma_start3A_234 = tpu.memref_squeeze %dma_start3A_233 : memref<1x64xf32, #tpu.memory_space<hbm>> -> memref<64xf32, #tpu.memory_space<hbm>>
          %dma_start3A_235 = arith.constant 0 : i32
          %dma_start3A_236 = tpu.memref_slice %arg6[%dma_start3A_228, %add3A_227, %dma_start3A_235] : memref<4x160x128xf32, #tpu.memory_space<vmem>> -> memref<1x1x64xf32, #tpu.memory_space<vmem>>
          %dma_start3A_237 = tpu.memref_squeeze %dma_start3A_236 : memref<1x1x64xf32, #tpu.memory_space<vmem>> -> memref<64xf32, #tpu.memory_space<vmem>>
          %dma_start3A_238 = arith.constant 0 : i32
          %dma_start3A_239 = tpu.memref_slice %arg3[%squeeze3A_223, %dma_start3A_238] : memref<1000000x64xf32, #tpu.memory_space<hbm>> -> memref<1x64xf32, #tpu.memory_space<hbm>>
          %dma_start3A_240 = tpu.memref_squeeze %dma_start3A_239 : memref<1x64xf32, #tpu.memory_space<hbm>> -> memref<64xf32, #tpu.memory_space<hbm>>
          tpu.enqueue_dma source(%dma_start3A_240 : memref<64xf32, #tpu.memory_space<hbm>>) target(%dma_start3A_237 : memref<64xf32, #tpu.memory_space<vmem>>) target_semaphore(%arg9 : memref<!tpu.dma_semaphore, #tpu.memory_space<semaphore_mem>>)
          %slice3A_241 = vector.extract_strided_slice %get3A_186 {offsets = [3], sizes = [1], strides = [1]} : vector<16xi32> to vector<1xi32>
          %squeeze3A_242 = vector.extract %slice3A_241[0] : i32 from vector<1xi32>
          %mul3A_243 = arith.constant 16 : i32
          %mul3A_244 = arith.muli %scan3A_179, %mul3A_243 : i32
          %add3A_245 = arith.constant 3 : i32
          %add3A_246 = arith.addi %mul3A_244, %add3A_245 : i32
          %dma_start3A_247 = arith.constant 2 : i32
          %dma_start3A_248 = arith.constant 0 : i32
          %dma_start3A_249 = tpu.memref_slice %arg6[%dma_start3A_247, %add3A_246, %dma_start3A_248] : memref<4x160x128xf32, #tpu.memory_space<vmem>> -> memref<1x1x64xf32, #tpu.memory_space<vmem>>
          %dma_start3A_250 = tpu.memref_squeeze %dma_start3A_249 : memref<1x1x64xf32, #tpu.memory_space<vmem>> -> memref<64xf32, #tpu.memory_space<vmem>>
          %dma_start3A_251 = arith.constant 0 : i32
          %dma_start3A_252 = tpu.memref_slice %arg3[%squeeze3A_242, %dma_start3A_251] : memref<1000000x64xf32, #tpu.memory_space<hbm>> -> memref<1x64xf32, #tpu.memory_space<hbm>>
          %dma_start3A_253 = tpu.memref_squeeze %dma_start3A_252 : memref<1x64xf32, #tpu.memory_space<hbm>> -> memref<64xf32, #tpu.memory_space<hbm>>
          %dma_start3A_254 = arith.constant 0 : i32
          %dma_start3A_255 = tpu.memref_slice %arg6[%dma_start3A_247, %add3A_246, %dma_start3A_254] : memref<4x160x128xf32, #tpu.memory_space<vmem>> -> memref<1x1x64xf32, #tpu.memory_space<vmem>>
          %dma_start3A_256 = tpu.memref_squeeze %dma_start3A_255 : memref<1x1x64xf32, #tpu.memory_space<vmem>> -> memref<64xf32, #tpu.memory_space<vmem>>
          %dma_start3A_257 = arith.constant 0 : i32
          %dma_start3A_258 = tpu.memref_slice %arg3[%squeeze3A_242, %dma_start3A_257] : memref<1000000x64xf32, #tpu.memory_space<hbm>> -> memref<1x64xf32, #tpu.memory_space<hbm>>
          %dma_start3A_259 = tpu.memref_squeeze %dma_start3A_258 : memref<1x64xf32, #tpu.memory_space<hbm>> -> memref<64xf32, #tpu.memory_space<hbm>>
          tpu.enqueue_dma source(%dma_start3A_259 : memref<64xf32, #tpu.memory_space<hbm>>) target(%dma_start3A_256 : memref<64xf32, #tpu.memory_space<vmem>>) target_semaphore(%arg9 : memref<!tpu.dma_semaphore, #tpu.memory_space<semaphore_mem>>)
          %slice3A_260 = vector.extract_strided_slice %get3A_186 {offsets = [4], sizes = [1], strides = [1]} : vector<16xi32> to vector<1xi32>
          %squeeze3A_261 = vector.extract %slice3A_260[0] : i32 from vector<1xi32>
          %mul3A_262 = arith.constant 16 : i32
          %mul3A_263 = arith.muli %scan3A_179, %mul3A_262 : i32
          %add3A_264 = arith.constant 4 : i32
          %add3A_265 = arith.addi %mul3A_263, %add3A_264 : i32
          %dma_start3A_266 = arith.constant 2 : i32
          %dma_start3A_267 = arith.constant 0 : i32
          %dma_start3A_268 = tpu.memref_slice %arg6[%dma_start3A_266, %add3A_265, %dma_start3A_267] : memref<4x160x128xf32, #tpu.memory_space<vmem>> -> memref<1x1x64xf32, #tpu.memory_space<vmem>>
          %dma_start3A_269 = tpu.memref_squeeze %dma_start3A_268 : memref<1x1x64xf32, #tpu.memory_space<vmem>> -> memref<64xf32, #tpu.memory_space<vmem>>
          %dma_start3A_270 = arith.constant 0 : i32
          %dma_start3A_271 = tpu.memref_slice %arg3[%squeeze3A_261, %dma_start3A_270] : memref<1000000x64xf32, #tpu.memory_space<hbm>> -> memref<1x64xf32, #tpu.memory_space<hbm>>
          %dma_start3A_272 = tpu.memref_squeeze %dma_start3A_271 : memref<1x64xf32, #tpu.memory_space<hbm>> -> memref<64xf32, #tpu.memory_space<hbm>>
          %dma_start3A_273 = arith.constant 0 : i32
          %dma_start3A_274 = tpu.memref_slice %arg6[%dma_start3A_266, %add3A_265, %dma_start3A_273] : memref<4x160x128xf32, #tpu.memory_space<vmem>> -> memref<1x1x64xf32, #tpu.memory_space<vmem>>
          %dma_start3A_275 = tpu.memref_squeeze %dma_start3A_274 : memref<1x1x64xf32, #tpu.memory_space<vmem>> -> memref<64xf32, #tpu.memory_space<vmem>>
          %dma_start3A_276 = arith.constant 0 : i32
          %dma_start3A_277 = tpu.memref_slice %arg3[%squeeze3A_261, %dma_start3A_276] : memref<1000000x64xf32, #tpu.memory_space<hbm>> -> memref<1x64xf32, #tpu.memory_space<hbm>>
          %dma_start3A_278 = tpu.memref_squeeze %dma_start3A_277 : memref<1x64xf32, #tpu.memory_space<hbm>> -> memref<64xf32, #tpu.memory_space<hbm>>
          tpu.enqueue_dma source(%dma_start3A_278 : memref<64xf32, #tpu.memory_space<hbm>>) target(%dma_start3A_275 : memref<64xf32, #tpu.memory_space<vmem>>) target_semaphore(%arg9 : memref<!tpu.dma_semaphore, #tpu.memory_space<semaphore_mem>>)
          %slice3A_279 = vector.extract_strided_slice %get3A_186 {offsets = [5], sizes = [1], strides = [1]} : vector<16xi32> to vector<1xi32>
          %squeeze3A_280 = vector.extract %slice3A_279[0] : i32 from vector<1xi32>
          %mul3A_281 = arith.constant 16 : i32
          %mul3A_282 = arith.muli %scan3A_179, %mul3A_281 : i32
          %add3A_283 = arith.constant 5 : i32
          %add3A_284 = arith.addi %mul3A_282, %add3A_283 : i32
          %dma_start3A_285 = arith.constant 2 : i32
          %dma_start3A_286 = arith.constant 0 : i32
          %dma_start3A_287 = tpu.memref_slice %arg6[%dma_start3A_285, %add3A_284, %dma_start3A_286] : memref<4x160x128xf32, #tpu.memory_space<vmem>> -> memref<1x1x64xf32, #tpu.memory_space<vmem>>
          %dma_start3A_288 = tpu.memref_squeeze %dma_start3A_287 : memref<1x1x64xf32, #tpu.memory_space<vmem>> -> memref<64xf32, #tpu.memory_space<vmem>>
          %dma_start3A_289 = arith.constant 0 : i32
          %dma_start3A_290 = tpu.memref_slice %arg3[%squeeze3A_280, %dma_start3A_289] : memref<1000000x64xf32, #tpu.memory_space<hbm>> -> memref<1x64xf32, #tpu.memory_space<hbm>>
          %dma_start3A_291 = tpu.memref_squeeze %dma_start3A_290 : memref<1x64xf32, #tpu.memory_space<hbm>> -> memref<64xf32, #tpu.memory_space<hbm>>
          %dma_start3A_292 = arith.constant 0 : i32
          %dma_start3A_293 = tpu.memref_slice %arg6[%dma_start3A_285, %add3A_284, %dma_start3A_292] : memref<4x160x128xf32, #tpu.memory_space<vmem>> -> memref<1x1x64xf32, #tpu.memory_space<vmem>>
          %dma_start3A_294 = tpu.memref_squeeze %dma_start3A_293 : memref<1x1x64xf32, #tpu.memory_space<vmem>> -> memref<64xf32, #tpu.memory_space<vmem>>
          %dma_start3A_295 = arith.constant 0 : i32
          %dma_start3A_296 = tpu.memref_slice %arg3[%squeeze3A_280, %dma_start3A_295] : memref<1000000x64xf32, #tpu.memory_space<hbm>> -> memref<1x64xf32, #tpu.memory_space<hbm>>
          %dma_start3A_297 = tpu.memref_squeeze %dma_start3A_296 : memref<1x64xf32, #tpu.memory_space<hbm>> -> memref<64xf32, #tpu.memory_space<hbm>>
          tpu.enqueue_dma source(%dma_start3A_297 : memref<64xf32, #tpu.memory_space<hbm>>) target(%dma_start3A_294 : memref<64xf32, #tpu.memory_space<vmem>>) target_semaphore(%arg9 : memref<!tpu.dma_semaphore, #tpu.memory_space<semaphore_mem>>)
          %slice3A_298 = vector.extract_strided_slice %get3A_186 {offsets = [6], sizes = [1], strides = [1]} : vector<16xi32> to vector<1xi32>
          %squeeze3A_299 = vector.extract %slice3A_298[0] : i32 from vector<1xi32>
          %mul3A_300 = arith.constant 16 : i32
          %mul3A_301 = arith.muli %scan3A_179, %mul3A_300 : i32
          %add3A_302 = arith.constant 6 : i32
          %add3A_303 = arith.addi %mul3A_301, %add3A_302 : i32
          %dma_start3A_304 = arith.constant 2 : i32
          %dma_start3A_305 = arith.constant 0 : i32
          %dma_start3A_306 = tpu.memref_slice %arg6[%dma_start3A_304, %add3A_303, %dma_start3A_305] : memref<4x160x128xf32, #tpu.memory_space<vmem>> -> memref<1x1x64xf32, #tpu.memory_space<vmem>>
          %dma_start3A_307 = tpu.memref_squeeze %dma_start3A_306 : memref<1x1x64xf32, #tpu.memory_space<vmem>> -> memref<64xf32, #tpu.memory_space<vmem>>
          %dma_start3A_308 = arith.constant 0 : i32
          %dma_start3A_309 = tpu.memref_slice %arg3[%squeeze3A_299, %dma_start3A_308] : memref<1000000x64xf32, #tpu.memory_space<hbm>> -> memref<1x64xf32, #tpu.memory_space<hbm>>
          %dma_start3A_310 = tpu.memref_squeeze %dma_start3A_309 : memref<1x64xf32, #tpu.memory_space<hbm>> -> memref<64xf32, #tpu.memory_space<hbm>>
          %dma_start3A_311 = arith.constant 0 : i32
          %dma_start3A_312 = tpu.memref_slice %arg6[%dma_start3A_304, %add3A_303, %dma_start3A_311] : memref<4x160x128xf32, #tpu.memory_space<vmem>> -> memref<1x1x64xf32, #tpu.memory_space<vmem>>
          %dma_start3A_313 = tpu.memref_squeeze %dma_start3A_312 : memref<1x1x64xf32, #tpu.memory_space<vmem>> -> memref<64xf32, #tpu.memory_space<vmem>>
          %dma_start3A_314 = arith.constant 0 : i32
          %dma_start3A_315 = tpu.memref_slice %arg3[%squeeze3A_299, %dma_start3A_314] : memref<1000000x64xf32, #tpu.memory_space<hbm>> -> memref<1x64xf32, #tpu.memory_space<hbm>>
          %dma_start3A_316 = tpu.memref_squeeze %dma_start3A_315 : memref<1x64xf32, #tpu.memory_space<hbm>> -> memref<64xf32, #tpu.memory_space<hbm>>
          tpu.enqueue_dma source(%dma_start3A_316 : memref<64xf32, #tpu.memory_space<hbm>>) target(%dma_start3A_313 : memref<64xf32, #tpu.memory_space<vmem>>) target_semaphore(%arg9 : memref<!tpu.dma_semaphore, #tpu.memory_space<semaphore_mem>>)
          %slice3A_317 = vector.extract_strided_slice %get3A_186 {offsets = [7], sizes = [1], strides = [1]} : vector<16xi32> to vector<1xi32>
          %squeeze3A_318 = vector.extract %slice3A_317[0] : i32 from vector<1xi32>
          %mul3A_319 = arith.constant 16 : i32
          %mul3A_320 = arith.muli %scan3A_179, %mul3A_319 : i32
          %add3A_321 = arith.constant 7 : i32
          %add3A_322 = arith.addi %mul3A_320, %add3A_321 : i32
          %dma_start3A_323 = arith.constant 2 : i32
          %dma_start3A_324 = arith.constant 0 : i32
          %dma_start3A_325 = tpu.memref_slice %arg6[%dma_start3A_323, %add3A_322, %dma_start3A_324] : memref<4x160x128xf32, #tpu.memory_space<vmem>> -> memref<1x1x64xf32, #tpu.memory_space<vmem>>
          %dma_start3A_326 = tpu.memref_squeeze %dma_start3A_325 : memref<1x1x64xf32, #tpu.memory_space<vmem>> -> memref<64xf32, #tpu.memory_space<vmem>>
          %dma_start3A_327 = arith.constant 0 : i32
          %dma_start3A_328 = tpu.memref_slice %arg3[%squeeze3A_318, %dma_start3A_327] : memref<1000000x64xf32, #tpu.memory_space<hbm>> -> memref<1x64xf32, #tpu.memory_space<hbm>>
          %dma_start3A_329 = tpu.memref_squeeze %dma_start3A_328 : memref<1x64xf32, #tpu.memory_space<hbm>> -> memref<64xf32, #tpu.memory_space<hbm>>
          %dma_start3A_330 = arith.constant 0 : i32
          %dma_start3A_331 = tpu.memref_slice %arg6[%dma_start3A_323, %add3A_322, %dma_start3A_330] : memref<4x160x128xf32, #tpu.memory_space<vmem>> -> memref<1x1x64xf32, #tpu.memory_space<vmem>>
          %dma_start3A_332 = tpu.memref_squeeze %dma_start3A_331 : memref<1x1x64xf32, #tpu.memory_space<vmem>> -> memref<64xf32, #tpu.memory_space<vmem>>
          %dma_start3A_333 = arith.constant 0 : i32
          %dma_start3A_334 = tpu.memref_slice %arg3[%squeeze3A_318, %dma_start3A_333] : memref<1000000x64xf32, #tpu.memory_space<hbm>> -> memref<1x64xf32, #tpu.memory_space<hbm>>
          %dma_start3A_335 = tpu.memref_squeeze %dma_start3A_334 : memref<1x64xf32, #tpu.memory_space<hbm>> -> memref<64xf32, #tpu.memory_space<hbm>>
          tpu.enqueue_dma source(%dma_start3A_335 : memref<64xf32, #tpu.memory_space<hbm>>) target(%dma_start3A_332 : memref<64xf32, #tpu.memory_space<vmem>>) target_semaphore(%arg9 : memref<!tpu.dma_semaphore, #tpu.memory_space<semaphore_mem>>)
          %slice3A_336 = vector.extract_strided_slice %get3A_186 {offsets = [8], sizes = [1], strides = [1]} : vector<16xi32> to vector<1xi32>
          %squeeze3A_337 = vector.extract %slice3A_336[0] : i32 from vector<1xi32>
          %mul3A_338 = arith.constant 16 : i32
          %mul3A_339 = arith.muli %scan3A_179, %mul3A_338 : i32
          %add3A_340 = arith.constant 8 : i32
          %add3A_341 = arith.addi %mul3A_339, %add3A_340 : i32
          %dma_start3A_342 = arith.constant 2 : i32
          %dma_start3A_343 = arith.constant 0 : i32
          %dma_start3A_344 = tpu.memref_slice %arg6[%dma_start3A_342, %add3A_341, %dma_start3A_343] : memref<4x160x128xf32, #tpu.memory_space<vmem>> -> memref<1x1x64xf32, #tpu.memory_space<vmem>>
          %dma_start3A_345 = tpu.memref_squeeze %dma_start3A_344 : memref<1x1x64xf32, #tpu.memory_space<vmem>> -> memref<64xf32, #tpu.memory_space<vmem>>
          %dma_start3A_346 = arith.constant 0 : i32
          %dma_start3A_347 = tpu.memref_slice %arg3[%squeeze3A_337, %dma_start3A_346] : memref<1000000x64xf32, #tpu.memory_space<hbm>> -> memref<1x64xf32, #tpu.memory_space<hbm>>
          %dma_start3A_348 = tpu.memref_squeeze %dma_start3A_347 : memref<1x64xf32, #tpu.memory_space<hbm>> -> memref<64xf32, #tpu.memory_space<hbm>>
          %dma_start3A_349 = arith.constant 0 : i32
          %dma_start3A_350 = tpu.memref_slice %arg6[%dma_start3A_342, %add3A_341, %dma_start3A_349] : memref<4x160x128xf32, #tpu.memory_space<vmem>> -> memref<1x1x64xf32, #tpu.memory_space<vmem>>
          %dma_start3A_351 = tpu.memref_squeeze %dma_start3A_350 : memref<1x1x64xf32, #tpu.memory_space<vmem>> -> memref<64xf32, #tpu.memory_space<vmem>>
          %dma_start3A_352 = arith.constant 0 : i32
          %dma_start3A_353 = tpu.memref_slice %arg3[%squeeze3A_337, %dma_start3A_352] : memref<1000000x64xf32, #tpu.memory_space<hbm>> -> memref<1x64xf32, #tpu.memory_space<hbm>>
          %dma_start3A_354 = tpu.memref_squeeze %dma_start3A_353 : memref<1x64xf32, #tpu.memory_space<hbm>> -> memref<64xf32, #tpu.memory_space<hbm>>
          tpu.enqueue_dma source(%dma_start3A_354 : memref<64xf32, #tpu.memory_space<hbm>>) target(%dma_start3A_351 : memref<64xf32, #tpu.memory_space<vmem>>) target_semaphore(%arg9 : memref<!tpu.dma_semaphore, #tpu.memory_space<semaphore_mem>>)
          %slice3A_355 = vector.extract_strided_slice %get3A_186 {offsets = [9], sizes = [1], strides = [1]} : vector<16xi32> to vector<1xi32>
          %squeeze3A_356 = vector.extract %slice3A_355[0] : i32 from vector<1xi32>
          %mul3A_357 = arith.constant 16 : i32
          %mul3A_358 = arith.muli %scan3A_179, %mul3A_357 : i32
          %add3A_359 = arith.constant 9 : i32
          %add3A_360 = arith.addi %mul3A_358, %add3A_359 : i32
          %dma_start3A_361 = arith.constant 2 : i32
          %dma_start3A_362 = arith.constant 0 : i32
          %dma_start3A_363 = tpu.memref_slice %arg6[%dma_start3A_361, %add3A_360, %dma_start3A_362] : memref<4x160x128xf32, #tpu.memory_space<vmem>> -> memref<1x1x64xf32, #tpu.memory_space<vmem>>
          %dma_start3A_364 = tpu.memref_squeeze %dma_start3A_363 : memref<1x1x64xf32, #tpu.memory_space<vmem>> -> memref<64xf32, #tpu.memory_space<vmem>>
          %dma_start3A_365 = arith.constant 0 : i32
          %dma_start3A_366 = tpu.memref_slice %arg3[%squeeze3A_356, %dma_start3A_365] : memref<1000000x64xf32, #tpu.memory_space<hbm>> -> memref<1x64xf32, #tpu.memory_space<hbm>>
          %dma_start3A_367 = tpu.memref_squeeze %dma_start3A_366 : memref<1x64xf32, #tpu.memory_space<hbm>> -> memref<64xf32, #tpu.memory_space<hbm>>
          %dma_start3A_368 = arith.constant 0 : i32
          %dma_start3A_369 = tpu.memref_slice %arg6[%dma_start3A_361, %add3A_360, %dma_start3A_368] : memref<4x160x128xf32, #tpu.memory_space<vmem>> -> memref<1x1x64xf32, #tpu.memory_space<vmem>>
          %dma_start3A_370 = tpu.memref_squeeze %dma_start3A_369 : memref<1x1x64xf32, #tpu.memory_space<vmem>> -> memref<64xf32, #tpu.memory_space<vmem>>
          %dma_start3A_371 = arith.constant 0 : i32
          %dma_start3A_372 = tpu.memref_slice %arg3[%squeeze3A_356, %dma_start3A_371] : memref<1000000x64xf32, #tpu.memory_space<hbm>> -> memref<1x64xf32, #tpu.memory_space<hbm>>
          %dma_start3A_373 = tpu.memref_squeeze %dma_start3A_372 : memref<1x64xf32, #tpu.memory_space<hbm>> -> memref<64xf32, #tpu.memory_space<hbm>>
          tpu.enqueue_dma source(%dma_start3A_373 : memref<64xf32, #tpu.memory_space<hbm>>) target(%dma_start3A_370 : memref<64xf32, #tpu.memory_space<vmem>>) target_semaphore(%arg9 : memref<!tpu.dma_semaphore, #tpu.memory_space<semaphore_mem>>)
          %slice3A_374 = vector.extract_strided_slice %get3A_186 {offsets = [10], sizes = [1], strides = [1]} : vector<16xi32> to vector<1xi32>
          %squeeze3A_375 = vector.extract %slice3A_374[0] : i32 from vector<1xi32>
          %mul3A_376 = arith.constant 16 : i32
          %mul3A_377 = arith.muli %scan3A_179, %mul3A_376 : i32
          %add3A_378 = arith.constant 10 : i32
          %add3A_379 = arith.addi %mul3A_377, %add3A_378 : i32
          %dma_start3A_380 = arith.constant 2 : i32
          %dma_start3A_381 = arith.constant 0 : i32
          %dma_start3A_382 = tpu.memref_slice %arg6[%dma_start3A_380, %add3A_379, %dma_start3A_381] : memref<4x160x128xf32, #tpu.memory_space<vmem>> -> memref<1x1x64xf32, #tpu.memory_space<vmem>>
          %dma_start3A_383 = tpu.memref_squeeze %dma_start3A_382 : memref<1x1x64xf32, #tpu.memory_space<vmem>> -> memref<64xf32, #tpu.memory_space<vmem>>
          %dma_start3A_384 = arith.constant 0 : i32
          %dma_start3A_385 = tpu.memref_slice %arg3[%squeeze3A_375, %dma_start3A_384] : memref<1000000x64xf32, #tpu.memory_space<hbm>> -> memref<1x64xf32, #tpu.memory_space<hbm>>
          %dma_start3A_386 = tpu.memref_squeeze %dma_start3A_385 : memref<1x64xf32, #tpu.memory_space<hbm>> -> memref<64xf32, #tpu.memory_space<hbm>>
          %dma_start3A_387 = arith.constant 0 : i32
          %dma_start3A_388 = tpu.memref_slice %arg6[%dma_start3A_380, %add3A_379, %dma_start3A_387] : memref<4x160x128xf32, #tpu.memory_space<vmem>> -> memref<1x1x64xf32, #tpu.memory_space<vmem>>
          %dma_start3A_389 = tpu.memref_squeeze %dma_start3A_388 : memref<1x1x64xf32, #tpu.memory_space<vmem>> -> memref<64xf32, #tpu.memory_space<vmem>>
          %dma_start3A_390 = arith.constant 0 : i32
          %dma_start3A_391 = tpu.memref_slice %arg3[%squeeze3A_375, %dma_start3A_390] : memref<1000000x64xf32, #tpu.memory_space<hbm>> -> memref<1x64xf32, #tpu.memory_space<hbm>>
          %dma_start3A_392 = tpu.memref_squeeze %dma_start3A_391 : memref<1x64xf32, #tpu.memory_space<hbm>> -> memref<64xf32, #tpu.memory_space<hbm>>
          tpu.enqueue_dma source(%dma_start3A_392 : memref<64xf32, #tpu.memory_space<hbm>>) target(%dma_start3A_389 : memref<64xf32, #tpu.memory_space<vmem>>) target_semaphore(%arg9 : memref<!tpu.dma_semaphore, #tpu.memory_space<semaphore_mem>>)
          %slice3A_393 = vector.extract_strided_slice %get3A_186 {offsets = [11], sizes = [1], strides = [1]} : vector<16xi32> to vector<1xi32>
          %squeeze3A_394 = vector.extract %slice3A_393[0] : i32 from vector<1xi32>
          %mul3A_395 = arith.constant 16 : i32
          %mul3A_396 = arith.muli %scan3A_179, %mul3A_395 : i32
          %add3A_397 = arith.constant 11 : i32
          %add3A_398 = arith.addi %mul3A_396, %add3A_397 : i32
          %dma_start3A_399 = arith.constant 2 : i32
          %dma_start3A_400 = arith.constant 0 : i32
          %dma_start3A_401 = tpu.memref_slice %arg6[%dma_start3A_399, %add3A_398, %dma_start3A_400] : memref<4x160x128xf32, #tpu.memory_space<vmem>> -> memref<1x1x64xf32, #tpu.memory_space<vmem>>
          %dma_start3A_402 = tpu.memref_squeeze %dma_start3A_401 : memref<1x1x64xf32, #tpu.memory_space<vmem>> -> memref<64xf32, #tpu.memory_space<vmem>>
          %dma_start3A_403 = arith.constant 0 : i32
          %dma_start3A_404 = tpu.memref_slice %arg3[%squeeze3A_394, %dma_start3A_403] : memref<1000000x64xf32, #tpu.memory_space<hbm>> -> memref<1x64xf32, #tpu.memory_space<hbm>>
          %dma_start3A_405 = tpu.memref_squeeze %dma_start3A_404 : memref<1x64xf32, #tpu.memory_space<hbm>> -> memref<64xf32, #tpu.memory_space<hbm>>
          %dma_start3A_406 = arith.constant 0 : i32
          %dma_start3A_407 = tpu.memref_slice %arg6[%dma_start3A_399, %add3A_398, %dma_start3A_406] : memref<4x160x128xf32, #tpu.memory_space<vmem>> -> memref<1x1x64xf32, #tpu.memory_space<vmem>>
          %dma_start3A_408 = tpu.memref_squeeze %dma_start3A_407 : memref<1x1x64xf32, #tpu.memory_space<vmem>> -> memref<64xf32, #tpu.memory_space<vmem>>
          %dma_start3A_409 = arith.constant 0 : i32
          %dma_start3A_410 = tpu.memref_slice %arg3[%squeeze3A_394, %dma_start3A_409] : memref<1000000x64xf32, #tpu.memory_space<hbm>> -> memref<1x64xf32, #tpu.memory_space<hbm>>
          %dma_start3A_411 = tpu.memref_squeeze %dma_start3A_410 : memref<1x64xf32, #tpu.memory_space<hbm>> -> memref<64xf32, #tpu.memory_space<hbm>>
          tpu.enqueue_dma source(%dma_start3A_411 : memref<64xf32, #tpu.memory_space<hbm>>) target(%dma_start3A_408 : memref<64xf32, #tpu.memory_space<vmem>>) target_semaphore(%arg9 : memref<!tpu.dma_semaphore, #tpu.memory_space<semaphore_mem>>)
          %slice3A_412 = vector.extract_strided_slice %get3A_186 {offsets = [12], sizes = [1], strides = [1]} : vector<16xi32> to vector<1xi32>
          %squeeze3A_413 = vector.extract %slice3A_412[0] : i32 from vector<1xi32>
          %mul3A_414 = arith.constant 16 : i32
          %mul3A_415 = arith.muli %scan3A_179, %mul3A_414 : i32
          %add3A_416 = arith.constant 12 : i32
          %add3A_417 = arith.addi %mul3A_415, %add3A_416 : i32
          %dma_start3A_418 = arith.constant 2 : i32
          %dma_start3A_419 = arith.constant 0 : i32
          %dma_start3A_420 = tpu.memref_slice %arg6[%dma_start3A_418, %add3A_417, %dma_start3A_419] : memref<4x160x128xf32, #tpu.memory_space<vmem>> -> memref<1x1x64xf32, #tpu.memory_space<vmem>>
          %dma_start3A_421 = tpu.memref_squeeze %dma_start3A_420 : memref<1x1x64xf32, #tpu.memory_space<vmem>> -> memref<64xf32, #tpu.memory_space<vmem>>
          %dma_start3A_422 = arith.constant 0 : i32
          %dma_start3A_423 = tpu.memref_slice %arg3[%squeeze3A_413, %dma_start3A_422] : memref<1000000x64xf32, #tpu.memory_space<hbm>> -> memref<1x64xf32, #tpu.memory_space<hbm>>
          %dma_start3A_424 = tpu.memref_squeeze %dma_start3A_423 : memref<1x64xf32, #tpu.memory_space<hbm>> -> memref<64xf32, #tpu.memory_space<hbm>>
          %dma_start3A_425 = arith.constant 0 : i32
          %dma_start3A_426 = tpu.memref_slice %arg6[%dma_start3A_418, %add3A_417, %dma_start3A_425] : memref<4x160x128xf32, #tpu.memory_space<vmem>> -> memref<1x1x64xf32, #tpu.memory_space<vmem>>
          %dma_start3A_427 = tpu.memref_squeeze %dma_start3A_426 : memref<1x1x64xf32, #tpu.memory_space<vmem>> -> memref<64xf32, #tpu.memory_space<vmem>>
          %dma_start3A_428 = arith.constant 0 : i32
          %dma_start3A_429 = tpu.memref_slice %arg3[%squeeze3A_413, %dma_start3A_428] : memref<1000000x64xf32, #tpu.memory_space<hbm>> -> memref<1x64xf32, #tpu.memory_space<hbm>>
          %dma_start3A_430 = tpu.memref_squeeze %dma_start3A_429 : memref<1x64xf32, #tpu.memory_space<hbm>> -> memref<64xf32, #tpu.memory_space<hbm>>
          tpu.enqueue_dma source(%dma_start3A_430 : memref<64xf32, #tpu.memory_space<hbm>>) target(%dma_start3A_427 : memref<64xf32, #tpu.memory_space<vmem>>) target_semaphore(%arg9 : memref<!tpu.dma_semaphore, #tpu.memory_space<semaphore_mem>>)
          %slice3A_431 = vector.extract_strided_slice %get3A_186 {offsets = [13], sizes = [1], strides = [1]} : vector<16xi32> to vector<1xi32>
          %squeeze3A_432 = vector.extract %slice3A_431[0] : i32 from vector<1xi32>
          %mul3A_433 = arith.constant 16 : i32
          %mul3A_434 = arith.muli %scan3A_179, %mul3A_433 : i32
          %add3A_435 = arith.constant 13 : i32
          %add3A_436 = arith.addi %mul3A_434, %add3A_435 : i32
          %dma_start3A_437 = arith.constant 2 : i32
          %dma_start3A_438 = arith.constant 0 : i32
          %dma_start3A_439 = tpu.memref_slice %arg6[%dma_start3A_437, %add3A_436, %dma_start3A_438] : memref<4x160x128xf32, #tpu.memory_space<vmem>> -> memref<1x1x64xf32, #tpu.memory_space<vmem>>
          %dma_start3A_440 = tpu.memref_squeeze %dma_start3A_439 : memref<1x1x64xf32, #tpu.memory_space<vmem>> -> memref<64xf32, #tpu.memory_space<vmem>>
          %dma_start3A_441 = arith.constant 0 : i32
          %dma_start3A_442 = tpu.memref_slice %arg3[%squeeze3A_432, %dma_start3A_441] : memref<1000000x64xf32, #tpu.memory_space<hbm>> -> memref<1x64xf32, #tpu.memory_space<hbm>>
          %dma_start3A_443 = tpu.memref_squeeze %dma_start3A_442 : memref<1x64xf32, #tpu.memory_space<hbm>> -> memref<64xf32, #tpu.memory_space<hbm>>
          %dma_start3A_444 = arith.constant 0 : i32
          %dma_start3A_445 = tpu.memref_slice %arg6[%dma_start3A_437, %add3A_436, %dma_start3A_444] : memref<4x160x128xf32, #tpu.memory_space<vmem>> -> memref<1x1x64xf32, #tpu.memory_space<vmem>>
          %dma_start3A_446 = tpu.memref_squeeze %dma_start3A_445 : memref<1x1x64xf32, #tpu.memory_space<vmem>> -> memref<64xf32, #tpu.memory_space<vmem>>
          %dma_start3A_447 = arith.constant 0 : i32
          %dma_start3A_448 = tpu.memref_slice %arg3[%squeeze3A_432, %dma_start3A_447] : memref<1000000x64xf32, #tpu.memory_space<hbm>> -> memref<1x64xf32, #tpu.memory_space<hbm>>
          %dma_start3A_449 = tpu.memref_squeeze %dma_start3A_448 : memref<1x64xf32, #tpu.memory_space<hbm>> -> memref<64xf32, #tpu.memory_space<hbm>>
          tpu.enqueue_dma source(%dma_start3A_449 : memref<64xf32, #tpu.memory_space<hbm>>) target(%dma_start3A_446 : memref<64xf32, #tpu.memory_space<vmem>>) target_semaphore(%arg9 : memref<!tpu.dma_semaphore, #tpu.memory_space<semaphore_mem>>)
          %slice3A_450 = vector.extract_strided_slice %get3A_186 {offsets = [14], sizes = [1], strides = [1]} : vector<16xi32> to vector<1xi32>
          %squeeze3A_451 = vector.extract %slice3A_450[0] : i32 from vector<1xi32>
          %mul3A_452 = arith.constant 16 : i32
          %mul3A_453 = arith.muli %scan3A_179, %mul3A_452 : i32
          %add3A_454 = arith.constant 14 : i32
          %add3A_455 = arith.addi %mul3A_453, %add3A_454 : i32
          %dma_start3A_456 = arith.constant 2 : i32
          %dma_start3A_457 = arith.constant 0 : i32
          %dma_start3A_458 = tpu.memref_slice %arg6[%dma_start3A_456, %add3A_455, %dma_start3A_457] : memref<4x160x128xf32, #tpu.memory_space<vmem>> -> memref<1x1x64xf32, #tpu.memory_space<vmem>>
          %dma_start3A_459 = tpu.memref_squeeze %dma_start3A_458 : memref<1x1x64xf32, #tpu.memory_space<vmem>> -> memref<64xf32, #tpu.memory_space<vmem>>
          %dma_start3A_460 = arith.constant 0 : i32
          %dma_start3A_461 = tpu.memref_slice %arg3[%squeeze3A_451, %dma_start3A_460] : memref<1000000x64xf32, #tpu.memory_space<hbm>> -> memref<1x64xf32, #tpu.memory_space<hbm>>
          %dma_start3A_462 = tpu.memref_squeeze %dma_start3A_461 : memref<1x64xf32, #tpu.memory_space<hbm>> -> memref<64xf32, #tpu.memory_space<hbm>>
          %dma_start3A_463 = arith.constant 0 : i32
          %dma_start3A_464 = tpu.memref_slice %arg6[%dma_start3A_456, %add3A_455, %dma_start3A_463] : memref<4x160x128xf32, #tpu.memory_space<vmem>> -> memref<1x1x64xf32, #tpu.memory_space<vmem>>
          %dma_start3A_465 = tpu.memref_squeeze %dma_start3A_464 : memref<1x1x64xf32, #tpu.memory_space<vmem>> -> memref<64xf32, #tpu.memory_space<vmem>>
          %dma_start3A_466 = arith.constant 0 : i32
          %dma_start3A_467 = tpu.memref_slice %arg3[%squeeze3A_451, %dma_start3A_466] : memref<1000000x64xf32, #tpu.memory_space<hbm>> -> memref<1x64xf32, #tpu.memory_space<hbm>>
          %dma_start3A_468 = tpu.memref_squeeze %dma_start3A_467 : memref<1x64xf32, #tpu.memory_space<hbm>> -> memref<64xf32, #tpu.memory_space<hbm>>
          tpu.enqueue_dma source(%dma_start3A_468 : memref<64xf32, #tpu.memory_space<hbm>>) target(%dma_start3A_465 : memref<64xf32, #tpu.memory_space<vmem>>) target_semaphore(%arg9 : memref<!tpu.dma_semaphore, #tpu.memory_space<semaphore_mem>>)
          %slice3A_469 = vector.extract_strided_slice %get3A_186 {offsets = [15], sizes = [1], strides = [1]} : vector<16xi32> to vector<1xi32>
          %squeeze3A_470 = vector.extract %slice3A_469[0] : i32 from vector<1xi32>
          %mul3A_471 = arith.constant 16 : i32
          %mul3A_472 = arith.muli %scan3A_179, %mul3A_471 : i32
          %add3A_473 = arith.constant 15 : i32
          %add3A_474 = arith.addi %mul3A_472, %add3A_473 : i32
          %dma_start3A_475 = arith.constant 2 : i32
          %dma_start3A_476 = arith.constant 0 : i32
          %dma_start3A_477 = tpu.memref_slice %arg6[%dma_start3A_475, %add3A_474, %dma_start3A_476] : memref<4x160x128xf32, #tpu.memory_space<vmem>> -> memref<1x1x64xf32, #tpu.memory_space<vmem>>
          %dma_start3A_478 = tpu.memref_squeeze %dma_start3A_477 : memref<1x1x64xf32, #tpu.memory_space<vmem>> -> memref<64xf32, #tpu.memory_space<vmem>>
          %dma_start3A_479 = arith.constant 0 : i32
          %dma_start3A_480 = tpu.memref_slice %arg3[%squeeze3A_470, %dma_start3A_479] : memref<1000000x64xf32, #tpu.memory_space<hbm>> -> memref<1x64xf32, #tpu.memory_space<hbm>>
          %dma_start3A_481 = tpu.memref_squeeze %dma_start3A_480 : memref<1x64xf32, #tpu.memory_space<hbm>> -> memref<64xf32, #tpu.memory_space<hbm>>
          %dma_start3A_482 = arith.constant 0 : i32
          %dma_start3A_483 = tpu.memref_slice %arg6[%dma_start3A_475, %add3A_474, %dma_start3A_482] : memref<4x160x128xf32, #tpu.memory_space<vmem>> -> memref<1x1x64xf32, #tpu.memory_space<vmem>>
          %dma_start3A_484 = tpu.memref_squeeze %dma_start3A_483 : memref<1x1x64xf32, #tpu.memory_space<vmem>> -> memref<64xf32, #tpu.memory_space<vmem>>
          %dma_start3A_485 = arith.constant 0 : i32
          %dma_start3A_486 = tpu.memref_slice %arg3[%squeeze3A_470, %dma_start3A_485] : memref<1000000x64xf32, #tpu.memory_space<hbm>> -> memref<1x64xf32, #tpu.memory_space<hbm>>
          %dma_start3A_487 = tpu.memref_squeeze %dma_start3A_486 : memref<1x64xf32, #tpu.memory_space<hbm>> -> memref<64xf32, #tpu.memory_space<hbm>>
          tpu.enqueue_dma source(%dma_start3A_487 : memref<64xf32, #tpu.memory_space<hbm>>) target(%dma_start3A_484 : memref<64xf32, #tpu.memory_space<vmem>>) target_semaphore(%arg9 : memref<!tpu.dma_semaphore, #tpu.memory_space<semaphore_mem>>)
        }
        %scan3A_178 = arith.constant 10 : i32
      } else {
      }
      %ge3A_141 = arith.constant 0 : i32
      %ge3A_142 = arith.cmpi sge, %sub3A_135, %ge3A_141 : i32
      %lt3A_143 = arith.constant 64 : i32
      %lt3A_144 = arith.cmpi slt, %sub3A_135, %lt3A_143 : i32
      %and3A_145 = arith.andi %ge3A_142, %lt3A_144 : i1
      %convert_element_type3A_146 = arith.extui %and3A_145 : i1 to i32
      %cond3A_147 = arith.constant 0 : i32
      %cond3A_148 = arith.cmpi ne, %convert_element_type3A_146, %cond3A_147 : i32
      scf.if %cond3A_148 {
        %scan3A_168 = arith.constant 0 : i32
        %scan3A_169 = arith.constant 0 : i32
        %scan3A_170 = arith.constant 10 : i32
        %scan3A_171 = arith.addi %scan3A_169, %scan3A_170 : i32
        %scan3A_172 = arith.constant 1 : i32
        scf.for %scan3A_197 = %scan3A_169 to %scan3A_171 step %scan3A_172  : i32 {
          %dma_wait3A_198 = arith.constant 0 : i32
          %dma_wait3A_199 = arith.constant 0 : i32
          %dma_wait3A_200 = arith.constant 0 : i32
          %dma_wait3A_201 = arith.constant 0 : i32
          %dma_wait3A_202 = tpu.memref_slice %arg6[%dma_wait3A_199, %dma_wait3A_200, %dma_wait3A_201] : memref<4x160x128xf32, #tpu.memory_space<vmem>> -> memref<1x1x64xf32, #tpu.memory_space<vmem>>
          %dma_wait3A_203 = tpu.memref_squeeze %dma_wait3A_202 : memref<1x1x64xf32, #tpu.memory_space<vmem>> -> memref<64xf32, #tpu.memory_space<vmem>>
          %dma_wait3A_204 = arith.constant 0 : i32
          %dma_wait3A_205 = tpu.memref_slice %arg3[%dma_wait3A_198, %dma_wait3A_204] : memref<1000000x64xf32, #tpu.memory_space<hbm>> -> memref<1x64xf32, #tpu.memory_space<hbm>>
          %dma_wait3A_206 = tpu.memref_squeeze %dma_wait3A_205 : memref<1x64xf32, #tpu.memory_space<hbm>> -> memref<64xf32, #tpu.memory_space<hbm>>
          %dma_wait3A_207 = arith.constant 0 : i32
          %dma_wait3A_208 = tpu.memref_slice %arg6[%dma_wait3A_199, %dma_wait3A_200, %dma_wait3A_207] : memref<4x160x128xf32, #tpu.memory_space<vmem>> -> memref<1x1x64xf32, #tpu.memory_space<vmem>>
          %dma_wait3A_209 = tpu.memref_squeeze %dma_wait3A_208 : memref<1x1x64xf32, #tpu.memory_space<vmem>> -> memref<64xf32, #tpu.memory_space<vmem>>
          %dma_wait3A_210 = arith.constant 0 : i32
          %dma_wait3A_211 = tpu.memref_slice %arg3[%dma_wait3A_198, %dma_wait3A_210] : memref<1000000x64xf32, #tpu.memory_space<hbm>> -> memref<1x64xf32, #tpu.memory_space<hbm>>
          %dma_wait3A_212 = tpu.memref_squeeze %dma_wait3A_211 : memref<1x64xf32, #tpu.memory_space<hbm>> -> memref<64xf32, #tpu.memory_space<hbm>>
          tpu.wait_dma2 semaphore(%arg7 : memref<!tpu.dma_semaphore, #tpu.memory_space<semaphore_mem>>) src(%dma_wait3A_212 : memref<64xf32, #tpu.memory_space<hbm>>) dst(%dma_wait3A_209 : memref<64xf32, #tpu.memory_space<vmem>>)
          %dma_wait3A_213 = arith.constant 0 : i32
          %dma_wait3A_214 = arith.constant 0 : i32
          %dma_wait3A_215 = arith.constant 0 : i32
          %dma_wait3A_216 = arith.constant 0 : i32
          %dma_wait3A_217 = tpu.memref_slice %arg6[%dma_wait3A_214, %dma_wait3A_215, %dma_wait3A_216] : memref<4x160x128xf32, #tpu.memory_space<vmem>> -> memref<1x1x64xf32, #tpu.memory_space<vmem>>
          %dma_wait3A_218 = tpu.memref_squeeze %dma_wait3A_217 : memref<1x1x64xf32, #tpu.memory_space<vmem>> -> memref<64xf32, #tpu.memory_space<vmem>>
          %dma_wait3A_219 = arith.constant 0 : i32
          %dma_wait3A_220 = tpu.memref_slice %arg3[%dma_wait3A_213, %dma_wait3A_219] : memref<1000000x64xf32, #tpu.memory_space<hbm>> -> memref<1x64xf32, #tpu.memory_space<hbm>>
          %dma_wait3A_221 = tpu.memref_squeeze %dma_wait3A_220 : memref<1x64xf32, #tpu.memory_space<hbm>> -> memref<64xf32, #tpu.memory_space<hbm>>
          %dma_wait3A_222 = arith.constant 0 : i32
          %dma_wait3A_223 = tpu.memref_slice %arg6[%dma_wait3A_214, %dma_wait3A_215, %dma_wait3A_222] : memref<4x160x128xf32, #tpu.memory_space<vmem>> -> memref<1x1x64xf32, #tpu.memory_space<vmem>>
          %dma_wait3A_224 = tpu.memref_squeeze %dma_wait3A_223 : memref<1x1x64xf32, #tpu.memory_space<vmem>> -> memref<64xf32, #tpu.memory_space<vmem>>
          %dma_wait3A_225 = arith.constant 0 : i32
          %dma_wait3A_226 = tpu.memref_slice %arg3[%dma_wait3A_213, %dma_wait3A_225] : memref<1000000x64xf32, #tpu.memory_space<hbm>> -> memref<1x64xf32, #tpu.memory_space<hbm>>
          %dma_wait3A_227 = tpu.memref_squeeze %dma_wait3A_226 : memref<1x64xf32, #tpu.memory_space<hbm>> -> memref<64xf32, #tpu.memory_space<hbm>>
          tpu.wait_dma2 semaphore(%arg7 : memref<!tpu.dma_semaphore, #tpu.memory_space<semaphore_mem>>) src(%dma_wait3A_227 : memref<64xf32, #tpu.memory_space<hbm>>) dst(%dma_wait3A_224 : memref<64xf32, #tpu.memory_space<vmem>>)
          %dma_wait3A_228 = arith.constant 0 : i32
          %dma_wait3A_229 = arith.constant 0 : i32
          %dma_wait3A_230 = arith.constant 0 : i32
          %dma_wait3A_231 = arith.constant 0 : i32
          %dma_wait3A_232 = tpu.memref_slice %arg6[%dma_wait3A_229, %dma_wait3A_230, %dma_wait3A_231] : memref<4x160x128xf32, #tpu.memory_space<vmem>> -> memref<1x1x64xf32, #tpu.memory_space<vmem>>
          %dma_wait3A_233 = tpu.memref_squeeze %dma_wait3A_232 : memref<1x1x64xf32, #tpu.memory_space<vmem>> -> memref<64xf32, #tpu.memory_space<vmem>>
          %dma_wait3A_234 = arith.constant 0 : i32
          %dma_wait3A_235 = tpu.memref_slice %arg3[%dma_wait3A_228, %dma_wait3A_234] : memref<1000000x64xf32, #tpu.memory_space<hbm>> -> memref<1x64xf32, #tpu.memory_space<hbm>>
          %dma_wait3A_236 = tpu.memref_squeeze %dma_wait3A_235 : memref<1x64xf32, #tpu.memory_space<hbm>> -> memref<64xf32, #tpu.memory_space<hbm>>
          %dma_wait3A_237 = arith.constant 0 : i32
          %dma_wait3A_238 = tpu.memref_slice %arg6[%dma_wait3A_229, %dma_wait3A_230, %dma_wait3A_237] : memref<4x160x128xf32, #tpu.memory_space<vmem>> -> memref<1x1x64xf32, #tpu.memory_space<vmem>>
          %dma_wait3A_239 = tpu.memref_squeeze %dma_wait3A_238 : memref<1x1x64xf32, #tpu.memory_space<vmem>> -> memref<64xf32, #tpu.memory_space<vmem>>
          %dma_wait3A_240 = arith.constant 0 : i32
          %dma_wait3A_241 = tpu.memref_slice %arg3[%dma_wait3A_228, %dma_wait3A_240] : memref<1000000x64xf32, #tpu.memory_space<hbm>> -> memref<1x64xf32, #tpu.memory_space<hbm>>
          %dma_wait3A_242 = tpu.memref_squeeze %dma_wait3A_241 : memref<1x64xf32, #tpu.memory_space<hbm>> -> memref<64xf32, #tpu.memory_space<hbm>>
          tpu.wait_dma2 semaphore(%arg7 : memref<!tpu.dma_semaphore, #tpu.memory_space<semaphore_mem>>) src(%dma_wait3A_242 : memref<64xf32, #tpu.memory_space<hbm>>) dst(%dma_wait3A_239 : memref<64xf32, #tpu.memory_space<vmem>>)
          %dma_wait3A_243 = arith.constant 0 : i32
          %dma_wait3A_244 = arith.constant 0 : i32
          %dma_wait3A_245 = arith.constant 0 : i32
          %dma_wait3A_246 = arith.constant 0 : i32
          %dma_wait3A_247 = tpu.memref_slice %arg6[%dma_wait3A_244, %dma_wait3A_245, %dma_wait3A_246] : memref<4x160x128xf32, #tpu.memory_space<vmem>> -> memref<1x1x64xf32, #tpu.memory_space<vmem>>
          %dma_wait3A_248 = tpu.memref_squeeze %dma_wait3A_247 : memref<1x1x64xf32, #tpu.memory_space<vmem>> -> memref<64xf32, #tpu.memory_space<vmem>>
          %dma_wait3A_249 = arith.constant 0 : i32
          %dma_wait3A_250 = tpu.memref_slice %arg3[%dma_wait3A_243, %dma_wait3A_249] : memref<1000000x64xf32, #tpu.memory_space<hbm>> -> memref<1x64xf32, #tpu.memory_space<hbm>>
          %dma_wait3A_251 = tpu.memref_squeeze %dma_wait3A_250 : memref<1x64xf32, #tpu.memory_space<hbm>> -> memref<64xf32, #tpu.memory_space<hbm>>
          %dma_wait3A_252 = arith.constant 0 : i32
          %dma_wait3A_253 = tpu.memref_slice %arg6[%dma_wait3A_244, %dma_wait3A_245, %dma_wait3A_252] : memref<4x160x128xf32, #tpu.memory_space<vmem>> -> memref<1x1x64xf32, #tpu.memory_space<vmem>>
          %dma_wait3A_254 = tpu.memref_squeeze %dma_wait3A_253 : memref<1x1x64xf32, #tpu.memory_space<vmem>> -> memref<64xf32, #tpu.memory_space<vmem>>
          %dma_wait3A_255 = arith.constant 0 : i32
          %dma_wait3A_256 = tpu.memref_slice %arg3[%dma_wait3A_243, %dma_wait3A_255] : memref<1000000x64xf32, #tpu.memory_space<hbm>> -> memref<1x64xf32, #tpu.memory_space<hbm>>
          %dma_wait3A_257 = tpu.memref_squeeze %dma_wait3A_256 : memref<1x64xf32, #tpu.memory_space<hbm>> -> memref<64xf32, #tpu.memory_space<hbm>>
          tpu.wait_dma2 semaphore(%arg7 : memref<!tpu.dma_semaphore, #tpu.memory_space<semaphore_mem>>) src(%dma_wait3A_257 : memref<64xf32, #tpu.memory_space<hbm>>) dst(%dma_wait3A_254 : memref<64xf32, #tpu.memory_space<vmem>>)
          %dma_wait3A_258 = arith.constant 0 : i32
          %dma_wait3A_259 = arith.constant 0 : i32
          %dma_wait3A_260 = arith.constant 0 : i32
          %dma_wait3A_261 = arith.constant 0 : i32
          %dma_wait3A_262 = tpu.memref_slice %arg6[%dma_wait3A_259, %dma_wait3A_260, %dma_wait3A_261] : memref<4x160x128xf32, #tpu.memory_space<vmem>> -> memref<1x1x64xf32, #tpu.memory_space<vmem>>
          %dma_wait3A_263 = tpu.memref_squeeze %dma_wait3A_262 : memref<1x1x64xf32, #tpu.memory_space<vmem>> -> memref<64xf32, #tpu.memory_space<vmem>>
          %dma_wait3A_264 = arith.constant 0 : i32
          %dma_wait3A_265 = tpu.memref_slice %arg3[%dma_wait3A_258, %dma_wait3A_264] : memref<1000000x64xf32, #tpu.memory_space<hbm>> -> memref<1x64xf32, #tpu.memory_space<hbm>>
          %dma_wait3A_266 = tpu.memref_squeeze %dma_wait3A_265 : memref<1x64xf32, #tpu.memory_space<hbm>> -> memref<64xf32, #tpu.memory_space<hbm>>
          %dma_wait3A_267 = arith.constant 0 : i32
          %dma_wait3A_268 = tpu.memref_slice %arg6[%dma_wait3A_259, %dma_wait3A_260, %dma_wait3A_267] : memref<4x160x128xf32, #tpu.memory_space<vmem>> -> memref<1x1x64xf32, #tpu.memory_space<vmem>>
          %dma_wait3A_269 = tpu.memref_squeeze %dma_wait3A_268 : memref<1x1x64xf32, #tpu.memory_space<vmem>> -> memref<64xf32, #tpu.memory_space<vmem>>
          %dma_wait3A_270 = arith.constant 0 : i32
          %dma_wait3A_271 = tpu.memref_slice %arg3[%dma_wait3A_258, %dma_wait3A_270] : memref<1000000x64xf32, #tpu.memory_space<hbm>> -> memref<1x64xf32, #tpu.memory_space<hbm>>
          %dma_wait3A_272 = tpu.memref_squeeze %dma_wait3A_271 : memref<1x64xf32, #tpu.memory_space<hbm>> -> memref<64xf32, #tpu.memory_space<hbm>>
          tpu.wait_dma2 semaphore(%arg7 : memref<!tpu.dma_semaphore, #tpu.memory_space<semaphore_mem>>) src(%dma_wait3A_272 : memref<64xf32, #tpu.memory_space<hbm>>) dst(%dma_wait3A_269 : memref<64xf32, #tpu.memory_space<vmem>>)
          %dma_wait3A_273 = arith.constant 0 : i32
          %dma_wait3A_274 = arith.constant 0 : i32
          %dma_wait3A_275 = arith.constant 0 : i32
          %dma_wait3A_276 = arith.constant 0 : i32
          %dma_wait3A_277 = tpu.memref_slice %arg6[%dma_wait3A_274, %dma_wait3A_275, %dma_wait3A_276] : memref<4x160x128xf32, #tpu.memory_space<vmem>> -> memref<1x1x64xf32, #tpu.memory_space<vmem>>
          %dma_wait3A_278 = tpu.memref_squeeze %dma_wait3A_277 : memref<1x1x64xf32, #tpu.memory_space<vmem>> -> memref<64xf32, #tpu.memory_space<vmem>>
          %dma_wait3A_279 = arith.constant 0 : i32
          %dma_wait3A_280 = tpu.memref_slice %arg3[%dma_wait3A_273, %dma_wait3A_279] : memref<1000000x64xf32, #tpu.memory_space<hbm>> -> memref<1x64xf32, #tpu.memory_space<hbm>>
          %dma_wait3A_281 = tpu.memref_squeeze %dma_wait3A_280 : memref<1x64xf32, #tpu.memory_space<hbm>> -> memref<64xf32, #tpu.memory_space<hbm>>
          %dma_wait3A_282 = arith.constant 0 : i32
          %dma_wait3A_283 = tpu.memref_slice %arg6[%dma_wait3A_274, %dma_wait3A_275, %dma_wait3A_282] : memref<4x160x128xf32, #tpu.memory_space<vmem>> -> memref<1x1x64xf32, #tpu.memory_space<vmem>>
          %dma_wait3A_284 = tpu.memref_squeeze %dma_wait3A_283 : memref<1x1x64xf32, #tpu.memory_space<vmem>> -> memref<64xf32, #tpu.memory_space<vmem>>
          %dma_wait3A_285 = arith.constant 0 : i32
          %dma_wait3A_286 = tpu.memref_slice %arg3[%dma_wait3A_273, %dma_wait3A_285] : memref<1000000x64xf32, #tpu.memory_space<hbm>> -> memref<1x64xf32, #tpu.memory_space<hbm>>
          %dma_wait3A_287 = tpu.memref_squeeze %dma_wait3A_286 : memref<1x64xf32, #tpu.memory_space<hbm>> -> memref<64xf32, #tpu.memory_space<hbm>>
          tpu.wait_dma2 semaphore(%arg7 : memref<!tpu.dma_semaphore, #tpu.memory_space<semaphore_mem>>) src(%dma_wait3A_287 : memref<64xf32, #tpu.memory_space<hbm>>) dst(%dma_wait3A_284 : memref<64xf32, #tpu.memory_space<vmem>>)
          %dma_wait3A_288 = arith.constant 0 : i32
          %dma_wait3A_289 = arith.constant 0 : i32
          %dma_wait3A_290 = arith.constant 0 : i32
          %dma_wait3A_291 = arith.constant 0 : i32
          %dma_wait3A_292 = tpu.memref_slice %arg6[%dma_wait3A_289, %dma_wait3A_290, %dma_wait3A_291] : memref<4x160x128xf32, #tpu.memory_space<vmem>> -> memref<1x1x64xf32, #tpu.memory_space<vmem>>
          %dma_wait3A_293 = tpu.memref_squeeze %dma_wait3A_292 : memref<1x1x64xf32, #tpu.memory_space<vmem>> -> memref<64xf32, #tpu.memory_space<vmem>>
          %dma_wait3A_294 = arith.constant 0 : i32
          %dma_wait3A_295 = tpu.memref_slice %arg3[%dma_wait3A_288, %dma_wait3A_294] : memref<1000000x64xf32, #tpu.memory_space<hbm>> -> memref<1x64xf32, #tpu.memory_space<hbm>>
          %dma_wait3A_296 = tpu.memref_squeeze %dma_wait3A_295 : memref<1x64xf32, #tpu.memory_space<hbm>> -> memref<64xf32, #tpu.memory_space<hbm>>
          %dma_wait3A_297 = arith.constant 0 : i32
          %dma_wait3A_298 = tpu.memref_slice %arg6[%dma_wait3A_289, %dma_wait3A_290, %dma_wait3A_297] : memref<4x160x128xf32, #tpu.memory_space<vmem>> -> memref<1x1x64xf32, #tpu.memory_space<vmem>>
          %dma_wait3A_299 = tpu.memref_squeeze %dma_wait3A_298 : memref<1x1x64xf32, #tpu.memory_space<vmem>> -> memref<64xf32, #tpu.memory_space<vmem>>
          %dma_wait3A_300 = arith.constant 0 : i32
          %dma_wait3A_301 = tpu.memref_slice %arg3[%dma_wait3A_288, %dma_wait3A_300] : memref<1000000x64xf32, #tpu.memory_space<hbm>> -> memref<1x64xf32, #tpu.memory_space<hbm>>
          %dma_wait3A_302 = tpu.memref_squeeze %dma_wait3A_301 : memref<1x64xf32, #tpu.memory_space<hbm>> -> memref<64xf32, #tpu.memory_space<hbm>>
          tpu.wait_dma2 semaphore(%arg7 : memref<!tpu.dma_semaphore, #tpu.memory_space<semaphore_mem>>) src(%dma_wait3A_302 : memref<64xf32, #tpu.memory_space<hbm>>) dst(%dma_wait3A_299 : memref<64xf32, #tpu.memory_space<vmem>>)
          %dma_wait3A_303 = arith.constant 0 : i32
          %dma_wait3A_304 = arith.constant 0 : i32
          %dma_wait3A_305 = arith.constant 0 : i32
          %dma_wait3A_306 = arith.constant 0 : i32
          %dma_wait3A_307 = tpu.memref_slice %arg6[%dma_wait3A_304, %dma_wait3A_305, %dma_wait3A_306] : memref<4x160x128xf32, #tpu.memory_space<vmem>> -> memref<1x1x64xf32, #tpu.memory_space<vmem>>
          %dma_wait3A_308 = tpu.memref_squeeze %dma_wait3A_307 : memref<1x1x64xf32, #tpu.memory_space<vmem>> -> memref<64xf32, #tpu.memory_space<vmem>>
          %dma_wait3A_309 = arith.constant 0 : i32
          %dma_wait3A_310 = tpu.memref_slice %arg3[%dma_wait3A_303, %dma_wait3A_309] : memref<1000000x64xf32, #tpu.memory_space<hbm>> -> memref<1x64xf32, #tpu.memory_space<hbm>>
          %dma_wait3A_311 = tpu.memref_squeeze %dma_wait3A_310 : memref<1x64xf32, #tpu.memory_space<hbm>> -> memref<64xf32, #tpu.memory_space<hbm>>
          %dma_wait3A_312 = arith.constant 0 : i32
          %dma_wait3A_313 = tpu.memref_slice %arg6[%dma_wait3A_304, %dma_wait3A_305, %dma_wait3A_312] : memref<4x160x128xf32, #tpu.memory_space<vmem>> -> memref<1x1x64xf32, #tpu.memory_space<vmem>>
          %dma_wait3A_314 = tpu.memref_squeeze %dma_wait3A_313 : memref<1x1x64xf32, #tpu.memory_space<vmem>> -> memref<64xf32, #tpu.memory_space<vmem>>
          %dma_wait3A_315 = arith.constant 0 : i32
          %dma_wait3A_316 = tpu.memref_slice %arg3[%dma_wait3A_303, %dma_wait3A_315] : memref<1000000x64xf32, #tpu.memory_space<hbm>> -> memref<1x64xf32, #tpu.memory_space<hbm>>
          %dma_wait3A_317 = tpu.memref_squeeze %dma_wait3A_316 : memref<1x64xf32, #tpu.memory_space<hbm>> -> memref<64xf32, #tpu.memory_space<hbm>>
          tpu.wait_dma2 semaphore(%arg7 : memref<!tpu.dma_semaphore, #tpu.memory_space<semaphore_mem>>) src(%dma_wait3A_317 : memref<64xf32, #tpu.memory_space<hbm>>) dst(%dma_wait3A_314 : memref<64xf32, #tpu.memory_space<vmem>>)
          %dma_wait3A_318 = arith.constant 0 : i32
          %dma_wait3A_319 = arith.constant 0 : i32
          %dma_wait3A_320 = arith.constant 0 : i32
          %dma_wait3A_321 = arith.constant 0 : i32
          %dma_wait3A_322 = tpu.memref_slice %arg6[%dma_wait3A_319, %dma_wait3A_320, %dma_wait3A_321] : memref<4x160x128xf32, #tpu.memory_space<vmem>> -> memref<1x1x64xf32, #tpu.memory_space<vmem>>
          %dma_wait3A_323 = tpu.memref_squeeze %dma_wait3A_322 : memref<1x1x64xf32, #tpu.memory_space<vmem>> -> memref<64xf32, #tpu.memory_space<vmem>>
          %dma_wait3A_324 = arith.constant 0 : i32
          %dma_wait3A_325 = tpu.memref_slice %arg3[%dma_wait3A_318, %dma_wait3A_324] : memref<1000000x64xf32, #tpu.memory_space<hbm>> -> memref<1x64xf32, #tpu.memory_space<hbm>>
          %dma_wait3A_326 = tpu.memref_squeeze %dma_wait3A_325 : memref<1x64xf32, #tpu.memory_space<hbm>> -> memref<64xf32, #tpu.memory_space<hbm>>
          %dma_wait3A_327 = arith.constant 0 : i32
          %dma_wait3A_328 = tpu.memref_slice %arg6[%dma_wait3A_319, %dma_wait3A_320, %dma_wait3A_327] : memref<4x160x128xf32, #tpu.memory_space<vmem>> -> memref<1x1x64xf32, #tpu.memory_space<vmem>>
          %dma_wait3A_329 = tpu.memref_squeeze %dma_wait3A_328 : memref<1x1x64xf32, #tpu.memory_space<vmem>> -> memref<64xf32, #tpu.memory_space<vmem>>
          %dma_wait3A_330 = arith.constant 0 : i32
          %dma_wait3A_331 = tpu.memref_slice %arg3[%dma_wait3A_318, %dma_wait3A_330] : memref<1000000x64xf32, #tpu.memory_space<hbm>> -> memref<1x64xf32, #tpu.memory_space<hbm>>
          %dma_wait3A_332 = tpu.memref_squeeze %dma_wait3A_331 : memref<1x64xf32, #tpu.memory_space<hbm>> -> memref<64xf32, #tpu.memory_space<hbm>>
          tpu.wait_dma2 semaphore(%arg7 : memref<!tpu.dma_semaphore, #tpu.memory_space<semaphore_mem>>) src(%dma_wait3A_332 : memref<64xf32, #tpu.memory_space<hbm>>) dst(%dma_wait3A_329 : memref<64xf32, #tpu.memory_space<vmem>>)
          %dma_wait3A_333 = arith.constant 0 : i32
          %dma_wait3A_334 = arith.constant 0 : i32
          %dma_wait3A_335 = arith.constant 0 : i32
          %dma_wait3A_336 = arith.constant 0 : i32
          %dma_wait3A_337 = tpu.memref_slice %arg6[%dma_wait3A_334, %dma_wait3A_335, %dma_wait3A_336] : memref<4x160x128xf32, #tpu.memory_space<vmem>> -> memref<1x1x64xf32, #tpu.memory_space<vmem>>
          %dma_wait3A_338 = tpu.memref_squeeze %dma_wait3A_337 : memref<1x1x64xf32, #tpu.memory_space<vmem>> -> memref<64xf32, #tpu.memory_space<vmem>>
          %dma_wait3A_339 = arith.constant 0 : i32
          %dma_wait3A_340 = tpu.memref_slice %arg3[%dma_wait3A_333, %dma_wait3A_339] : memref<1000000x64xf32, #tpu.memory_space<hbm>> -> memref<1x64xf32, #tpu.memory_space<hbm>>
          %dma_wait3A_341 = tpu.memref_squeeze %dma_wait3A_340 : memref<1x64xf32, #tpu.memory_space<hbm>> -> memref<64xf32, #tpu.memory_space<hbm>>
          %dma_wait3A_342 = arith.constant 0 : i32
          %dma_wait3A_343 = tpu.memref_slice %arg6[%dma_wait3A_334, %dma_wait3A_335, %dma_wait3A_342] : memref<4x160x128xf32, #tpu.memory_space<vmem>> -> memref<1x1x64xf32, #tpu.memory_space<vmem>>
          %dma_wait3A_344 = tpu.memref_squeeze %dma_wait3A_343 : memref<1x1x64xf32, #tpu.memory_space<vmem>> -> memref<64xf32, #tpu.memory_space<vmem>>
          %dma_wait3A_345 = arith.constant 0 : i32
          %dma_wait3A_346 = tpu.memref_slice %arg3[%dma_wait3A_333, %dma_wait3A_345] : memref<1000000x64xf32, #tpu.memory_space<hbm>> -> memref<1x64xf32, #tpu.memory_space<hbm>>
          %dma_wait3A_347 = tpu.memref_squeeze %dma_wait3A_346 : memref<1x64xf32, #tpu.memory_space<hbm>> -> memref<64xf32, #tpu.memory_space<hbm>>
          tpu.wait_dma2 semaphore(%arg7 : memref<!tpu.dma_semaphore, #tpu.memory_space<semaphore_mem>>) src(%dma_wait3A_347 : memref<64xf32, #tpu.memory_space<hbm>>) dst(%dma_wait3A_344 : memref<64xf32, #tpu.memory_space<vmem>>)
          %dma_wait3A_348 = arith.constant 0 : i32
          %dma_wait3A_349 = arith.constant 0 : i32
          %dma_wait3A_350 = arith.constant 0 : i32
          %dma_wait3A_351 = arith.constant 0 : i32
          %dma_wait3A_352 = tpu.memref_slice %arg6[%dma_wait3A_349, %dma_wait3A_350, %dma_wait3A_351] : memref<4x160x128xf32, #tpu.memory_space<vmem>> -> memref<1x1x64xf32, #tpu.memory_space<vmem>>
          %dma_wait3A_353 = tpu.memref_squeeze %dma_wait3A_352 : memref<1x1x64xf32, #tpu.memory_space<vmem>> -> memref<64xf32, #tpu.memory_space<vmem>>
          %dma_wait3A_354 = arith.constant 0 : i32
          %dma_wait3A_355 = tpu.memref_slice %arg3[%dma_wait3A_348, %dma_wait3A_354] : memref<1000000x64xf32, #tpu.memory_space<hbm>> -> memref<1x64xf32, #tpu.memory_space<hbm>>
          %dma_wait3A_356 = tpu.memref_squeeze %dma_wait3A_355 : memref<1x64xf32, #tpu.memory_space<hbm>> -> memref<64xf32, #tpu.memory_space<hbm>>
          %dma_wait3A_357 = arith.constant 0 : i32
          %dma_wait3A_358 = tpu.memref_slice %arg6[%dma_wait3A_349, %dma_wait3A_350, %dma_wait3A_357] : memref<4x160x128xf32, #tpu.memory_space<vmem>> -> memref<1x1x64xf32, #tpu.memory_space<vmem>>
          %dma_wait3A_359 = tpu.memref_squeeze %dma_wait3A_358 : memref<1x1x64xf32, #tpu.memory_space<vmem>> -> memref<64xf32, #tpu.memory_space<vmem>>
          %dma_wait3A_360 = arith.constant 0 : i32
          %dma_wait3A_361 = tpu.memref_slice %arg3[%dma_wait3A_348, %dma_wait3A_360] : memref<1000000x64xf32, #tpu.memory_space<hbm>> -> memref<1x64xf32, #tpu.memory_space<hbm>>
          %dma_wait3A_362 = tpu.memref_squeeze %dma_wait3A_361 : memref<1x64xf32, #tpu.memory_space<hbm>> -> memref<64xf32, #tpu.memory_space<hbm>>
          tpu.wait_dma2 semaphore(%arg7 : memref<!tpu.dma_semaphore, #tpu.memory_space<semaphore_mem>>) src(%dma_wait3A_362 : memref<64xf32, #tpu.memory_space<hbm>>) dst(%dma_wait3A_359 : memref<64xf32, #tpu.memory_space<vmem>>)
          %dma_wait3A_363 = arith.constant 0 : i32
          %dma_wait3A_364 = arith.constant 0 : i32
          %dma_wait3A_365 = arith.constant 0 : i32
          %dma_wait3A_366 = arith.constant 0 : i32
          %dma_wait3A_367 = tpu.memref_slice %arg6[%dma_wait3A_364, %dma_wait3A_365, %dma_wait3A_366] : memref<4x160x128xf32, #tpu.memory_space<vmem>> -> memref<1x1x64xf32, #tpu.memory_space<vmem>>
          %dma_wait3A_368 = tpu.memref_squeeze %dma_wait3A_367 : memref<1x1x64xf32, #tpu.memory_space<vmem>> -> memref<64xf32, #tpu.memory_space<vmem>>
          %dma_wait3A_369 = arith.constant 0 : i32
          %dma_wait3A_370 = tpu.memref_slice %arg3[%dma_wait3A_363, %dma_wait3A_369] : memref<1000000x64xf32, #tpu.memory_space<hbm>> -> memref<1x64xf32, #tpu.memory_space<hbm>>
          %dma_wait3A_371 = tpu.memref_squeeze %dma_wait3A_370 : memref<1x64xf32, #tpu.memory_space<hbm>> -> memref<64xf32, #tpu.memory_space<hbm>>
          %dma_wait3A_372 = arith.constant 0 : i32
          %dma_wait3A_373 = tpu.memref_slice %arg6[%dma_wait3A_364, %dma_wait3A_365, %dma_wait3A_372] : memref<4x160x128xf32, #tpu.memory_space<vmem>> -> memref<1x1x64xf32, #tpu.memory_space<vmem>>
          %dma_wait3A_374 = tpu.memref_squeeze %dma_wait3A_373 : memref<1x1x64xf32, #tpu.memory_space<vmem>> -> memref<64xf32, #tpu.memory_space<vmem>>
          %dma_wait3A_375 = arith.constant 0 : i32
          %dma_wait3A_376 = tpu.memref_slice %arg3[%dma_wait3A_363, %dma_wait3A_375] : memref<1000000x64xf32, #tpu.memory_space<hbm>> -> memref<1x64xf32, #tpu.memory_space<hbm>>
          %dma_wait3A_377 = tpu.memref_squeeze %dma_wait3A_376 : memref<1x64xf32, #tpu.memory_space<hbm>> -> memref<64xf32, #tpu.memory_space<hbm>>
          tpu.wait_dma2 semaphore(%arg7 : memref<!tpu.dma_semaphore, #tpu.memory_space<semaphore_mem>>) src(%dma_wait3A_377 : memref<64xf32, #tpu.memory_space<hbm>>) dst(%dma_wait3A_374 : memref<64xf32, #tpu.memory_space<vmem>>)
          %dma_wait3A_378 = arith.constant 0 : i32
          %dma_wait3A_379 = arith.constant 0 : i32
          %dma_wait3A_380 = arith.constant 0 : i32
          %dma_wait3A_381 = arith.constant 0 : i32
          %dma_wait3A_382 = tpu.memref_slice %arg6[%dma_wait3A_379, %dma_wait3A_380, %dma_wait3A_381] : memref<4x160x128xf32, #tpu.memory_space<vmem>> -> memref<1x1x64xf32, #tpu.memory_space<vmem>>
          %dma_wait3A_383 = tpu.memref_squeeze %dma_wait3A_382 : memref<1x1x64xf32, #tpu.memory_space<vmem>> -> memref<64xf32, #tpu.memory_space<vmem>>
          %dma_wait3A_384 = arith.constant 0 : i32
          %dma_wait3A_385 = tpu.memref_slice %arg3[%dma_wait3A_378, %dma_wait3A_384] : memref<1000000x64xf32, #tpu.memory_space<hbm>> -> memref<1x64xf32, #tpu.memory_space<hbm>>
          %dma_wait3A_386 = tpu.memref_squeeze %dma_wait3A_385 : memref<1x64xf32, #tpu.memory_space<hbm>> -> memref<64xf32, #tpu.memory_space<hbm>>
          %dma_wait3A_387 = arith.constant 0 : i32
          %dma_wait3A_388 = tpu.memref_slice %arg6[%dma_wait3A_379, %dma_wait3A_380, %dma_wait3A_387] : memref<4x160x128xf32, #tpu.memory_space<vmem>> -> memref<1x1x64xf32, #tpu.memory_space<vmem>>
          %dma_wait3A_389 = tpu.memref_squeeze %dma_wait3A_388 : memref<1x1x64xf32, #tpu.memory_space<vmem>> -> memref<64xf32, #tpu.memory_space<vmem>>
          %dma_wait3A_390 = arith.constant 0 : i32
          %dma_wait3A_391 = tpu.memref_slice %arg3[%dma_wait3A_378, %dma_wait3A_390] : memref<1000000x64xf32, #tpu.memory_space<hbm>> -> memref<1x64xf32, #tpu.memory_space<hbm>>
          %dma_wait3A_392 = tpu.memref_squeeze %dma_wait3A_391 : memref<1x64xf32, #tpu.memory_space<hbm>> -> memref<64xf32, #tpu.memory_space<hbm>>
          tpu.wait_dma2 semaphore(%arg7 : memref<!tpu.dma_semaphore, #tpu.memory_space<semaphore_mem>>) src(%dma_wait3A_392 : memref<64xf32, #tpu.memory_space<hbm>>) dst(%dma_wait3A_389 : memref<64xf32, #tpu.memory_space<vmem>>)
          %dma_wait3A_393 = arith.constant 0 : i32
          %dma_wait3A_394 = arith.constant 0 : i32
          %dma_wait3A_395 = arith.constant 0 : i32
          %dma_wait3A_396 = arith.constant 0 : i32
          %dma_wait3A_397 = tpu.memref_slice %arg6[%dma_wait3A_394, %dma_wait3A_395, %dma_wait3A_396] : memref<4x160x128xf32, #tpu.memory_space<vmem>> -> memref<1x1x64xf32, #tpu.memory_space<vmem>>
          %dma_wait3A_398 = tpu.memref_squeeze %dma_wait3A_397 : memref<1x1x64xf32, #tpu.memory_space<vmem>> -> memref<64xf32, #tpu.memory_space<vmem>>
          %dma_wait3A_399 = arith.constant 0 : i32
          %dma_wait3A_400 = tpu.memref_slice %arg3[%dma_wait3A_393, %dma_wait3A_399] : memref<1000000x64xf32, #tpu.memory_space<hbm>> -> memref<1x64xf32, #tpu.memory_space<hbm>>
          %dma_wait3A_401 = tpu.memref_squeeze %dma_wait3A_400 : memref<1x64xf32, #tpu.memory_space<hbm>> -> memref<64xf32, #tpu.memory_space<hbm>>
          %dma_wait3A_402 = arith.constant 0 : i32
          %dma_wait3A_403 = tpu.memref_slice %arg6[%dma_wait3A_394, %dma_wait3A_395, %dma_wait3A_402] : memref<4x160x128xf32, #tpu.memory_space<vmem>> -> memref<1x1x64xf32, #tpu.memory_space<vmem>>
          %dma_wait3A_404 = tpu.memref_squeeze %dma_wait3A_403 : memref<1x1x64xf32, #tpu.memory_space<vmem>> -> memref<64xf32, #tpu.memory_space<vmem>>
          %dma_wait3A_405 = arith.constant 0 : i32
          %dma_wait3A_406 = tpu.memref_slice %arg3[%dma_wait3A_393, %dma_wait3A_405] : memref<1000000x64xf32, #tpu.memory_space<hbm>> -> memref<1x64xf32, #tpu.memory_space<hbm>>
          %dma_wait3A_407 = tpu.memref_squeeze %dma_wait3A_406 : memref<1x64xf32, #tpu.memory_space<hbm>> -> memref<64xf32, #tpu.memory_space<hbm>>
          tpu.wait_dma2 semaphore(%arg7 : memref<!tpu.dma_semaphore, #tpu.memory_space<semaphore_mem>>) src(%dma_wait3A_407 : memref<64xf32, #tpu.memory_space<hbm>>) dst(%dma_wait3A_404 : memref<64xf32, #tpu.memory_space<vmem>>)
          %dma_wait3A_408 = arith.constant 0 : i32
          %dma_wait3A_409 = arith.constant 0 : i32
          %dma_wait3A_410 = arith.constant 0 : i32
          %dma_wait3A_411 = arith.constant 0 : i32
          %dma_wait3A_412 = tpu.memref_slice %arg6[%dma_wait3A_409, %dma_wait3A_410, %dma_wait3A_411] : memref<4x160x128xf32, #tpu.memory_space<vmem>> -> memref<1x1x64xf32, #tpu.memory_space<vmem>>
          %dma_wait3A_413 = tpu.memref_squeeze %dma_wait3A_412 : memref<1x1x64xf32, #tpu.memory_space<vmem>> -> memref<64xf32, #tpu.memory_space<vmem>>
          %dma_wait3A_414 = arith.constant 0 : i32
          %dma_wait3A_415 = tpu.memref_slice %arg3[%dma_wait3A_408, %dma_wait3A_414] : memref<1000000x64xf32, #tpu.memory_space<hbm>> -> memref<1x64xf32, #tpu.memory_space<hbm>>
          %dma_wait3A_416 = tpu.memref_squeeze %dma_wait3A_415 : memref<1x64xf32, #tpu.memory_space<hbm>> -> memref<64xf32, #tpu.memory_space<hbm>>
          %dma_wait3A_417 = arith.constant 0 : i32
          %dma_wait3A_418 = tpu.memref_slice %arg6[%dma_wait3A_409, %dma_wait3A_410, %dma_wait3A_417] : memref<4x160x128xf32, #tpu.memory_space<vmem>> -> memref<1x1x64xf32, #tpu.memory_space<vmem>>
          %dma_wait3A_419 = tpu.memref_squeeze %dma_wait3A_418 : memref<1x1x64xf32, #tpu.memory_space<vmem>> -> memref<64xf32, #tpu.memory_space<vmem>>
          %dma_wait3A_420 = arith.constant 0 : i32
          %dma_wait3A_421 = tpu.memref_slice %arg3[%dma_wait3A_408, %dma_wait3A_420] : memref<1000000x64xf32, #tpu.memory_space<hbm>> -> memref<1x64xf32, #tpu.memory_space<hbm>>
          %dma_wait3A_422 = tpu.memref_squeeze %dma_wait3A_421 : memref<1x64xf32, #tpu.memory_space<hbm>> -> memref<64xf32, #tpu.memory_space<hbm>>
          tpu.wait_dma2 semaphore(%arg7 : memref<!tpu.dma_semaphore, #tpu.memory_space<semaphore_mem>>) src(%dma_wait3A_422 : memref<64xf32, #tpu.memory_space<hbm>>) dst(%dma_wait3A_419 : memref<64xf32, #tpu.memory_space<vmem>>)
          %dma_wait3A_423 = arith.constant 0 : i32
          %dma_wait3A_424 = arith.constant 0 : i32
          %dma_wait3A_425 = arith.constant 0 : i32
          %dma_wait3A_426 = arith.constant 0 : i32
          %dma_wait3A_427 = tpu.memref_slice %arg6[%dma_wait3A_424, %dma_wait3A_425, %dma_wait3A_426] : memref<4x160x128xf32, #tpu.memory_space<vmem>> -> memref<1x1x64xf32, #tpu.memory_space<vmem>>
          %dma_wait3A_428 = tpu.memref_squeeze %dma_wait3A_427 : memref<1x1x64xf32, #tpu.memory_space<vmem>> -> memref<64xf32, #tpu.memory_space<vmem>>
          %dma_wait3A_429 = arith.constant 0 : i32
          %dma_wait3A_430 = tpu.memref_slice %arg3[%dma_wait3A_423, %dma_wait3A_429] : memref<1000000x64xf32, #tpu.memory_space<hbm>> -> memref<1x64xf32, #tpu.memory_space<hbm>>
          %dma_wait3A_431 = tpu.memref_squeeze %dma_wait3A_430 : memref<1x64xf32, #tpu.memory_space<hbm>> -> memref<64xf32, #tpu.memory_space<hbm>>
          %dma_wait3A_432 = arith.constant 0 : i32
          %dma_wait3A_433 = tpu.memref_slice %arg6[%dma_wait3A_424, %dma_wait3A_425, %dma_wait3A_432] : memref<4x160x128xf32, #tpu.memory_space<vmem>> -> memref<1x1x64xf32, #tpu.memory_space<vmem>>
          %dma_wait3A_434 = tpu.memref_squeeze %dma_wait3A_433 : memref<1x1x64xf32, #tpu.memory_space<vmem>> -> memref<64xf32, #tpu.memory_space<vmem>>
          %dma_wait3A_435 = arith.constant 0 : i32
          %dma_wait3A_436 = tpu.memref_slice %arg3[%dma_wait3A_423, %dma_wait3A_435] : memref<1000000x64xf32, #tpu.memory_space<hbm>> -> memref<1x64xf32, #tpu.memory_space<hbm>>
          %dma_wait3A_437 = tpu.memref_squeeze %dma_wait3A_436 : memref<1x64xf32, #tpu.memory_space<hbm>> -> memref<64xf32, #tpu.memory_space<hbm>>
          tpu.wait_dma2 semaphore(%arg7 : memref<!tpu.dma_semaphore, #tpu.memory_space<semaphore_mem>>) src(%dma_wait3A_437 : memref<64xf32, #tpu.memory_space<hbm>>) dst(%dma_wait3A_434 : memref<64xf32, #tpu.memory_space<vmem>>)
        }
        %scan3A_173 = arith.constant 10 : i32
        %mul3A_174 = arith.constant 512 : i32
        %mul3A_175 = arith.muli %add3A, %mul3A_174 : i32
        %mul3A_176 = arith.constant 8 : i32
        %mul3A_177 = arith.muli %sub3A_135, %mul3A_176 : i32
        %add3A_178 = arith.addi %mul3A_175, %mul3A_177 : i32
        %dma_start3A = arith.constant 0 : i32
        %dma_start3A_179 = tpu.memref_reshape %arg6 : memref<4x160x128xf32, #tpu.memory_space<vmem>> -> memref<4x8x20x128xf32, #tpu.memory_space<vmem>>
        %dma_start3A_180 = arith.constant 0 : i32
        %dma_start3A_181 = arith.constant 0 : i32
        %dma_start3A_182 = arith.constant 0 : i32
        %dma_start3A_183 = tpu.memref_slice %dma_start3A_179[%dma_start3A, %dma_start3A_180, %dma_start3A_181, %dma_start3A_182] : memref<4x8x20x128xf32, #tpu.memory_space<vmem>> -> memref<1x8x20x128xf32, #tpu.memory_space<vmem>>
        %dma_start3A_184 = tpu.memref_squeeze %dma_start3A_183 : memref<1x8x20x128xf32, #tpu.memory_space<vmem>> -> memref<8x20x128xf32, #tpu.memory_space<vmem>>
        %dma_start3A_185 = arith.constant 0 : i32
        %dma_start3A_186 = arith.constant 0 : i32
        %dma_start3A_187 = tpu.memref_slice %arg4[%add3A_178, %dma_start3A_185, %dma_start3A_186] : memref<16384x20x128xf32, #tpu.memory_space<hbm>> -> memref<8x20x128xf32, #tpu.memory_space<hbm>>
        %dma_start3A_188 = arith.constant 0 : i32
        %dma_start3A_189 = arith.constant 0 : i32
        %dma_start3A_190 = tpu.memref_slice %arg4[%add3A_178, %dma_start3A_188, %dma_start3A_189] : memref<16384x20x128xf32, #tpu.memory_space<hbm>> -> memref<8x20x128xf32, #tpu.memory_space<hbm>>
        %dma_start3A_191 = tpu.memref_reshape %arg6 : memref<4x160x128xf32, #tpu.memory_space<vmem>> -> memref<4x8x20x128xf32, #tpu.memory_space<vmem>>
        %dma_start3A_192 = arith.constant 0 : i32
        %dma_start3A_193 = arith.constant 0 : i32
        %dma_start3A_194 = arith.constant 0 : i32
        %dma_start3A_195 = tpu.memref_slice %dma_start3A_191[%dma_start3A, %dma_start3A_192, %dma_start3A_193, %dma_start3A_194] : memref<4x8x20x128xf32, #tpu.memory_space<vmem>> -> memref<1x8x20x128xf32, #tpu.memory_space<vmem>>
        %dma_start3A_196 = tpu.memref_squeeze %dma_start3A_195 : memref<1x8x20x128xf32, #tpu.memory_space<vmem>> -> memref<8x20x128xf32, #tpu.memory_space<vmem>>
        tpu.enqueue_dma source(%dma_start3A_196 : memref<8x20x128xf32, #tpu.memory_space<vmem>>) target(%dma_start3A_190 : memref<8x20x128xf32, #tpu.memory_space<hbm>>) target_semaphore(%arg11 : memref<!tpu.dma_semaphore, #tpu.memory_space<semaphore_mem>>)
      } else {
      }
      %mul3A_149 = arith.constant 4 : i32
      %mul3A_150 = arith.muli %scan3A_97, %mul3A_149 : i32
      %add3A_151 = arith.constant 3 : i32
      %add3A_152 = arith.addi %mul3A_150, %add3A_151 : i32
      %sub3A_153 = arith.constant 2 : i32
      %sub3A_154 = arith.subi %add3A_152, %sub3A_153 : i32
      %lt3A_155 = arith.constant 64 : i32
      %lt3A_156 = arith.cmpi slt, %add3A_152, %lt3A_155 : i32
      %convert_element_type3A_157 = arith.extui %lt3A_156 : i1 to i32
      %cond3A_158 = arith.constant 0 : i32
      %cond3A_159 = arith.cmpi ne, %convert_element_type3A_157, %cond3A_158 : i32
      scf.if %cond3A_159 {
        %ge3A_168 = arith.constant 4 : i32
        %ge3A_169 = arith.cmpi sge, %add3A_152, %ge3A_168 : i32
        %convert_element_type3A_170 = arith.extui %ge3A_169 : i1 to i32
        %cond3A_171 = arith.constant 0 : i32
        %cond3A_172 = arith.cmpi ne, %convert_element_type3A_170, %cond3A_171 : i32
        scf.if %cond3A_172 {
          %sub3A_179 = arith.constant 4 : i32
          %sub3A_180 = arith.subi %add3A_152, %sub3A_179 : i32
          %mul3A_181 = arith.constant 512 : i32
          %mul3A_182 = arith.muli %add3A, %mul3A_181 : i32
          %mul3A_183 = arith.constant 8 : i32
          %mul3A_184 = arith.muli %sub3A_180, %mul3A_183 : i32
          %add3A_185 = arith.addi %mul3A_182, %mul3A_184 : i32
          %dma_wait3A_186 = arith.constant 3 : i32
          %dma_wait3A_187 = tpu.memref_reshape %arg6 : memref<4x160x128xf32, #tpu.memory_space<vmem>> -> memref<4x8x20x128xf32, #tpu.memory_space<vmem>>
          %dma_wait3A_188 = arith.constant 0 : i32
          %dma_wait3A_189 = arith.constant 0 : i32
          %dma_wait3A_190 = arith.constant 0 : i32
          %dma_wait3A_191 = tpu.memref_slice %dma_wait3A_187[%dma_wait3A_186, %dma_wait3A_188, %dma_wait3A_189, %dma_wait3A_190] : memref<4x8x20x128xf32, #tpu.memory_space<vmem>> -> memref<1x8x20x128xf32, #tpu.memory_space<vmem>>
          %dma_wait3A_192 = tpu.memref_squeeze %dma_wait3A_191 : memref<1x8x20x128xf32, #tpu.memory_space<vmem>> -> memref<8x20x128xf32, #tpu.memory_space<vmem>>
          %dma_wait3A_193 = arith.constant 0 : i32
          %dma_wait3A_194 = arith.constant 0 : i32
          %dma_wait3A_195 = tpu.memref_slice %arg4[%add3A_185, %dma_wait3A_193, %dma_wait3A_194] : memref<16384x20x128xf32, #tpu.memory_space<hbm>> -> memref<8x20x128xf32, #tpu.memory_space<hbm>>
          %dma_wait3A_196 = arith.constant 0 : i32
          %dma_wait3A_197 = arith.constant 0 : i32
          %dma_wait3A_198 = tpu.memref_slice %arg4[%add3A_185, %dma_wait3A_196, %dma_wait3A_197] : memref<16384x20x128xf32, #tpu.memory_space<hbm>> -> memref<8x20x128xf32, #tpu.memory_space<hbm>>
          %dma_wait3A_199 = tpu.memref_reshape %arg6 : memref<4x160x128xf32, #tpu.memory_space<vmem>> -> memref<4x8x20x128xf32, #tpu.memory_space<vmem>>
          %dma_wait3A_200 = arith.constant 0 : i32
          %dma_wait3A_201 = arith.constant 0 : i32
          %dma_wait3A_202 = arith.constant 0 : i32
          %dma_wait3A_203 = tpu.memref_slice %dma_wait3A_199[%dma_wait3A_186, %dma_wait3A_200, %dma_wait3A_201, %dma_wait3A_202] : memref<4x8x20x128xf32, #tpu.memory_space<vmem>> -> memref<1x8x20x128xf32, #tpu.memory_space<vmem>>
          %dma_wait3A_204 = tpu.memref_squeeze %dma_wait3A_203 : memref<1x8x20x128xf32, #tpu.memory_space<vmem>> -> memref<8x20x128xf32, #tpu.memory_space<vmem>>
          tpu.wait_dma2 semaphore(%arg14 : memref<!tpu.dma_semaphore, #tpu.memory_space<semaphore_mem>>) src(%dma_wait3A_204 : memref<8x20x128xf32, #tpu.memory_space<vmem>>) dst(%dma_wait3A_198 : memref<8x20x128xf32, #tpu.memory_space<hbm>>)
        } else {
        }
        %scan3A_173 = arith.constant 0 : i32
        %scan3A_174 = arith.constant 0 : i32
        %scan3A_175 = arith.constant 10 : i32
        %scan3A_176 = arith.addi %scan3A_174, %scan3A_175 : i32
        %scan3A_177 = arith.constant 1 : i32
        scf.for %scan3A_179 = %scan3A_174 to %scan3A_176 step %scan3A_177  : i32 {
          %mul3A_180 = arith.constant 160 : i32
          %mul3A_181 = arith.muli %add3A_152, %mul3A_180 : i32
          %mul3A_182 = arith.constant 16 : i32
          %mul3A_183 = arith.muli %scan3A_179, %mul3A_182 : i32
          %add3A_184 = arith.addi %mul3A_181, %mul3A_183 : i32
          %get3A = arith.index_cast %add3A_184 : i32 to index
          %get3A_185 = tpu.vector_load %arg5[%get3A] {strides = array<i32>} : memref<10240xi32, #tpu.memory_space<vmem>>, vector<16xi32>,
          %get3A_186 = vector.shape_cast %get3A_185 : vector<16xi32> to vector<16xi32>
          %slice3A = vector.extract_strided_slice %get3A_186 {offsets = [0], sizes = [1], strides = [1]} : vector<16xi32> to vector<1xi32>
          %squeeze3A = vector.extract %slice3A[0] : i32 from vector<1xi32>
          %mul3A_187 = arith.constant 16 : i32
          %mul3A_188 = arith.muli %scan3A_179, %mul3A_187 : i32
          %add3A_189 = arith.constant 0 : i32
          %add3A_190 = arith.addi %mul3A_188, %add3A_189 : i32
          %dma_start3A = arith.constant 3 : i32
          %dma_start3A_191 = arith.constant 0 : i32
          %dma_start3A_192 = tpu.memref_slice %arg6[%dma_start3A, %add3A_190, %dma_start3A_191] : memref<4x160x128xf32, #tpu.memory_space<vmem>> -> memref<1x1x64xf32, #tpu.memory_space<vmem>>
          %dma_start3A_193 = tpu.memref_squeeze %dma_start3A_192 : memref<1x1x64xf32, #tpu.memory_space<vmem>> -> memref<64xf32, #tpu.memory_space<vmem>>
          %dma_start3A_194 = arith.constant 0 : i32
          %dma_start3A_195 = tpu.memref_slice %arg3[%squeeze3A, %dma_start3A_194] : memref<1000000x64xf32, #tpu.memory_space<hbm>> -> memref<1x64xf32, #tpu.memory_space<hbm>>
          %dma_start3A_196 = tpu.memref_squeeze %dma_start3A_195 : memref<1x64xf32, #tpu.memory_space<hbm>> -> memref<64xf32, #tpu.memory_space<hbm>>
          %dma_start3A_197 = arith.constant 0 : i32
          %dma_start3A_198 = tpu.memref_slice %arg6[%dma_start3A, %add3A_190, %dma_start3A_197] : memref<4x160x128xf32, #tpu.memory_space<vmem>> -> memref<1x1x64xf32, #tpu.memory_space<vmem>>
          %dma_start3A_199 = tpu.memref_squeeze %dma_start3A_198 : memref<1x1x64xf32, #tpu.memory_space<vmem>> -> memref<64xf32, #tpu.memory_space<vmem>>
          %dma_start3A_200 = arith.constant 0 : i32
          %dma_start3A_201 = tpu.memref_slice %arg3[%squeeze3A, %dma_start3A_200] : memref<1000000x64xf32, #tpu.memory_space<hbm>> -> memref<1x64xf32, #tpu.memory_space<hbm>>
          %dma_start3A_202 = tpu.memref_squeeze %dma_start3A_201 : memref<1x64xf32, #tpu.memory_space<hbm>> -> memref<64xf32, #tpu.memory_space<hbm>>
          tpu.enqueue_dma source(%dma_start3A_202 : memref<64xf32, #tpu.memory_space<hbm>>) target(%dma_start3A_199 : memref<64xf32, #tpu.memory_space<vmem>>) target_semaphore(%arg10 : memref<!tpu.dma_semaphore, #tpu.memory_space<semaphore_mem>>)
          %slice3A_203 = vector.extract_strided_slice %get3A_186 {offsets = [1], sizes = [1], strides = [1]} : vector<16xi32> to vector<1xi32>
          %squeeze3A_204 = vector.extract %slice3A_203[0] : i32 from vector<1xi32>
          %mul3A_205 = arith.constant 16 : i32
          %mul3A_206 = arith.muli %scan3A_179, %mul3A_205 : i32
          %add3A_207 = arith.constant 1 : i32
          %add3A_208 = arith.addi %mul3A_206, %add3A_207 : i32
          %dma_start3A_209 = arith.constant 3 : i32
          %dma_start3A_210 = arith.constant 0 : i32
          %dma_start3A_211 = tpu.memref_slice %arg6[%dma_start3A_209, %add3A_208, %dma_start3A_210] : memref<4x160x128xf32, #tpu.memory_space<vmem>> -> memref<1x1x64xf32, #tpu.memory_space<vmem>>
          %dma_start3A_212 = tpu.memref_squeeze %dma_start3A_211 : memref<1x1x64xf32, #tpu.memory_space<vmem>> -> memref<64xf32, #tpu.memory_space<vmem>>
          %dma_start3A_213 = arith.constant 0 : i32
          %dma_start3A_214 = tpu.memref_slice %arg3[%squeeze3A_204, %dma_start3A_213] : memref<1000000x64xf32, #tpu.memory_space<hbm>> -> memref<1x64xf32, #tpu.memory_space<hbm>>
          %dma_start3A_215 = tpu.memref_squeeze %dma_start3A_214 : memref<1x64xf32, #tpu.memory_space<hbm>> -> memref<64xf32, #tpu.memory_space<hbm>>
          %dma_start3A_216 = arith.constant 0 : i32
          %dma_start3A_217 = tpu.memref_slice %arg6[%dma_start3A_209, %add3A_208, %dma_start3A_216] : memref<4x160x128xf32, #tpu.memory_space<vmem>> -> memref<1x1x64xf32, #tpu.memory_space<vmem>>
          %dma_start3A_218 = tpu.memref_squeeze %dma_start3A_217 : memref<1x1x64xf32, #tpu.memory_space<vmem>> -> memref<64xf32, #tpu.memory_space<vmem>>
          %dma_start3A_219 = arith.constant 0 : i32
          %dma_start3A_220 = tpu.memref_slice %arg3[%squeeze3A_204, %dma_start3A_219] : memref<1000000x64xf32, #tpu.memory_space<hbm>> -> memref<1x64xf32, #tpu.memory_space<hbm>>
          %dma_start3A_221 = tpu.memref_squeeze %dma_start3A_220 : memref<1x64xf32, #tpu.memory_space<hbm>> -> memref<64xf32, #tpu.memory_space<hbm>>
          tpu.enqueue_dma source(%dma_start3A_221 : memref<64xf32, #tpu.memory_space<hbm>>) target(%dma_start3A_218 : memref<64xf32, #tpu.memory_space<vmem>>) target_semaphore(%arg10 : memref<!tpu.dma_semaphore, #tpu.memory_space<semaphore_mem>>)
          %slice3A_222 = vector.extract_strided_slice %get3A_186 {offsets = [2], sizes = [1], strides = [1]} : vector<16xi32> to vector<1xi32>
          %squeeze3A_223 = vector.extract %slice3A_222[0] : i32 from vector<1xi32>
          %mul3A_224 = arith.constant 16 : i32
          %mul3A_225 = arith.muli %scan3A_179, %mul3A_224 : i32
          %add3A_226 = arith.constant 2 : i32
          %add3A_227 = arith.addi %mul3A_225, %add3A_226 : i32
          %dma_start3A_228 = arith.constant 3 : i32
          %dma_start3A_229 = arith.constant 0 : i32
          %dma_start3A_230 = tpu.memref_slice %arg6[%dma_start3A_228, %add3A_227, %dma_start3A_229] : memref<4x160x128xf32, #tpu.memory_space<vmem>> -> memref<1x1x64xf32, #tpu.memory_space<vmem>>
          %dma_start3A_231 = tpu.memref_squeeze %dma_start3A_230 : memref<1x1x64xf32, #tpu.memory_space<vmem>> -> memref<64xf32, #tpu.memory_space<vmem>>
          %dma_start3A_232 = arith.constant 0 : i32
          %dma_start3A_233 = tpu.memref_slice %arg3[%squeeze3A_223, %dma_start3A_232] : memref<1000000x64xf32, #tpu.memory_space<hbm>> -> memref<1x64xf32, #tpu.memory_space<hbm>>
          %dma_start3A_234 = tpu.memref_squeeze %dma_start3A_233 : memref<1x64xf32, #tpu.memory_space<hbm>> -> memref<64xf32, #tpu.memory_space<hbm>>
          %dma_start3A_235 = arith.constant 0 : i32
          %dma_start3A_236 = tpu.memref_slice %arg6[%dma_start3A_228, %add3A_227, %dma_start3A_235] : memref<4x160x128xf32, #tpu.memory_space<vmem>> -> memref<1x1x64xf32, #tpu.memory_space<vmem>>
          %dma_start3A_237 = tpu.memref_squeeze %dma_start3A_236 : memref<1x1x64xf32, #tpu.memory_space<vmem>> -> memref<64xf32, #tpu.memory_space<vmem>>
          %dma_start3A_238 = arith.constant 0 : i32
          %dma_start3A_239 = tpu.memref_slice %arg3[%squeeze3A_223, %dma_start3A_238] : memref<1000000x64xf32, #tpu.memory_space<hbm>> -> memref<1x64xf32, #tpu.memory_space<hbm>>
          %dma_start3A_240 = tpu.memref_squeeze %dma_start3A_239 : memref<1x64xf32, #tpu.memory_space<hbm>> -> memref<64xf32, #tpu.memory_space<hbm>>
          tpu.enqueue_dma source(%dma_start3A_240 : memref<64xf32, #tpu.memory_space<hbm>>) target(%dma_start3A_237 : memref<64xf32, #tpu.memory_space<vmem>>) target_semaphore(%arg10 : memref<!tpu.dma_semaphore, #tpu.memory_space<semaphore_mem>>)
          %slice3A_241 = vector.extract_strided_slice %get3A_186 {offsets = [3], sizes = [1], strides = [1]} : vector<16xi32> to vector<1xi32>
          %squeeze3A_242 = vector.extract %slice3A_241[0] : i32 from vector<1xi32>
          %mul3A_243 = arith.constant 16 : i32
          %mul3A_244 = arith.muli %scan3A_179, %mul3A_243 : i32
          %add3A_245 = arith.constant 3 : i32
          %add3A_246 = arith.addi %mul3A_244, %add3A_245 : i32
          %dma_start3A_247 = arith.constant 3 : i32
          %dma_start3A_248 = arith.constant 0 : i32
          %dma_start3A_249 = tpu.memref_slice %arg6[%dma_start3A_247, %add3A_246, %dma_start3A_248] : memref<4x160x128xf32, #tpu.memory_space<vmem>> -> memref<1x1x64xf32, #tpu.memory_space<vmem>>
          %dma_start3A_250 = tpu.memref_squeeze %dma_start3A_249 : memref<1x1x64xf32, #tpu.memory_space<vmem>> -> memref<64xf32, #tpu.memory_space<vmem>>
          %dma_start3A_251 = arith.constant 0 : i32
          %dma_start3A_252 = tpu.memref_slice %arg3[%squeeze3A_242, %dma_start3A_251] : memref<1000000x64xf32, #tpu.memory_space<hbm>> -> memref<1x64xf32, #tpu.memory_space<hbm>>
          %dma_start3A_253 = tpu.memref_squeeze %dma_start3A_252 : memref<1x64xf32, #tpu.memory_space<hbm>> -> memref<64xf32, #tpu.memory_space<hbm>>
          %dma_start3A_254 = arith.constant 0 : i32
          %dma_start3A_255 = tpu.memref_slice %arg6[%dma_start3A_247, %add3A_246, %dma_start3A_254] : memref<4x160x128xf32, #tpu.memory_space<vmem>> -> memref<1x1x64xf32, #tpu.memory_space<vmem>>
          %dma_start3A_256 = tpu.memref_squeeze %dma_start3A_255 : memref<1x1x64xf32, #tpu.memory_space<vmem>> -> memref<64xf32, #tpu.memory_space<vmem>>
          %dma_start3A_257 = arith.constant 0 : i32
          %dma_start3A_258 = tpu.memref_slice %arg3[%squeeze3A_242, %dma_start3A_257] : memref<1000000x64xf32, #tpu.memory_space<hbm>> -> memref<1x64xf32, #tpu.memory_space<hbm>>
          %dma_start3A_259 = tpu.memref_squeeze %dma_start3A_258 : memref<1x64xf32, #tpu.memory_space<hbm>> -> memref<64xf32, #tpu.memory_space<hbm>>
          tpu.enqueue_dma source(%dma_start3A_259 : memref<64xf32, #tpu.memory_space<hbm>>) target(%dma_start3A_256 : memref<64xf32, #tpu.memory_space<vmem>>) target_semaphore(%arg10 : memref<!tpu.dma_semaphore, #tpu.memory_space<semaphore_mem>>)
          %slice3A_260 = vector.extract_strided_slice %get3A_186 {offsets = [4], sizes = [1], strides = [1]} : vector<16xi32> to vector<1xi32>
          %squeeze3A_261 = vector.extract %slice3A_260[0] : i32 from vector<1xi32>
          %mul3A_262 = arith.constant 16 : i32
          %mul3A_263 = arith.muli %scan3A_179, %mul3A_262 : i32
          %add3A_264 = arith.constant 4 : i32
          %add3A_265 = arith.addi %mul3A_263, %add3A_264 : i32
          %dma_start3A_266 = arith.constant 3 : i32
          %dma_start3A_267 = arith.constant 0 : i32
          %dma_start3A_268 = tpu.memref_slice %arg6[%dma_start3A_266, %add3A_265, %dma_start3A_267] : memref<4x160x128xf32, #tpu.memory_space<vmem>> -> memref<1x1x64xf32, #tpu.memory_space<vmem>>
          %dma_start3A_269 = tpu.memref_squeeze %dma_start3A_268 : memref<1x1x64xf32, #tpu.memory_space<vmem>> -> memref<64xf32, #tpu.memory_space<vmem>>
          %dma_start3A_270 = arith.constant 0 : i32
          %dma_start3A_271 = tpu.memref_slice %arg3[%squeeze3A_261, %dma_start3A_270] : memref<1000000x64xf32, #tpu.memory_space<hbm>> -> memref<1x64xf32, #tpu.memory_space<hbm>>
          %dma_start3A_272 = tpu.memref_squeeze %dma_start3A_271 : memref<1x64xf32, #tpu.memory_space<hbm>> -> memref<64xf32, #tpu.memory_space<hbm>>
          %dma_start3A_273 = arith.constant 0 : i32
          %dma_start3A_274 = tpu.memref_slice %arg6[%dma_start3A_266, %add3A_265, %dma_start3A_273] : memref<4x160x128xf32, #tpu.memory_space<vmem>> -> memref<1x1x64xf32, #tpu.memory_space<vmem>>
          %dma_start3A_275 = tpu.memref_squeeze %dma_start3A_274 : memref<1x1x64xf32, #tpu.memory_space<vmem>> -> memref<64xf32, #tpu.memory_space<vmem>>
          %dma_start3A_276 = arith.constant 0 : i32
          %dma_start3A_277 = tpu.memref_slice %arg3[%squeeze3A_261, %dma_start3A_276] : memref<1000000x64xf32, #tpu.memory_space<hbm>> -> memref<1x64xf32, #tpu.memory_space<hbm>>
          %dma_start3A_278 = tpu.memref_squeeze %dma_start3A_277 : memref<1x64xf32, #tpu.memory_space<hbm>> -> memref<64xf32, #tpu.memory_space<hbm>>
          tpu.enqueue_dma source(%dma_start3A_278 : memref<64xf32, #tpu.memory_space<hbm>>) target(%dma_start3A_275 : memref<64xf32, #tpu.memory_space<vmem>>) target_semaphore(%arg10 : memref<!tpu.dma_semaphore, #tpu.memory_space<semaphore_mem>>)
          %slice3A_279 = vector.extract_strided_slice %get3A_186 {offsets = [5], sizes = [1], strides = [1]} : vector<16xi32> to vector<1xi32>
          %squeeze3A_280 = vector.extract %slice3A_279[0] : i32 from vector<1xi32>
          %mul3A_281 = arith.constant 16 : i32
          %mul3A_282 = arith.muli %scan3A_179, %mul3A_281 : i32
          %add3A_283 = arith.constant 5 : i32
          %add3A_284 = arith.addi %mul3A_282, %add3A_283 : i32
          %dma_start3A_285 = arith.constant 3 : i32
          %dma_start3A_286 = arith.constant 0 : i32
          %dma_start3A_287 = tpu.memref_slice %arg6[%dma_start3A_285, %add3A_284, %dma_start3A_286] : memref<4x160x128xf32, #tpu.memory_space<vmem>> -> memref<1x1x64xf32, #tpu.memory_space<vmem>>
          %dma_start3A_288 = tpu.memref_squeeze %dma_start3A_287 : memref<1x1x64xf32, #tpu.memory_space<vmem>> -> memref<64xf32, #tpu.memory_space<vmem>>
          %dma_start3A_289 = arith.constant 0 : i32
          %dma_start3A_290 = tpu.memref_slice %arg3[%squeeze3A_280, %dma_start3A_289] : memref<1000000x64xf32, #tpu.memory_space<hbm>> -> memref<1x64xf32, #tpu.memory_space<hbm>>
          %dma_start3A_291 = tpu.memref_squeeze %dma_start3A_290 : memref<1x64xf32, #tpu.memory_space<hbm>> -> memref<64xf32, #tpu.memory_space<hbm>>
          %dma_start3A_292 = arith.constant 0 : i32
          %dma_start3A_293 = tpu.memref_slice %arg6[%dma_start3A_285, %add3A_284, %dma_start3A_292] : memref<4x160x128xf32, #tpu.memory_space<vmem>> -> memref<1x1x64xf32, #tpu.memory_space<vmem>>
          %dma_start3A_294 = tpu.memref_squeeze %dma_start3A_293 : memref<1x1x64xf32, #tpu.memory_space<vmem>> -> memref<64xf32, #tpu.memory_space<vmem>>
          %dma_start3A_295 = arith.constant 0 : i32
          %dma_start3A_296 = tpu.memref_slice %arg3[%squeeze3A_280, %dma_start3A_295] : memref<1000000x64xf32, #tpu.memory_space<hbm>> -> memref<1x64xf32, #tpu.memory_space<hbm>>
          %dma_start3A_297 = tpu.memref_squeeze %dma_start3A_296 : memref<1x64xf32, #tpu.memory_space<hbm>> -> memref<64xf32, #tpu.memory_space<hbm>>
          tpu.enqueue_dma source(%dma_start3A_297 : memref<64xf32, #tpu.memory_space<hbm>>) target(%dma_start3A_294 : memref<64xf32, #tpu.memory_space<vmem>>) target_semaphore(%arg10 : memref<!tpu.dma_semaphore, #tpu.memory_space<semaphore_mem>>)
          %slice3A_298 = vector.extract_strided_slice %get3A_186 {offsets = [6], sizes = [1], strides = [1]} : vector<16xi32> to vector<1xi32>
          %squeeze3A_299 = vector.extract %slice3A_298[0] : i32 from vector<1xi32>
          %mul3A_300 = arith.constant 16 : i32
          %mul3A_301 = arith.muli %scan3A_179, %mul3A_300 : i32
          %add3A_302 = arith.constant 6 : i32
          %add3A_303 = arith.addi %mul3A_301, %add3A_302 : i32
          %dma_start3A_304 = arith.constant 3 : i32
          %dma_start3A_305 = arith.constant 0 : i32
          %dma_start3A_306 = tpu.memref_slice %arg6[%dma_start3A_304, %add3A_303, %dma_start3A_305] : memref<4x160x128xf32, #tpu.memory_space<vmem>> -> memref<1x1x64xf32, #tpu.memory_space<vmem>>
          %dma_start3A_307 = tpu.memref_squeeze %dma_start3A_306 : memref<1x1x64xf32, #tpu.memory_space<vmem>> -> memref<64xf32, #tpu.memory_space<vmem>>
          %dma_start3A_308 = arith.constant 0 : i32
          %dma_start3A_309 = tpu.memref_slice %arg3[%squeeze3A_299, %dma_start3A_308] : memref<1000000x64xf32, #tpu.memory_space<hbm>> -> memref<1x64xf32, #tpu.memory_space<hbm>>
          %dma_start3A_310 = tpu.memref_squeeze %dma_start3A_309 : memref<1x64xf32, #tpu.memory_space<hbm>> -> memref<64xf32, #tpu.memory_space<hbm>>
          %dma_start3A_311 = arith.constant 0 : i32
          %dma_start3A_312 = tpu.memref_slice %arg6[%dma_start3A_304, %add3A_303, %dma_start3A_311] : memref<4x160x128xf32, #tpu.memory_space<vmem>> -> memref<1x1x64xf32, #tpu.memory_space<vmem>>
          %dma_start3A_313 = tpu.memref_squeeze %dma_start3A_312 : memref<1x1x64xf32, #tpu.memory_space<vmem>> -> memref<64xf32, #tpu.memory_space<vmem>>
          %dma_start3A_314 = arith.constant 0 : i32
          %dma_start3A_315 = tpu.memref_slice %arg3[%squeeze3A_299, %dma_start3A_314] : memref<1000000x64xf32, #tpu.memory_space<hbm>> -> memref<1x64xf32, #tpu.memory_space<hbm>>
          %dma_start3A_316 = tpu.memref_squeeze %dma_start3A_315 : memref<1x64xf32, #tpu.memory_space<hbm>> -> memref<64xf32, #tpu.memory_space<hbm>>
          tpu.enqueue_dma source(%dma_start3A_316 : memref<64xf32, #tpu.memory_space<hbm>>) target(%dma_start3A_313 : memref<64xf32, #tpu.memory_space<vmem>>) target_semaphore(%arg10 : memref<!tpu.dma_semaphore, #tpu.memory_space<semaphore_mem>>)
          %slice3A_317 = vector.extract_strided_slice %get3A_186 {offsets = [7], sizes = [1], strides = [1]} : vector<16xi32> to vector<1xi32>
          %squeeze3A_318 = vector.extract %slice3A_317[0] : i32 from vector<1xi32>
          %mul3A_319 = arith.constant 16 : i32
          %mul3A_320 = arith.muli %scan3A_179, %mul3A_319 : i32
          %add3A_321 = arith.constant 7 : i32
          %add3A_322 = arith.addi %mul3A_320, %add3A_321 : i32
          %dma_start3A_323 = arith.constant 3 : i32
          %dma_start3A_324 = arith.constant 0 : i32
          %dma_start3A_325 = tpu.memref_slice %arg6[%dma_start3A_323, %add3A_322, %dma_start3A_324] : memref<4x160x128xf32, #tpu.memory_space<vmem>> -> memref<1x1x64xf32, #tpu.memory_space<vmem>>
          %dma_start3A_326 = tpu.memref_squeeze %dma_start3A_325 : memref<1x1x64xf32, #tpu.memory_space<vmem>> -> memref<64xf32, #tpu.memory_space<vmem>>
          %dma_start3A_327 = arith.constant 0 : i32
          %dma_start3A_328 = tpu.memref_slice %arg3[%squeeze3A_318, %dma_start3A_327] : memref<1000000x64xf32, #tpu.memory_space<hbm>> -> memref<1x64xf32, #tpu.memory_space<hbm>>
          %dma_start3A_329 = tpu.memref_squeeze %dma_start3A_328 : memref<1x64xf32, #tpu.memory_space<hbm>> -> memref<64xf32, #tpu.memory_space<hbm>>
          %dma_start3A_330 = arith.constant 0 : i32
          %dma_start3A_331 = tpu.memref_slice %arg6[%dma_start3A_323, %add3A_322, %dma_start3A_330] : memref<4x160x128xf32, #tpu.memory_space<vmem>> -> memref<1x1x64xf32, #tpu.memory_space<vmem>>
          %dma_start3A_332 = tpu.memref_squeeze %dma_start3A_331 : memref<1x1x64xf32, #tpu.memory_space<vmem>> -> memref<64xf32, #tpu.memory_space<vmem>>
          %dma_start3A_333 = arith.constant 0 : i32
          %dma_start3A_334 = tpu.memref_slice %arg3[%squeeze3A_318, %dma_start3A_333] : memref<1000000x64xf32, #tpu.memory_space<hbm>> -> memref<1x64xf32, #tpu.memory_space<hbm>>
          %dma_start3A_335 = tpu.memref_squeeze %dma_start3A_334 : memref<1x64xf32, #tpu.memory_space<hbm>> -> memref<64xf32, #tpu.memory_space<hbm>>
          tpu.enqueue_dma source(%dma_start3A_335 : memref<64xf32, #tpu.memory_space<hbm>>) target(%dma_start3A_332 : memref<64xf32, #tpu.memory_space<vmem>>) target_semaphore(%arg10 : memref<!tpu.dma_semaphore, #tpu.memory_space<semaphore_mem>>)
          %slice3A_336 = vector.extract_strided_slice %get3A_186 {offsets = [8], sizes = [1], strides = [1]} : vector<16xi32> to vector<1xi32>
          %squeeze3A_337 = vector.extract %slice3A_336[0] : i32 from vector<1xi32>
          %mul3A_338 = arith.constant 16 : i32
          %mul3A_339 = arith.muli %scan3A_179, %mul3A_338 : i32
          %add3A_340 = arith.constant 8 : i32
          %add3A_341 = arith.addi %mul3A_339, %add3A_340 : i32
          %dma_start3A_342 = arith.constant 3 : i32
          %dma_start3A_343 = arith.constant 0 : i32
          %dma_start3A_344 = tpu.memref_slice %arg6[%dma_start3A_342, %add3A_341, %dma_start3A_343] : memref<4x160x128xf32, #tpu.memory_space<vmem>> -> memref<1x1x64xf32, #tpu.memory_space<vmem>>
          %dma_start3A_345 = tpu.memref_squeeze %dma_start3A_344 : memref<1x1x64xf32, #tpu.memory_space<vmem>> -> memref<64xf32, #tpu.memory_space<vmem>>
          %dma_start3A_346 = arith.constant 0 : i32
          %dma_start3A_347 = tpu.memref_slice %arg3[%squeeze3A_337, %dma_start3A_346] : memref<1000000x64xf32, #tpu.memory_space<hbm>> -> memref<1x64xf32, #tpu.memory_space<hbm>>
          %dma_start3A_348 = tpu.memref_squeeze %dma_start3A_347 : memref<1x64xf32, #tpu.memory_space<hbm>> -> memref<64xf32, #tpu.memory_space<hbm>>
          %dma_start3A_349 = arith.constant 0 : i32
          %dma_start3A_350 = tpu.memref_slice %arg6[%dma_start3A_342, %add3A_341, %dma_start3A_349] : memref<4x160x128xf32, #tpu.memory_space<vmem>> -> memref<1x1x64xf32, #tpu.memory_space<vmem>>
          %dma_start3A_351 = tpu.memref_squeeze %dma_start3A_350 : memref<1x1x64xf32, #tpu.memory_space<vmem>> -> memref<64xf32, #tpu.memory_space<vmem>>
          %dma_start3A_352 = arith.constant 0 : i32
          %dma_start3A_353 = tpu.memref_slice %arg3[%squeeze3A_337, %dma_start3A_352] : memref<1000000x64xf32, #tpu.memory_space<hbm>> -> memref<1x64xf32, #tpu.memory_space<hbm>>
          %dma_start3A_354 = tpu.memref_squeeze %dma_start3A_353 : memref<1x64xf32, #tpu.memory_space<hbm>> -> memref<64xf32, #tpu.memory_space<hbm>>
          tpu.enqueue_dma source(%dma_start3A_354 : memref<64xf32, #tpu.memory_space<hbm>>) target(%dma_start3A_351 : memref<64xf32, #tpu.memory_space<vmem>>) target_semaphore(%arg10 : memref<!tpu.dma_semaphore, #tpu.memory_space<semaphore_mem>>)
          %slice3A_355 = vector.extract_strided_slice %get3A_186 {offsets = [9], sizes = [1], strides = [1]} : vector<16xi32> to vector<1xi32>
          %squeeze3A_356 = vector.extract %slice3A_355[0] : i32 from vector<1xi32>
          %mul3A_357 = arith.constant 16 : i32
          %mul3A_358 = arith.muli %scan3A_179, %mul3A_357 : i32
          %add3A_359 = arith.constant 9 : i32
          %add3A_360 = arith.addi %mul3A_358, %add3A_359 : i32
          %dma_start3A_361 = arith.constant 3 : i32
          %dma_start3A_362 = arith.constant 0 : i32
          %dma_start3A_363 = tpu.memref_slice %arg6[%dma_start3A_361, %add3A_360, %dma_start3A_362] : memref<4x160x128xf32, #tpu.memory_space<vmem>> -> memref<1x1x64xf32, #tpu.memory_space<vmem>>
          %dma_start3A_364 = tpu.memref_squeeze %dma_start3A_363 : memref<1x1x64xf32, #tpu.memory_space<vmem>> -> memref<64xf32, #tpu.memory_space<vmem>>
          %dma_start3A_365 = arith.constant 0 : i32
          %dma_start3A_366 = tpu.memref_slice %arg3[%squeeze3A_356, %dma_start3A_365] : memref<1000000x64xf32, #tpu.memory_space<hbm>> -> memref<1x64xf32, #tpu.memory_space<hbm>>
          %dma_start3A_367 = tpu.memref_squeeze %dma_start3A_366 : memref<1x64xf32, #tpu.memory_space<hbm>> -> memref<64xf32, #tpu.memory_space<hbm>>
          %dma_start3A_368 = arith.constant 0 : i32
          %dma_start3A_369 = tpu.memref_slice %arg6[%dma_start3A_361, %add3A_360, %dma_start3A_368] : memref<4x160x128xf32, #tpu.memory_space<vmem>> -> memref<1x1x64xf32, #tpu.memory_space<vmem>>
          %dma_start3A_370 = tpu.memref_squeeze %dma_start3A_369 : memref<1x1x64xf32, #tpu.memory_space<vmem>> -> memref<64xf32, #tpu.memory_space<vmem>>
          %dma_start3A_371 = arith.constant 0 : i32
          %dma_start3A_372 = tpu.memref_slice %arg3[%squeeze3A_356, %dma_start3A_371] : memref<1000000x64xf32, #tpu.memory_space<hbm>> -> memref<1x64xf32, #tpu.memory_space<hbm>>
          %dma_start3A_373 = tpu.memref_squeeze %dma_start3A_372 : memref<1x64xf32, #tpu.memory_space<hbm>> -> memref<64xf32, #tpu.memory_space<hbm>>
          tpu.enqueue_dma source(%dma_start3A_373 : memref<64xf32, #tpu.memory_space<hbm>>) target(%dma_start3A_370 : memref<64xf32, #tpu.memory_space<vmem>>) target_semaphore(%arg10 : memref<!tpu.dma_semaphore, #tpu.memory_space<semaphore_mem>>)
          %slice3A_374 = vector.extract_strided_slice %get3A_186 {offsets = [10], sizes = [1], strides = [1]} : vector<16xi32> to vector<1xi32>
          %squeeze3A_375 = vector.extract %slice3A_374[0] : i32 from vector<1xi32>
          %mul3A_376 = arith.constant 16 : i32
          %mul3A_377 = arith.muli %scan3A_179, %mul3A_376 : i32
          %add3A_378 = arith.constant 10 : i32
          %add3A_379 = arith.addi %mul3A_377, %add3A_378 : i32
          %dma_start3A_380 = arith.constant 3 : i32
          %dma_start3A_381 = arith.constant 0 : i32
          %dma_start3A_382 = tpu.memref_slice %arg6[%dma_start3A_380, %add3A_379, %dma_start3A_381] : memref<4x160x128xf32, #tpu.memory_space<vmem>> -> memref<1x1x64xf32, #tpu.memory_space<vmem>>
          %dma_start3A_383 = tpu.memref_squeeze %dma_start3A_382 : memref<1x1x64xf32, #tpu.memory_space<vmem>> -> memref<64xf32, #tpu.memory_space<vmem>>
          %dma_start3A_384 = arith.constant 0 : i32
          %dma_start3A_385 = tpu.memref_slice %arg3[%squeeze3A_375, %dma_start3A_384] : memref<1000000x64xf32, #tpu.memory_space<hbm>> -> memref<1x64xf32, #tpu.memory_space<hbm>>
          %dma_start3A_386 = tpu.memref_squeeze %dma_start3A_385 : memref<1x64xf32, #tpu.memory_space<hbm>> -> memref<64xf32, #tpu.memory_space<hbm>>
          %dma_start3A_387 = arith.constant 0 : i32
          %dma_start3A_388 = tpu.memref_slice %arg6[%dma_start3A_380, %add3A_379, %dma_start3A_387] : memref<4x160x128xf32, #tpu.memory_space<vmem>> -> memref<1x1x64xf32, #tpu.memory_space<vmem>>
          %dma_start3A_389 = tpu.memref_squeeze %dma_start3A_388 : memref<1x1x64xf32, #tpu.memory_space<vmem>> -> memref<64xf32, #tpu.memory_space<vmem>>
          %dma_start3A_390 = arith.constant 0 : i32
          %dma_start3A_391 = tpu.memref_slice %arg3[%squeeze3A_375, %dma_start3A_390] : memref<1000000x64xf32, #tpu.memory_space<hbm>> -> memref<1x64xf32, #tpu.memory_space<hbm>>
          %dma_start3A_392 = tpu.memref_squeeze %dma_start3A_391 : memref<1x64xf32, #tpu.memory_space<hbm>> -> memref<64xf32, #tpu.memory_space<hbm>>
          tpu.enqueue_dma source(%dma_start3A_392 : memref<64xf32, #tpu.memory_space<hbm>>) target(%dma_start3A_389 : memref<64xf32, #tpu.memory_space<vmem>>) target_semaphore(%arg10 : memref<!tpu.dma_semaphore, #tpu.memory_space<semaphore_mem>>)
          %slice3A_393 = vector.extract_strided_slice %get3A_186 {offsets = [11], sizes = [1], strides = [1]} : vector<16xi32> to vector<1xi32>
          %squeeze3A_394 = vector.extract %slice3A_393[0] : i32 from vector<1xi32>
          %mul3A_395 = arith.constant 16 : i32
          %mul3A_396 = arith.muli %scan3A_179, %mul3A_395 : i32
          %add3A_397 = arith.constant 11 : i32
          %add3A_398 = arith.addi %mul3A_396, %add3A_397 : i32
          %dma_start3A_399 = arith.constant 3 : i32
          %dma_start3A_400 = arith.constant 0 : i32
          %dma_start3A_401 = tpu.memref_slice %arg6[%dma_start3A_399, %add3A_398, %dma_start3A_400] : memref<4x160x128xf32, #tpu.memory_space<vmem>> -> memref<1x1x64xf32, #tpu.memory_space<vmem>>
          %dma_start3A_402 = tpu.memref_squeeze %dma_start3A_401 : memref<1x1x64xf32, #tpu.memory_space<vmem>> -> memref<64xf32, #tpu.memory_space<vmem>>
          %dma_start3A_403 = arith.constant 0 : i32
          %dma_start3A_404 = tpu.memref_slice %arg3[%squeeze3A_394, %dma_start3A_403] : memref<1000000x64xf32, #tpu.memory_space<hbm>> -> memref<1x64xf32, #tpu.memory_space<hbm>>
          %dma_start3A_405 = tpu.memref_squeeze %dma_start3A_404 : memref<1x64xf32, #tpu.memory_space<hbm>> -> memref<64xf32, #tpu.memory_space<hbm>>
          %dma_start3A_406 = arith.constant 0 : i32
          %dma_start3A_407 = tpu.memref_slice %arg6[%dma_start3A_399, %add3A_398, %dma_start3A_406] : memref<4x160x128xf32, #tpu.memory_space<vmem>> -> memref<1x1x64xf32, #tpu.memory_space<vmem>>
          %dma_start3A_408 = tpu.memref_squeeze %dma_start3A_407 : memref<1x1x64xf32, #tpu.memory_space<vmem>> -> memref<64xf32, #tpu.memory_space<vmem>>
          %dma_start3A_409 = arith.constant 0 : i32
          %dma_start3A_410 = tpu.memref_slice %arg3[%squeeze3A_394, %dma_start3A_409] : memref<1000000x64xf32, #tpu.memory_space<hbm>> -> memref<1x64xf32, #tpu.memory_space<hbm>>
          %dma_start3A_411 = tpu.memref_squeeze %dma_start3A_410 : memref<1x64xf32, #tpu.memory_space<hbm>> -> memref<64xf32, #tpu.memory_space<hbm>>
          tpu.enqueue_dma source(%dma_start3A_411 : memref<64xf32, #tpu.memory_space<hbm>>) target(%dma_start3A_408 : memref<64xf32, #tpu.memory_space<vmem>>) target_semaphore(%arg10 : memref<!tpu.dma_semaphore, #tpu.memory_space<semaphore_mem>>)
          %slice3A_412 = vector.extract_strided_slice %get3A_186 {offsets = [12], sizes = [1], strides = [1]} : vector<16xi32> to vector<1xi32>
          %squeeze3A_413 = vector.extract %slice3A_412[0] : i32 from vector<1xi32>
          %mul3A_414 = arith.constant 16 : i32
          %mul3A_415 = arith.muli %scan3A_179, %mul3A_414 : i32
          %add3A_416 = arith.constant 12 : i32
          %add3A_417 = arith.addi %mul3A_415, %add3A_416 : i32
          %dma_start3A_418 = arith.constant 3 : i32
          %dma_start3A_419 = arith.constant 0 : i32
          %dma_start3A_420 = tpu.memref_slice %arg6[%dma_start3A_418, %add3A_417, %dma_start3A_419] : memref<4x160x128xf32, #tpu.memory_space<vmem>> -> memref<1x1x64xf32, #tpu.memory_space<vmem>>
          %dma_start3A_421 = tpu.memref_squeeze %dma_start3A_420 : memref<1x1x64xf32, #tpu.memory_space<vmem>> -> memref<64xf32, #tpu.memory_space<vmem>>
          %dma_start3A_422 = arith.constant 0 : i32
          %dma_start3A_423 = tpu.memref_slice %arg3[%squeeze3A_413, %dma_start3A_422] : memref<1000000x64xf32, #tpu.memory_space<hbm>> -> memref<1x64xf32, #tpu.memory_space<hbm>>
          %dma_start3A_424 = tpu.memref_squeeze %dma_start3A_423 : memref<1x64xf32, #tpu.memory_space<hbm>> -> memref<64xf32, #tpu.memory_space<hbm>>
          %dma_start3A_425 = arith.constant 0 : i32
          %dma_start3A_426 = tpu.memref_slice %arg6[%dma_start3A_418, %add3A_417, %dma_start3A_425] : memref<4x160x128xf32, #tpu.memory_space<vmem>> -> memref<1x1x64xf32, #tpu.memory_space<vmem>>
          %dma_start3A_427 = tpu.memref_squeeze %dma_start3A_426 : memref<1x1x64xf32, #tpu.memory_space<vmem>> -> memref<64xf32, #tpu.memory_space<vmem>>
          %dma_start3A_428 = arith.constant 0 : i32
          %dma_start3A_429 = tpu.memref_slice %arg3[%squeeze3A_413, %dma_start3A_428] : memref<1000000x64xf32, #tpu.memory_space<hbm>> -> memref<1x64xf32, #tpu.memory_space<hbm>>
          %dma_start3A_430 = tpu.memref_squeeze %dma_start3A_429 : memref<1x64xf32, #tpu.memory_space<hbm>> -> memref<64xf32, #tpu.memory_space<hbm>>
          tpu.enqueue_dma source(%dma_start3A_430 : memref<64xf32, #tpu.memory_space<hbm>>) target(%dma_start3A_427 : memref<64xf32, #tpu.memory_space<vmem>>) target_semaphore(%arg10 : memref<!tpu.dma_semaphore, #tpu.memory_space<semaphore_mem>>)
          %slice3A_431 = vector.extract_strided_slice %get3A_186 {offsets = [13], sizes = [1], strides = [1]} : vector<16xi32> to vector<1xi32>
          %squeeze3A_432 = vector.extract %slice3A_431[0] : i32 from vector<1xi32>
          %mul3A_433 = arith.constant 16 : i32
          %mul3A_434 = arith.muli %scan3A_179, %mul3A_433 : i32
          %add3A_435 = arith.constant 13 : i32
          %add3A_436 = arith.addi %mul3A_434, %add3A_435 : i32
          %dma_start3A_437 = arith.constant 3 : i32
          %dma_start3A_438 = arith.constant 0 : i32
          %dma_start3A_439 = tpu.memref_slice %arg6[%dma_start3A_437, %add3A_436, %dma_start3A_438] : memref<4x160x128xf32, #tpu.memory_space<vmem>> -> memref<1x1x64xf32, #tpu.memory_space<vmem>>
          %dma_start3A_440 = tpu.memref_squeeze %dma_start3A_439 : memref<1x1x64xf32, #tpu.memory_space<vmem>> -> memref<64xf32, #tpu.memory_space<vmem>>
          %dma_start3A_441 = arith.constant 0 : i32
          %dma_start3A_442 = tpu.memref_slice %arg3[%squeeze3A_432, %dma_start3A_441] : memref<1000000x64xf32, #tpu.memory_space<hbm>> -> memref<1x64xf32, #tpu.memory_space<hbm>>
          %dma_start3A_443 = tpu.memref_squeeze %dma_start3A_442 : memref<1x64xf32, #tpu.memory_space<hbm>> -> memref<64xf32, #tpu.memory_space<hbm>>
          %dma_start3A_444 = arith.constant 0 : i32
          %dma_start3A_445 = tpu.memref_slice %arg6[%dma_start3A_437, %add3A_436, %dma_start3A_444] : memref<4x160x128xf32, #tpu.memory_space<vmem>> -> memref<1x1x64xf32, #tpu.memory_space<vmem>>
          %dma_start3A_446 = tpu.memref_squeeze %dma_start3A_445 : memref<1x1x64xf32, #tpu.memory_space<vmem>> -> memref<64xf32, #tpu.memory_space<vmem>>
          %dma_start3A_447 = arith.constant 0 : i32
          %dma_start3A_448 = tpu.memref_slice %arg3[%squeeze3A_432, %dma_start3A_447] : memref<1000000x64xf32, #tpu.memory_space<hbm>> -> memref<1x64xf32, #tpu.memory_space<hbm>>
          %dma_start3A_449 = tpu.memref_squeeze %dma_start3A_448 : memref<1x64xf32, #tpu.memory_space<hbm>> -> memref<64xf32, #tpu.memory_space<hbm>>
          tpu.enqueue_dma source(%dma_start3A_449 : memref<64xf32, #tpu.memory_space<hbm>>) target(%dma_start3A_446 : memref<64xf32, #tpu.memory_space<vmem>>) target_semaphore(%arg10 : memref<!tpu.dma_semaphore, #tpu.memory_space<semaphore_mem>>)
          %slice3A_450 = vector.extract_strided_slice %get3A_186 {offsets = [14], sizes = [1], strides = [1]} : vector<16xi32> to vector<1xi32>
          %squeeze3A_451 = vector.extract %slice3A_450[0] : i32 from vector<1xi32>
          %mul3A_452 = arith.constant 16 : i32
          %mul3A_453 = arith.muli %scan3A_179, %mul3A_452 : i32
          %add3A_454 = arith.constant 14 : i32
          %add3A_455 = arith.addi %mul3A_453, %add3A_454 : i32
          %dma_start3A_456 = arith.constant 3 : i32
          %dma_start3A_457 = arith.constant 0 : i32
          %dma_start3A_458 = tpu.memref_slice %arg6[%dma_start3A_456, %add3A_455, %dma_start3A_457] : memref<4x160x128xf32, #tpu.memory_space<vmem>> -> memref<1x1x64xf32, #tpu.memory_space<vmem>>
          %dma_start3A_459 = tpu.memref_squeeze %dma_start3A_458 : memref<1x1x64xf32, #tpu.memory_space<vmem>> -> memref<64xf32, #tpu.memory_space<vmem>>
          %dma_start3A_460 = arith.constant 0 : i32
          %dma_start3A_461 = tpu.memref_slice %arg3[%squeeze3A_451, %dma_start3A_460] : memref<1000000x64xf32, #tpu.memory_space<hbm>> -> memref<1x64xf32, #tpu.memory_space<hbm>>
          %dma_start3A_462 = tpu.memref_squeeze %dma_start3A_461 : memref<1x64xf32, #tpu.memory_space<hbm>> -> memref<64xf32, #tpu.memory_space<hbm>>
          %dma_start3A_463 = arith.constant 0 : i32
          %dma_start3A_464 = tpu.memref_slice %arg6[%dma_start3A_456, %add3A_455, %dma_start3A_463] : memref<4x160x128xf32, #tpu.memory_space<vmem>> -> memref<1x1x64xf32, #tpu.memory_space<vmem>>
          %dma_start3A_465 = tpu.memref_squeeze %dma_start3A_464 : memref<1x1x64xf32, #tpu.memory_space<vmem>> -> memref<64xf32, #tpu.memory_space<vmem>>
          %dma_start3A_466 = arith.constant 0 : i32
          %dma_start3A_467 = tpu.memref_slice %arg3[%squeeze3A_451, %dma_start3A_466] : memref<1000000x64xf32, #tpu.memory_space<hbm>> -> memref<1x64xf32, #tpu.memory_space<hbm>>
          %dma_start3A_468 = tpu.memref_squeeze %dma_start3A_467 : memref<1x64xf32, #tpu.memory_space<hbm>> -> memref<64xf32, #tpu.memory_space<hbm>>
          tpu.enqueue_dma source(%dma_start3A_468 : memref<64xf32, #tpu.memory_space<hbm>>) target(%dma_start3A_465 : memref<64xf32, #tpu.memory_space<vmem>>) target_semaphore(%arg10 : memref<!tpu.dma_semaphore, #tpu.memory_space<semaphore_mem>>)
          %slice3A_469 = vector.extract_strided_slice %get3A_186 {offsets = [15], sizes = [1], strides = [1]} : vector<16xi32> to vector<1xi32>
          %squeeze3A_470 = vector.extract %slice3A_469[0] : i32 from vector<1xi32>
          %mul3A_471 = arith.constant 16 : i32
          %mul3A_472 = arith.muli %scan3A_179, %mul3A_471 : i32
          %add3A_473 = arith.constant 15 : i32
          %add3A_474 = arith.addi %mul3A_472, %add3A_473 : i32
          %dma_start3A_475 = arith.constant 3 : i32
          %dma_start3A_476 = arith.constant 0 : i32
          %dma_start3A_477 = tpu.memref_slice %arg6[%dma_start3A_475, %add3A_474, %dma_start3A_476] : memref<4x160x128xf32, #tpu.memory_space<vmem>> -> memref<1x1x64xf32, #tpu.memory_space<vmem>>
          %dma_start3A_478 = tpu.memref_squeeze %dma_start3A_477 : memref<1x1x64xf32, #tpu.memory_space<vmem>> -> memref<64xf32, #tpu.memory_space<vmem>>
          %dma_start3A_479 = arith.constant 0 : i32
          %dma_start3A_480 = tpu.memref_slice %arg3[%squeeze3A_470, %dma_start3A_479] : memref<1000000x64xf32, #tpu.memory_space<hbm>> -> memref<1x64xf32, #tpu.memory_space<hbm>>
          %dma_start3A_481 = tpu.memref_squeeze %dma_start3A_480 : memref<1x64xf32, #tpu.memory_space<hbm>> -> memref<64xf32, #tpu.memory_space<hbm>>
          %dma_start3A_482 = arith.constant 0 : i32
          %dma_start3A_483 = tpu.memref_slice %arg6[%dma_start3A_475, %add3A_474, %dma_start3A_482] : memref<4x160x128xf32, #tpu.memory_space<vmem>> -> memref<1x1x64xf32, #tpu.memory_space<vmem>>
          %dma_start3A_484 = tpu.memref_squeeze %dma_start3A_483 : memref<1x1x64xf32, #tpu.memory_space<vmem>> -> memref<64xf32, #tpu.memory_space<vmem>>
          %dma_start3A_485 = arith.constant 0 : i32
          %dma_start3A_486 = tpu.memref_slice %arg3[%squeeze3A_470, %dma_start3A_485] : memref<1000000x64xf32, #tpu.memory_space<hbm>> -> memref<1x64xf32, #tpu.memory_space<hbm>>
          %dma_start3A_487 = tpu.memref_squeeze %dma_start3A_486 : memref<1x64xf32, #tpu.memory_space<hbm>> -> memref<64xf32, #tpu.memory_space<hbm>>
          tpu.enqueue_dma source(%dma_start3A_487 : memref<64xf32, #tpu.memory_space<hbm>>) target(%dma_start3A_484 : memref<64xf32, #tpu.memory_space<vmem>>) target_semaphore(%arg10 : memref<!tpu.dma_semaphore, #tpu.memory_space<semaphore_mem>>)
        }
        %scan3A_178 = arith.constant 10 : i32
      } else {
      }
      %ge3A_160 = arith.constant 0 : i32
      %ge3A_161 = arith.cmpi sge, %sub3A_154, %ge3A_160 : i32
      %lt3A_162 = arith.constant 64 : i32
      %lt3A_163 = arith.cmpi slt, %sub3A_154, %lt3A_162 : i32
      %and3A_164 = arith.andi %ge3A_161, %lt3A_163 : i1
      %convert_element_type3A_165 = arith.extui %and3A_164 : i1 to i32
      %cond3A_166 = arith.constant 0 : i32
      %cond3A_167 = arith.cmpi ne, %convert_element_type3A_165, %cond3A_166 : i32
      scf.if %cond3A_167 {
        %scan3A_168 = arith.constant 0 : i32
        %scan3A_169 = arith.constant 0 : i32
        %scan3A_170 = arith.constant 10 : i32
        %scan3A_171 = arith.addi %scan3A_169, %scan3A_170 : i32
        %scan3A_172 = arith.constant 1 : i32
        scf.for %scan3A_197 = %scan3A_169 to %scan3A_171 step %scan3A_172  : i32 {
          %dma_wait3A_198 = arith.constant 0 : i32
          %dma_wait3A_199 = arith.constant 1 : i32
          %dma_wait3A_200 = arith.constant 0 : i32
          %dma_wait3A_201 = arith.constant 0 : i32
          %dma_wait3A_202 = tpu.memref_slice %arg6[%dma_wait3A_199, %dma_wait3A_200, %dma_wait3A_201] : memref<4x160x128xf32, #tpu.memory_space<vmem>> -> memref<1x1x64xf32, #tpu.memory_space<vmem>>
          %dma_wait3A_203 = tpu.memref_squeeze %dma_wait3A_202 : memref<1x1x64xf32, #tpu.memory_space<vmem>> -> memref<64xf32, #tpu.memory_space<vmem>>
          %dma_wait3A_204 = arith.constant 0 : i32
          %dma_wait3A_205 = tpu.memref_slice %arg3[%dma_wait3A_198, %dma_wait3A_204] : memref<1000000x64xf32, #tpu.memory_space<hbm>> -> memref<1x64xf32, #tpu.memory_space<hbm>>
          %dma_wait3A_206 = tpu.memref_squeeze %dma_wait3A_205 : memref<1x64xf32, #tpu.memory_space<hbm>> -> memref<64xf32, #tpu.memory_space<hbm>>
          %dma_wait3A_207 = arith.constant 0 : i32
          %dma_wait3A_208 = tpu.memref_slice %arg6[%dma_wait3A_199, %dma_wait3A_200, %dma_wait3A_207] : memref<4x160x128xf32, #tpu.memory_space<vmem>> -> memref<1x1x64xf32, #tpu.memory_space<vmem>>
          %dma_wait3A_209 = tpu.memref_squeeze %dma_wait3A_208 : memref<1x1x64xf32, #tpu.memory_space<vmem>> -> memref<64xf32, #tpu.memory_space<vmem>>
          %dma_wait3A_210 = arith.constant 0 : i32
          %dma_wait3A_211 = tpu.memref_slice %arg3[%dma_wait3A_198, %dma_wait3A_210] : memref<1000000x64xf32, #tpu.memory_space<hbm>> -> memref<1x64xf32, #tpu.memory_space<hbm>>
          %dma_wait3A_212 = tpu.memref_squeeze %dma_wait3A_211 : memref<1x64xf32, #tpu.memory_space<hbm>> -> memref<64xf32, #tpu.memory_space<hbm>>
          tpu.wait_dma2 semaphore(%arg8 : memref<!tpu.dma_semaphore, #tpu.memory_space<semaphore_mem>>) src(%dma_wait3A_212 : memref<64xf32, #tpu.memory_space<hbm>>) dst(%dma_wait3A_209 : memref<64xf32, #tpu.memory_space<vmem>>)
          %dma_wait3A_213 = arith.constant 0 : i32
          %dma_wait3A_214 = arith.constant 1 : i32
          %dma_wait3A_215 = arith.constant 0 : i32
          %dma_wait3A_216 = arith.constant 0 : i32
          %dma_wait3A_217 = tpu.memref_slice %arg6[%dma_wait3A_214, %dma_wait3A_215, %dma_wait3A_216] : memref<4x160x128xf32, #tpu.memory_space<vmem>> -> memref<1x1x64xf32, #tpu.memory_space<vmem>>
          %dma_wait3A_218 = tpu.memref_squeeze %dma_wait3A_217 : memref<1x1x64xf32, #tpu.memory_space<vmem>> -> memref<64xf32, #tpu.memory_space<vmem>>
          %dma_wait3A_219 = arith.constant 0 : i32
          %dma_wait3A_220 = tpu.memref_slice %arg3[%dma_wait3A_213, %dma_wait3A_219] : memref<1000000x64xf32, #tpu.memory_space<hbm>> -> memref<1x64xf32, #tpu.memory_space<hbm>>
          %dma_wait3A_221 = tpu.memref_squeeze %dma_wait3A_220 : memref<1x64xf32, #tpu.memory_space<hbm>> -> memref<64xf32, #tpu.memory_space<hbm>>
          %dma_wait3A_222 = arith.constant 0 : i32
          %dma_wait3A_223 = tpu.memref_slice %arg6[%dma_wait3A_214, %dma_wait3A_215, %dma_wait3A_222] : memref<4x160x128xf32, #tpu.memory_space<vmem>> -> memref<1x1x64xf32, #tpu.memory_space<vmem>>
          %dma_wait3A_224 = tpu.memref_squeeze %dma_wait3A_223 : memref<1x1x64xf32, #tpu.memory_space<vmem>> -> memref<64xf32, #tpu.memory_space<vmem>>
          %dma_wait3A_225 = arith.constant 0 : i32
          %dma_wait3A_226 = tpu.memref_slice %arg3[%dma_wait3A_213, %dma_wait3A_225] : memref<1000000x64xf32, #tpu.memory_space<hbm>> -> memref<1x64xf32, #tpu.memory_space<hbm>>
          %dma_wait3A_227 = tpu.memref_squeeze %dma_wait3A_226 : memref<1x64xf32, #tpu.memory_space<hbm>> -> memref<64xf32, #tpu.memory_space<hbm>>
          tpu.wait_dma2 semaphore(%arg8 : memref<!tpu.dma_semaphore, #tpu.memory_space<semaphore_mem>>) src(%dma_wait3A_227 : memref<64xf32, #tpu.memory_space<hbm>>) dst(%dma_wait3A_224 : memref<64xf32, #tpu.memory_space<vmem>>)
          %dma_wait3A_228 = arith.constant 0 : i32
          %dma_wait3A_229 = arith.constant 1 : i32
          %dma_wait3A_230 = arith.constant 0 : i32
          %dma_wait3A_231 = arith.constant 0 : i32
          %dma_wait3A_232 = tpu.memref_slice %arg6[%dma_wait3A_229, %dma_wait3A_230, %dma_wait3A_231] : memref<4x160x128xf32, #tpu.memory_space<vmem>> -> memref<1x1x64xf32, #tpu.memory_space<vmem>>
          %dma_wait3A_233 = tpu.memref_squeeze %dma_wait3A_232 : memref<1x1x64xf32, #tpu.memory_space<vmem>> -> memref<64xf32, #tpu.memory_space<vmem>>
          %dma_wait3A_234 = arith.constant 0 : i32
          %dma_wait3A_235 = tpu.memref_slice %arg3[%dma_wait3A_228, %dma_wait3A_234] : memref<1000000x64xf32, #tpu.memory_space<hbm>> -> memref<1x64xf32, #tpu.memory_space<hbm>>
          %dma_wait3A_236 = tpu.memref_squeeze %dma_wait3A_235 : memref<1x64xf32, #tpu.memory_space<hbm>> -> memref<64xf32, #tpu.memory_space<hbm>>
          %dma_wait3A_237 = arith.constant 0 : i32
          %dma_wait3A_238 = tpu.memref_slice %arg6[%dma_wait3A_229, %dma_wait3A_230, %dma_wait3A_237] : memref<4x160x128xf32, #tpu.memory_space<vmem>> -> memref<1x1x64xf32, #tpu.memory_space<vmem>>
          %dma_wait3A_239 = tpu.memref_squeeze %dma_wait3A_238 : memref<1x1x64xf32, #tpu.memory_space<vmem>> -> memref<64xf32, #tpu.memory_space<vmem>>
          %dma_wait3A_240 = arith.constant 0 : i32
          %dma_wait3A_241 = tpu.memref_slice %arg3[%dma_wait3A_228, %dma_wait3A_240] : memref<1000000x64xf32, #tpu.memory_space<hbm>> -> memref<1x64xf32, #tpu.memory_space<hbm>>
          %dma_wait3A_242 = tpu.memref_squeeze %dma_wait3A_241 : memref<1x64xf32, #tpu.memory_space<hbm>> -> memref<64xf32, #tpu.memory_space<hbm>>
          tpu.wait_dma2 semaphore(%arg8 : memref<!tpu.dma_semaphore, #tpu.memory_space<semaphore_mem>>) src(%dma_wait3A_242 : memref<64xf32, #tpu.memory_space<hbm>>) dst(%dma_wait3A_239 : memref<64xf32, #tpu.memory_space<vmem>>)
          %dma_wait3A_243 = arith.constant 0 : i32
          %dma_wait3A_244 = arith.constant 1 : i32
          %dma_wait3A_245 = arith.constant 0 : i32
          %dma_wait3A_246 = arith.constant 0 : i32
          %dma_wait3A_247 = tpu.memref_slice %arg6[%dma_wait3A_244, %dma_wait3A_245, %dma_wait3A_246] : memref<4x160x128xf32, #tpu.memory_space<vmem>> -> memref<1x1x64xf32, #tpu.memory_space<vmem>>
          %dma_wait3A_248 = tpu.memref_squeeze %dma_wait3A_247 : memref<1x1x64xf32, #tpu.memory_space<vmem>> -> memref<64xf32, #tpu.memory_space<vmem>>
          %dma_wait3A_249 = arith.constant 0 : i32
          %dma_wait3A_250 = tpu.memref_slice %arg3[%dma_wait3A_243, %dma_wait3A_249] : memref<1000000x64xf32, #tpu.memory_space<hbm>> -> memref<1x64xf32, #tpu.memory_space<hbm>>
          %dma_wait3A_251 = tpu.memref_squeeze %dma_wait3A_250 : memref<1x64xf32, #tpu.memory_space<hbm>> -> memref<64xf32, #tpu.memory_space<hbm>>
          %dma_wait3A_252 = arith.constant 0 : i32
          %dma_wait3A_253 = tpu.memref_slice %arg6[%dma_wait3A_244, %dma_wait3A_245, %dma_wait3A_252] : memref<4x160x128xf32, #tpu.memory_space<vmem>> -> memref<1x1x64xf32, #tpu.memory_space<vmem>>
          %dma_wait3A_254 = tpu.memref_squeeze %dma_wait3A_253 : memref<1x1x64xf32, #tpu.memory_space<vmem>> -> memref<64xf32, #tpu.memory_space<vmem>>
          %dma_wait3A_255 = arith.constant 0 : i32
          %dma_wait3A_256 = tpu.memref_slice %arg3[%dma_wait3A_243, %dma_wait3A_255] : memref<1000000x64xf32, #tpu.memory_space<hbm>> -> memref<1x64xf32, #tpu.memory_space<hbm>>
          %dma_wait3A_257 = tpu.memref_squeeze %dma_wait3A_256 : memref<1x64xf32, #tpu.memory_space<hbm>> -> memref<64xf32, #tpu.memory_space<hbm>>
          tpu.wait_dma2 semaphore(%arg8 : memref<!tpu.dma_semaphore, #tpu.memory_space<semaphore_mem>>) src(%dma_wait3A_257 : memref<64xf32, #tpu.memory_space<hbm>>) dst(%dma_wait3A_254 : memref<64xf32, #tpu.memory_space<vmem>>)
          %dma_wait3A_258 = arith.constant 0 : i32
          %dma_wait3A_259 = arith.constant 1 : i32
          %dma_wait3A_260 = arith.constant 0 : i32
          %dma_wait3A_261 = arith.constant 0 : i32
          %dma_wait3A_262 = tpu.memref_slice %arg6[%dma_wait3A_259, %dma_wait3A_260, %dma_wait3A_261] : memref<4x160x128xf32, #tpu.memory_space<vmem>> -> memref<1x1x64xf32, #tpu.memory_space<vmem>>
          %dma_wait3A_263 = tpu.memref_squeeze %dma_wait3A_262 : memref<1x1x64xf32, #tpu.memory_space<vmem>> -> memref<64xf32, #tpu.memory_space<vmem>>
          %dma_wait3A_264 = arith.constant 0 : i32
          %dma_wait3A_265 = tpu.memref_slice %arg3[%dma_wait3A_258, %dma_wait3A_264] : memref<1000000x64xf32, #tpu.memory_space<hbm>> -> memref<1x64xf32, #tpu.memory_space<hbm>>
          %dma_wait3A_266 = tpu.memref_squeeze %dma_wait3A_265 : memref<1x64xf32, #tpu.memory_space<hbm>> -> memref<64xf32, #tpu.memory_space<hbm>>
          %dma_wait3A_267 = arith.constant 0 : i32
          %dma_wait3A_268 = tpu.memref_slice %arg6[%dma_wait3A_259, %dma_wait3A_260, %dma_wait3A_267] : memref<4x160x128xf32, #tpu.memory_space<vmem>> -> memref<1x1x64xf32, #tpu.memory_space<vmem>>
          %dma_wait3A_269 = tpu.memref_squeeze %dma_wait3A_268 : memref<1x1x64xf32, #tpu.memory_space<vmem>> -> memref<64xf32, #tpu.memory_space<vmem>>
          %dma_wait3A_270 = arith.constant 0 : i32
          %dma_wait3A_271 = tpu.memref_slice %arg3[%dma_wait3A_258, %dma_wait3A_270] : memref<1000000x64xf32, #tpu.memory_space<hbm>> -> memref<1x64xf32, #tpu.memory_space<hbm>>
          %dma_wait3A_272 = tpu.memref_squeeze %dma_wait3A_271 : memref<1x64xf32, #tpu.memory_space<hbm>> -> memref<64xf32, #tpu.memory_space<hbm>>
          tpu.wait_dma2 semaphore(%arg8 : memref<!tpu.dma_semaphore, #tpu.memory_space<semaphore_mem>>) src(%dma_wait3A_272 : memref<64xf32, #tpu.memory_space<hbm>>) dst(%dma_wait3A_269 : memref<64xf32, #tpu.memory_space<vmem>>)
          %dma_wait3A_273 = arith.constant 0 : i32
          %dma_wait3A_274 = arith.constant 1 : i32
          %dma_wait3A_275 = arith.constant 0 : i32
          %dma_wait3A_276 = arith.constant 0 : i32
          %dma_wait3A_277 = tpu.memref_slice %arg6[%dma_wait3A_274, %dma_wait3A_275, %dma_wait3A_276] : memref<4x160x128xf32, #tpu.memory_space<vmem>> -> memref<1x1x64xf32, #tpu.memory_space<vmem>>
          %dma_wait3A_278 = tpu.memref_squeeze %dma_wait3A_277 : memref<1x1x64xf32, #tpu.memory_space<vmem>> -> memref<64xf32, #tpu.memory_space<vmem>>
          %dma_wait3A_279 = arith.constant 0 : i32
          %dma_wait3A_280 = tpu.memref_slice %arg3[%dma_wait3A_273, %dma_wait3A_279] : memref<1000000x64xf32, #tpu.memory_space<hbm>> -> memref<1x64xf32, #tpu.memory_space<hbm>>
          %dma_wait3A_281 = tpu.memref_squeeze %dma_wait3A_280 : memref<1x64xf32, #tpu.memory_space<hbm>> -> memref<64xf32, #tpu.memory_space<hbm>>
          %dma_wait3A_282 = arith.constant 0 : i32
          %dma_wait3A_283 = tpu.memref_slice %arg6[%dma_wait3A_274, %dma_wait3A_275, %dma_wait3A_282] : memref<4x160x128xf32, #tpu.memory_space<vmem>> -> memref<1x1x64xf32, #tpu.memory_space<vmem>>
          %dma_wait3A_284 = tpu.memref_squeeze %dma_wait3A_283 : memref<1x1x64xf32, #tpu.memory_space<vmem>> -> memref<64xf32, #tpu.memory_space<vmem>>
          %dma_wait3A_285 = arith.constant 0 : i32
          %dma_wait3A_286 = tpu.memref_slice %arg3[%dma_wait3A_273, %dma_wait3A_285] : memref<1000000x64xf32, #tpu.memory_space<hbm>> -> memref<1x64xf32, #tpu.memory_space<hbm>>
          %dma_wait3A_287 = tpu.memref_squeeze %dma_wait3A_286 : memref<1x64xf32, #tpu.memory_space<hbm>> -> memref<64xf32, #tpu.memory_space<hbm>>
          tpu.wait_dma2 semaphore(%arg8 : memref<!tpu.dma_semaphore, #tpu.memory_space<semaphore_mem>>) src(%dma_wait3A_287 : memref<64xf32, #tpu.memory_space<hbm>>) dst(%dma_wait3A_284 : memref<64xf32, #tpu.memory_space<vmem>>)
          %dma_wait3A_288 = arith.constant 0 : i32
          %dma_wait3A_289 = arith.constant 1 : i32
          %dma_wait3A_290 = arith.constant 0 : i32
          %dma_wait3A_291 = arith.constant 0 : i32
          %dma_wait3A_292 = tpu.memref_slice %arg6[%dma_wait3A_289, %dma_wait3A_290, %dma_wait3A_291] : memref<4x160x128xf32, #tpu.memory_space<vmem>> -> memref<1x1x64xf32, #tpu.memory_space<vmem>>
          %dma_wait3A_293 = tpu.memref_squeeze %dma_wait3A_292 : memref<1x1x64xf32, #tpu.memory_space<vmem>> -> memref<64xf32, #tpu.memory_space<vmem>>
          %dma_wait3A_294 = arith.constant 0 : i32
          %dma_wait3A_295 = tpu.memref_slice %arg3[%dma_wait3A_288, %dma_wait3A_294] : memref<1000000x64xf32, #tpu.memory_space<hbm>> -> memref<1x64xf32, #tpu.memory_space<hbm>>
          %dma_wait3A_296 = tpu.memref_squeeze %dma_wait3A_295 : memref<1x64xf32, #tpu.memory_space<hbm>> -> memref<64xf32, #tpu.memory_space<hbm>>
          %dma_wait3A_297 = arith.constant 0 : i32
          %dma_wait3A_298 = tpu.memref_slice %arg6[%dma_wait3A_289, %dma_wait3A_290, %dma_wait3A_297] : memref<4x160x128xf32, #tpu.memory_space<vmem>> -> memref<1x1x64xf32, #tpu.memory_space<vmem>>
          %dma_wait3A_299 = tpu.memref_squeeze %dma_wait3A_298 : memref<1x1x64xf32, #tpu.memory_space<vmem>> -> memref<64xf32, #tpu.memory_space<vmem>>
          %dma_wait3A_300 = arith.constant 0 : i32
          %dma_wait3A_301 = tpu.memref_slice %arg3[%dma_wait3A_288, %dma_wait3A_300] : memref<1000000x64xf32, #tpu.memory_space<hbm>> -> memref<1x64xf32, #tpu.memory_space<hbm>>
          %dma_wait3A_302 = tpu.memref_squeeze %dma_wait3A_301 : memref<1x64xf32, #tpu.memory_space<hbm>> -> memref<64xf32, #tpu.memory_space<hbm>>
          tpu.wait_dma2 semaphore(%arg8 : memref<!tpu.dma_semaphore, #tpu.memory_space<semaphore_mem>>) src(%dma_wait3A_302 : memref<64xf32, #tpu.memory_space<hbm>>) dst(%dma_wait3A_299 : memref<64xf32, #tpu.memory_space<vmem>>)
          %dma_wait3A_303 = arith.constant 0 : i32
          %dma_wait3A_304 = arith.constant 1 : i32
          %dma_wait3A_305 = arith.constant 0 : i32
          %dma_wait3A_306 = arith.constant 0 : i32
          %dma_wait3A_307 = tpu.memref_slice %arg6[%dma_wait3A_304, %dma_wait3A_305, %dma_wait3A_306] : memref<4x160x128xf32, #tpu.memory_space<vmem>> -> memref<1x1x64xf32, #tpu.memory_space<vmem>>
          %dma_wait3A_308 = tpu.memref_squeeze %dma_wait3A_307 : memref<1x1x64xf32, #tpu.memory_space<vmem>> -> memref<64xf32, #tpu.memory_space<vmem>>
          %dma_wait3A_309 = arith.constant 0 : i32
          %dma_wait3A_310 = tpu.memref_slice %arg3[%dma_wait3A_303, %dma_wait3A_309] : memref<1000000x64xf32, #tpu.memory_space<hbm>> -> memref<1x64xf32, #tpu.memory_space<hbm>>
          %dma_wait3A_311 = tpu.memref_squeeze %dma_wait3A_310 : memref<1x64xf32, #tpu.memory_space<hbm>> -> memref<64xf32, #tpu.memory_space<hbm>>
          %dma_wait3A_312 = arith.constant 0 : i32
          %dma_wait3A_313 = tpu.memref_slice %arg6[%dma_wait3A_304, %dma_wait3A_305, %dma_wait3A_312] : memref<4x160x128xf32, #tpu.memory_space<vmem>> -> memref<1x1x64xf32, #tpu.memory_space<vmem>>
          %dma_wait3A_314 = tpu.memref_squeeze %dma_wait3A_313 : memref<1x1x64xf32, #tpu.memory_space<vmem>> -> memref<64xf32, #tpu.memory_space<vmem>>
          %dma_wait3A_315 = arith.constant 0 : i32
          %dma_wait3A_316 = tpu.memref_slice %arg3[%dma_wait3A_303, %dma_wait3A_315] : memref<1000000x64xf32, #tpu.memory_space<hbm>> -> memref<1x64xf32, #tpu.memory_space<hbm>>
          %dma_wait3A_317 = tpu.memref_squeeze %dma_wait3A_316 : memref<1x64xf32, #tpu.memory_space<hbm>> -> memref<64xf32, #tpu.memory_space<hbm>>
          tpu.wait_dma2 semaphore(%arg8 : memref<!tpu.dma_semaphore, #tpu.memory_space<semaphore_mem>>) src(%dma_wait3A_317 : memref<64xf32, #tpu.memory_space<hbm>>) dst(%dma_wait3A_314 : memref<64xf32, #tpu.memory_space<vmem>>)
          %dma_wait3A_318 = arith.constant 0 : i32
          %dma_wait3A_319 = arith.constant 1 : i32
          %dma_wait3A_320 = arith.constant 0 : i32
          %dma_wait3A_321 = arith.constant 0 : i32
          %dma_wait3A_322 = tpu.memref_slice %arg6[%dma_wait3A_319, %dma_wait3A_320, %dma_wait3A_321] : memref<4x160x128xf32, #tpu.memory_space<vmem>> -> memref<1x1x64xf32, #tpu.memory_space<vmem>>
          %dma_wait3A_323 = tpu.memref_squeeze %dma_wait3A_322 : memref<1x1x64xf32, #tpu.memory_space<vmem>> -> memref<64xf32, #tpu.memory_space<vmem>>
          %dma_wait3A_324 = arith.constant 0 : i32
          %dma_wait3A_325 = tpu.memref_slice %arg3[%dma_wait3A_318, %dma_wait3A_324] : memref<1000000x64xf32, #tpu.memory_space<hbm>> -> memref<1x64xf32, #tpu.memory_space<hbm>>
          %dma_wait3A_326 = tpu.memref_squeeze %dma_wait3A_325 : memref<1x64xf32, #tpu.memory_space<hbm>> -> memref<64xf32, #tpu.memory_space<hbm>>
          %dma_wait3A_327 = arith.constant 0 : i32
          %dma_wait3A_328 = tpu.memref_slice %arg6[%dma_wait3A_319, %dma_wait3A_320, %dma_wait3A_327] : memref<4x160x128xf32, #tpu.memory_space<vmem>> -> memref<1x1x64xf32, #tpu.memory_space<vmem>>
          %dma_wait3A_329 = tpu.memref_squeeze %dma_wait3A_328 : memref<1x1x64xf32, #tpu.memory_space<vmem>> -> memref<64xf32, #tpu.memory_space<vmem>>
          %dma_wait3A_330 = arith.constant 0 : i32
          %dma_wait3A_331 = tpu.memref_slice %arg3[%dma_wait3A_318, %dma_wait3A_330] : memref<1000000x64xf32, #tpu.memory_space<hbm>> -> memref<1x64xf32, #tpu.memory_space<hbm>>
          %dma_wait3A_332 = tpu.memref_squeeze %dma_wait3A_331 : memref<1x64xf32, #tpu.memory_space<hbm>> -> memref<64xf32, #tpu.memory_space<hbm>>
          tpu.wait_dma2 semaphore(%arg8 : memref<!tpu.dma_semaphore, #tpu.memory_space<semaphore_mem>>) src(%dma_wait3A_332 : memref<64xf32, #tpu.memory_space<hbm>>) dst(%dma_wait3A_329 : memref<64xf32, #tpu.memory_space<vmem>>)
          %dma_wait3A_333 = arith.constant 0 : i32
          %dma_wait3A_334 = arith.constant 1 : i32
          %dma_wait3A_335 = arith.constant 0 : i32
          %dma_wait3A_336 = arith.constant 0 : i32
          %dma_wait3A_337 = tpu.memref_slice %arg6[%dma_wait3A_334, %dma_wait3A_335, %dma_wait3A_336] : memref<4x160x128xf32, #tpu.memory_space<vmem>> -> memref<1x1x64xf32, #tpu.memory_space<vmem>>
          %dma_wait3A_338 = tpu.memref_squeeze %dma_wait3A_337 : memref<1x1x64xf32, #tpu.memory_space<vmem>> -> memref<64xf32, #tpu.memory_space<vmem>>
          %dma_wait3A_339 = arith.constant 0 : i32
          %dma_wait3A_340 = tpu.memref_slice %arg3[%dma_wait3A_333, %dma_wait3A_339] : memref<1000000x64xf32, #tpu.memory_space<hbm>> -> memref<1x64xf32, #tpu.memory_space<hbm>>
          %dma_wait3A_341 = tpu.memref_squeeze %dma_wait3A_340 : memref<1x64xf32, #tpu.memory_space<hbm>> -> memref<64xf32, #tpu.memory_space<hbm>>
          %dma_wait3A_342 = arith.constant 0 : i32
          %dma_wait3A_343 = tpu.memref_slice %arg6[%dma_wait3A_334, %dma_wait3A_335, %dma_wait3A_342] : memref<4x160x128xf32, #tpu.memory_space<vmem>> -> memref<1x1x64xf32, #tpu.memory_space<vmem>>
          %dma_wait3A_344 = tpu.memref_squeeze %dma_wait3A_343 : memref<1x1x64xf32, #tpu.memory_space<vmem>> -> memref<64xf32, #tpu.memory_space<vmem>>
          %dma_wait3A_345 = arith.constant 0 : i32
          %dma_wait3A_346 = tpu.memref_slice %arg3[%dma_wait3A_333, %dma_wait3A_345] : memref<1000000x64xf32, #tpu.memory_space<hbm>> -> memref<1x64xf32, #tpu.memory_space<hbm>>
          %dma_wait3A_347 = tpu.memref_squeeze %dma_wait3A_346 : memref<1x64xf32, #tpu.memory_space<hbm>> -> memref<64xf32, #tpu.memory_space<hbm>>
          tpu.wait_dma2 semaphore(%arg8 : memref<!tpu.dma_semaphore, #tpu.memory_space<semaphore_mem>>) src(%dma_wait3A_347 : memref<64xf32, #tpu.memory_space<hbm>>) dst(%dma_wait3A_344 : memref<64xf32, #tpu.memory_space<vmem>>)
          %dma_wait3A_348 = arith.constant 0 : i32
          %dma_wait3A_349 = arith.constant 1 : i32
          %dma_wait3A_350 = arith.constant 0 : i32
          %dma_wait3A_351 = arith.constant 0 : i32
          %dma_wait3A_352 = tpu.memref_slice %arg6[%dma_wait3A_349, %dma_wait3A_350, %dma_wait3A_351] : memref<4x160x128xf32, #tpu.memory_space<vmem>> -> memref<1x1x64xf32, #tpu.memory_space<vmem>>
          %dma_wait3A_353 = tpu.memref_squeeze %dma_wait3A_352 : memref<1x1x64xf32, #tpu.memory_space<vmem>> -> memref<64xf32, #tpu.memory_space<vmem>>
          %dma_wait3A_354 = arith.constant 0 : i32
          %dma_wait3A_355 = tpu.memref_slice %arg3[%dma_wait3A_348, %dma_wait3A_354] : memref<1000000x64xf32, #tpu.memory_space<hbm>> -> memref<1x64xf32, #tpu.memory_space<hbm>>
          %dma_wait3A_356 = tpu.memref_squeeze %dma_wait3A_355 : memref<1x64xf32, #tpu.memory_space<hbm>> -> memref<64xf32, #tpu.memory_space<hbm>>
          %dma_wait3A_357 = arith.constant 0 : i32
          %dma_wait3A_358 = tpu.memref_slice %arg6[%dma_wait3A_349, %dma_wait3A_350, %dma_wait3A_357] : memref<4x160x128xf32, #tpu.memory_space<vmem>> -> memref<1x1x64xf32, #tpu.memory_space<vmem>>
          %dma_wait3A_359 = tpu.memref_squeeze %dma_wait3A_358 : memref<1x1x64xf32, #tpu.memory_space<vmem>> -> memref<64xf32, #tpu.memory_space<vmem>>
          %dma_wait3A_360 = arith.constant 0 : i32
          %dma_wait3A_361 = tpu.memref_slice %arg3[%dma_wait3A_348, %dma_wait3A_360] : memref<1000000x64xf32, #tpu.memory_space<hbm>> -> memref<1x64xf32, #tpu.memory_space<hbm>>
          %dma_wait3A_362 = tpu.memref_squeeze %dma_wait3A_361 : memref<1x64xf32, #tpu.memory_space<hbm>> -> memref<64xf32, #tpu.memory_space<hbm>>
          tpu.wait_dma2 semaphore(%arg8 : memref<!tpu.dma_semaphore, #tpu.memory_space<semaphore_mem>>) src(%dma_wait3A_362 : memref<64xf32, #tpu.memory_space<hbm>>) dst(%dma_wait3A_359 : memref<64xf32, #tpu.memory_space<vmem>>)
          %dma_wait3A_363 = arith.constant 0 : i32
          %dma_wait3A_364 = arith.constant 1 : i32
          %dma_wait3A_365 = arith.constant 0 : i32
          %dma_wait3A_366 = arith.constant 0 : i32
          %dma_wait3A_367 = tpu.memref_slice %arg6[%dma_wait3A_364, %dma_wait3A_365, %dma_wait3A_366] : memref<4x160x128xf32, #tpu.memory_space<vmem>> -> memref<1x1x64xf32, #tpu.memory_space<vmem>>
          %dma_wait3A_368 = tpu.memref_squeeze %dma_wait3A_367 : memref<1x1x64xf32, #tpu.memory_space<vmem>> -> memref<64xf32, #tpu.memory_space<vmem>>
          %dma_wait3A_369 = arith.constant 0 : i32
          %dma_wait3A_370 = tpu.memref_slice %arg3[%dma_wait3A_363, %dma_wait3A_369] : memref<1000000x64xf32, #tpu.memory_space<hbm>> -> memref<1x64xf32, #tpu.memory_space<hbm>>
          %dma_wait3A_371 = tpu.memref_squeeze %dma_wait3A_370 : memref<1x64xf32, #tpu.memory_space<hbm>> -> memref<64xf32, #tpu.memory_space<hbm>>
          %dma_wait3A_372 = arith.constant 0 : i32
          %dma_wait3A_373 = tpu.memref_slice %arg6[%dma_wait3A_364, %dma_wait3A_365, %dma_wait3A_372] : memref<4x160x128xf32, #tpu.memory_space<vmem>> -> memref<1x1x64xf32, #tpu.memory_space<vmem>>
          %dma_wait3A_374 = tpu.memref_squeeze %dma_wait3A_373 : memref<1x1x64xf32, #tpu.memory_space<vmem>> -> memref<64xf32, #tpu.memory_space<vmem>>
          %dma_wait3A_375 = arith.constant 0 : i32
          %dma_wait3A_376 = tpu.memref_slice %arg3[%dma_wait3A_363, %dma_wait3A_375] : memref<1000000x64xf32, #tpu.memory_space<hbm>> -> memref<1x64xf32, #tpu.memory_space<hbm>>
          %dma_wait3A_377 = tpu.memref_squeeze %dma_wait3A_376 : memref<1x64xf32, #tpu.memory_space<hbm>> -> memref<64xf32, #tpu.memory_space<hbm>>
          tpu.wait_dma2 semaphore(%arg8 : memref<!tpu.dma_semaphore, #tpu.memory_space<semaphore_mem>>) src(%dma_wait3A_377 : memref<64xf32, #tpu.memory_space<hbm>>) dst(%dma_wait3A_374 : memref<64xf32, #tpu.memory_space<vmem>>)
          %dma_wait3A_378 = arith.constant 0 : i32
          %dma_wait3A_379 = arith.constant 1 : i32
          %dma_wait3A_380 = arith.constant 0 : i32
          %dma_wait3A_381 = arith.constant 0 : i32
          %dma_wait3A_382 = tpu.memref_slice %arg6[%dma_wait3A_379, %dma_wait3A_380, %dma_wait3A_381] : memref<4x160x128xf32, #tpu.memory_space<vmem>> -> memref<1x1x64xf32, #tpu.memory_space<vmem>>
          %dma_wait3A_383 = tpu.memref_squeeze %dma_wait3A_382 : memref<1x1x64xf32, #tpu.memory_space<vmem>> -> memref<64xf32, #tpu.memory_space<vmem>>
          %dma_wait3A_384 = arith.constant 0 : i32
          %dma_wait3A_385 = tpu.memref_slice %arg3[%dma_wait3A_378, %dma_wait3A_384] : memref<1000000x64xf32, #tpu.memory_space<hbm>> -> memref<1x64xf32, #tpu.memory_space<hbm>>
          %dma_wait3A_386 = tpu.memref_squeeze %dma_wait3A_385 : memref<1x64xf32, #tpu.memory_space<hbm>> -> memref<64xf32, #tpu.memory_space<hbm>>
          %dma_wait3A_387 = arith.constant 0 : i32
          %dma_wait3A_388 = tpu.memref_slice %arg6[%dma_wait3A_379, %dma_wait3A_380, %dma_wait3A_387] : memref<4x160x128xf32, #tpu.memory_space<vmem>> -> memref<1x1x64xf32, #tpu.memory_space<vmem>>
          %dma_wait3A_389 = tpu.memref_squeeze %dma_wait3A_388 : memref<1x1x64xf32, #tpu.memory_space<vmem>> -> memref<64xf32, #tpu.memory_space<vmem>>
          %dma_wait3A_390 = arith.constant 0 : i32
          %dma_wait3A_391 = tpu.memref_slice %arg3[%dma_wait3A_378, %dma_wait3A_390] : memref<1000000x64xf32, #tpu.memory_space<hbm>> -> memref<1x64xf32, #tpu.memory_space<hbm>>
          %dma_wait3A_392 = tpu.memref_squeeze %dma_wait3A_391 : memref<1x64xf32, #tpu.memory_space<hbm>> -> memref<64xf32, #tpu.memory_space<hbm>>
          tpu.wait_dma2 semaphore(%arg8 : memref<!tpu.dma_semaphore, #tpu.memory_space<semaphore_mem>>) src(%dma_wait3A_392 : memref<64xf32, #tpu.memory_space<hbm>>) dst(%dma_wait3A_389 : memref<64xf32, #tpu.memory_space<vmem>>)
          %dma_wait3A_393 = arith.constant 0 : i32
          %dma_wait3A_394 = arith.constant 1 : i32
          %dma_wait3A_395 = arith.constant 0 : i32
          %dma_wait3A_396 = arith.constant 0 : i32
          %dma_wait3A_397 = tpu.memref_slice %arg6[%dma_wait3A_394, %dma_wait3A_395, %dma_wait3A_396] : memref<4x160x128xf32, #tpu.memory_space<vmem>> -> memref<1x1x64xf32, #tpu.memory_space<vmem>>
          %dma_wait3A_398 = tpu.memref_squeeze %dma_wait3A_397 : memref<1x1x64xf32, #tpu.memory_space<vmem>> -> memref<64xf32, #tpu.memory_space<vmem>>
          %dma_wait3A_399 = arith.constant 0 : i32
          %dma_wait3A_400 = tpu.memref_slice %arg3[%dma_wait3A_393, %dma_wait3A_399] : memref<1000000x64xf32, #tpu.memory_space<hbm>> -> memref<1x64xf32, #tpu.memory_space<hbm>>
          %dma_wait3A_401 = tpu.memref_squeeze %dma_wait3A_400 : memref<1x64xf32, #tpu.memory_space<hbm>> -> memref<64xf32, #tpu.memory_space<hbm>>
          %dma_wait3A_402 = arith.constant 0 : i32
          %dma_wait3A_403 = tpu.memref_slice %arg6[%dma_wait3A_394, %dma_wait3A_395, %dma_wait3A_402] : memref<4x160x128xf32, #tpu.memory_space<vmem>> -> memref<1x1x64xf32, #tpu.memory_space<vmem>>
          %dma_wait3A_404 = tpu.memref_squeeze %dma_wait3A_403 : memref<1x1x64xf32, #tpu.memory_space<vmem>> -> memref<64xf32, #tpu.memory_space<vmem>>
          %dma_wait3A_405 = arith.constant 0 : i32
          %dma_wait3A_406 = tpu.memref_slice %arg3[%dma_wait3A_393, %dma_wait3A_405] : memref<1000000x64xf32, #tpu.memory_space<hbm>> -> memref<1x64xf32, #tpu.memory_space<hbm>>
          %dma_wait3A_407 = tpu.memref_squeeze %dma_wait3A_406 : memref<1x64xf32, #tpu.memory_space<hbm>> -> memref<64xf32, #tpu.memory_space<hbm>>
          tpu.wait_dma2 semaphore(%arg8 : memref<!tpu.dma_semaphore, #tpu.memory_space<semaphore_mem>>) src(%dma_wait3A_407 : memref<64xf32, #tpu.memory_space<hbm>>) dst(%dma_wait3A_404 : memref<64xf32, #tpu.memory_space<vmem>>)
          %dma_wait3A_408 = arith.constant 0 : i32
          %dma_wait3A_409 = arith.constant 1 : i32
          %dma_wait3A_410 = arith.constant 0 : i32
          %dma_wait3A_411 = arith.constant 0 : i32
          %dma_wait3A_412 = tpu.memref_slice %arg6[%dma_wait3A_409, %dma_wait3A_410, %dma_wait3A_411] : memref<4x160x128xf32, #tpu.memory_space<vmem>> -> memref<1x1x64xf32, #tpu.memory_space<vmem>>
          %dma_wait3A_413 = tpu.memref_squeeze %dma_wait3A_412 : memref<1x1x64xf32, #tpu.memory_space<vmem>> -> memref<64xf32, #tpu.memory_space<vmem>>
          %dma_wait3A_414 = arith.constant 0 : i32
          %dma_wait3A_415 = tpu.memref_slice %arg3[%dma_wait3A_408, %dma_wait3A_414] : memref<1000000x64xf32, #tpu.memory_space<hbm>> -> memref<1x64xf32, #tpu.memory_space<hbm>>
          %dma_wait3A_416 = tpu.memref_squeeze %dma_wait3A_415 : memref<1x64xf32, #tpu.memory_space<hbm>> -> memref<64xf32, #tpu.memory_space<hbm>>
          %dma_wait3A_417 = arith.constant 0 : i32
          %dma_wait3A_418 = tpu.memref_slice %arg6[%dma_wait3A_409, %dma_wait3A_410, %dma_wait3A_417] : memref<4x160x128xf32, #tpu.memory_space<vmem>> -> memref<1x1x64xf32, #tpu.memory_space<vmem>>
          %dma_wait3A_419 = tpu.memref_squeeze %dma_wait3A_418 : memref<1x1x64xf32, #tpu.memory_space<vmem>> -> memref<64xf32, #tpu.memory_space<vmem>>
          %dma_wait3A_420 = arith.constant 0 : i32
          %dma_wait3A_421 = tpu.memref_slice %arg3[%dma_wait3A_408, %dma_wait3A_420] : memref<1000000x64xf32, #tpu.memory_space<hbm>> -> memref<1x64xf32, #tpu.memory_space<hbm>>
          %dma_wait3A_422 = tpu.memref_squeeze %dma_wait3A_421 : memref<1x64xf32, #tpu.memory_space<hbm>> -> memref<64xf32, #tpu.memory_space<hbm>>
          tpu.wait_dma2 semaphore(%arg8 : memref<!tpu.dma_semaphore, #tpu.memory_space<semaphore_mem>>) src(%dma_wait3A_422 : memref<64xf32, #tpu.memory_space<hbm>>) dst(%dma_wait3A_419 : memref<64xf32, #tpu.memory_space<vmem>>)
          %dma_wait3A_423 = arith.constant 0 : i32
          %dma_wait3A_424 = arith.constant 1 : i32
          %dma_wait3A_425 = arith.constant 0 : i32
          %dma_wait3A_426 = arith.constant 0 : i32
          %dma_wait3A_427 = tpu.memref_slice %arg6[%dma_wait3A_424, %dma_wait3A_425, %dma_wait3A_426] : memref<4x160x128xf32, #tpu.memory_space<vmem>> -> memref<1x1x64xf32, #tpu.memory_space<vmem>>
          %dma_wait3A_428 = tpu.memref_squeeze %dma_wait3A_427 : memref<1x1x64xf32, #tpu.memory_space<vmem>> -> memref<64xf32, #tpu.memory_space<vmem>>
          %dma_wait3A_429 = arith.constant 0 : i32
          %dma_wait3A_430 = tpu.memref_slice %arg3[%dma_wait3A_423, %dma_wait3A_429] : memref<1000000x64xf32, #tpu.memory_space<hbm>> -> memref<1x64xf32, #tpu.memory_space<hbm>>
          %dma_wait3A_431 = tpu.memref_squeeze %dma_wait3A_430 : memref<1x64xf32, #tpu.memory_space<hbm>> -> memref<64xf32, #tpu.memory_space<hbm>>
          %dma_wait3A_432 = arith.constant 0 : i32
          %dma_wait3A_433 = tpu.memref_slice %arg6[%dma_wait3A_424, %dma_wait3A_425, %dma_wait3A_432] : memref<4x160x128xf32, #tpu.memory_space<vmem>> -> memref<1x1x64xf32, #tpu.memory_space<vmem>>
          %dma_wait3A_434 = tpu.memref_squeeze %dma_wait3A_433 : memref<1x1x64xf32, #tpu.memory_space<vmem>> -> memref<64xf32, #tpu.memory_space<vmem>>
          %dma_wait3A_435 = arith.constant 0 : i32
          %dma_wait3A_436 = tpu.memref_slice %arg3[%dma_wait3A_423, %dma_wait3A_435] : memref<1000000x64xf32, #tpu.memory_space<hbm>> -> memref<1x64xf32, #tpu.memory_space<hbm>>
          %dma_wait3A_437 = tpu.memref_squeeze %dma_wait3A_436 : memref<1x64xf32, #tpu.memory_space<hbm>> -> memref<64xf32, #tpu.memory_space<hbm>>
          tpu.wait_dma2 semaphore(%arg8 : memref<!tpu.dma_semaphore, #tpu.memory_space<semaphore_mem>>) src(%dma_wait3A_437 : memref<64xf32, #tpu.memory_space<hbm>>) dst(%dma_wait3A_434 : memref<64xf32, #tpu.memory_space<vmem>>)
        }
        %scan3A_173 = arith.constant 10 : i32
        %mul3A_174 = arith.constant 512 : i32
        %mul3A_175 = arith.muli %add3A, %mul3A_174 : i32
        %mul3A_176 = arith.constant 8 : i32
        %mul3A_177 = arith.muli %sub3A_154, %mul3A_176 : i32
        %add3A_178 = arith.addi %mul3A_175, %mul3A_177 : i32
        %dma_start3A = arith.constant 1 : i32
        %dma_start3A_179 = tpu.memref_reshape %arg6 : memref<4x160x128xf32, #tpu.memory_space<vmem>> -> memref<4x8x20x128xf32, #tpu.memory_space<vmem>>
        %dma_start3A_180 = arith.constant 0 : i32
        %dma_start3A_181 = arith.constant 0 : i32
        %dma_start3A_182 = arith.constant 0 : i32
        %dma_start3A_183 = tpu.memref_slice %dma_start3A_179[%dma_start3A, %dma_start3A_180, %dma_start3A_181, %dma_start3A_182] : memref<4x8x20x128xf32, #tpu.memory_space<vmem>> -> memref<1x8x20x128xf32, #tpu.memory_space<vmem>>
        %dma_start3A_184 = tpu.memref_squeeze %dma_start3A_183 : memref<1x8x20x128xf32, #tpu.memory_space<vmem>> -> memref<8x20x128xf32, #tpu.memory_space<vmem>>
        %dma_start3A_185 = arith.constant 0 : i32
        %dma_start3A_186 = arith.constant 0 : i32
        %dma_start3A_187 = tpu.memref_slice %arg4[%add3A_178, %dma_start3A_185, %dma_start3A_186] : memref<16384x20x128xf32, #tpu.memory_space<hbm>> -> memref<8x20x128xf32, #tpu.memory_space<hbm>>
        %dma_start3A_188 = arith.constant 0 : i32
        %dma_start3A_189 = arith.constant 0 : i32
        %dma_start3A_190 = tpu.memref_slice %arg4[%add3A_178, %dma_start3A_188, %dma_start3A_189] : memref<16384x20x128xf32, #tpu.memory_space<hbm>> -> memref<8x20x128xf32, #tpu.memory_space<hbm>>
        %dma_start3A_191 = tpu.memref_reshape %arg6 : memref<4x160x128xf32, #tpu.memory_space<vmem>> -> memref<4x8x20x128xf32, #tpu.memory_space<vmem>>
        %dma_start3A_192 = arith.constant 0 : i32
        %dma_start3A_193 = arith.constant 0 : i32
        %dma_start3A_194 = arith.constant 0 : i32
        %dma_start3A_195 = tpu.memref_slice %dma_start3A_191[%dma_start3A, %dma_start3A_192, %dma_start3A_193, %dma_start3A_194] : memref<4x8x20x128xf32, #tpu.memory_space<vmem>> -> memref<1x8x20x128xf32, #tpu.memory_space<vmem>>
        %dma_start3A_196 = tpu.memref_squeeze %dma_start3A_195 : memref<1x8x20x128xf32, #tpu.memory_space<vmem>> -> memref<8x20x128xf32, #tpu.memory_space<vmem>>
        tpu.enqueue_dma source(%dma_start3A_196 : memref<8x20x128xf32, #tpu.memory_space<vmem>>) target(%dma_start3A_190 : memref<8x20x128xf32, #tpu.memory_space<hbm>>) target_semaphore(%arg12 : memref<!tpu.dma_semaphore, #tpu.memory_space<semaphore_mem>>)
      } else {
      }
    }
    %scan3A_5 = arith.constant 17 : i32
    %mul3A_6 = arith.constant 512 : i32
    %mul3A_7 = arith.muli %add3A, %mul3A_6 : i32
    %add3A_8 = arith.constant 0 : i32
    %add3A_9 = arith.addi %mul3A_7, %add3A_8 : i32
    %dma_wait3A = arith.constant 0 : i32
    %dma_wait3A_10 = tpu.memref_reshape %arg6 : memref<4x160x128xf32, #tpu.memory_space<vmem>> -> memref<4x8x20x128xf32, #tpu.memory_space<vmem>>
    %dma_wait3A_11 = arith.constant 0 : i32
    %dma_wait3A_12 = arith.constant 0 : i32
    %dma_wait3A_13 = arith.constant 0 : i32
    %dma_wait3A_14 = tpu.memref_slice %dma_wait3A_10[%dma_wait3A, %dma_wait3A_11, %dma_wait3A_12, %dma_wait3A_13] : memref<4x8x20x128xf32, #tpu.memory_space<vmem>> -> memref<1x8x20x128xf32, #tpu.memory_space<vmem>>
    %dma_wait3A_15 = tpu.memref_squeeze %dma_wait3A_14 : memref<1x8x20x128xf32, #tpu.memory_space<vmem>> -> memref<8x20x128xf32, #tpu.memory_space<vmem>>
    %dma_wait3A_16 = arith.constant 0 : i32
    %dma_wait3A_17 = arith.constant 0 : i32
    %dma_wait3A_18 = tpu.memref_slice %arg4[%add3A_9, %dma_wait3A_16, %dma_wait3A_17] : memref<16384x20x128xf32, #tpu.memory_space<hbm>> -> memref<8x20x128xf32, #tpu.memory_space<hbm>>
    %dma_wait3A_19 = arith.constant 0 : i32
    %dma_wait3A_20 = arith.constant 0 : i32
    %dma_wait3A_21 = tpu.memref_slice %arg4[%add3A_9, %dma_wait3A_19, %dma_wait3A_20] : memref<16384x20x128xf32, #tpu.memory_space<hbm>> -> memref<8x20x128xf32, #tpu.memory_space<hbm>>
    %dma_wait3A_22 = tpu.memref_reshape %arg6 : memref<4x160x128xf32, #tpu.memory_space<vmem>> -> memref<4x8x20x128xf32, #tpu.memory_space<vmem>>
    %dma_wait3A_23 = arith.constant 0 : i32
    %dma_wait3A_24 = arith.constant 0 : i32
    %dma_wait3A_25 = arith.constant 0 : i32
    %dma_wait3A_26 = tpu.memref_slice %dma_wait3A_22[%dma_wait3A, %dma_wait3A_23, %dma_wait3A_24, %dma_wait3A_25] : memref<4x8x20x128xf32, #tpu.memory_space<vmem>> -> memref<1x8x20x128xf32, #tpu.memory_space<vmem>>
    %dma_wait3A_27 = tpu.memref_squeeze %dma_wait3A_26 : memref<1x8x20x128xf32, #tpu.memory_space<vmem>> -> memref<8x20x128xf32, #tpu.memory_space<vmem>>
    tpu.wait_dma2 semaphore(%arg11 : memref<!tpu.dma_semaphore, #tpu.memory_space<semaphore_mem>>) src(%dma_wait3A_27 : memref<8x20x128xf32, #tpu.memory_space<vmem>>) dst(%dma_wait3A_21 : memref<8x20x128xf32, #tpu.memory_space<hbm>>)
    %mul3A_28 = arith.constant 512 : i32
    %mul3A_29 = arith.muli %add3A, %mul3A_28 : i32
    %add3A_30 = arith.constant 0 : i32
    %add3A_31 = arith.addi %mul3A_29, %add3A_30 : i32
    %dma_wait3A_32 = arith.constant 1 : i32
    %dma_wait3A_33 = tpu.memref_reshape %arg6 : memref<4x160x128xf32, #tpu.memory_space<vmem>> -> memref<4x8x20x128xf32, #tpu.memory_space<vmem>>
    %dma_wait3A_34 = arith.constant 0 : i32
    %dma_wait3A_35 = arith.constant 0 : i32
    %dma_wait3A_36 = arith.constant 0 : i32
    %dma_wait3A_37 = tpu.memref_slice %dma_wait3A_33[%dma_wait3A_32, %dma_wait3A_34, %dma_wait3A_35, %dma_wait3A_36] : memref<4x8x20x128xf32, #tpu.memory_space<vmem>> -> memref<1x8x20x128xf32, #tpu.memory_space<vmem>>
    %dma_wait3A_38 = tpu.memref_squeeze %dma_wait3A_37 : memref<1x8x20x128xf32, #tpu.memory_space<vmem>> -> memref<8x20x128xf32, #tpu.memory_space<vmem>>
    %dma_wait3A_39 = arith.constant 0 : i32
    %dma_wait3A_40 = arith.constant 0 : i32
    %dma_wait3A_41 = tpu.memref_slice %arg4[%add3A_31, %dma_wait3A_39, %dma_wait3A_40] : memref<16384x20x128xf32, #tpu.memory_space<hbm>> -> memref<8x20x128xf32, #tpu.memory_space<hbm>>
    %dma_wait3A_42 = arith.constant 0 : i32
    %dma_wait3A_43 = arith.constant 0 : i32
    %dma_wait3A_44 = tpu.memref_slice %arg4[%add3A_31, %dma_wait3A_42, %dma_wait3A_43] : memref<16384x20x128xf32, #tpu.memory_space<hbm>> -> memref<8x20x128xf32, #tpu.memory_space<hbm>>
    %dma_wait3A_45 = tpu.memref_reshape %arg6 : memref<4x160x128xf32, #tpu.memory_space<vmem>> -> memref<4x8x20x128xf32, #tpu.memory_space<vmem>>
    %dma_wait3A_46 = arith.constant 0 : i32
    %dma_wait3A_47 = arith.constant 0 : i32
    %dma_wait3A_48 = arith.constant 0 : i32
    %dma_wait3A_49 = tpu.memref_slice %dma_wait3A_45[%dma_wait3A_32, %dma_wait3A_46, %dma_wait3A_47, %dma_wait3A_48] : memref<4x8x20x128xf32, #tpu.memory_space<vmem>> -> memref<1x8x20x128xf32, #tpu.memory_space<vmem>>
    %dma_wait3A_50 = tpu.memref_squeeze %dma_wait3A_49 : memref<1x8x20x128xf32, #tpu.memory_space<vmem>> -> memref<8x20x128xf32, #tpu.memory_space<vmem>>
    tpu.wait_dma2 semaphore(%arg12 : memref<!tpu.dma_semaphore, #tpu.memory_space<semaphore_mem>>) src(%dma_wait3A_50 : memref<8x20x128xf32, #tpu.memory_space<vmem>>) dst(%dma_wait3A_44 : memref<8x20x128xf32, #tpu.memory_space<hbm>>)
    %mul3A_51 = arith.constant 512 : i32
    %mul3A_52 = arith.muli %add3A, %mul3A_51 : i32
    %add3A_53 = arith.constant 0 : i32
    %add3A_54 = arith.addi %mul3A_52, %add3A_53 : i32
    %dma_wait3A_55 = arith.constant 2 : i32
    %dma_wait3A_56 = tpu.memref_reshape %arg6 : memref<4x160x128xf32, #tpu.memory_space<vmem>> -> memref<4x8x20x128xf32, #tpu.memory_space<vmem>>
    %dma_wait3A_57 = arith.constant 0 : i32
    %dma_wait3A_58 = arith.constant 0 : i32
    %dma_wait3A_59 = arith.constant 0 : i32
    %dma_wait3A_60 = tpu.memref_slice %dma_wait3A_56[%dma_wait3A_55, %dma_wait3A_57, %dma_wait3A_58, %dma_wait3A_59] : memref<4x8x20x128xf32, #tpu.memory_space<vmem>> -> memref<1x8x20x128xf32, #tpu.memory_space<vmem>>
    %dma_wait3A_61 = tpu.memref_squeeze %dma_wait3A_60 : memref<1x8x20x128xf32, #tpu.memory_space<vmem>> -> memref<8x20x128xf32, #tpu.memory_space<vmem>>
    %dma_wait3A_62 = arith.constant 0 : i32
    %dma_wait3A_63 = arith.constant 0 : i32
    %dma_wait3A_64 = tpu.memref_slice %arg4[%add3A_54, %dma_wait3A_62, %dma_wait3A_63] : memref<16384x20x128xf32, #tpu.memory_space<hbm>> -> memref<8x20x128xf32, #tpu.memory_space<hbm>>
    %dma_wait3A_65 = arith.constant 0 : i32
    %dma_wait3A_66 = arith.constant 0 : i32
    %dma_wait3A_67 = tpu.memref_slice %arg4[%add3A_54, %dma_wait3A_65, %dma_wait3A_66] : memref<16384x20x128xf32, #tpu.memory_space<hbm>> -> memref<8x20x128xf32, #tpu.memory_space<hbm>>
    %dma_wait3A_68 = tpu.memref_reshape %arg6 : memref<4x160x128xf32, #tpu.memory_space<vmem>> -> memref<4x8x20x128xf32, #tpu.memory_space<vmem>>
    %dma_wait3A_69 = arith.constant 0 : i32
    %dma_wait3A_70 = arith.constant 0 : i32
    %dma_wait3A_71 = arith.constant 0 : i32
    %dma_wait3A_72 = tpu.memref_slice %dma_wait3A_68[%dma_wait3A_55, %dma_wait3A_69, %dma_wait3A_70, %dma_wait3A_71] : memref<4x8x20x128xf32, #tpu.memory_space<vmem>> -> memref<1x8x20x128xf32, #tpu.memory_space<vmem>>
    %dma_wait3A_73 = tpu.memref_squeeze %dma_wait3A_72 : memref<1x8x20x128xf32, #tpu.memory_space<vmem>> -> memref<8x20x128xf32, #tpu.memory_space<vmem>>
    tpu.wait_dma2 semaphore(%arg13 : memref<!tpu.dma_semaphore, #tpu.memory_space<semaphore_mem>>) src(%dma_wait3A_73 : memref<8x20x128xf32, #tpu.memory_space<vmem>>) dst(%dma_wait3A_67 : memref<8x20x128xf32, #tpu.memory_space<hbm>>)
    %mul3A_74 = arith.constant 512 : i32
    %mul3A_75 = arith.muli %add3A, %mul3A_74 : i32
    %add3A_76 = arith.constant 0 : i32
    %add3A_77 = arith.addi %mul3A_75, %add3A_76 : i32
    %dma_wait3A_78 = arith.constant 3 : i32
    %dma_wait3A_79 = tpu.memref_reshape %arg6 : memref<4x160x128xf32, #tpu.memory_space<vmem>> -> memref<4x8x20x128xf32, #tpu.memory_space<vmem>>
    %dma_wait3A_80 = arith.constant 0 : i32
    %dma_wait3A_81 = arith.constant 0 : i32
    %dma_wait3A_82 = arith.constant 0 : i32
    %dma_wait3A_83 = tpu.memref_slice %dma_wait3A_79[%dma_wait3A_78, %dma_wait3A_80, %dma_wait3A_81, %dma_wait3A_82] : memref<4x8x20x128xf32, #tpu.memory_space<vmem>> -> memref<1x8x20x128xf32, #tpu.memory_space<vmem>>
    %dma_wait3A_84 = tpu.memref_squeeze %dma_wait3A_83 : memref<1x8x20x128xf32, #tpu.memory_space<vmem>> -> memref<8x20x128xf32, #tpu.memory_space<vmem>>
    %dma_wait3A_85 = arith.constant 0 : i32
    %dma_wait3A_86 = arith.constant 0 : i32
    %dma_wait3A_87 = tpu.memref_slice %arg4[%add3A_77, %dma_wait3A_85, %dma_wait3A_86] : memref<16384x20x128xf32, #tpu.memory_space<hbm>> -> memref<8x20x128xf32, #tpu.memory_space<hbm>>
    %dma_wait3A_88 = arith.constant 0 : i32
    %dma_wait3A_89 = arith.constant 0 : i32
    %dma_wait3A_90 = tpu.memref_slice %arg4[%add3A_77, %dma_wait3A_88, %dma_wait3A_89] : memref<16384x20x128xf32, #tpu.memory_space<hbm>> -> memref<8x20x128xf32, #tpu.memory_space<hbm>>
    %dma_wait3A_91 = tpu.memref_reshape %arg6 : memref<4x160x128xf32, #tpu.memory_space<vmem>> -> memref<4x8x20x128xf32, #tpu.memory_space<vmem>>
    %dma_wait3A_92 = arith.constant 0 : i32
    %dma_wait3A_93 = arith.constant 0 : i32
    %dma_wait3A_94 = arith.constant 0 : i32
    %dma_wait3A_95 = tpu.memref_slice %dma_wait3A_91[%dma_wait3A_78, %dma_wait3A_92, %dma_wait3A_93, %dma_wait3A_94] : memref<4x8x20x128xf32, #tpu.memory_space<vmem>> -> memref<1x8x20x128xf32, #tpu.memory_space<vmem>>
    %dma_wait3A_96 = tpu.memref_squeeze %dma_wait3A_95 : memref<1x8x20x128xf32, #tpu.memory_space<vmem>> -> memref<8x20x128xf32, #tpu.memory_space<vmem>>
    tpu.wait_dma2 semaphore(%arg14 : memref<!tpu.dma_semaphore, #tpu.memory_space<semaphore_mem>>) src(%dma_wait3A_96 : memref<8x20x128xf32, #tpu.memory_space<vmem>>) dst(%dma_wait3A_90 : memref<8x20x128xf32, #tpu.memory_space<hbm>>)
    return
  }
}

</mosaic_0001>

<sc_bundles>
// kernel: _embed.3.cloned.1.call-start
scs
__scs_entry_jumppad:
0x0: {  	(pc) =	sbr.rel $0x88, $3  }
0x1: {  	(tag) =	ssettag $0x0;
	lr =	simm.s32 $0x1  }
0x2: {  	[smem:$0x3F9F] =	sst lr;
	_ =	strace $0xD0000000  }
0x3: {  	_ = 	snop  }
0x4: {  	_ = 	snop  }
0x5: {  	_ = 	snop  }
0x6: {  	_ = 	snop  }
0x7: {  	_ = 	snop  }
__scs_overlays_trampoline_lowered:
0x8: {  	[smem:$0x3FAE] =	sst s0  }
0x9: {  	[smem:$0x3FAF] =	sst s1  }
0xa: {  	[smem:$0x3FB0] =	sst s2  }
0xb: {  	[smem:$0x3FB1] =	sst s3  }
0xc: {  	[smem:$0x3FB2] =	sst s4  }
0xd: {  	[smem:$0x3FB3] =	sst s5  }
0xe: {  	[smem:$0x3FB4] =	sst s6  }
0xf: {  	[smem:$0x3FB5] =	sst s7  }
0x10: {  	[smem:$0x3FB6] =	sst s8  }
0x11: {  	[smem:$0x3FB7] =	sst s9;
	s0 =	simm.s32 @!p0 $0x0  }
0x12: {  	s1 =	sld [smem:$0x3F9D];
	s0 =	simm.s32 @p0 $0x1  }
0x13: {  	[smem:$0x3FB8] =	sst s0;
	s0 =	simm.s32 @!p1 $0x0  }
0x14: {  	s2 =	sld [smem:$0x3F9C];
	s0 =	simm.s32 @p1 $0x1  }
0x15: {  	[smem:$0x3FB9] =	sst s0;
	s0 =	simm.s32 @!p2 $0x0  }
0x16: {  	s3 =	sld [smem:$0x3FDB];
	s0 =	simm.s32 @p2 $0x1  }
0x17: {  	s4 =	simm.s32 $0x1BF5;
	[smem:$0x3FBB] =	sst s0  }
0x18: {  	s0 =	sld [smem:$0x3F9E];
	_ =	swait.ge [sflag:s4], $0x0  }
0x19: {  	s7 =	sld [smem:$0x3F9F]  }
0x1a: {  	s8 =	sadd.s32 $0xFFFFE003, lr  }
0x1b: {  	s9 =	sadd.s32 $0xFFFFFEF7, lr;
	s5 =	simm.s32 $0xFFFFFFFF;
	p2 =	slt.u32 s8, $0xFFFFF086  }
0x1c: {  	p1 =	slt.u32 s9, $0xF7A;
	s5 =	simm.s32 @!p2 $0x0  }
0x1d: {  	s5 =	simm.s32 @p1 $0x1;
	p0 =	seq.s32 s7, s2  }
0x1e: {  	s7 =	smul.u32 @!p0 $0xF7A, s2;
	p2 =	seq.s32 @!p0 s5, $0x0  }
0x1f: {  	s9 =	smul.u32 $0xF7A, s1;
	s8 =	simm.s32 @!p0 $0x1BF5;
	p2 =	por !p2, p0  }
0x20: {  	[sflag:s8] =	ssyncset.s32 @!p0 $0xFFFFF086;
	s6 =	sadd.s32 @!p0 s3, s7;
	s7 =	simm.s32 @!p0 $0x108  }
0x21: {  	s3 =	sadd.s32 s3, s9;
	s6 =	sadd.s32 @!p0 $0x88, s6;
	s7 =	simm.s32 @p2 $0x1082  }
0x22: {  	[simem:s7], [sflag:s8] =	dma.local @!p0 [hbm:s6], $0xF7A  }
0x23: {  	s9 =	sor.u32 $0xD0000000, s2;
	s6 =	simm.s32 $0x108;
	_ =	swait.ge @!p0 [sflag:s8], $0x0  }
0x24: {  	s3 =	sadd.s32 $0x88, s3;
	s6 =	simm.s32 @!p1 $0x1082;
	[sflag:s4] =	ssyncset.s32 $0xFFFFF086  }
0x25: {  	[simem:s6], [sflag:s4] =	dma.local [hbm:s3], $0xF7A  }
0x26: {  	[smem:$0x3F9F] =	sst s1;
	(tag) =	ssettag s2;
	_ =	strace s9  }
0x27: {  	s1 =	sld [smem:$0x3FAF]  }
0x28: {  	s2 =	sld [smem:$0x3FB0]  }
0x29: {  	s4 =	sld [smem:$0x3FB2]  }
0x2a: {  	p0 =	seq.s32 s5, $0x0;
	s5 =	sld [smem:$0x3FB3]  }
0x2b: {  	s6 =	sld [smem:$0x3FB4]  }
0x2c: {  	s7 =	sld [smem:$0x3FB5]  }
0x2d: {  	s3 =	simm.s32 $0x108;
	s8 =	sld [smem:$0x3FB6]  }
0x2e: {  	s3 =	simm.s32 @!p0 $0x1082;
	s9 =	sld [smem:$0x3FB7]  }
0x2f: {  	lr =	sadd.s32 s0, s3;
	s0 =	sld [smem:$0x3FAE]  }
0x30: {  	s3 =	sld [smem:$0x3FB1]  }
0x31: {  	[smem:$0x3FBA] =	sst s10  }
0x32: {  	s10 =	sld [smem:$0x3FB8];
	_ =	sdelay $0x3  }
0x33: {  	p0 =	seq.s32 s10, $0x1;
	s10 =	sld [smem:$0x3FBA];
	_ =	sdelay $0x3  }
0x34: {  	[smem:$0x3FBA] =	sst s10  }
0x35: {  	s10 =	sld [smem:$0x3FB9];
	_ =	sdelay $0x3  }
0x36: {  	p1 =	seq.s32 s10, $0x1;
	s10 =	sld [smem:$0x3FBA];
	_ =	sdelay $0x3  }
0x37: {  	[smem:$0x3FBA] =	sst s10  }
0x38: {  	s10 =	sld [smem:$0x3FBB]  }
0x39: {  	_ = 	snop;
	(pc) =	sbr.ind lr, $3  }
0x3a: {  	_ = 	snop  }
0x3b: {  	_ = 	snop  }
0x3c: {  	p2 =	seq.s32 s10, $0x1;
	s10 =	sld [smem:$0x3FBA]  }
0x3d: {  	_ =	shalt  }
0x3e: {  	_ =	shalt  }
0x3f: {  	_ =	shalt  }
0x40: {  	_ =	shalt  }
0x41: {  	_ =	shalt  }
0x42: {  	_ =	shalt  }
0x43: {  	_ =	shalt  }
0x44: {  	_ =	shalt  }
0x45: {  	_ =	shalt  }
0x46: {  	_ =	shalt  }
0x47: {  	_ =	shalt  }
0x48: {  	_ =	shalt  }
0x49: {  	_ =	shalt  }
0x4a: {  	_ =	shalt  }
0x4b: {  	_ =	shalt  }
0x4c: {  	_ =	shalt  }
0x4d: {  	_ =	shalt  }
0x4e: {  	_ =	shalt  }
0x4f: {  	_ =	shalt  }
0x50: {  	_ =	shalt  }
0x51: {  	_ =	shalt  }
0x52: {  	_ =	shalt  }
0x53: {  	_ =	shalt  }
0x54: {  	_ =	shalt  }
0x55: {  	_ =	shalt  }
0x56: {  	_ =	shalt  }
0x57: {  	_ =	shalt  }
0x58: {  	_ =	shalt  }
0x59: {  	_ =	shalt  }
0x5a: {  	_ =	shalt  }
0x5b: {  	_ =	shalt  }
0x5c: {  	_ =	shalt  }
0x5d: {  	_ =	shalt  }
0x5e: {  	_ =	shalt  }
0x5f: {  	_ =	shalt  }
0x60: {  	_ =	shalt  }
0x61: {  	_ =	shalt  }
0x62: {  	_ =	shalt  }
0x63: {  	_ =	shalt  }
0x64: {  	_ =	shalt  }
0x65: {  	_ =	shalt  }
0x66: {  	_ =	shalt  }
0x67: {  	_ =	shalt  }
0x68: {  	_ =	shalt  }
0x69: {  	_ =	shalt  }
0x6a: {  	_ =	shalt  }
0x6b: {  	_ =	shalt  }
0x6c: {  	_ =	shalt  }
0x6d: {  	_ =	shalt  }
0x6e: {  	_ =	shalt  }
0x6f: {  	_ =	shalt  }
0x70: {  	_ =	shalt  }
0x71: {  	_ =	shalt  }
0x72: {  	_ =	shalt  }
0x73: {  	_ =	shalt  }
0x74: {  	_ =	shalt  }
0x75: {  	_ =	shalt  }
0x76: {  	_ =	shalt  }
0x77: {  	_ =	shalt  }
0x78: {  	_ =	shalt  }
0x79: {  	_ =	shalt  }
0x7a: {  	_ =	shalt  }
0x7b: {  	_ =	shalt  }
0x7c: {  	_ =	shalt  }
0x7d: {  	_ =	shalt  }
0x7e: {  	_ =	shalt  }
0x7f: {  	_ =	shalt  }
0x80: {  	_ =	shalt  }
0x81: {  	_ =	shalt  }
0x82: {  	_ =	shalt  }
0x83: {  	_ =	shalt  }
0x84: {  	_ =	shalt  }
0x85: {  	_ =	shalt  }
0x86: {  	_ =	shalt  }
0x87: {  	_ =	shalt  }
.Lfunc_end0:
.L_simem_size_0:
called_computation_lowered:
.L_overlay_start_0:
0x88: {  	s2 =	sld [smem:$0x3FD9]  }
0x89: {  	s3 =	sld [smem:$0x3FFE];
	_ =	sdelay $0x1  }
0x8a: {  	s1 =	srdreg.scid  }
0x8b: {  	s0 =	sand.u32 $0x1, s1  }
0x8c: {  	s17 =	sshll.u32 s0, $0xA;
	s2 =	sadd.s32 s3, s2  }
0x8d: {  	s2 =	sadd.s32 s2, s17  }
0x8e: {  	[smem:$0x3FC6] =	sst s2  }
0x8f: {  	_ = 	snop  }
0x90: {  	s2 =	sld [smem:$0x3FC9];
	(tm) =	ssettm $0x1  }
0x91: {  	s18 =	sld [smem:$0x3FFB];
	_ =	sdelay $0x3  }
0x92: {  	_ =	strace s18  }
0x93: {  	s3 =	sld [smem:$0x3FFC];
	_ =	sdelay $0x3  }
0x94: {  	_ =	strace s3  }
0x95: {  	s3 =	sld [smem:$0x3FFD];
	_ =	sdelay $0x3  }
0x96: {  	_ =	strace s3  }
0x97: {  	_ =	strace $0x8FFFFFFF  }
0x98: {  	s19 =	sld [smem:$0x3FDB];
	_ =	sdelay $0x1  }
0x99: {  	s4 =	simm.s32 $_scs_section_size  }
0x9a: {  	s5 =	simm.s32 $_size__tile_overlayer_lowered;
	s6 =	simm.s32 $_tile_overlayer_lowered  }
0x9b: {  	s22 =	simm.s32 $0x1BFF;
	s21 =	sshll.u32 s6, $0x1;
	s3 =	sadd.s32 s4, s19  }
0x9c: {  	s7 =	simm.s32 $0x0;
	s20 =	sshll.u32 s5, $0x1;
	s5 =	sadd.s32 s21, s3  }
0x9d: {  	[timem:s7], [sflag:s22] =	dma.local [hbm:s5], s20  }
0x9e: {  	_ =	swait.ge [sflag:s22], s20  }
0x9f: {  	s4 =	ssub.s32 $0x0, s20;
	[sflag:s22] =	ssyncset.done $0x0  }
0xa0: {  	[sflag:s22] =	ssyncadd.s32 s4;
	_ =	sdelay $0x1  }
0xa1: {  	s23 =	simm.s32 $0x1B8B  }
0xa2: {  	_ =	swait.ge [sflag:s23], $0x1  }
0xa3: {  	[sflag:s23] =	ssyncset.done $0x0  }
0xa4: {  	s25 =	simm.s32 $0x1B8E;
	s24 =	sld [smem:$0x3FFE];
	[sflag:s23] =	ssyncadd.s32 $0xFFFFFFFF  }
0xa5: {  	s26 =	simm.s32 $execute0_lowered;
	[smem:$0x3FD2] =	sst s25  }
0xa6: {  	s5 =	sshll.u32 s26, $0x1;
	_ =	strace $0x80000046;
	[dreg:$0x1] =	wrdreg $0xFFFFFFFF  }
0xa7: {  	s28 =	simm.s32 $_size_execute0_lowered;
	s3 =	sadd.s32 s3, s5;
	[dreg:$0x0] =	wrdreg $0x0  }
0xa8: {  	s5 =	sshll.u32 s28, $0x1;
	[dreg:$0x2] =	wrdreg s3  }
0xa9: {  	[dreg:$0x3] =	wrdreg s5  }
0xaa: {  	[dreg:$0x4] =	wrdreg $0xC0  }
0xab: {  	_ =	task [dreg:s7], $0x5FFFF  }
0xac: {  	[dreg:$0x1] =	wrdreg $0xFFFFFFFF  }
0xad: {  	[dreg:$0x0] =	wrdreg $0x60  }
0xae: {  	[dreg:$0x2] =	wrdreg s2  }
0xaf: {  	[dreg:$0x3] =	wrdreg s24  }
0xb0: {  	[dreg:$0x4] =	wrdreg $0x9  }
0xb1: {  	_ =	task.clear_ibuf [dreg:s7], $0x5FFFF;
	_ =	strace $0x90000046  }
0xb2: {  	s29 =	simm.s32 $0x9;
	_ =	strace $0x80000048  }
0xb3: {  	_ =	swait.ge [sflag:s29], $0x1  }
0xb4: {  	[sflag:s29] =	ssyncadd.s32 $0xFFFFFFFF  }
0xb5: {  	_ =	strace $0x90000048  }
0xb6: {  	_ =	sfence  }
0xb7: {  	s30 =	sld [smem:$0x0];
	_ =	sdelay $0x2  }
0xb8: {  	s31 =	sshll.u32 s1, $0xD;
	s1 =	sshrl.u32 s1, $0x2  }
0xb9: {  	s3 =	sand.u32 $0x4000, s31;
	s1 =	sadd.s32 s1, s30  }
0xba: {  	s0 =	sor.u32 s3, s0;
	s1 =	sshll.u32 s1, $0x11  }
0xbb: {  	s0 =	sor.u32 s1, s0  }
0xbc: {  	s0 =	sadd.s32 $0x8F2B, s0  }
0xbd: {  	[sflag:s0] =	ssyncadd.remote.s32 $0x1  }
0xbe: {  	_ =	sfence.sel $0xFFFF  }
0xbf: {  	[dreg:$0x0] =	wrdreg $0xFFFFFFFF;
	(pc) =	sbr.abs _section_cstart, $3  }
0xc0: {  	[dreg:$0x1] =	wrdreg $0xFFFFFFFF  }
0xc1: {  	_ =	task.clear_ibuf [dreg:s7], $0x2FFFF;
	_ =	strace $0x9FFFFFFF  }
0xc2: {  	(tm) =	ssettm $0x7FFFFFFF  }
0xc3: {  	_ =	shalt  }
tec
execute0_lowered:
.L_overlay_start_1:
0x0: {  	(tag) =	ssettag $0x1  }
0x1: {  	s0 =	rddreg [dreg:$0x0]  }
0x2: {  	s1 =	rddreg [dreg:$0x1]  }
0x3: {  	s2 =	srdreg.scid;
	s6 =	stileid.u32  }
0x4: {  	s10 =	simm.s32 $0x400;
	s12 =	simm.s32 $0x3;
	s13 =	simm.s32 $0xA00  }
0x5: {  	s14 =	simm.s32 $0xC00;
	s16 =	simm.s32 $0x4;
	s18 =	simm.s32 $0x1  }
0x6: {  	s20 =	simm.s32 $0x2;
	s4 =	sand.u32 $0x1, s2;
	s3 =	sshll.u32 s6, $0x1  }
0x7: {  	s2 =	simm.s32 $0x0;
	s23 =	sshrl.u32 s6, $0x2;
	s28 =	sadd.s32 $0xF42800, s1  }
0x8: {  	s5 =	sor.u32 s4, s3;
	[smem:$0x7FF] =	sst s2;
	s6 =	smul.u32 $0x14000, s23  }
0x9: {  	s3 =	sadd.s32 $0x400, s1;
	s8 =	ssub.s32 $0x2, s4;
	s4 =	simm.s32 $0x0  }
0xa: {  	s24 =	sshll.u32 s5, $0x7;
	_ =	strace $0x80000047;
	s9 =	smul.u32 $0x30000, s5  }
.Ltmp0:
0xb: {  	s26 =	sshrl.u32 s8, $0x1;
	s7 =	sand.u32 $0x380, s24;
	(pc) =	sbr.rel .LBB2_1-.Ltmp0, $4  }
0xc: {  	s30 =	sshll.u32 s5, $0x9;
	s29 =	ssub.s32 s8, s26;
	s25 =	sor.u32 s6, s7  }
0xd: {  	[dreg:$0x4] =	wrdreg s30;
	s31 =	smax.u32 s29, $0x1;
	s7 =	sshrl.u32 s25, $0x3  }
0xe: {  	s6 =	smov.u32 s28;
	[dreg:$0x5] =	wrdreg s31;
	s0 =	sadd.s32 s0, s7  }
0xf: {  	s7 =	sadd.s32 s28, s9;
	s9 =	simm.s32 $0x80;
	[dreg:$0x3] =	wrdreg s0  }
.LBB2_34:
0x10: {  	s0 =	simm.s32 $0x5  }
0x11: {  	_ =	swait.ge [sflag:s0], $0x5000  }
0x12: {  	[sflag:s0] =	ssyncset.done $0x0  }
0x13: {  	s29 =	simm.s32 $0x6;
	[sflag:s0] =	ssyncadd.s32 $0xFFFFB000  }
0x14: {  	_ =	swait.ge [sflag:s29], $0x5000  }
0x15: {  	[sflag:s29] =	ssyncset.done $0x0  }
0x16: {  	s30 =	simm.s32 $0x7;
	[sflag:s29] =	ssyncadd.s32 $0xFFFFB000  }
0x17: {  	_ =	swait.ge [sflag:s30], $0x5000  }
0x18: {  	[sflag:s30] =	ssyncset.done $0x0  }
0x19: {  	s1 =	simm.s32 $0x8;
	[sflag:s30] =	ssyncadd.s32 $0xFFFFB000  }
0x1a: {  	_ =	swait.ge [sflag:s1], $0x5000  }
0x1b: {  	s4 =	rddreg [dreg:$0x6]  }
0x1c: {  	s31 =	rddreg [dreg:$0x5];
	s4 =	sadd.s32 $0x1, s4  }
0x1d: {  	p0 =	sne.s32 s4, s31  }
.Ltmp1:
0x1e: {  	_ = 	snop;
	(pc) =	sbr.rel @!p0 .LBB2_35-.Ltmp1, $3  }
0x1f: {  	_ =	sdelay $0x1  }
0x20: {  	[sflag:s1] =	ssyncset.done $0x0  }
0x21: {  	[sflag:s1] =	ssyncadd.s32 $0xFFFFB000  }
.LBB2_1:
0x22: {  	[dreg:$0x6] =	wrdreg s4  }
0x23: {  	s0 =	rddreg [dreg:$0x3];
	s26 =	simm.s32 $0x9  }
0x24: {  	[tilespmem:s2], [sflag:$0x9] =	stream.strided.gather [hbm4b:s0+s9], $0x2800, s10, s9, $0x38;
	[tilespmem:$0x16800] =	vst v63  }
0x25: {  	s28 =	simm.s32 $0xA0;
	_ =	swait.ge [sflag:s26], $0x2800  }
0x26: {  	s29 =	simm.s32 $0x140;
	s30 =	simm.s32 $0x1E0;
	[sflag:s26] =	ssyncset.done $0x0  }
0x27: {  	s31 =	simm.s32 $0x0;
	s0 =	simm.s32 $0x0;
	[sflag:s26] =	ssyncadd.s32 $0xFFFFD800  }
.LBB2_2:
0x28: {  	p0 =	seq.s32 s0, $0x0  }
.Ltmp2:
0x29: {  	_ = 	snop;
	(pc) =	sbr.rel @p0 .LBB2_5-.Ltmp2, $1  }
0x2a: {  	_ =	sdelay $0x3  }
0x2b: {  	p1 =	seq.s32 s0, $0x10  }
.Ltmp3:
0x2c: {  	_ = 	snop;
	(pc) =	sbr.rel @p1 .LBB2_8-.Ltmp3, $1  }
0x2d: {  	_ =	sdelay $0x3  }
0x2e: {  	s1 =	simm.s32 $0x5  }
0x2f: {  	_ =	swait.ge [sflag:s1], $0x5000  }
0x30: {  	[sflag:s1] =	ssyncset.done $0x0  }
0x31: {  	[sflag:s1] =	ssyncadd.s32 $0xFFFFB000  }
.LBB2_5:
0x32: {  	s1 =	simm.s32 $0x0;
	s5 =	sadd.s32 $0x0, s31  }
0x33: {  	s5 =	sand.u32 $0xFF80, s5;
	s1 =	sand.u32 $0x70, s1  }
0x34: {  	s1 =	sor.u32 s1, s5  }
0x35: {  	v0 =	vld [tilespmem:s1+$0x0];
	_ =	sdelay $0x4  }
0x36: {  	v0 =	vshll.u32 v0, $0x4  }
0x37: {  	(v2sf) =	vpush v0, $0x0;
	_ =	sdelay $0x1  }
0x38: {  	(v2sf) =	vpush v0, $0x1;
	_ =	sdelay $0x3  }
0x39: {  	(v2sf) =	vpush v0, $0x2;
	_ =	sdelay $0x3  }
0x3a: {  	(v2sf) =	vpush v0, $0x3;
	_ =	sdelay $0x3  }
0x3b: {  	(v2sf) =	vpush v0, $0x4  }
0x3c: {  	s19 =	spop (v2sf)  }
0x3d: {  	s1 =	sand.u32 $0x1FFFFFF0, s19  }
0x3e: {  	s8 =	simm.s32 $0x2800;
	s21 =	spop (v2sf);
	s1 =	sadd.s32 s3, s1  }
0x3f: {  	(v2sf) =	vpush v0, $0x5;
	[tilespmem:s8], [sflag:$0x1] =	stream.strided.gather [hbm4b:s1+s9], $0x0, s10, s9, $0x38;
	[tilespmem:$0x16800] =	vst v63  }
0x40: {  	s5 =	sand.u32 $0x1FFFFFF0, s21  }
0x41: {  	[tilespmem:s8], [sflag:$0x1] =	stream.linear.gather [hbm4b:s1+s2], $0x40, $0x38;
	[tilespmem:$0x16800] =	vst v63  }
0x42: {  	s22 =	simm.s32 $0x2880;
	s23 =	spop (v2sf);
	s5 =	sadd.s32 s3, s5  }
0x43: {  	(v2sf) =	vpush v0, $0x6;
	[tilespmem:s22], [sflag:$0x1] =	stream.strided.gather [hbm4b:s5+s9], $0x0, s10, s9, $0x38;
	[tilespmem:$0x16800] =	vst v63  }
0x44: {  	s8 =	sand.u32 $0x1FFFFFF0, s23  }
0x45: {  	[tilespmem:s22], [sflag:$0x1] =	stream.linear.gather [hbm4b:s5+s2], $0x40, $0x38;
	[tilespmem:$0x16800] =	vst v63  }
0x46: {  	s25 =	simm.s32 $0x2900;
	s24 =	spop (v2sf);
	s8 =	sadd.s32 s3, s8  }
0x47: {  	(v2sf) =	vpush v0, $0x7;
	[tilespmem:s25], [sflag:$0x1] =	stream.strided.gather [hbm4b:s8+s9], $0x0, s10, s9, $0x38;
	[tilespmem:$0x16800] =	vst v63  }
0x48: {  	s1 =	sand.u32 $0x1FFFFFF0, s24  }
0x49: {  	[tilespmem:s25], [sflag:$0x1] =	stream.linear.gather [hbm4b:s8+s2], $0x40, $0x38;
	[tilespmem:$0x16800] =	vst v63  }
0x4a: {  	s4 =	simm.s32 $0x2980;
	s26 =	spop (v2sf);
	s1 =	sadd.s32 s3, s1  }
0x4b: {  	(v2sf) =	vpush v0, $0x8;
	[tilespmem:s4], [sflag:$0x1] =	stream.strided.gather [hbm4b:s1+s9], $0x0, s10, s9, $0x38;
	[tilespmem:$0x16800] =	vst v63  }
0x4c: {  	s5 =	sand.u32 $0x1FFFFFF0, s26  }
0x4d: {  	[tilespmem:s4], [sflag:$0x1] =	stream.linear.gather [hbm4b:s1+s2], $0x40, $0x38;
	[tilespmem:$0x16800] =	vst v63  }
0x4e: {  	s11 =	simm.s32 $0x2A00;
	s5 =	sadd.s32 s3, s5;
	s8 =	spop (v2sf)  }
0x4f: {  	(v2sf) =	vpush v0, $0x9;
	[tilespmem:s11], [sflag:$0x1] =	stream.strided.gather [hbm4b:s5+s9], $0x0, s10, s9, $0x38;
	[tilespmem:$0x16800] =	vst v63  }
0x50: {  	s1 =	sand.u32 $0x1FFFFFF0, s8  }
0x51: {  	[tilespmem:s11], [sflag:$0x1] =	stream.linear.gather [hbm4b:s5+s2], $0x40, $0x38;
	[tilespmem:$0x16800] =	vst v63  }
0x52: {  	s17 =	simm.s32 $0x2A80;
	s15 =	spop (v2sf);
	s1 =	sadd.s32 s3, s1  }
0x53: {  	(v2sf) =	vpush v0, $0xA;
	[tilespmem:s17], [sflag:$0x1] =	stream.strided.gather [hbm4b:s1+s9], $0x0, s10, s9, $0x38;
	[tilespmem:$0x16800] =	vst v63  }
0x54: {  	s5 =	sand.u32 $0x1FFFFFF0, s15  }
0x55: {  	[tilespmem:s17], [sflag:$0x1] =	stream.linear.gather [hbm4b:s1+s2], $0x40, $0x38;
	[tilespmem:$0x16800] =	vst v63  }
0x56: {  	s21 =	simm.s32 $0x2B00;
	s19 =	spop (v2sf);
	s5 =	sadd.s32 s3, s5  }
0x57: {  	(v2sf) =	vpush v0, $0xB;
	[tilespmem:s21], [sflag:$0x1] =	stream.strided.gather [hbm4b:s5+s9], $0x0, s10, s9, $0x38;
	[tilespmem:$0x16800] =	vst v63  }
0x58: {  	s1 =	sand.u32 $0x1FFFFFF0, s19  }
0x59: {  	[tilespmem:s21], [sflag:$0x1] =	stream.linear.gather [hbm4b:s5+s2], $0x40, $0x38;
	[tilespmem:$0x16800] =	vst v63  }
0x5a: {  	s23 =	simm.s32 $0x2B80;
	s22 =	spop (v2sf);
	s1 =	sadd.s32 s3, s1  }
0x5b: {  	(v2sf) =	vpush v0, $0xC;
	[tilespmem:s23], [sflag:$0x1] =	stream.strided.gather [hbm4b:s1+s9], $0x0, s10, s9, $0x38;
	[tilespmem:$0x16800] =	vst v63  }
0x5c: {  	s5 =	sand.u32 $0x1FFFFFF0, s22  }
0x5d: {  	[tilespmem:s23], [sflag:$0x1] =	stream.linear.gather [hbm4b:s1+s2], $0x40, $0x38;
	[tilespmem:$0x16800] =	vst v63  }
0x5e: {  	s25 =	simm.s32 $0x2C00;
	s24 =	spop (v2sf);
	s5 =	sadd.s32 s3, s5  }
0x5f: {  	(v2sf) =	vpush v0, $0xD;
	[tilespmem:s25], [sflag:$0x1] =	stream.strided.gather [hbm4b:s5+s9], $0x0, s10, s9, $0x38;
	[tilespmem:$0x16800] =	vst v63  }
0x60: {  	s1 =	sand.u32 $0x1FFFFFF0, s24  }
0x61: {  	[tilespmem:s25], [sflag:$0x1] =	stream.linear.gather [hbm4b:s5+s2], $0x40, $0x38;
	[tilespmem:$0x16800] =	vst v63  }
0x62: {  	s4 =	simm.s32 $0x2C80;
	s26 =	spop (v2sf);
	s1 =	sadd.s32 s3, s1  }
0x63: {  	(v2sf) =	vpush v0, $0xE;
	[tilespmem:s4], [sflag:$0x1] =	stream.strided.gather [hbm4b:s1+s9], $0x0, s10, s9, $0x38;
	[tilespmem:$0x16800] =	vst v63  }
0x64: {  	s5 =	sand.u32 $0x1FFFFFF0, s26  }
0x65: {  	[tilespmem:s4], [sflag:$0x1] =	stream.linear.gather [hbm4b:s1+s2], $0x40, $0x38;
	[tilespmem:$0x16800] =	vst v63  }
0x66: {  	s15 =	simm.s32 $0x2D00;
	s11 =	spop (v2sf);
	s5 =	sadd.s32 s3, s5  }
0x67: {  	(v2sf) =	vpush v0, $0xF;
	[tilespmem:s15], [sflag:$0x1] =	stream.strided.gather [hbm4b:s5+s9], $0x0, s10, s9, $0x38;
	[tilespmem:$0x16800] =	vst v63  }
0x68: {  	s1 =	sand.u32 $0x1FFFFFF0, s11  }
0x69: {  	[tilespmem:s15], [sflag:$0x1] =	stream.linear.gather [hbm4b:s5+s2], $0x40, $0x38;
	[tilespmem:$0x16800] =	vst v63  }
0x6a: {  	s19 =	simm.s32 $0x2D80;
	s17 =	spop (v2sf);
	s1 =	sadd.s32 s3, s1  }
0x6b: {  	[tilespmem:s19], [sflag:$0x1] =	stream.strided.gather [hbm4b:s1+s9], $0x0, s10, s9, $0x38;
	[tilespmem:$0x16800] =	vst v63  }
0x6c: {  	s5 =	sand.u32 $0x1FFFFFF0, s17  }
0x6d: {  	[tilespmem:s19], [sflag:$0x1] =	stream.linear.gather [hbm4b:s1+s2], $0x40, $0x38;
	[tilespmem:$0x16800] =	vst v63  }
0x6e: {  	s22 =	simm.s32 $0x2E00;
	s21 =	spop (v2sf);
	s5 =	sadd.s32 s3, s5  }
0x6f: {  	[tilespmem:s22], [sflag:$0x1] =	stream.strided.gather [hbm4b:s5+s9], $0x0, s10, s9, $0x38;
	[tilespmem:$0x16800] =	vst v63  }
0x70: {  	s1 =	sand.u32 $0x1FFFFFF0, s21  }
0x71: {  	[tilespmem:s22], [sflag:$0x1] =	stream.linear.gather [hbm4b:s5+s2], $0x40, $0x38;
	[tilespmem:$0x16800] =	vst v63  }
0x72: {  	s24 =	simm.s32 $0x2E80;
	s23 =	spop (v2sf);
	s1 =	sadd.s32 s3, s1  }
0x73: {  	[tilespmem:s24], [sflag:$0x1] =	stream.strided.gather [hbm4b:s1+s9], $0x0, s10, s9, $0x38;
	[tilespmem:$0x16800] =	vst v63  }
0x74: {  	s5 =	sand.u32 $0x1FFFFFF0, s23  }
0x75: {  	[tilespmem:s24], [sflag:$0x1] =	stream.linear.gather [hbm4b:s1+s2], $0x40, $0x38;
	[tilespmem:$0x16800] =	vst v63  }
0x76: {  	s25 =	simm.s32 $0x2F00;
	s11 =	spop (v2sf);
	s5 =	sadd.s32 s3, s5  }
0x77: {  	[tilespmem:s25], [sflag:$0x1] =	stream.strided.gather [hbm4b:s5+s9], $0x0, s10, s9, $0x38;
	[tilespmem:$0x16800] =	vst v63  }
0x78: {  	s8 =	simm.s32 $0x4000;
	s26 =	sand.u32 $0x1FFFFFF0, s11;
	s11 =	simm.s32 $0x2F80  }
0x79: {  	[tilespmem:s25], [sflag:$0x1] =	stream.linear.gather [hbm4b:s5+s2], $0x40, $0x38;
	[tilespmem:$0x16800] =	vst v63  }
0x7a: {  	s26 =	sadd.s32 s3, s26;
	s1 =	simm.s32 $0x2000;
	s5 =	simm.s32 $0x10  }
.LBB2_6:
0x7b: {  	p1 =	sne.s32 s8, $0x12000  }
0x7c: {  	s25 =	sadd.s32 s5, s31;
	s15 =	smov.u32 s8;
	s8 =	sadd.s32 $0x2000, s8  }
0x7d: {  	[tilespmem:s11], [sflag:$0x1] =	stream.strided.gather [hbm4b:s26+s9], $0x0, s10, s9, $0x38;
	[tilespmem:$0x16800] =	vst v63  }
0x7e: {  	s17 =	sand.u32 $0x70, s5;
	s25 =	sand.u32 $0xFF80, s25  }
0x7f: {  	[tilespmem:s11], [sflag:$0x1] =	stream.linear.gather [hbm4b:s26+s2], $0x40, $0x38;
	[tilespmem:$0x16800] =	vst v63  }
0x80: {  	s11 =	sor.u32 s17, s25  }
0x81: {  	v0 =	vld [tilespmem:s11+$0x0];
	_ =	sdelay $0x4  }
0x82: {  	v0 =	vshll.u32 v0, $0x4  }
0x83: {  	(v2sf) =	vpush v0, $0x0  }
0x84: {  	(v2sf) =	vpush v0, $0x1;
	_ =	sdelay $0x2  }
0x85: {  	(v2sf) =	vpush v0, $0x2;
	_ =	sdelay $0x1  }
0x86: {  	(v2sf) =	vpush v0, $0x3;
	_ =	sdelay $0x1  }
0x87: {  	(v2sf) =	vpush v0, $0x4;
	_ =	sdelay $0x3  }
0x88: {  	(v2sf) =	vpush v0, $0x5;
	_ =	sdelay $0x2  }
0x89: {  	s25 =	sshra.s32 s1, $0x2;
	s1 =	smov.u32 s15;
	s11 =	spop (v2sf)  }
0x8a: {  	s15 =	sadd.s32 $0x2880, s25;
	s11 =	sand.u32 $0x1FFFFFF0, s11;
	s17 =	spop (v2sf);
	(v2sf) =	vpush v0, $0x6  }
0x8b: {  	s26 =	sadd.s32 $0x2800, s25;
	s19 =	sadd.s32 s3, s11;
	s17 =	sand.u32 $0x1FFFFFF0, s17  }
0x8c: {  	[tilespmem:s26], [sflag:$0x1] =	stream.strided.gather [hbm4b:s19+s9], $0x0, s10, s9, $0x38;
	[tilespmem:$0x16800] =	vst v63  }
0x8d: {  	s11 =	sadd.s32 $0x2F80, s25;
	s21 =	spop (v2sf)  }
0x8e: {  	[tilespmem:s26], [sflag:$0x1] =	stream.linear.gather [hbm4b:s19+s2], $0x40, $0x38;
	(v2sf) =	vpush v0, $0x7;
	[tilespmem:$0x16800] =	vst v63  }
0x8f: {  	s17 =	sadd.s32 s3, s17;
	s19 =	sand.u32 $0x1FFFFFF0, s21;
	s21 =	spop (v2sf)  }
0x90: {  	[tilespmem:s15], [sflag:$0x1] =	stream.strided.gather [hbm4b:s17+s9], $0x0, s10, s9, $0x38;
	[tilespmem:$0x16800] =	vst v63  }
0x91: {  	s21 =	sand.u32 $0x1FFFFFF0, s21;
	s26 =	spop (v2sf)  }
0x92: {  	[tilespmem:s15], [sflag:$0x1] =	stream.linear.gather [hbm4b:s17+s2], $0x40, $0x38;
	(v2sf) =	vpush v0, $0x8;
	[tilespmem:$0x16800] =	vst v63  }
0x93: {  	s15 =	sadd.s32 $0x2900, s25;
	s17 =	sadd.s32 s3, s19;
	s19 =	sand.u32 $0x1FFFFFF0, s26  }
0x94: {  	[tilespmem:s15], [sflag:$0x1] =	stream.strided.gather [hbm4b:s17+s9], $0x0, s10, s9, $0x38;
	[tilespmem:$0x16800] =	vst v63  }
0x95: {  	s26 =	spop (v2sf)  }
0x96: {  	[tilespmem:s15], [sflag:$0x1] =	stream.linear.gather [hbm4b:s17+s2], $0x40, $0x38;
	(v2sf) =	vpush v0, $0x9;
	[tilespmem:$0x16800] =	vst v63  }
0x97: {  	s15 =	sadd.s32 $0x2980, s25;
	s17 =	sadd.s32 s3, s21;
	s21 =	sand.u32 $0x1FFFFFF0, s26  }
0x98: {  	[tilespmem:s15], [sflag:$0x1] =	stream.strided.gather [hbm4b:s17+s9], $0x0, s10, s9, $0x38;
	[tilespmem:$0x16800] =	vst v63  }
0x99: {  	s26 =	spop (v2sf)  }
0x9a: {  	[tilespmem:s15], [sflag:$0x1] =	stream.linear.gather [hbm4b:s17+s2], $0x40, $0x38;
	(v2sf) =	vpush v0, $0xA;
	[tilespmem:$0x16800] =	vst v63  }
0x9b: {  	s15 =	sadd.s32 $0x2A00, s25;
	s17 =	sadd.s32 s3, s19;
	s19 =	sand.u32 $0x1FFFFFF0, s26  }
0x9c: {  	[tilespmem:s15], [sflag:$0x1] =	stream.strided.gather [hbm4b:s17+s9], $0x0, s10, s9, $0x38;
	[tilespmem:$0x16800] =	vst v63  }
0x9d: {  	s26 =	spop (v2sf)  }
0x9e: {  	[tilespmem:s15], [sflag:$0x1] =	stream.linear.gather [hbm4b:s17+s2], $0x40, $0x38;
	(v2sf) =	vpush v0, $0xB;
	[tilespmem:$0x16800] =	vst v63  }
0x9f: {  	s15 =	sadd.s32 $0x2A80, s25;
	s17 =	sadd.s32 s3, s21;
	s21 =	sand.u32 $0x1FFFFFF0, s26  }
0xa0: {  	[tilespmem:s15], [sflag:$0x1] =	stream.strided.gather [hbm4b:s17+s9], $0x0, s10, s9, $0x38;
	[tilespmem:$0x16800] =	vst v63  }
0xa1: {  	s26 =	spop (v2sf)  }
0xa2: {  	[tilespmem:s15], [sflag:$0x1] =	stream.linear.gather [hbm4b:s17+s2], $0x40, $0x38;
	(v2sf) =	vpush v0, $0xC;
	[tilespmem:$0x16800] =	vst v63  }
0xa3: {  	s15 =	sadd.s32 $0x2B00, s25;
	s17 =	sadd.s32 s3, s19;
	s19 =	sand.u32 $0x1FFFFFF0, s26  }
0xa4: {  	[tilespmem:s15], [sflag:$0x1] =	stream.strided.gather [hbm4b:s17+s9], $0x0, s10, s9, $0x38;
	[tilespmem:$0x16800] =	vst v63  }
0xa5: {  	s26 =	spop (v2sf)  }
0xa6: {  	[tilespmem:s15], [sflag:$0x1] =	stream.linear.gather [hbm4b:s17+s2], $0x40, $0x38;
	(v2sf) =	vpush v0, $0xD;
	[tilespmem:$0x16800] =	vst v63  }
0xa7: {  	s15 =	sadd.s32 $0x2B80, s25;
	s17 =	sadd.s32 s3, s21;
	s21 =	sand.u32 $0x1FFFFFF0, s26  }
0xa8: {  	[tilespmem:s15], [sflag:$0x1] =	stream.strided.gather [hbm4b:s17+s9], $0x0, s10, s9, $0x38;
	[tilespmem:$0x16800] =	vst v63  }
0xa9: {  	s26 =	spop (v2sf)  }
0xaa: {  	[tilespmem:s15], [sflag:$0x1] =	stream.linear.gather [hbm4b:s17+s2], $0x40, $0x38;
	(v2sf) =	vpush v0, $0xE;
	[tilespmem:$0x16800] =	vst v63  }
0xab: {  	s15 =	sadd.s32 $0x2C00, s25;
	s17 =	sadd.s32 s3, s19;
	s19 =	sand.u32 $0x1FFFFFF0, s26  }
0xac: {  	[tilespmem:s15], [sflag:$0x1] =	stream.strided.gather [hbm4b:s17+s9], $0x0, s10, s9, $0x38;
	[tilespmem:$0x16800] =	vst v63  }
0xad: {  	s26 =	spop (v2sf)  }
0xae: {  	[tilespmem:s15], [sflag:$0x1] =	stream.linear.gather [hbm4b:s17+s2], $0x40, $0x38;
	(v2sf) =	vpush v0, $0xF;
	[tilespmem:$0x16800] =	vst v63  }
0xaf: {  	s15 =	sadd.s32 $0x2C80, s25;
	s17 =	sadd.s32 s3, s21;
	s21 =	sand.u32 $0x1FFFFFF0, s26  }
0xb0: {  	[tilespmem:s15], [sflag:$0x1] =	stream.strided.gather [hbm4b:s17+s9], $0x0, s10, s9, $0x38;
	[tilespmem:$0x16800] =	vst v63  }
0xb1: {  	s26 =	spop (v2sf)  }
0xb2: {  	[tilespmem:s15], [sflag:$0x1] =	stream.linear.gather [hbm4b:s17+s2], $0x40, $0x38;
	[tilespmem:$0x16800] =	vst v63  }
0xb3: {  	s15 =	sadd.s32 $0x2D00, s25;
	s17 =	sadd.s32 s3, s19;
	s19 =	sand.u32 $0x1FFFFFF0, s26  }
0xb4: {  	[tilespmem:s15], [sflag:$0x1] =	stream.strided.gather [hbm4b:s17+s9], $0x0, s10, s9, $0x38;
	[tilespmem:$0x16800] =	vst v63  }
0xb5: {  	s26 =	spop (v2sf)  }
0xb6: {  	[tilespmem:s15], [sflag:$0x1] =	stream.linear.gather [hbm4b:s17+s2], $0x40, $0x38;
	[tilespmem:$0x16800] =	vst v63  }
0xb7: {  	s15 =	sadd.s32 $0x2D80, s25;
	s17 =	sadd.s32 s3, s21;
	s21 =	sand.u32 $0x1FFFFFF0, s26  }
0xb8: {  	[tilespmem:s15], [sflag:$0x1] =	stream.strided.gather [hbm4b:s17+s9], $0x0, s10, s9, $0x38;
	[tilespmem:$0x16800] =	vst v63  }
0xb9: {  	s26 =	spop (v2sf)  }
0xba: {  	[tilespmem:s15], [sflag:$0x1] =	stream.linear.gather [hbm4b:s17+s2], $0x40, $0x38;
	[tilespmem:$0x16800] =	vst v63  }
0xbb: {  	s15 =	sadd.s32 $0x2E00, s25;
	s17 =	sadd.s32 s3, s19;
	s19 =	sand.u32 $0x1FFFFFF0, s26  }
0xbc: {  	[tilespmem:s15], [sflag:$0x1] =	stream.strided.gather [hbm4b:s17+s9], $0x0, s10, s9, $0x38;
	[tilespmem:$0x16800] =	vst v63  }
0xbd: {  	s26 =	spop (v2sf)  }
0xbe: {  	[tilespmem:s15], [sflag:$0x1] =	stream.linear.gather [hbm4b:s17+s2], $0x40, $0x38;
	[tilespmem:$0x16800] =	vst v63  }
0xbf: {  	s15 =	sadd.s32 $0x2E80, s25;
	s17 =	sadd.s32 s3, s21;
	s21 =	sand.u32 $0x1FFFFFF0, s26  }
0xc0: {  	[tilespmem:s15], [sflag:$0x1] =	stream.strided.gather [hbm4b:s17+s9], $0x0, s10, s9, $0x38;
	[tilespmem:$0x16800] =	vst v63  }
0xc1: {  	s26 =	sadd.s32 s3, s21  }
0xc2: {  	[tilespmem:s15], [sflag:$0x1] =	stream.linear.gather [hbm4b:s17+s2], $0x40, $0x38;
	[tilespmem:$0x16800] =	vst v63  }
.Ltmp4:
0xc3: {  	_ = 	snop;
	(pc) =	sbr.rel @p1 .LBB2_6-.Ltmp4, $4  }
0xc4: {  	s15 =	sadd.s32 $0x2F00, s25;
	s17 =	sadd.s32 s3, s19  }
0xc5: {  	[tilespmem:s15], [sflag:$0x1] =	stream.strided.gather [hbm4b:s17+s9], $0x0, s10, s9, $0x38;
	[tilespmem:$0x16800] =	vst v63  }
0xc6: {  	s5 =	sadd.s32 $0x10, s5  }
0xc7: {  	[tilespmem:s15], [sflag:$0x1] =	stream.linear.gather [hbm4b:s17+s2], $0x40, $0x38;
	[tilespmem:$0x16800] =	vst v63  }
0xc8: {  	s8 =	sadd.s32 s5, s31  }
0xc9: {  	[tilespmem:s11], [sflag:$0x1] =	stream.strided.gather [hbm4b:s26+s9], $0x0, s10, s9, $0x38;
	[tilespmem:$0x16800] =	vst v63  }
0xca: {  	s4 =	sand.u32 $0x70, s5;
	s8 =	sand.u32 $0xFF80, s8  }
0xcb: {  	[tilespmem:s11], [sflag:$0x1] =	stream.linear.gather [hbm4b:s26+s2], $0x40, $0x38;
	[tilespmem:$0x16800] =	vst v63  }
0xcc: {  	s5 =	sor.u32 s4, s8  }
0xcd: {  	v0 =	vld [tilespmem:s5+$0x0];
	_ =	sdelay $0x4  }
0xce: {  	v0 =	vshll.u32 v0, $0x4  }
0xcf: {  	(v2sf) =	vpush v0, $0x0;
	_ =	sdelay $0x1  }
0xd0: {  	(v2sf) =	vpush v0, $0x1;
	_ =	sdelay $0x3  }
0xd1: {  	(v2sf) =	vpush v0, $0x2;
	_ =	sdelay $0x3  }
0xd2: {  	(v2sf) =	vpush v0, $0x3;
	_ =	sdelay $0x3  }
0xd3: {  	(v2sf) =	vpush v0, $0x4  }
0xd4: {  	s11 =	spop (v2sf)  }
0xd5: {  	s1 =	sshra.s32 s1, $0x2;
	s5 =	sand.u32 $0x1FFFFFF0, s11  }
0xd6: {  	s17 =	sadd.s32 $0x2800, s1;
	s15 =	spop (v2sf);
	s5 =	sadd.s32 s3, s5  }
0xd7: {  	(v2sf) =	vpush v0, $0x5;
	[tilespmem:s17], [sflag:$0x1] =	stream.strided.gather [hbm4b:s5+s9], $0x0, s10, s9, $0x38;
	[tilespmem:$0x16800] =	vst v63  }
0xd8: {  	s8 =	sand.u32 $0x1FFFFFF0, s15  }
0xd9: {  	[tilespmem:s17], [sflag:$0x1] =	stream.linear.gather [hbm4b:s5+s2], $0x40, $0x38;
	[tilespmem:$0x16800] =	vst v63  }
0xda: {  	s19 =	sadd.s32 $0x2880, s1;
	s21 =	spop (v2sf);
	s8 =	sadd.s32 s3, s8  }
0xdb: {  	(v2sf) =	vpush v0, $0x6;
	[tilespmem:s19], [sflag:$0x1] =	stream.strided.gather [hbm4b:s8+s9], $0x0, s10, s9, $0x38;
	[tilespmem:$0x16800] =	vst v63  }
0xdc: {  	s11 =	sand.u32 $0x1FFFFFF0, s21  }
0xdd: {  	[tilespmem:s19], [sflag:$0x1] =	stream.linear.gather [hbm4b:s8+s2], $0x40, $0x38;
	[tilespmem:$0x16800] =	vst v63  }
0xde: {  	s23 =	sadd.s32 $0x2900, s1;
	s22 =	spop (v2sf);
	s11 =	sadd.s32 s3, s11  }
0xdf: {  	(v2sf) =	vpush v0, $0x7;
	[tilespmem:s23], [sflag:$0x1] =	stream.strided.gather [hbm4b:s11+s9], $0x0, s10, s9, $0x38;
	[tilespmem:$0x16800] =	vst v63  }
0xe0: {  	s5 =	sand.u32 $0x1FFFFFF0, s22  }
0xe1: {  	[tilespmem:s23], [sflag:$0x1] =	stream.linear.gather [hbm4b:s11+s2], $0x40, $0x38;
	[tilespmem:$0x16800] =	vst v63  }
0xe2: {  	s25 =	sadd.s32 $0x2980, s1;
	s24 =	spop (v2sf);
	s5 =	sadd.s32 s3, s5  }
0xe3: {  	(v2sf) =	vpush v0, $0x8;
	[tilespmem:s25], [sflag:$0x1] =	stream.strided.gather [hbm4b:s5+s9], $0x0, s10, s9, $0x38;
	[tilespmem:$0x16800] =	vst v63  }
0xe4: {  	s8 =	sand.u32 $0x1FFFFFF0, s24  }
0xe5: {  	[tilespmem:s25], [sflag:$0x1] =	stream.linear.gather [hbm4b:s5+s2], $0x40, $0x38;
	[tilespmem:$0x16800] =	vst v63  }
0xe6: {  	s4 =	sadd.s32 $0x2A00, s1;
	s8 =	sadd.s32 s3, s8;
	s26 =	spop (v2sf)  }
0xe7: {  	(v2sf) =	vpush v0, $0x9;
	[tilespmem:s4], [sflag:$0x1] =	stream.strided.gather [hbm4b:s8+s9], $0x0, s10, s9, $0x38;
	[tilespmem:$0x16800] =	vst v63  }
0xe8: {  	s5 =	sand.u32 $0x1FFFFFF0, s26  }
0xe9: {  	[tilespmem:s4], [sflag:$0x1] =	stream.linear.gather [hbm4b:s8+s2], $0x40, $0x38;
	[tilespmem:$0x16800] =	vst v63  }
0xea: {  	s17 =	sadd.s32 $0x2A80, s1;
	s15 =	spop (v2sf);
	s5 =	sadd.s32 s3, s5  }
0xeb: {  	(v2sf) =	vpush v0, $0xA;
	[tilespmem:s17], [sflag:$0x1] =	stream.strided.gather [hbm4b:s5+s9], $0x0, s10, s9, $0x38;
	[tilespmem:$0x16800] =	vst v63  }
0xec: {  	s8 =	sand.u32 $0x1FFFFFF0, s15  }
0xed: {  	[tilespmem:s17], [sflag:$0x1] =	stream.linear.gather [hbm4b:s5+s2], $0x40, $0x38;
	[tilespmem:$0x16800] =	vst v63  }
0xee: {  	s21 =	sadd.s32 $0x2B00, s1;
	s19 =	spop (v2sf);
	s8 =	sadd.s32 s3, s8  }
0xef: {  	(v2sf) =	vpush v0, $0xB;
	[tilespmem:s21], [sflag:$0x1] =	stream.strided.gather [hbm4b:s8+s9], $0x0, s10, s9, $0x38;
	[tilespmem:$0x16800] =	vst v63  }
0xf0: {  	s5 =	sand.u32 $0x1FFFFFF0, s19  }
0xf1: {  	[tilespmem:s21], [sflag:$0x1] =	stream.linear.gather [hbm4b:s8+s2], $0x40, $0x38;
	[tilespmem:$0x16800] =	vst v63  }
0xf2: {  	s23 =	sadd.s32 $0x2B80, s1;
	s22 =	spop (v2sf);
	s5 =	sadd.s32 s3, s5  }
0xf3: {  	(v2sf) =	vpush v0, $0xC;
	[tilespmem:s23], [sflag:$0x1] =	stream.strided.gather [hbm4b:s5+s9], $0x0, s10, s9, $0x38;
	[tilespmem:$0x16800] =	vst v63  }
0xf4: {  	s8 =	sand.u32 $0x1FFFFFF0, s22  }
0xf5: {  	[tilespmem:s23], [sflag:$0x1] =	stream.linear.gather [hbm4b:s5+s2], $0x40, $0x38;
	[tilespmem:$0x16800] =	vst v63  }
0xf6: {  	s25 =	sadd.s32 $0x2C00, s1;
	s24 =	spop (v2sf);
	s8 =	sadd.s32 s3, s8  }
0xf7: {  	(v2sf) =	vpush v0, $0xD;
	[tilespmem:s25], [sflag:$0x1] =	stream.strided.gather [hbm4b:s8+s9], $0x0, s10, s9, $0x38;
	[tilespmem:$0x16800] =	vst v63  }
0xf8: {  	s5 =	sand.u32 $0x1FFFFFF0, s24  }
0xf9: {  	[tilespmem:s25], [sflag:$0x1] =	stream.linear.gather [hbm4b:s8+s2], $0x40, $0x38;
	[tilespmem:$0x16800] =	vst v63  }
0xfa: {  	s4 =	sadd.s32 $0x2C80, s1;
	s26 =	spop (v2sf);
	s5 =	sadd.s32 s3, s5  }
0xfb: {  	(v2sf) =	vpush v0, $0xE;
	[tilespmem:s4], [sflag:$0x1] =	stream.strided.gather [hbm4b:s5+s9], $0x0, s10, s9, $0x38;
	[tilespmem:$0x16800] =	vst v63  }
0xfc: {  	s8 =	sand.u32 $0x1FFFFFF0, s26  }
0xfd: {  	[tilespmem:s4], [sflag:$0x1] =	stream.linear.gather [hbm4b:s5+s2], $0x40, $0x38;
	[tilespmem:$0x16800] =	vst v63  }
0xfe: {  	s15 =	sadd.s32 $0x2D00, s1;
	s11 =	spop (v2sf);
	s8 =	sadd.s32 s3, s8  }
0xff: {  	(v2sf) =	vpush v0, $0xF;
	[tilespmem:s15], [sflag:$0x1] =	stream.strided.gather [hbm4b:s8+s9], $0x0, s10, s9, $0x38;
	[tilespmem:$0x16800] =	vst v63  }
0x100: {  	s5 =	sand.u32 $0x1FFFFFF0, s11  }
0x101: {  	[tilespmem:s15], [sflag:$0x1] =	stream.linear.gather [hbm4b:s8+s2], $0x40, $0x38;
	[tilespmem:$0x16800] =	vst v63  }
0x102: {  	s19 =	sadd.s32 $0x2D80, s1;
	s17 =	spop (v2sf);
	s5 =	sadd.s32 s3, s5  }
0x103: {  	[tilespmem:s19], [sflag:$0x1] =	stream.strided.gather [hbm4b:s5+s9], $0x0, s10, s9, $0x38;
	[tilespmem:$0x16800] =	vst v63  }
0x104: {  	s8 =	sand.u32 $0x1FFFFFF0, s17  }
0x105: {  	[tilespmem:s19], [sflag:$0x1] =	stream.linear.gather [hbm4b:s5+s2], $0x40, $0x38;
	[tilespmem:$0x16800] =	vst v63  }
0x106: {  	s22 =	sadd.s32 $0x2E00, s1;
	s21 =	spop (v2sf);
	s8 =	sadd.s32 s3, s8  }
0x107: {  	[tilespmem:s22], [sflag:$0x1] =	stream.strided.gather [hbm4b:s8+s9], $0x0, s10, s9, $0x38;
	[tilespmem:$0x16800] =	vst v63  }
0x108: {  	s5 =	sand.u32 $0x1FFFFFF0, s21  }
0x109: {  	[tilespmem:s22], [sflag:$0x1] =	stream.linear.gather [hbm4b:s8+s2], $0x40, $0x38;
	[tilespmem:$0x16800] =	vst v63  }
0x10a: {  	s24 =	sadd.s32 $0x2E80, s1;
	s23 =	spop (v2sf);
	s5 =	sadd.s32 s3, s5  }
0x10b: {  	[tilespmem:s24], [sflag:$0x1] =	stream.strided.gather [hbm4b:s5+s9], $0x0, s10, s9, $0x38;
	[tilespmem:$0x16800] =	vst v63  }
0x10c: {  	s8 =	sand.u32 $0x1FFFFFF0, s23  }
0x10d: {  	[tilespmem:s24], [sflag:$0x1] =	stream.linear.gather [hbm4b:s5+s2], $0x40, $0x38;
	[tilespmem:$0x16800] =	vst v63  }
0x10e: {  	s26 =	sadd.s32 $0x2F00, s1;
	s25 =	spop (v2sf);
	s8 =	sadd.s32 s3, s8  }
0x10f: {  	[tilespmem:s26], [sflag:$0x1] =	stream.strided.gather [hbm4b:s8+s9], $0x0, s10, s9, $0x38;
	[tilespmem:$0x16800] =	vst v63  }
0x110: {  	s5 =	sand.u32 $0x1FFFFFF0, s25  }
0x111: {  	[tilespmem:s26], [sflag:$0x1] =	stream.linear.gather [hbm4b:s8+s2], $0x40, $0x38;
	[tilespmem:$0x16800] =	vst v63  }
0x112: {  	s1 =	sadd.s32 $0x2F80, s1;
	s5 =	sadd.s32 s3, s5  }
0x113: {  	[tilespmem:s1], [sflag:$0x1] =	stream.strided.gather [hbm4b:s5+s9], $0x0, s10, s9, $0x38;
	[tilespmem:$0x16800] =	vst v63  }
0x114: {  	_ = 	snop  }
0x115: {  	[tilespmem:s1], [sflag:$0x1] =	stream.linear.gather [hbm4b:s5+s2], $0x40, $0x38;
	[tilespmem:$0x16800] =	vst v63  }
.LBB2_8:
0x116: {  	s1 =	sshll.u32 s0, $0x2  }
0x117: {  	s5 =	sadd.s32 $0xFFFFFFFE, s1  }
0x118: {  	p1 =	sgt.u32 s5, $0x3F  }
.Ltmp5:
0x119: {  	_ = 	snop;
	(pc) =	sbr.rel @p1 .LBB2_12-.Ltmp5, $2  }
0x11a: {  	_ =	sdelay $0x2  }
0x11b: {  	s8 =	simm.s32 $0xA  }
0x11c: {  	_ =	swait.ge [sflag:s12], $0x40  }
0x11d: {  	[sflag:s12] =	ssyncset.done $0x0  }
0x11e: {  	[sflag:s12] =	ssyncadd.s32 $0xFFFFFFC0  }
0x11f: {  	_ =	swait.ge [sflag:s12], $0x40  }
0x120: {  	[sflag:s12] =	ssyncset.done $0x0  }
0x121: {  	[sflag:s12] =	ssyncadd.s32 $0xFFFFFFC0  }
0x122: {  	_ =	swait.ge [sflag:s12], $0x40  }
0x123: {  	[sflag:s12] =	ssyncset.done $0x0  }
0x124: {  	[sflag:s12] =	ssyncadd.s32 $0xFFFFFFC0  }
0x125: {  	_ =	swait.ge [sflag:s12], $0x40  }
0x126: {  	[sflag:s12] =	ssyncset.done $0x0  }
0x127: {  	[sflag:s12] =	ssyncadd.s32 $0xFFFFFFC0  }
0x128: {  	_ =	swait.ge [sflag:s12], $0x40  }
0x129: {  	[sflag:s12] =	ssyncset.done $0x0  }
0x12a: {  	[sflag:s12] =	ssyncadd.s32 $0xFFFFFFC0  }
0x12b: {  	_ =	swait.ge [sflag:s12], $0x40  }
0x12c: {  	[sflag:s12] =	ssyncset.done $0x0  }
0x12d: {  	[sflag:s12] =	ssyncadd.s32 $0xFFFFFFC0  }
0x12e: {  	_ =	swait.ge [sflag:s12], $0x40  }
0x12f: {  	[sflag:s12] =	ssyncset.done $0x0  }
0x130: {  	[sflag:s12] =	ssyncadd.s32 $0xFFFFFFC0  }
0x131: {  	_ =	swait.ge [sflag:s12], $0x40  }
0x132: {  	[sflag:s12] =	ssyncset.done $0x0  }
0x133: {  	[sflag:s12] =	ssyncadd.s32 $0xFFFFFFC0  }
0x134: {  	_ =	swait.ge [sflag:s12], $0x40  }
0x135: {  	[sflag:s12] =	ssyncset.done $0x0  }
0x136: {  	[sflag:s12] =	ssyncadd.s32 $0xFFFFFFC0  }
0x137: {  	_ =	swait.ge [sflag:s12], $0x40  }
0x138: {  	[sflag:s12] =	ssyncset.done $0x0  }
0x139: {  	[sflag:s12] =	ssyncadd.s32 $0xFFFFFFC0  }
0x13a: {  	_ =	swait.ge [sflag:s12], $0x40  }
0x13b: {  	[sflag:s12] =	ssyncset.done $0x0  }
0x13c: {  	[sflag:s12] =	ssyncadd.s32 $0xFFFFFFC0  }
0x13d: {  	_ =	swait.ge [sflag:s12], $0x40  }
0x13e: {  	[sflag:s12] =	ssyncset.done $0x0  }
0x13f: {  	[sflag:s12] =	ssyncadd.s32 $0xFFFFFFC0  }
0x140: {  	_ =	swait.ge [sflag:s12], $0x40  }
0x141: {  	[sflag:s12] =	ssyncset.done $0x0  }
0x142: {  	[sflag:s12] =	ssyncadd.s32 $0xFFFFFFC0  }
0x143: {  	_ =	swait.ge [sflag:s12], $0x40  }
0x144: {  	[sflag:s12] =	ssyncset.done $0x0  }
0x145: {  	[sflag:s12] =	ssyncadd.s32 $0xFFFFFFC0  }
0x146: {  	_ =	swait.ge [sflag:s12], $0x40  }
0x147: {  	[sflag:s12] =	ssyncset.done $0x0  }
0x148: {  	[sflag:s12] =	ssyncadd.s32 $0xFFFFFFC0  }
0x149: {  	_ =	swait.ge [sflag:s12], $0x40  }
0x14a: {  	s8 =	sadd.s32 $0xFFFFFFFF, s8;
	[sflag:s12] =	ssyncset.done $0x0  }
.LBB2_10:
0x14b: {  	p1 =	sne.s32 s8, $0x1;
	s8 =	sadd.s32 $0xFFFFFFFF, s8;
	[sflag:s12] =	ssyncadd.s32 $0xFFFFFFC0  }
0x14c: {  	_ =	swait.ge [sflag:s12], $0x40  }
0x14d: {  	[sflag:s12] =	ssyncset.done $0x0  }
0x14e: {  	[sflag:s12] =	ssyncadd.s32 $0xFFFFFFC0  }
0x14f: {  	_ =	swait.ge [sflag:s12], $0x40  }
0x150: {  	[sflag:s12] =	ssyncset.done $0x0  }
0x151: {  	[sflag:s12] =	ssyncadd.s32 $0xFFFFFFC0  }
0x152: {  	_ =	swait.ge [sflag:s12], $0x40  }
0x153: {  	[sflag:s12] =	ssyncset.done $0x0  }
0x154: {  	[sflag:s12] =	ssyncadd.s32 $0xFFFFFFC0  }
0x155: {  	_ =	swait.ge [sflag:s12], $0x40  }
0x156: {  	[sflag:s12] =	ssyncset.done $0x0  }
0x157: {  	[sflag:s12] =	ssyncadd.s32 $0xFFFFFFC0  }
0x158: {  	_ =	swait.ge [sflag:s12], $0x40  }
0x159: {  	[sflag:s12] =	ssyncset.done $0x0  }
0x15a: {  	[sflag:s12] =	ssyncadd.s32 $0xFFFFFFC0  }
0x15b: {  	_ =	swait.ge [sflag:s12], $0x40  }
0x15c: {  	[sflag:s12] =	ssyncset.done $0x0  }
0x15d: {  	[sflag:s12] =	ssyncadd.s32 $0xFFFFFFC0  }
0x15e: {  	_ =	swait.ge [sflag:s12], $0x40  }
0x15f: {  	[sflag:s12] =	ssyncset.done $0x0  }
0x160: {  	[sflag:s12] =	ssyncadd.s32 $0xFFFFFFC0  }
0x161: {  	_ =	swait.ge [sflag:s12], $0x40  }
0x162: {  	[sflag:s12] =	ssyncset.done $0x0  }
0x163: {  	[sflag:s12] =	ssyncadd.s32 $0xFFFFFFC0  }
0x164: {  	_ =	swait.ge [sflag:s12], $0x40  }
0x165: {  	[sflag:s12] =	ssyncset.done $0x0  }
0x166: {  	[sflag:s12] =	ssyncadd.s32 $0xFFFFFFC0  }
0x167: {  	_ =	swait.ge [sflag:s12], $0x40  }
0x168: {  	[sflag:s12] =	ssyncset.done $0x0  }
0x169: {  	[sflag:s12] =	ssyncadd.s32 $0xFFFFFFC0  }
0x16a: {  	_ =	swait.ge [sflag:s12], $0x40  }
0x16b: {  	[sflag:s12] =	ssyncset.done $0x0  }
0x16c: {  	[sflag:s12] =	ssyncadd.s32 $0xFFFFFFC0  }
0x16d: {  	_ =	swait.ge [sflag:s12], $0x40  }
0x16e: {  	[sflag:s12] =	ssyncset.done $0x0  }
0x16f: {  	[sflag:s12] =	ssyncadd.s32 $0xFFFFFFC0  }
0x170: {  	_ =	swait.ge [sflag:s12], $0x40  }
0x171: {  	[sflag:s12] =	ssyncset.done $0x0  }
0x172: {  	[sflag:s12] =	ssyncadd.s32 $0xFFFFFFC0  }
0x173: {  	_ =	swait.ge [sflag:s12], $0x40  }
0x174: {  	[sflag:s12] =	ssyncset.done $0x0  }
0x175: {  	[sflag:s12] =	ssyncadd.s32 $0xFFFFFFC0  }
.Ltmp6:
0x176: {  	_ =	swait.ge [sflag:s12], $0x40;
	(pc) =	sbr.rel @p1 .LBB2_10-.Ltmp6, $4  }
0x177: {  	[sflag:s12] =	ssyncset.done $0x0  }
0x178: {  	[sflag:s12] =	ssyncadd.s32 $0xFFFFFFC0  }
0x179: {  	_ =	swait.ge [sflag:s12], $0x40  }
0x17a: {  	[sflag:s12] =	ssyncset.done $0x0  }
0x17b: {  	s5 =	sshll.u32 s5, $0x3;
	s4 =	rddreg [dreg:$0x4]  }
0x17c: {  	s5 =	sor.u32 s4, s5  }
0x17d: {  	s5 =	smul.u32 $0x180, s5;
	_ =	sdelay $0x1  }
0x17e: {  	[sflag:s12] =	ssyncadd.s32 $0xFFFFFFC0;
	s26 =	simm.s32 $0xC800;
	s5 =	sadd.s32 s6, s5  }
0x17f: {  	[hbm4b:s5+s13] =	stream.strided.scatter [tilespmem:s26], [sflag:$0x7], $0x5000, s14, s13, $0x38;
	[tilespmem:$0x16800] =	vst v63  }
.LBB2_12:
.Ltmp7:
0x180: {  	(pc) =	sbr.rel @p0 .LBB2_15-.Ltmp7, $1  }
0x181: {  	_ =	sdelay $0x3  }
0x182: {  	p1 =	seq.s32 s0, $0x10  }
.Ltmp8:
0x183: {  	_ = 	snop;
	(pc) =	sbr.rel @p1 .LBB2_18-.Ltmp8, $1  }
0x184: {  	_ =	sdelay $0x3  }
0x185: {  	s4 =	simm.s32 $0x6  }
0x186: {  	_ =	swait.ge [sflag:s4], $0x5000  }
0x187: {  	[sflag:s4] =	ssyncset.done $0x0  }
0x188: {  	[sflag:s4] =	ssyncadd.s32 $0xFFFFB000  }
.LBB2_15:
0x189: {  	v0 =	vld [tilespmem:s28+$0x0];
	_ =	sdelay $0x4  }
0x18a: {  	v0 =	vshll.u32 v0, $0x4  }
0x18b: {  	(v2sf) =	vpush v0, $0x0;
	_ =	sdelay $0x1  }
0x18c: {  	(v2sf) =	vpush v0, $0x1;
	_ =	sdelay $0x3  }
0x18d: {  	(v2sf) =	vpush v0, $0x2;
	_ =	sdelay $0x3  }
0x18e: {  	(v2sf) =	vpush v0, $0x3;
	_ =	sdelay $0x3  }
0x18f: {  	(v2sf) =	vpush v0, $0x4  }
0x190: {  	s5 =	spop (v2sf)  }
0x191: {  	s5 =	sand.u32 $0x1FFFFFF0, s5  }
0x192: {  	s11 =	simm.s32 $0x7800;
	s8 =	spop (v2sf);
	s5 =	sadd.s32 s3, s5  }
0x193: {  	(v2sf) =	vpush v0, $0x5;
	[tilespmem:s11], [sflag:$0x2] =	stream.strided.gather [hbm4b:s5+s9], $0x0, s10, s9, $0x38;
	[tilespmem:$0x16800] =	vst v63  }
0x194: {  	s8 =	sand.u32 $0x1FFFFFF0, s8  }
0x195: {  	[tilespmem:s11], [sflag:$0x2] =	stream.linear.gather [hbm4b:s5+s2], $0x40, $0x38;
	[tilespmem:$0x16800] =	vst v63  }
0x196: {  	s19 =	simm.s32 $0x7880;
	s21 =	spop (v2sf);
	s8 =	sadd.s32 s3, s8  }
0x197: {  	(v2sf) =	vpush v0, $0x6;
	[tilespmem:s19], [sflag:$0x2] =	stream.strided.gather [hbm4b:s8+s9], $0x0, s10, s9, $0x38;
	[tilespmem:$0x16800] =	vst v63  }
0x198: {  	s11 =	sand.u32 $0x1FFFFFF0, s21  }
0x199: {  	[tilespmem:s19], [sflag:$0x2] =	stream.linear.gather [hbm4b:s8+s2], $0x40, $0x38;
	[tilespmem:$0x16800] =	vst v63  }
0x19a: {  	s23 =	simm.s32 $0x7900;
	s22 =	spop (v2sf);
	s11 =	sadd.s32 s3, s11  }
0x19b: {  	(v2sf) =	vpush v0, $0x7;
	[tilespmem:s23], [sflag:$0x2] =	stream.strided.gather [hbm4b:s11+s9], $0x0, s10, s9, $0x38;
	[tilespmem:$0x16800] =	vst v63  }
0x19c: {  	s5 =	sand.u32 $0x1FFFFFF0, s22  }
0x19d: {  	[tilespmem:s23], [sflag:$0x2] =	stream.linear.gather [hbm4b:s11+s2], $0x40, $0x38;
	[tilespmem:$0x16800] =	vst v63  }
0x19e: {  	s25 =	simm.s32 $0x7980;
	s24 =	spop (v2sf);
	s5 =	sadd.s32 s3, s5  }
0x19f: {  	(v2sf) =	vpush v0, $0x8;
	[tilespmem:s25], [sflag:$0x2] =	stream.strided.gather [hbm4b:s5+s9], $0x0, s10, s9, $0x38;
	[tilespmem:$0x16800] =	vst v63  }
0x1a0: {  	s8 =	sand.u32 $0x1FFFFFF0, s24  }
0x1a1: {  	[tilespmem:s25], [sflag:$0x2] =	stream.linear.gather [hbm4b:s5+s2], $0x40, $0x38;
	[tilespmem:$0x16800] =	vst v63  }
0x1a2: {  	s4 =	simm.s32 $0x7A00;
	s8 =	sadd.s32 s3, s8;
	s26 =	spop (v2sf)  }
0x1a3: {  	(v2sf) =	vpush v0, $0x9;
	[tilespmem:s4], [sflag:$0x2] =	stream.strided.gather [hbm4b:s8+s9], $0x0, s10, s9, $0x38;
	[tilespmem:$0x16800] =	vst v63  }
0x1a4: {  	s5 =	sand.u32 $0x1FFFFFF0, s26  }
0x1a5: {  	[tilespmem:s4], [sflag:$0x2] =	stream.linear.gather [hbm4b:s8+s2], $0x40, $0x38;
	[tilespmem:$0x16800] =	vst v63  }
0x1a6: {  	s17 =	simm.s32 $0x7A80;
	s15 =	spop (v2sf);
	s5 =	sadd.s32 s3, s5  }
0x1a7: {  	(v2sf) =	vpush v0, $0xA;
	[tilespmem:s17], [sflag:$0x2] =	stream.strided.gather [hbm4b:s5+s9], $0x0, s10, s9, $0x38;
	[tilespmem:$0x16800] =	vst v63  }
0x1a8: {  	s8 =	sand.u32 $0x1FFFFFF0, s15  }
0x1a9: {  	[tilespmem:s17], [sflag:$0x2] =	stream.linear.gather [hbm4b:s5+s2], $0x40, $0x38;
	[tilespmem:$0x16800] =	vst v63  }
0x1aa: {  	s21 =	simm.s32 $0x7B00;
	s19 =	spop (v2sf);
	s8 =	sadd.s32 s3, s8  }
0x1ab: {  	(v2sf) =	vpush v0, $0xB;
	[tilespmem:s21], [sflag:$0x2] =	stream.strided.gather [hbm4b:s8+s9], $0x0, s10, s9, $0x38;
	[tilespmem:$0x16800] =	vst v63  }
0x1ac: {  	s5 =	sand.u32 $0x1FFFFFF0, s19  }
0x1ad: {  	[tilespmem:s21], [sflag:$0x2] =	stream.linear.gather [hbm4b:s8+s2], $0x40, $0x38;
	[tilespmem:$0x16800] =	vst v63  }
0x1ae: {  	s23 =	simm.s32 $0x7B80;
	s22 =	spop (v2sf);
	s5 =	sadd.s32 s3, s5  }
0x1af: {  	(v2sf) =	vpush v0, $0xC;
	[tilespmem:s23], [sflag:$0x2] =	stream.strided.gather [hbm4b:s5+s9], $0x0, s10, s9, $0x38;
	[tilespmem:$0x16800] =	vst v63  }
0x1b0: {  	s8 =	sand.u32 $0x1FFFFFF0, s22  }
0x1b1: {  	[tilespmem:s23], [sflag:$0x2] =	stream.linear.gather [hbm4b:s5+s2], $0x40, $0x38;
	[tilespmem:$0x16800] =	vst v63  }
0x1b2: {  	s25 =	simm.s32 $0x7C00;
	s24 =	spop (v2sf);
	s8 =	sadd.s32 s3, s8  }
0x1b3: {  	(v2sf) =	vpush v0, $0xD;
	[tilespmem:s25], [sflag:$0x2] =	stream.strided.gather [hbm4b:s8+s9], $0x0, s10, s9, $0x38;
	[tilespmem:$0x16800] =	vst v63  }
0x1b4: {  	s5 =	sand.u32 $0x1FFFFFF0, s24  }
0x1b5: {  	[tilespmem:s25], [sflag:$0x2] =	stream.linear.gather [hbm4b:s8+s2], $0x40, $0x38;
	[tilespmem:$0x16800] =	vst v63  }
0x1b6: {  	s4 =	simm.s32 $0x7C80;
	s26 =	spop (v2sf);
	s5 =	sadd.s32 s3, s5  }
0x1b7: {  	(v2sf) =	vpush v0, $0xE;
	[tilespmem:s4], [sflag:$0x2] =	stream.strided.gather [hbm4b:s5+s9], $0x0, s10, s9, $0x38;
	[tilespmem:$0x16800] =	vst v63  }
0x1b8: {  	s8 =	sand.u32 $0x1FFFFFF0, s26  }
0x1b9: {  	[tilespmem:s4], [sflag:$0x2] =	stream.linear.gather [hbm4b:s5+s2], $0x40, $0x38;
	[tilespmem:$0x16800] =	vst v63  }
0x1ba: {  	s15 =	simm.s32 $0x7D00;
	s11 =	spop (v2sf);
	s8 =	sadd.s32 s3, s8  }
0x1bb: {  	(v2sf) =	vpush v0, $0xF;
	[tilespmem:s15], [sflag:$0x2] =	stream.strided.gather [hbm4b:s8+s9], $0x0, s10, s9, $0x38;
	[tilespmem:$0x16800] =	vst v63  }
0x1bc: {  	s5 =	sand.u32 $0x1FFFFFF0, s11  }
0x1bd: {  	[tilespmem:s15], [sflag:$0x2] =	stream.linear.gather [hbm4b:s8+s2], $0x40, $0x38;
	[tilespmem:$0x16800] =	vst v63  }
0x1be: {  	s19 =	simm.s32 $0x7D80;
	s17 =	spop (v2sf);
	s5 =	sadd.s32 s3, s5  }
0x1bf: {  	[tilespmem:s19], [sflag:$0x2] =	stream.strided.gather [hbm4b:s5+s9], $0x0, s10, s9, $0x38;
	[tilespmem:$0x16800] =	vst v63  }
0x1c0: {  	s8 =	sand.u32 $0x1FFFFFF0, s17  }
0x1c1: {  	[tilespmem:s19], [sflag:$0x2] =	stream.linear.gather [hbm4b:s5+s2], $0x40, $0x38;
	[tilespmem:$0x16800] =	vst v63  }
0x1c2: {  	s22 =	simm.s32 $0x7E00;
	s21 =	spop (v2sf);
	s8 =	sadd.s32 s3, s8  }
0x1c3: {  	[tilespmem:s22], [sflag:$0x2] =	stream.strided.gather [hbm4b:s8+s9], $0x0, s10, s9, $0x38;
	[tilespmem:$0x16800] =	vst v63  }
0x1c4: {  	s5 =	sand.u32 $0x1FFFFFF0, s21  }
0x1c5: {  	[tilespmem:s22], [sflag:$0x2] =	stream.linear.gather [hbm4b:s8+s2], $0x40, $0x38;
	[tilespmem:$0x16800] =	vst v63  }
0x1c6: {  	s24 =	simm.s32 $0x7E80;
	s23 =	spop (v2sf);
	s5 =	sadd.s32 s3, s5  }
0x1c7: {  	[tilespmem:s24], [sflag:$0x2] =	stream.strided.gather [hbm4b:s5+s9], $0x0, s10, s9, $0x38;
	[tilespmem:$0x16800] =	vst v63  }
0x1c8: {  	s8 =	sand.u32 $0x1FFFFFF0, s23  }
0x1c9: {  	[tilespmem:s24], [sflag:$0x2] =	stream.linear.gather [hbm4b:s5+s2], $0x40, $0x38;
	[tilespmem:$0x16800] =	vst v63  }
0x1ca: {  	s26 =	simm.s32 $0x7F00;
	s25 =	spop (v2sf);
	s8 =	sadd.s32 s3, s8  }
0x1cb: {  	[tilespmem:s26], [sflag:$0x2] =	stream.strided.gather [hbm4b:s8+s9], $0x0, s10, s9, $0x38;
	[tilespmem:$0x16800] =	vst v63  }
0x1cc: {  	s11 =	simm.s32 $0x7F80;
	s5 =	sand.u32 $0x1FFFFFF0, s25  }
0x1cd: {  	[tilespmem:s26], [sflag:$0x2] =	stream.linear.gather [hbm4b:s8+s2], $0x40, $0x38;
	[tilespmem:$0x16800] =	vst v63  }
0x1ce: {  	s25 =	sadd.s32 s3, s5;
	s5 =	simm.s32 $0x2000;
	s8 =	smov.u32 s28  }
0x1cf: {  	[tilespmem:s11], [sflag:$0x2] =	stream.strided.gather [hbm4b:s25+s9], $0x0, s10, s9, $0x38;
	[tilespmem:$0x16800] =	vst v63  }
.LBB2_16:
0x1d0: {  	p1 =	sne.s32 s5, $0x12000  }
0x1d1: {  	s8 =	sadd.s32 $0x10, s8;
	s15 =	smov.u32 s5;
	s5 =	sadd.s32 $0x2000, s5  }
0x1d2: {  	[tilespmem:s11], [sflag:$0x2] =	stream.linear.gather [hbm4b:s25+s2], $0x40, $0x38;
	[tilespmem:$0x16800] =	vst v63  }
0x1d3: {  	v0 =	vld [tilespmem:s8+$0x0];
	_ =	sdelay $0x4  }
0x1d4: {  	v0 =	vshll.u32 v0, $0x4  }
0x1d5: {  	(v2sf) =	vpush v0, $0x0  }
0x1d6: {  	(v2sf) =	vpush v0, $0x1  }
0x1d7: {  	(v2sf) =	vpush v0, $0x2;
	_ =	sdelay $0x2  }
0x1d8: {  	(v2sf) =	vpush v0, $0x3;
	_ =	sdelay $0x1  }
0x1d9: {  	(v2sf) =	vpush v0, $0x4;
	_ =	sdelay $0x1  }
0x1da: {  	(v2sf) =	vpush v0, $0x5;
	_ =	sdelay $0x1  }
0x1db: {  	(v2sf) =	vpush v0, $0x6;
	_ =	sdelay $0x1  }
0x1dc: {  	(v2sf) =	vpush v0, $0x7;
	_ =	sdelay $0x1  }
0x1dd: {  	s17 =	spop (v2sf);
	(v2sf) =	vpush v0, $0x8  }
0x1de: {  	s11 =	sshra.s32 s15, $0x2;
	s15 =	sand.u32 $0x1FFFFFF0, s17;
	s17 =	spop (v2sf)  }
0x1df: {  	s19 =	sadd.s32 $0x7880, s11;
	s15 =	sadd.s32 s3, s15;
	s21 =	spop (v2sf);
	(v2sf) =	vpush v0, $0x9  }
0x1e0: {  	s25 =	sadd.s32 $0x7800, s11;
	s17 =	sand.u32 $0x1FFFFFF0, s17;
	s21 =	sand.u32 $0x1FFFFFF0, s21  }
0x1e1: {  	[tilespmem:s25], [sflag:$0x2] =	stream.strided.gather [hbm4b:s15+s9], $0x0, s10, s9, $0x38;
	(v2sf) =	vpush v0, $0xA;
	[tilespmem:$0x16800] =	vst v63  }
0x1e2: {  	s26 =	spop (v2sf)  }
0x1e3: {  	[tilespmem:s25], [sflag:$0x2] =	stream.linear.gather [hbm4b:s15+s2], $0x40, $0x38;
	(v2sf) =	vpush v0, $0xB;
	[tilespmem:$0x16800] =	vst v63  }
0x1e4: {  	s15 =	sadd.s32 s3, s17;
	s17 =	sand.u32 $0x1FFFFFF0, s26;
	s25 =	spop (v2sf)  }
0x1e5: {  	[tilespmem:s19], [sflag:$0x2] =	stream.strided.gather [hbm4b:s15+s9], $0x0, s10, s9, $0x38;
	(v2sf) =	vpush v0, $0xC;
	[tilespmem:$0x16800] =	vst v63  }
0x1e6: {  	s26 =	sadd.s32 $0x7900, s11;
	s25 =	sand.u32 $0x1FFFFFF0, s25;
	s22 =	spop (v2sf)  }
0x1e7: {  	[tilespmem:s19], [sflag:$0x2] =	stream.linear.gather [hbm4b:s15+s2], $0x40, $0x38;
	[tilespmem:$0x16800] =	vst v63  }
0x1e8: {  	s15 =	sadd.s32 s3, s21;
	s19 =	sand.u32 $0x1FFFFFF0, s22;
	s21 =	spop (v2sf)  }
0x1e9: {  	[tilespmem:s26], [sflag:$0x2] =	stream.strided.gather [hbm4b:s15+s9], $0x0, s10, s9, $0x38;
	(v2sf) =	vpush v0, $0xD;
	[tilespmem:$0x16800] =	vst v63  }
0x1ea: {  	s22 =	sadd.s32 $0x7980, s11;
	s21 =	sand.u32 $0x1FFFFFF0, s21;
	s23 =	spop (v2sf)  }
0x1eb: {  	[tilespmem:s26], [sflag:$0x2] =	stream.linear.gather [hbm4b:s15+s2], $0x40, $0x38;
	[tilespmem:$0x16800] =	vst v63  }
0x1ec: {  	s15 =	sadd.s32 s3, s17;
	s17 =	sand.u32 $0x1FFFFFF0, s23;
	s23 =	spop (v2sf)  }
0x1ed: {  	[tilespmem:s22], [sflag:$0x2] =	stream.strided.gather [hbm4b:s15+s9], $0x0, s10, s9, $0x38;
	(v2sf) =	vpush v0, $0xE;
	[tilespmem:$0x16800] =	vst v63  }
0x1ee: {  	s26 =	sadd.s32 $0x7A00, s11;
	s23 =	sand.u32 $0x1FFFFFF0, s23;
	s24 =	spop (v2sf)  }
0x1ef: {  	[tilespmem:s22], [sflag:$0x2] =	stream.linear.gather [hbm4b:s15+s2], $0x40, $0x38;
	[tilespmem:$0x16800] =	vst v63  }
0x1f0: {  	s15 =	sadd.s32 s3, s25;
	s22 =	sand.u32 $0x1FFFFFF0, s24;
	s24 =	spop (v2sf)  }
0x1f1: {  	[tilespmem:s26], [sflag:$0x2] =	stream.strided.gather [hbm4b:s15+s9], $0x0, s10, s9, $0x38;
	(v2sf) =	vpush v0, $0xF;
	[tilespmem:$0x16800] =	vst v63  }
0x1f2: {  	s25 =	sadd.s32 $0x7A80, s11;
	s24 =	sand.u32 $0x1FFFFFF0, s24;
	s4 =	spop (v2sf)  }
0x1f3: {  	[tilespmem:s26], [sflag:$0x2] =	stream.linear.gather [hbm4b:s15+s2], $0x40, $0x38;
	[tilespmem:$0x16800] =	vst v63  }
0x1f4: {  	s15 =	sadd.s32 s3, s19;
	s4 =	sand.u32 $0x1FFFFFF0, s4;
	s19 =	spop (v2sf)  }
0x1f5: {  	[tilespmem:s25], [sflag:$0x2] =	stream.strided.gather [hbm4b:s15+s9], $0x0, s10, s9, $0x38;
	[tilespmem:$0x16800] =	vst v63  }
0x1f6: {  	s21 =	sadd.s32 s3, s21;
	s26 =	sadd.s32 $0x7B00, s11;
	s19 =	sand.u32 $0x1FFFFFF0, s19  }
0x1f7: {  	[tilespmem:s25], [sflag:$0x2] =	stream.linear.gather [hbm4b:s15+s2], $0x40, $0x38;
	[tilespmem:$0x16800] =	vst v63  }
0x1f8: {  	s15 =	spop (v2sf)  }
0x1f9: {  	[tilespmem:s26], [sflag:$0x2] =	stream.strided.gather [hbm4b:s21+s9], $0x0, s10, s9, $0x38;
	[tilespmem:$0x16800] =	vst v63  }
0x1fa: {  	s17 =	sadd.s32 s3, s17;
	s25 =	sadd.s32 $0x7B80, s11;
	s15 =	sand.u32 $0x1FFFFFF0, s15  }
0x1fb: {  	[tilespmem:s26], [sflag:$0x2] =	stream.linear.gather [hbm4b:s21+s2], $0x40, $0x38;
	[tilespmem:$0x16800] =	vst v63  }
0x1fc: {  	s21 =	spop (v2sf)  }
0x1fd: {  	[tilespmem:s25], [sflag:$0x2] =	stream.strided.gather [hbm4b:s17+s9], $0x0, s10, s9, $0x38;
	[tilespmem:$0x16800] =	vst v63  }
0x1fe: {  	s23 =	sadd.s32 s3, s23;
	s26 =	sadd.s32 $0x7C00, s11;
	s21 =	sand.u32 $0x1FFFFFF0, s21  }
0x1ff: {  	[tilespmem:s25], [sflag:$0x2] =	stream.linear.gather [hbm4b:s17+s2], $0x40, $0x38;
	[tilespmem:$0x16800] =	vst v63  }
0x200: {  	s17 =	spop (v2sf)  }
0x201: {  	[tilespmem:s26], [sflag:$0x2] =	stream.strided.gather [hbm4b:s23+s9], $0x0, s10, s9, $0x38;
	[tilespmem:$0x16800] =	vst v63  }
0x202: {  	s22 =	sadd.s32 s3, s22;
	s25 =	sadd.s32 $0x7C80, s11;
	s17 =	sand.u32 $0x1FFFFFF0, s17  }
0x203: {  	[tilespmem:s26], [sflag:$0x2] =	stream.linear.gather [hbm4b:s23+s2], $0x40, $0x38;
	[tilespmem:$0x16800] =	vst v63  }
0x204: {  	_ = 	snop  }
0x205: {  	[tilespmem:s25], [sflag:$0x2] =	stream.strided.gather [hbm4b:s22+s9], $0x0, s10, s9, $0x38;
	[tilespmem:$0x16800] =	vst v63  }
0x206: {  	s24 =	sadd.s32 s3, s24;
	s23 =	sadd.s32 $0x7D00, s11  }
0x207: {  	[tilespmem:s25], [sflag:$0x2] =	stream.linear.gather [hbm4b:s22+s2], $0x40, $0x38;
	[tilespmem:$0x16800] =	vst v63  }
0x208: {  	_ = 	snop  }
0x209: {  	[tilespmem:s23], [sflag:$0x2] =	stream.strided.gather [hbm4b:s24+s9], $0x0, s10, s9, $0x38;
	[tilespmem:$0x16800] =	vst v63  }
0x20a: {  	s4 =	sadd.s32 s3, s4;
	s22 =	sadd.s32 $0x7D80, s11  }
0x20b: {  	[tilespmem:s23], [sflag:$0x2] =	stream.linear.gather [hbm4b:s24+s2], $0x40, $0x38;
	[tilespmem:$0x16800] =	vst v63  }
0x20c: {  	_ = 	snop  }
0x20d: {  	[tilespmem:s22], [sflag:$0x2] =	stream.strided.gather [hbm4b:s4+s9], $0x0, s10, s9, $0x38;
	[tilespmem:$0x16800] =	vst v63  }
0x20e: {  	s19 =	sadd.s32 s3, s19;
	s23 =	sadd.s32 $0x7E00, s11  }
0x20f: {  	[tilespmem:s22], [sflag:$0x2] =	stream.linear.gather [hbm4b:s4+s2], $0x40, $0x38;
	[tilespmem:$0x16800] =	vst v63  }
0x210: {  	_ = 	snop  }
0x211: {  	[tilespmem:s23], [sflag:$0x2] =	stream.strided.gather [hbm4b:s19+s9], $0x0, s10, s9, $0x38;
	[tilespmem:$0x16800] =	vst v63  }
0x212: {  	s15 =	sadd.s32 s3, s15;
	s4 =	sadd.s32 $0x7E80, s11  }
0x213: {  	[tilespmem:s23], [sflag:$0x2] =	stream.linear.gather [hbm4b:s19+s2], $0x40, $0x38;
	[tilespmem:$0x16800] =	vst v63  }
0x214: {  	_ = 	snop  }
0x215: {  	[tilespmem:s4], [sflag:$0x2] =	stream.strided.gather [hbm4b:s15+s9], $0x0, s10, s9, $0x38;
	[tilespmem:$0x16800] =	vst v63  }
0x216: {  	s21 =	sadd.s32 s3, s21;
	s19 =	sadd.s32 $0x7F00, s11  }
0x217: {  	[tilespmem:s4], [sflag:$0x2] =	stream.linear.gather [hbm4b:s15+s2], $0x40, $0x38;
	[tilespmem:$0x16800] =	vst v63  }
0x218: {  	_ = 	snop  }
0x219: {  	[tilespmem:s19], [sflag:$0x2] =	stream.strided.gather [hbm4b:s21+s9], $0x0, s10, s9, $0x38;
	[tilespmem:$0x16800] =	vst v63  }
.Ltmp9:
0x21a: {  	_ = 	snop;
	(pc) =	sbr.rel @p1 .LBB2_16-.Ltmp9, $4  }
0x21b: {  	s25 =	sadd.s32 s3, s17;
	s11 =	sadd.s32 $0x7F80, s11  }
0x21c: {  	[tilespmem:s19], [sflag:$0x2] =	stream.linear.gather [hbm4b:s21+s2], $0x40, $0x38;
	[tilespmem:$0x16800] =	vst v63  }
0x21d: {  	_ = 	snop  }
0x21e: {  	[tilespmem:s11], [sflag:$0x2] =	stream.strided.gather [hbm4b:s25+s9], $0x0, s10, s9, $0x38;
	[tilespmem:$0x16800] =	vst v63  }
0x21f: {  	[tilespmem:s11], [sflag:$0x2] =	stream.linear.gather [hbm4b:s25+s2], $0x40, $0x38;
	[tilespmem:$0x16800] =	vst v63  }
.LBB2_18:
0x220: {  	s5 =	sadd.s32 $0xFFFFFFFF, s1  }
0x221: {  	p1 =	sgt.u32 s5, $0x3F  }
.Ltmp10:
0x222: {  	_ = 	snop;
	(pc) =	sbr.rel @p1 .LBB2_22-.Ltmp10, $2  }
0x223: {  	_ =	sdelay $0x2  }
0x224: {  	s8 =	simm.s32 $0xA  }
0x225: {  	_ =	swait.ge [sflag:s16], $0x40  }
0x226: {  	[sflag:s16] =	ssyncset.done $0x0  }
0x227: {  	[sflag:s16] =	ssyncadd.s32 $0xFFFFFFC0  }
0x228: {  	_ =	swait.ge [sflag:s16], $0x40  }
0x229: {  	[sflag:s16] =	ssyncset.done $0x0  }
0x22a: {  	[sflag:s16] =	ssyncadd.s32 $0xFFFFFFC0  }
0x22b: {  	_ =	swait.ge [sflag:s16], $0x40  }
0x22c: {  	[sflag:s16] =	ssyncset.done $0x0  }
0x22d: {  	[sflag:s16] =	ssyncadd.s32 $0xFFFFFFC0  }
0x22e: {  	_ =	swait.ge [sflag:s16], $0x40  }
0x22f: {  	[sflag:s16] =	ssyncset.done $0x0  }
0x230: {  	[sflag:s16] =	ssyncadd.s32 $0xFFFFFFC0  }
0x231: {  	_ =	swait.ge [sflag:s16], $0x40  }
0x232: {  	[sflag:s16] =	ssyncset.done $0x0  }
0x233: {  	[sflag:s16] =	ssyncadd.s32 $0xFFFFFFC0  }
0x234: {  	_ =	swait.ge [sflag:s16], $0x40  }
0x235: {  	[sflag:s16] =	ssyncset.done $0x0  }
0x236: {  	[sflag:s16] =	ssyncadd.s32 $0xFFFFFFC0  }
0x237: {  	_ =	swait.ge [sflag:s16], $0x40  }
0x238: {  	[sflag:s16] =	ssyncset.done $0x0  }
0x239: {  	[sflag:s16] =	ssyncadd.s32 $0xFFFFFFC0  }
0x23a: {  	_ =	swait.ge [sflag:s16], $0x40  }
0x23b: {  	[sflag:s16] =	ssyncset.done $0x0  }
0x23c: {  	[sflag:s16] =	ssyncadd.s32 $0xFFFFFFC0  }
0x23d: {  	_ =	swait.ge [sflag:s16], $0x40  }
0x23e: {  	[sflag:s16] =	ssyncset.done $0x0  }
0x23f: {  	[sflag:s16] =	ssyncadd.s32 $0xFFFFFFC0  }
0x240: {  	_ =	swait.ge [sflag:s16], $0x40  }
0x241: {  	[sflag:s16] =	ssyncset.done $0x0  }
0x242: {  	[sflag:s16] =	ssyncadd.s32 $0xFFFFFFC0  }
0x243: {  	_ =	swait.ge [sflag:s16], $0x40  }
0x244: {  	[sflag:s16] =	ssyncset.done $0x0  }
0x245: {  	[sflag:s16] =	ssyncadd.s32 $0xFFFFFFC0  }
0x246: {  	_ =	swait.ge [sflag:s16], $0x40  }
0x247: {  	[sflag:s16] =	ssyncset.done $0x0  }
0x248: {  	[sflag:s16] =	ssyncadd.s32 $0xFFFFFFC0  }
0x249: {  	_ =	swait.ge [sflag:s16], $0x40  }
0x24a: {  	[sflag:s16] =	ssyncset.done $0x0  }
0x24b: {  	[sflag:s16] =	ssyncadd.s32 $0xFFFFFFC0  }
0x24c: {  	_ =	swait.ge [sflag:s16], $0x40  }
0x24d: {  	[sflag:s16] =	ssyncset.done $0x0  }
0x24e: {  	[sflag:s16] =	ssyncadd.s32 $0xFFFFFFC0  }
0x24f: {  	_ =	swait.ge [sflag:s16], $0x40  }
0x250: {  	[sflag:s16] =	ssyncset.done $0x0  }
0x251: {  	[sflag:s16] =	ssyncadd.s32 $0xFFFFFFC0  }
0x252: {  	_ =	swait.ge [sflag:s16], $0x40  }
0x253: {  	s8 =	sadd.s32 $0xFFFFFFFF, s8;
	[sflag:s16] =	ssyncset.done $0x0  }
.LBB2_20:
0x254: {  	p1 =	sne.s32 s8, $0x1;
	s8 =	sadd.s32 $0xFFFFFFFF, s8;
	[sflag:s16] =	ssyncadd.s32 $0xFFFFFFC0  }
0x255: {  	_ =	swait.ge [sflag:s16], $0x40  }
0x256: {  	[sflag:s16] =	ssyncset.done $0x0  }
0x257: {  	[sflag:s16] =	ssyncadd.s32 $0xFFFFFFC0  }
0x258: {  	_ =	swait.ge [sflag:s16], $0x40  }
0x259: {  	[sflag:s16] =	ssyncset.done $0x0  }
0x25a: {  	[sflag:s16] =	ssyncadd.s32 $0xFFFFFFC0  }
0x25b: {  	_ =	swait.ge [sflag:s16], $0x40  }
0x25c: {  	[sflag:s16] =	ssyncset.done $0x0  }
0x25d: {  	[sflag:s16] =	ssyncadd.s32 $0xFFFFFFC0  }
0x25e: {  	_ =	swait.ge [sflag:s16], $0x40  }
0x25f: {  	[sflag:s16] =	ssyncset.done $0x0  }
0x260: {  	[sflag:s16] =	ssyncadd.s32 $0xFFFFFFC0  }
0x261: {  	_ =	swait.ge [sflag:s16], $0x40  }
0x262: {  	[sflag:s16] =	ssyncset.done $0x0  }
0x263: {  	[sflag:s16] =	ssyncadd.s32 $0xFFFFFFC0  }
0x264: {  	_ =	swait.ge [sflag:s16], $0x40  }
0x265: {  	[sflag:s16] =	ssyncset.done $0x0  }
0x266: {  	[sflag:s16] =	ssyncadd.s32 $0xFFFFFFC0  }
0x267: {  	_ =	swait.ge [sflag:s16], $0x40  }
0x268: {  	[sflag:s16] =	ssyncset.done $0x0  }
0x269: {  	[sflag:s16] =	ssyncadd.s32 $0xFFFFFFC0  }
0x26a: {  	_ =	swait.ge [sflag:s16], $0x40  }
0x26b: {  	[sflag:s16] =	ssyncset.done $0x0  }
0x26c: {  	[sflag:s16] =	ssyncadd.s32 $0xFFFFFFC0  }
0x26d: {  	_ =	swait.ge [sflag:s16], $0x40  }
0x26e: {  	[sflag:s16] =	ssyncset.done $0x0  }
0x26f: {  	[sflag:s16] =	ssyncadd.s32 $0xFFFFFFC0  }
0x270: {  	_ =	swait.ge [sflag:s16], $0x40  }
0x271: {  	[sflag:s16] =	ssyncset.done $0x0  }
0x272: {  	[sflag:s16] =	ssyncadd.s32 $0xFFFFFFC0  }
0x273: {  	_ =	swait.ge [sflag:s16], $0x40  }
0x274: {  	[sflag:s16] =	ssyncset.done $0x0  }
0x275: {  	[sflag:s16] =	ssyncadd.s32 $0xFFFFFFC0  }
0x276: {  	_ =	swait.ge [sflag:s16], $0x40  }
0x277: {  	[sflag:s16] =	ssyncset.done $0x0  }
0x278: {  	[sflag:s16] =	ssyncadd.s32 $0xFFFFFFC0  }
0x279: {  	_ =	swait.ge [sflag:s16], $0x40  }
0x27a: {  	[sflag:s16] =	ssyncset.done $0x0  }
0x27b: {  	[sflag:s16] =	ssyncadd.s32 $0xFFFFFFC0  }
0x27c: {  	_ =	swait.ge [sflag:s16], $0x40  }
0x27d: {  	[sflag:s16] =	ssyncset.done $0x0  }
0x27e: {  	[sflag:s16] =	ssyncadd.s32 $0xFFFFFFC0  }
.Ltmp11:
0x27f: {  	_ =	swait.ge [sflag:s16], $0x40;
	(pc) =	sbr.rel @p1 .LBB2_20-.Ltmp11, $4  }
0x280: {  	[sflag:s16] =	ssyncset.done $0x0  }
0x281: {  	[sflag:s16] =	ssyncadd.s32 $0xFFFFFFC0  }
0x282: {  	_ =	swait.ge [sflag:s16], $0x40  }
0x283: {  	[sflag:s16] =	ssyncset.done $0x0  }
0x284: {  	s4 =	sshll.u32 s5, $0x3;
	s25 =	rddreg [dreg:$0x4]  }
0x285: {  	s4 =	sor.u32 s25, s4  }
0x286: {  	s4 =	smul.u32 $0x180, s4;
	_ =	sdelay $0x1  }
0x287: {  	[sflag:s16] =	ssyncadd.s32 $0xFFFFFFC0;
	s26 =	simm.s32 $0x11800;
	s4 =	sadd.s32 s6, s4  }
0x288: {  	[hbm4b:s4+s13] =	stream.strided.scatter [tilespmem:s26], [sflag:$0x8], $0x5000, s14, s13, $0x38;
	[tilespmem:$0x16800] =	vst v63  }
.LBB2_22:
.Ltmp12:
0x289: {  	(pc) =	sbr.rel @p0 .LBB2_25-.Ltmp12, $1  }
0x28a: {  	_ =	sdelay $0x3  }
0x28b: {  	p1 =	seq.s32 s0, $0x10  }
.Ltmp13:
0x28c: {  	_ = 	snop;
	(pc) =	sbr.rel @p1 .LBB2_34-.Ltmp13, $1  }
0x28d: {  	_ =	sdelay $0x3  }
0x28e: {  	s4 =	simm.s32 $0x7  }
0x28f: {  	_ =	swait.ge [sflag:s4], $0x5000  }
0x290: {  	[sflag:s4] =	ssyncset.done $0x0  }
0x291: {  	[sflag:s4] =	ssyncadd.s32 $0xFFFFB000  }
.LBB2_25:
0x292: {  	v0 =	vld [tilespmem:s29+$0x0];
	_ =	sdelay $0x4  }
0x293: {  	v0 =	vshll.u32 v0, $0x4  }
0x294: {  	(v2sf) =	vpush v0, $0x0;
	_ =	sdelay $0x1  }
0x295: {  	(v2sf) =	vpush v0, $0x1;
	_ =	sdelay $0x3  }
0x296: {  	(v2sf) =	vpush v0, $0x2;
	_ =	sdelay $0x3  }
0x297: {  	(v2sf) =	vpush v0, $0x3;
	_ =	sdelay $0x3  }
0x298: {  	(v2sf) =	vpush v0, $0x4  }
0x299: {  	s4 =	spop (v2sf)  }
0x29a: {  	s4 =	sand.u32 $0x1FFFFFF0, s4  }
0x29b: {  	s8 =	simm.s32 $0xC800;
	s5 =	spop (v2sf);
	s4 =	sadd.s32 s3, s4  }
0x29c: {  	(v2sf) =	vpush v0, $0x5;
	[tilespmem:s8], [sflag:$0x3] =	stream.strided.gather [hbm4b:s4+s9], $0x0, s10, s9, $0x38;
	[tilespmem:$0x16800] =	vst v63  }
0x29d: {  	s5 =	sand.u32 $0x1FFFFFF0, s5  }
0x29e: {  	[tilespmem:s8], [sflag:$0x3] =	stream.linear.gather [hbm4b:s4+s2], $0x40, $0x38;
	[tilespmem:$0x16800] =	vst v63  }
0x29f: {  	s17 =	simm.s32 $0xC880;
	s19 =	spop (v2sf);
	s5 =	sadd.s32 s3, s5  }
0x2a0: {  	(v2sf) =	vpush v0, $0x6;
	[tilespmem:s17], [sflag:$0x3] =	stream.strided.gather [hbm4b:s5+s9], $0x0, s10, s9, $0x38;
	[tilespmem:$0x16800] =	vst v63  }
0x2a1: {  	s8 =	sand.u32 $0x1FFFFFF0, s19  }
0x2a2: {  	[tilespmem:s17], [sflag:$0x3] =	stream.linear.gather [hbm4b:s5+s2], $0x40, $0x38;
	[tilespmem:$0x16800] =	vst v63  }
0x2a3: {  	s22 =	simm.s32 $0xC900;
	s21 =	spop (v2sf);
	s8 =	sadd.s32 s3, s8  }
0x2a4: {  	(v2sf) =	vpush v0, $0x7;
	[tilespmem:s22], [sflag:$0x3] =	stream.strided.gather [hbm4b:s8+s9], $0x0, s10, s9, $0x38;
	[tilespmem:$0x16800] =	vst v63  }
0x2a5: {  	s4 =	sand.u32 $0x1FFFFFF0, s21  }
0x2a6: {  	[tilespmem:s22], [sflag:$0x3] =	stream.linear.gather [hbm4b:s8+s2], $0x40, $0x38;
	[tilespmem:$0x16800] =	vst v63  }
0x2a7: {  	s24 =	simm.s32 $0xC980;
	s23 =	spop (v2sf);
	s4 =	sadd.s32 s3, s4  }
0x2a8: {  	(v2sf) =	vpush v0, $0x8;
	[tilespmem:s24], [sflag:$0x3] =	stream.strided.gather [hbm4b:s4+s9], $0x0, s10, s9, $0x38;
	[tilespmem:$0x16800] =	vst v63  }
0x2a9: {  	s5 =	sand.u32 $0x1FFFFFF0, s23  }
0x2aa: {  	[tilespmem:s24], [sflag:$0x3] =	stream.linear.gather [hbm4b:s4+s2], $0x40, $0x38;
	[tilespmem:$0x16800] =	vst v63  }
0x2ab: {  	s26 =	simm.s32 $0xCA00;
	s5 =	sadd.s32 s3, s5;
	s25 =	spop (v2sf)  }
0x2ac: {  	(v2sf) =	vpush v0, $0x9;
	[tilespmem:s26], [sflag:$0x3] =	stream.strided.gather [hbm4b:s5+s9], $0x0, s10, s9, $0x38;
	[tilespmem:$0x16800] =	vst v63  }
0x2ad: {  	s4 =	sand.u32 $0x1FFFFFF0, s25  }
0x2ae: {  	[tilespmem:s26], [sflag:$0x3] =	stream.linear.gather [hbm4b:s5+s2], $0x40, $0x38;
	[tilespmem:$0x16800] =	vst v63  }
0x2af: {  	s15 =	simm.s32 $0xCA80;
	s11 =	spop (v2sf);
	s4 =	sadd.s32 s3, s4  }
0x2b0: {  	(v2sf) =	vpush v0, $0xA;
	[tilespmem:s15], [sflag:$0x3] =	stream.strided.gather [hbm4b:s4+s9], $0x0, s10, s9, $0x38;
	[tilespmem:$0x16800] =	vst v63  }
0x2b1: {  	s5 =	sand.u32 $0x1FFFFFF0, s11  }
0x2b2: {  	[tilespmem:s15], [sflag:$0x3] =	stream.linear.gather [hbm4b:s4+s2], $0x40, $0x38;
	[tilespmem:$0x16800] =	vst v63  }
0x2b3: {  	s19 =	simm.s32 $0xCB00;
	s17 =	spop (v2sf);
	s5 =	sadd.s32 s3, s5  }
0x2b4: {  	(v2sf) =	vpush v0, $0xB;
	[tilespmem:s19], [sflag:$0x3] =	stream.strided.gather [hbm4b:s5+s9], $0x0, s10, s9, $0x38;
	[tilespmem:$0x16800] =	vst v63  }
0x2b5: {  	s4 =	sand.u32 $0x1FFFFFF0, s17  }
0x2b6: {  	[tilespmem:s19], [sflag:$0x3] =	stream.linear.gather [hbm4b:s5+s2], $0x40, $0x38;
	[tilespmem:$0x16800] =	vst v63  }
0x2b7: {  	s22 =	simm.s32 $0xCB80;
	s21 =	spop (v2sf);
	s4 =	sadd.s32 s3, s4  }
0x2b8: {  	(v2sf) =	vpush v0, $0xC;
	[tilespmem:s22], [sflag:$0x3] =	stream.strided.gather [hbm4b:s4+s9], $0x0, s10, s9, $0x38;
	[tilespmem:$0x16800] =	vst v63  }
0x2b9: {  	s5 =	sand.u32 $0x1FFFFFF0, s21  }
0x2ba: {  	[tilespmem:s22], [sflag:$0x3] =	stream.linear.gather [hbm4b:s4+s2], $0x40, $0x38;
	[tilespmem:$0x16800] =	vst v63  }
0x2bb: {  	s24 =	simm.s32 $0xCC00;
	s23 =	spop (v2sf);
	s5 =	sadd.s32 s3, s5  }
0x2bc: {  	(v2sf) =	vpush v0, $0xD;
	[tilespmem:s24], [sflag:$0x3] =	stream.strided.gather [hbm4b:s5+s9], $0x0, s10, s9, $0x38;
	[tilespmem:$0x16800] =	vst v63  }
0x2bd: {  	s4 =	sand.u32 $0x1FFFFFF0, s23  }
0x2be: {  	[tilespmem:s24], [sflag:$0x3] =	stream.linear.gather [hbm4b:s5+s2], $0x40, $0x38;
	[tilespmem:$0x16800] =	vst v63  }
0x2bf: {  	s26 =	simm.s32 $0xCC80;
	s25 =	spop (v2sf);
	s4 =	sadd.s32 s3, s4  }
0x2c0: {  	(v2sf) =	vpush v0, $0xE;
	[tilespmem:s26], [sflag:$0x3] =	stream.strided.gather [hbm4b:s4+s9], $0x0, s10, s9, $0x38;
	[tilespmem:$0x16800] =	vst v63  }
0x2c1: {  	s5 =	sand.u32 $0x1FFFFFF0, s25  }
0x2c2: {  	[tilespmem:s26], [sflag:$0x3] =	stream.linear.gather [hbm4b:s4+s2], $0x40, $0x38;
	[tilespmem:$0x16800] =	vst v63  }
0x2c3: {  	s15 =	simm.s32 $0xCD00;
	s11 =	spop (v2sf);
	s5 =	sadd.s32 s3, s5  }
0x2c4: {  	(v2sf) =	vpush v0, $0xF;
	[tilespmem:s15], [sflag:$0x3] =	stream.strided.gather [hbm4b:s5+s9], $0x0, s10, s9, $0x38;
	[tilespmem:$0x16800] =	vst v63  }
0x2c5: {  	s4 =	sand.u32 $0x1FFFFFF0, s11  }
0x2c6: {  	[tilespmem:s15], [sflag:$0x3] =	stream.linear.gather [hbm4b:s5+s2], $0x40, $0x38;
	[tilespmem:$0x16800] =	vst v63  }
0x2c7: {  	s19 =	simm.s32 $0xCD80;
	s17 =	spop (v2sf);
	s4 =	sadd.s32 s3, s4  }
0x2c8: {  	[tilespmem:s19], [sflag:$0x3] =	stream.strided.gather [hbm4b:s4+s9], $0x0, s10, s9, $0x38;
	[tilespmem:$0x16800] =	vst v63  }
0x2c9: {  	s5 =	sand.u32 $0x1FFFFFF0, s17  }
0x2ca: {  	[tilespmem:s19], [sflag:$0x3] =	stream.linear.gather [hbm4b:s4+s2], $0x40, $0x38;
	[tilespmem:$0x16800] =	vst v63  }
0x2cb: {  	s22 =	simm.s32 $0xCE00;
	s21 =	spop (v2sf);
	s5 =	sadd.s32 s3, s5  }
0x2cc: {  	[tilespmem:s22], [sflag:$0x3] =	stream.strided.gather [hbm4b:s5+s9], $0x0, s10, s9, $0x38;
	[tilespmem:$0x16800] =	vst v63  }
0x2cd: {  	s4 =	sand.u32 $0x1FFFFFF0, s21  }
0x2ce: {  	[tilespmem:s22], [sflag:$0x3] =	stream.linear.gather [hbm4b:s5+s2], $0x40, $0x38;
	[tilespmem:$0x16800] =	vst v63  }
0x2cf: {  	s24 =	simm.s32 $0xCE80;
	s23 =	spop (v2sf);
	s4 =	sadd.s32 s3, s4  }
0x2d0: {  	[tilespmem:s24], [sflag:$0x3] =	stream.strided.gather [hbm4b:s4+s9], $0x0, s10, s9, $0x38;
	[tilespmem:$0x16800] =	vst v63  }
0x2d1: {  	s5 =	sand.u32 $0x1FFFFFF0, s23  }
0x2d2: {  	[tilespmem:s24], [sflag:$0x3] =	stream.linear.gather [hbm4b:s4+s2], $0x40, $0x38;
	[tilespmem:$0x16800] =	vst v63  }
0x2d3: {  	s26 =	simm.s32 $0xCF00;
	s25 =	spop (v2sf);
	s5 =	sadd.s32 s3, s5  }
0x2d4: {  	[tilespmem:s26], [sflag:$0x3] =	stream.strided.gather [hbm4b:s5+s9], $0x0, s10, s9, $0x38;
	[tilespmem:$0x16800] =	vst v63  }
0x2d5: {  	s1 =	sor.u32 $0x1, s1;
	s8 =	smov.u32 s29;
	s4 =	sand.u32 $0x1FFFFFF0, s25  }
0x2d6: {  	[tilespmem:s26], [sflag:$0x3] =	stream.linear.gather [hbm4b:s5+s2], $0x40, $0x38;
	[tilespmem:$0x16800] =	vst v63  }
0x2d7: {  	s11 =	simm.s32 $0xCF80;
	s25 =	sadd.s32 s3, s4;
	s5 =	simm.s32 $0x2000  }
0x2d8: {  	[tilespmem:s11], [sflag:$0x3] =	stream.strided.gather [hbm4b:s25+s9], $0x0, s10, s9, $0x38;
	[tilespmem:$0x16800] =	vst v63  }
.LBB2_26:
0x2d9: {  	p1 =	sne.s32 s5, $0x12000  }
0x2da: {  	s8 =	sadd.s32 $0x10, s8;
	s4 =	smov.u32 s5;
	s5 =	sadd.s32 $0x2000, s5  }
0x2db: {  	[tilespmem:s11], [sflag:$0x3] =	stream.linear.gather [hbm4b:s25+s2], $0x40, $0x38;
	[tilespmem:$0x16800] =	vst v63  }
0x2dc: {  	v0 =	vld [tilespmem:s8+$0x0];
	_ =	sdelay $0x4  }
0x2dd: {  	v0 =	vshll.u32 v0, $0x4  }
0x2de: {  	(v2sf) =	vpush v0, $0x0  }
0x2df: {  	(v2sf) =	vpush v0, $0x1  }
0x2e0: {  	(v2sf) =	vpush v0, $0x2;
	_ =	sdelay $0x2  }
0x2e1: {  	(v2sf) =	vpush v0, $0x3;
	_ =	sdelay $0x1  }
0x2e2: {  	(v2sf) =	vpush v0, $0x4;
	_ =	sdelay $0x1  }
0x2e3: {  	(v2sf) =	vpush v0, $0x5;
	_ =	sdelay $0x1  }
0x2e4: {  	(v2sf) =	vpush v0, $0x6;
	_ =	sdelay $0x1  }
0x2e5: {  	(v2sf) =	vpush v0, $0x7;
	_ =	sdelay $0x1  }
0x2e6: {  	s15 =	spop (v2sf);
	(v2sf) =	vpush v0, $0x8  }
0x2e7: {  	s11 =	sshra.s32 s4, $0x2;
	s4 =	sand.u32 $0x1FFFFFF0, s15;
	s15 =	spop (v2sf)  }
0x2e8: {  	s17 =	sadd.s32 $0xC880, s11;
	s4 =	sadd.s32 s3, s4;
	s19 =	spop (v2sf);
	(v2sf) =	vpush v0, $0x9  }
0x2e9: {  	s21 =	sadd.s32 $0xC800, s11;
	s15 =	sand.u32 $0x1FFFFFF0, s15;
	s19 =	sand.u32 $0x1FFFFFF0, s19  }
0x2ea: {  	[tilespmem:s21], [sflag:$0x3] =	stream.strided.gather [hbm4b:s4+s9], $0x0, s10, s9, $0x38;
	(v2sf) =	vpush v0, $0xA;
	[tilespmem:$0x16800] =	vst v63  }
0x2eb: {  	s22 =	spop (v2sf)  }
0x2ec: {  	[tilespmem:s21], [sflag:$0x3] =	stream.linear.gather [hbm4b:s4+s2], $0x40, $0x38;
	(v2sf) =	vpush v0, $0xB;
	[tilespmem:$0x16800] =	vst v63  }
0x2ed: {  	s4 =	sadd.s32 s3, s15;
	s15 =	sand.u32 $0x1FFFFFF0, s22;
	s21 =	spop (v2sf)  }
0x2ee: {  	[tilespmem:s17], [sflag:$0x3] =	stream.strided.gather [hbm4b:s4+s9], $0x0, s10, s9, $0x38;
	(v2sf) =	vpush v0, $0xC;
	[tilespmem:$0x16800] =	vst v63  }
0x2ef: {  	s22 =	sadd.s32 $0xC900, s11;
	s21 =	sand.u32 $0x1FFFFFF0, s21;
	s23 =	spop (v2sf)  }
0x2f0: {  	[tilespmem:s17], [sflag:$0x3] =	stream.linear.gather [hbm4b:s4+s2], $0x40, $0x38;
	[tilespmem:$0x16800] =	vst v63  }
0x2f1: {  	s4 =	sadd.s32 s3, s19;
	s17 =	sand.u32 $0x1FFFFFF0, s23;
	s19 =	spop (v2sf)  }
0x2f2: {  	[tilespmem:s22], [sflag:$0x3] =	stream.strided.gather [hbm4b:s4+s9], $0x0, s10, s9, $0x38;
	(v2sf) =	vpush v0, $0xD;
	[tilespmem:$0x16800] =	vst v63  }
0x2f3: {  	s23 =	sadd.s32 $0xC980, s11;
	s19 =	sand.u32 $0x1FFFFFF0, s19;
	s24 =	spop (v2sf)  }
0x2f4: {  	[tilespmem:s22], [sflag:$0x3] =	stream.linear.gather [hbm4b:s4+s2], $0x40, $0x38;
	[tilespmem:$0x16800] =	vst v63  }
0x2f5: {  	s4 =	sadd.s32 s3, s15;
	s15 =	sand.u32 $0x1FFFFFF0, s24;
	s22 =	spop (v2sf)  }
0x2f6: {  	[tilespmem:s23], [sflag:$0x3] =	stream.strided.gather [hbm4b:s4+s9], $0x0, s10, s9, $0x38;
	(v2sf) =	vpush v0, $0xE;
	[tilespmem:$0x16800] =	vst v63  }
0x2f7: {  	s24 =	sadd.s32 $0xCA00, s11;
	s22 =	sand.u32 $0x1FFFFFF0, s22;
	s25 =	spop (v2sf)  }
0x2f8: {  	[tilespmem:s23], [sflag:$0x3] =	stream.linear.gather [hbm4b:s4+s2], $0x40, $0x38;
	[tilespmem:$0x16800] =	vst v63  }
0x2f9: {  	s4 =	sadd.s32 s3, s21;
	s21 =	sand.u32 $0x1FFFFFF0, s25;
	s23 =	spop (v2sf)  }
0x2fa: {  	[tilespmem:s24], [sflag:$0x3] =	stream.strided.gather [hbm4b:s4+s9], $0x0, s10, s9, $0x38;
	(v2sf) =	vpush v0, $0xF;
	[tilespmem:$0x16800] =	vst v63  }
0x2fb: {  	s25 =	sadd.s32 $0xCA80, s11;
	s23 =	sand.u32 $0x1FFFFFF0, s23;
	s26 =	spop (v2sf)  }
0x2fc: {  	[tilespmem:s24], [sflag:$0x3] =	stream.linear.gather [hbm4b:s4+s2], $0x40, $0x38;
	[tilespmem:$0x16800] =	vst v63  }
0x2fd: {  	s4 =	sadd.s32 s3, s17;
	s17 =	sand.u32 $0x1FFFFFF0, s26;
	s24 =	spop (v2sf)  }
0x2fe: {  	[tilespmem:s25], [sflag:$0x3] =	stream.strided.gather [hbm4b:s4+s9], $0x0, s10, s9, $0x38;
	[tilespmem:$0x16800] =	vst v63  }
0x2ff: {  	s19 =	sadd.s32 s3, s19;
	s26 =	sadd.s32 $0xCB00, s11;
	s24 =	sand.u32 $0x1FFFFFF0, s24  }
0x300: {  	[tilespmem:s25], [sflag:$0x3] =	stream.linear.gather [hbm4b:s4+s2], $0x40, $0x38;
	[tilespmem:$0x16800] =	vst v63  }
0x301: {  	s4 =	spop (v2sf)  }
0x302: {  	[tilespmem:s26], [sflag:$0x3] =	stream.strided.gather [hbm4b:s19+s9], $0x0, s10, s9, $0x38;
	[tilespmem:$0x16800] =	vst v63  }
0x303: {  	s15 =	sadd.s32 s3, s15;
	s25 =	sadd.s32 $0xCB80, s11;
	s4 =	sand.u32 $0x1FFFFFF0, s4  }
0x304: {  	[tilespmem:s26], [sflag:$0x3] =	stream.linear.gather [hbm4b:s19+s2], $0x40, $0x38;
	[tilespmem:$0x16800] =	vst v63  }
0x305: {  	s19 =	spop (v2sf)  }
0x306: {  	[tilespmem:s25], [sflag:$0x3] =	stream.strided.gather [hbm4b:s15+s9], $0x0, s10, s9, $0x38;
	[tilespmem:$0x16800] =	vst v63  }
0x307: {  	s22 =	sadd.s32 s3, s22;
	s26 =	sadd.s32 $0xCC00, s11;
	s19 =	sand.u32 $0x1FFFFFF0, s19  }
0x308: {  	[tilespmem:s25], [sflag:$0x3] =	stream.linear.gather [hbm4b:s15+s2], $0x40, $0x38;
	[tilespmem:$0x16800] =	vst v63  }
0x309: {  	s15 =	spop (v2sf)  }
0x30a: {  	[tilespmem:s26], [sflag:$0x3] =	stream.strided.gather [hbm4b:s22+s9], $0x0, s10, s9, $0x38;
	[tilespmem:$0x16800] =	vst v63  }
0x30b: {  	s21 =	sadd.s32 s3, s21;
	s25 =	sadd.s32 $0xCC80, s11;
	s15 =	sand.u32 $0x1FFFFFF0, s15  }
0x30c: {  	[tilespmem:s26], [sflag:$0x3] =	stream.linear.gather [hbm4b:s22+s2], $0x40, $0x38;
	[tilespmem:$0x16800] =	vst v63  }
0x30d: {  	_ = 	snop  }
0x30e: {  	[tilespmem:s25], [sflag:$0x3] =	stream.strided.gather [hbm4b:s21+s9], $0x0, s10, s9, $0x38;
	[tilespmem:$0x16800] =	vst v63  }
0x30f: {  	s23 =	sadd.s32 s3, s23;
	s22 =	sadd.s32 $0xCD00, s11  }
0x310: {  	[tilespmem:s25], [sflag:$0x3] =	stream.linear.gather [hbm4b:s21+s2], $0x40, $0x38;
	[tilespmem:$0x16800] =	vst v63  }
0x311: {  	_ = 	snop  }
0x312: {  	[tilespmem:s22], [sflag:$0x3] =	stream.strided.gather [hbm4b:s23+s9], $0x0, s10, s9, $0x38;
	[tilespmem:$0x16800] =	vst v63  }
0x313: {  	s17 =	sadd.s32 s3, s17;
	s21 =	sadd.s32 $0xCD80, s11  }
0x314: {  	[tilespmem:s22], [sflag:$0x3] =	stream.linear.gather [hbm4b:s23+s2], $0x40, $0x38;
	[tilespmem:$0x16800] =	vst v63  }
0x315: {  	_ = 	snop  }
0x316: {  	[tilespmem:s21], [sflag:$0x3] =	stream.strided.gather [hbm4b:s17+s9], $0x0, s10, s9, $0x38;
	[tilespmem:$0x16800] =	vst v63  }
0x317: {  	s22 =	sadd.s32 $0xCE00, s11;
	s23 =	sadd.s32 s3, s24  }
0x318: {  	[tilespmem:s21], [sflag:$0x3] =	stream.linear.gather [hbm4b:s17+s2], $0x40, $0x38;
	[tilespmem:$0x16800] =	vst v63  }
0x319: {  	_ = 	snop  }
0x31a: {  	[tilespmem:s22], [sflag:$0x3] =	stream.strided.gather [hbm4b:s23+s9], $0x0, s10, s9, $0x38;
	[tilespmem:$0x16800] =	vst v63  }
0x31b: {  	s4 =	sadd.s32 s3, s4;
	s17 =	sadd.s32 $0xCE80, s11  }
0x31c: {  	[tilespmem:s22], [sflag:$0x3] =	stream.linear.gather [hbm4b:s23+s2], $0x40, $0x38;
	[tilespmem:$0x16800] =	vst v63  }
0x31d: {  	_ = 	snop  }
0x31e: {  	[tilespmem:s17], [sflag:$0x3] =	stream.strided.gather [hbm4b:s4+s9], $0x0, s10, s9, $0x38;
	[tilespmem:$0x16800] =	vst v63  }
0x31f: {  	s19 =	sadd.s32 s3, s19;
	s21 =	sadd.s32 $0xCF00, s11  }
0x320: {  	[tilespmem:s17], [sflag:$0x3] =	stream.linear.gather [hbm4b:s4+s2], $0x40, $0x38;
	[tilespmem:$0x16800] =	vst v63  }
0x321: {  	_ = 	snop  }
0x322: {  	[tilespmem:s21], [sflag:$0x3] =	stream.strided.gather [hbm4b:s19+s9], $0x0, s10, s9, $0x38;
	[tilespmem:$0x16800] =	vst v63  }
.Ltmp14:
0x323: {  	_ = 	snop;
	(pc) =	sbr.rel @p1 .LBB2_26-.Ltmp14, $4  }
0x324: {  	s25 =	sadd.s32 s3, s15;
	s11 =	sadd.s32 $0xCF80, s11  }
0x325: {  	[tilespmem:s21], [sflag:$0x3] =	stream.linear.gather [hbm4b:s19+s2], $0x40, $0x38;
	[tilespmem:$0x16800] =	vst v63  }
0x326: {  	_ = 	snop  }
0x327: {  	[tilespmem:s11], [sflag:$0x3] =	stream.strided.gather [hbm4b:s25+s9], $0x0, s10, s9, $0x38;
	[tilespmem:$0x16800] =	vst v63  }
0x328: {  	[tilespmem:s11], [sflag:$0x3] =	stream.linear.gather [hbm4b:s25+s2], $0x40, $0x38;
	[tilespmem:$0x16800] =	vst v63  }
0x329: {  	_ =	swait.ge [sflag:s18], $0x40  }
0x32a: {  	[sflag:s18] =	ssyncset.done $0x0  }
0x32b: {  	[sflag:s18] =	ssyncadd.s32 $0xFFFFFFC0  }
0x32c: {  	_ =	swait.ge [sflag:s18], $0x40  }
0x32d: {  	[sflag:s18] =	ssyncset.done $0x0  }
0x32e: {  	[sflag:s18] =	ssyncadd.s32 $0xFFFFFFC0  }
0x32f: {  	_ =	swait.ge [sflag:s18], $0x40  }
0x330: {  	[sflag:s18] =	ssyncset.done $0x0  }
0x331: {  	[sflag:s18] =	ssyncadd.s32 $0xFFFFFFC0  }
0x332: {  	_ =	swait.ge [sflag:s18], $0x40  }
0x333: {  	[sflag:s18] =	ssyncset.done $0x0  }
0x334: {  	[sflag:s18] =	ssyncadd.s32 $0xFFFFFFC0  }
0x335: {  	_ =	swait.ge [sflag:s18], $0x40  }
0x336: {  	[sflag:s18] =	ssyncset.done $0x0  }
0x337: {  	[sflag:s18] =	ssyncadd.s32 $0xFFFFFFC0  }
0x338: {  	_ =	swait.ge [sflag:s18], $0x40  }
0x339: {  	[sflag:s18] =	ssyncset.done $0x0  }
0x33a: {  	[sflag:s18] =	ssyncadd.s32 $0xFFFFFFC0  }
0x33b: {  	_ =	swait.ge [sflag:s18], $0x40  }
0x33c: {  	[sflag:s18] =	ssyncset.done $0x0  }
0x33d: {  	[sflag:s18] =	ssyncadd.s32 $0xFFFFFFC0  }
0x33e: {  	_ =	swait.ge [sflag:s18], $0x40  }
0x33f: {  	[sflag:s18] =	ssyncset.done $0x0  }
0x340: {  	[sflag:s18] =	ssyncadd.s32 $0xFFFFFFC0  }
0x341: {  	_ =	swait.ge [sflag:s18], $0x40  }
0x342: {  	[sflag:s18] =	ssyncset.done $0x0  }
0x343: {  	[sflag:s18] =	ssyncadd.s32 $0xFFFFFFC0  }
0x344: {  	_ =	swait.ge [sflag:s18], $0x40  }
0x345: {  	[sflag:s18] =	ssyncset.done $0x0  }
0x346: {  	[sflag:s18] =	ssyncadd.s32 $0xFFFFFFC0  }
0x347: {  	_ =	swait.ge [sflag:s18], $0x40  }
0x348: {  	[sflag:s18] =	ssyncset.done $0x0  }
0x349: {  	[sflag:s18] =	ssyncadd.s32 $0xFFFFFFC0  }
0x34a: {  	_ =	swait.ge [sflag:s18], $0x40  }
0x34b: {  	[sflag:s18] =	ssyncset.done $0x0  }
0x34c: {  	[sflag:s18] =	ssyncadd.s32 $0xFFFFFFC0  }
0x34d: {  	_ =	swait.ge [sflag:s18], $0x40  }
0x34e: {  	[sflag:s18] =	ssyncset.done $0x0  }
0x34f: {  	[sflag:s18] =	ssyncadd.s32 $0xFFFFFFC0  }
0x350: {  	_ =	swait.ge [sflag:s18], $0x40  }
0x351: {  	[sflag:s18] =	ssyncset.done $0x0  }
0x352: {  	[sflag:s18] =	ssyncadd.s32 $0xFFFFFFC0  }
0x353: {  	_ =	swait.ge [sflag:s18], $0x40  }
0x354: {  	[sflag:s18] =	ssyncset.done $0x0  }
0x355: {  	[sflag:s18] =	ssyncadd.s32 $0xFFFFFFC0  }
0x356: {  	_ =	swait.ge [sflag:s18], $0x40  }
0x357: {  	s5 =	simm.s32 $0x9;
	[sflag:s18] =	ssyncset.done $0x0  }
.LBB2_28:
0x358: {  	p1 =	sne.s32 s5, $0x1;
	s5 =	sadd.s32 $0xFFFFFFFF, s5;
	[sflag:s18] =	ssyncadd.s32 $0xFFFFFFC0  }
0x359: {  	_ =	swait.ge [sflag:s18], $0x40  }
0x35a: {  	[sflag:s18] =	ssyncset.done $0x0  }
0x35b: {  	[sflag:s18] =	ssyncadd.s32 $0xFFFFFFC0  }
0x35c: {  	_ =	swait.ge [sflag:s18], $0x40  }
0x35d: {  	[sflag:s18] =	ssyncset.done $0x0  }
0x35e: {  	[sflag:s18] =	ssyncadd.s32 $0xFFFFFFC0  }
0x35f: {  	_ =	swait.ge [sflag:s18], $0x40  }
0x360: {  	[sflag:s18] =	ssyncset.done $0x0  }
0x361: {  	[sflag:s18] =	ssyncadd.s32 $0xFFFFFFC0  }
0x362: {  	_ =	swait.ge [sflag:s18], $0x40  }
0x363: {  	[sflag:s18] =	ssyncset.done $0x0  }
0x364: {  	[sflag:s18] =	ssyncadd.s32 $0xFFFFFFC0  }
0x365: {  	_ =	swait.ge [sflag:s18], $0x40  }
0x366: {  	[sflag:s18] =	ssyncset.done $0x0  }
0x367: {  	[sflag:s18] =	ssyncadd.s32 $0xFFFFFFC0  }
0x368: {  	_ =	swait.ge [sflag:s18], $0x40  }
0x369: {  	[sflag:s18] =	ssyncset.done $0x0  }
0x36a: {  	[sflag:s18] =	ssyncadd.s32 $0xFFFFFFC0  }
0x36b: {  	_ =	swait.ge [sflag:s18], $0x40  }
0x36c: {  	[sflag:s18] =	ssyncset.done $0x0  }
0x36d: {  	[sflag:s18] =	ssyncadd.s32 $0xFFFFFFC0  }
0x36e: {  	_ =	swait.ge [sflag:s18], $0x40  }
0x36f: {  	[sflag:s18] =	ssyncset.done $0x0  }
0x370: {  	[sflag:s18] =	ssyncadd.s32 $0xFFFFFFC0  }
0x371: {  	_ =	swait.ge [sflag:s18], $0x40  }
0x372: {  	[sflag:s18] =	ssyncset.done $0x0  }
0x373: {  	[sflag:s18] =	ssyncadd.s32 $0xFFFFFFC0  }
0x374: {  	_ =	swait.ge [sflag:s18], $0x40  }
0x375: {  	[sflag:s18] =	ssyncset.done $0x0  }
0x376: {  	[sflag:s18] =	ssyncadd.s32 $0xFFFFFFC0  }
0x377: {  	_ =	swait.ge [sflag:s18], $0x40  }
0x378: {  	[sflag:s18] =	ssyncset.done $0x0  }
0x379: {  	[sflag:s18] =	ssyncadd.s32 $0xFFFFFFC0  }
0x37a: {  	_ =	swait.ge [sflag:s18], $0x40  }
0x37b: {  	[sflag:s18] =	ssyncset.done $0x0  }
0x37c: {  	[sflag:s18] =	ssyncadd.s32 $0xFFFFFFC0  }
0x37d: {  	_ =	swait.ge [sflag:s18], $0x40  }
0x37e: {  	[sflag:s18] =	ssyncset.done $0x0  }
0x37f: {  	[sflag:s18] =	ssyncadd.s32 $0xFFFFFFC0  }
0x380: {  	_ =	swait.ge [sflag:s18], $0x40  }
0x381: {  	[sflag:s18] =	ssyncset.done $0x0  }
0x382: {  	[sflag:s18] =	ssyncadd.s32 $0xFFFFFFC0  }
.Ltmp15:
0x383: {  	_ =	swait.ge [sflag:s18], $0x40;
	(pc) =	sbr.rel @p1 .LBB2_28-.Ltmp15, $4  }
0x384: {  	[sflag:s18] =	ssyncset.done $0x0  }
0x385: {  	[sflag:s18] =	ssyncadd.s32 $0xFFFFFFC0  }
0x386: {  	_ =	swait.ge [sflag:s18], $0x40  }
0x387: {  	[sflag:s18] =	ssyncset.done $0x0  }
0x388: {  	s4 =	smul.u32 $0x3000, s0;
	_ =	sdelay $0x1  }
0x389: {  	[sflag:s18] =	ssyncadd.s32 $0xFFFFFFC0;
	s5 =	simm.s32 $0x2800;
	s4 =	sadd.s32 s7, s4  }
0x38a: {  	[hbm4b:s4+s13] =	stream.strided.scatter [tilespmem:s5], [sflag:$0x5], $0x5000, s14, s13, $0x38;
	[tilespmem:$0x16800] =	vst v63  }
0x38b: {  	s4 =	simm.s32 @!p0 $0x8  }
0x38c: {  	_ =	swait.ge @!p0 [sflag:s4], $0x5000  }
0x38d: {  	[sflag:s4] =	ssyncset.done @!p0 $0x0  }
0x38e: {  	[sflag:s4] =	ssyncadd.s32 @!p0 $0xFFFFB000  }
0x38f: {  	v0 =	vld [tilespmem:s30+$0x0];
	_ =	sdelay $0x4  }
0x390: {  	v0 =	vshll.u32 v0, $0x4  }
0x391: {  	(v2sf) =	vpush v0, $0x0;
	_ =	sdelay $0x1  }
0x392: {  	(v2sf) =	vpush v0, $0x1;
	_ =	sdelay $0x3  }
0x393: {  	(v2sf) =	vpush v0, $0x2;
	_ =	sdelay $0x3  }
0x394: {  	(v2sf) =	vpush v0, $0x3;
	_ =	sdelay $0x3  }
0x395: {  	(v2sf) =	vpush v0, $0x4  }
0x396: {  	s11 =	spop (v2sf)  }
0x397: {  	s4 =	sand.u32 $0x1FFFFFF0, s11  }
0x398: {  	s8 =	simm.s32 $0x11800;
	s15 =	spop (v2sf);
	s4 =	sadd.s32 s3, s4  }
0x399: {  	(v2sf) =	vpush v0, $0x5;
	[tilespmem:s8], [sflag:$0x4] =	stream.strided.gather [hbm4b:s4+s9], $0x0, s10, s9, $0x38;
	[tilespmem:$0x16800] =	vst v63  }
0x39a: {  	s5 =	sand.u32 $0x1FFFFFF0, s15  }
0x39b: {  	[tilespmem:s8], [sflag:$0x4] =	stream.linear.gather [hbm4b:s4+s2], $0x40, $0x38;
	[tilespmem:$0x16800] =	vst v63  }
0x39c: {  	s17 =	simm.s32 $0x11880;
	s19 =	spop (v2sf);
	s5 =	sadd.s32 s3, s5  }
0x39d: {  	(v2sf) =	vpush v0, $0x6;
	[tilespmem:s17], [sflag:$0x4] =	stream.strided.gather [hbm4b:s5+s9], $0x0, s10, s9, $0x38;
	[tilespmem:$0x16800] =	vst v63  }
0x39e: {  	s8 =	sand.u32 $0x1FFFFFF0, s19  }
0x39f: {  	[tilespmem:s17], [sflag:$0x4] =	stream.linear.gather [hbm4b:s5+s2], $0x40, $0x38;
	[tilespmem:$0x16800] =	vst v63  }
0x3a0: {  	s22 =	simm.s32 $0x11900;
	s21 =	spop (v2sf);
	s8 =	sadd.s32 s3, s8  }
0x3a1: {  	(v2sf) =	vpush v0, $0x7;
	[tilespmem:s22], [sflag:$0x4] =	stream.strided.gather [hbm4b:s8+s9], $0x0, s10, s9, $0x38;
	[tilespmem:$0x16800] =	vst v63  }
0x3a2: {  	s4 =	sand.u32 $0x1FFFFFF0, s21  }
0x3a3: {  	[tilespmem:s22], [sflag:$0x4] =	stream.linear.gather [hbm4b:s8+s2], $0x40, $0x38;
	[tilespmem:$0x16800] =	vst v63  }
0x3a4: {  	s24 =	simm.s32 $0x11980;
	s23 =	spop (v2sf);
	s4 =	sadd.s32 s3, s4  }
0x3a5: {  	(v2sf) =	vpush v0, $0x8;
	[tilespmem:s24], [sflag:$0x4] =	stream.strided.gather [hbm4b:s4+s9], $0x0, s10, s9, $0x38;
	[tilespmem:$0x16800] =	vst v63  }
0x3a6: {  	s5 =	sand.u32 $0x1FFFFFF0, s23  }
0x3a7: {  	[tilespmem:s24], [sflag:$0x4] =	stream.linear.gather [hbm4b:s4+s2], $0x40, $0x38;
	[tilespmem:$0x16800] =	vst v63  }
0x3a8: {  	s26 =	simm.s32 $0x11A00;
	s5 =	sadd.s32 s3, s5;
	s25 =	spop (v2sf)  }
0x3a9: {  	(v2sf) =	vpush v0, $0x9;
	[tilespmem:s26], [sflag:$0x4] =	stream.strided.gather [hbm4b:s5+s9], $0x0, s10, s9, $0x38;
	[tilespmem:$0x16800] =	vst v63  }
0x3aa: {  	s4 =	sand.u32 $0x1FFFFFF0, s25  }
0x3ab: {  	[tilespmem:s26], [sflag:$0x4] =	stream.linear.gather [hbm4b:s5+s2], $0x40, $0x38;
	[tilespmem:$0x16800] =	vst v63  }
0x3ac: {  	s15 =	simm.s32 $0x11A80;
	s11 =	spop (v2sf);
	s4 =	sadd.s32 s3, s4  }
0x3ad: {  	(v2sf) =	vpush v0, $0xA;
	[tilespmem:s15], [sflag:$0x4] =	stream.strided.gather [hbm4b:s4+s9], $0x0, s10, s9, $0x38;
	[tilespmem:$0x16800] =	vst v63  }
0x3ae: {  	s5 =	sand.u32 $0x1FFFFFF0, s11  }
0x3af: {  	[tilespmem:s15], [sflag:$0x4] =	stream.linear.gather [hbm4b:s4+s2], $0x40, $0x38;
	[tilespmem:$0x16800] =	vst v63  }
0x3b0: {  	s19 =	simm.s32 $0x11B00;
	s17 =	spop (v2sf);
	s5 =	sadd.s32 s3, s5  }
0x3b1: {  	(v2sf) =	vpush v0, $0xB;
	[tilespmem:s19], [sflag:$0x4] =	stream.strided.gather [hbm4b:s5+s9], $0x0, s10, s9, $0x38;
	[tilespmem:$0x16800] =	vst v63  }
0x3b2: {  	s4 =	sand.u32 $0x1FFFFFF0, s17  }
0x3b3: {  	[tilespmem:s19], [sflag:$0x4] =	stream.linear.gather [hbm4b:s5+s2], $0x40, $0x38;
	[tilespmem:$0x16800] =	vst v63  }
0x3b4: {  	s22 =	simm.s32 $0x11B80;
	s21 =	spop (v2sf);
	s4 =	sadd.s32 s3, s4  }
0x3b5: {  	(v2sf) =	vpush v0, $0xC;
	[tilespmem:s22], [sflag:$0x4] =	stream.strided.gather [hbm4b:s4+s9], $0x0, s10, s9, $0x38;
	[tilespmem:$0x16800] =	vst v63  }
0x3b6: {  	s5 =	sand.u32 $0x1FFFFFF0, s21  }
0x3b7: {  	[tilespmem:s22], [sflag:$0x4] =	stream.linear.gather [hbm4b:s4+s2], $0x40, $0x38;
	[tilespmem:$0x16800] =	vst v63  }
0x3b8: {  	s24 =	simm.s32 $0x11C00;
	s23 =	spop (v2sf);
	s5 =	sadd.s32 s3, s5  }
0x3b9: {  	(v2sf) =	vpush v0, $0xD;
	[tilespmem:s24], [sflag:$0x4] =	stream.strided.gather [hbm4b:s5+s9], $0x0, s10, s9, $0x38;
	[tilespmem:$0x16800] =	vst v63  }
0x3ba: {  	s4 =	sand.u32 $0x1FFFFFF0, s23  }
0x3bb: {  	[tilespmem:s24], [sflag:$0x4] =	stream.linear.gather [hbm4b:s5+s2], $0x40, $0x38;
	[tilespmem:$0x16800] =	vst v63  }
0x3bc: {  	s26 =	simm.s32 $0x11C80;
	s25 =	spop (v2sf);
	s4 =	sadd.s32 s3, s4  }
0x3bd: {  	(v2sf) =	vpush v0, $0xE;
	[tilespmem:s26], [sflag:$0x4] =	stream.strided.gather [hbm4b:s4+s9], $0x0, s10, s9, $0x38;
	[tilespmem:$0x16800] =	vst v63  }
0x3be: {  	s5 =	sand.u32 $0x1FFFFFF0, s25  }
0x3bf: {  	[tilespmem:s26], [sflag:$0x4] =	stream.linear.gather [hbm4b:s4+s2], $0x40, $0x38;
	[tilespmem:$0x16800] =	vst v63  }
0x3c0: {  	s15 =	simm.s32 $0x11D00;
	s11 =	spop (v2sf);
	s5 =	sadd.s32 s3, s5  }
0x3c1: {  	(v2sf) =	vpush v0, $0xF;
	[tilespmem:s15], [sflag:$0x4] =	stream.strided.gather [hbm4b:s5+s9], $0x0, s10, s9, $0x38;
	[tilespmem:$0x16800] =	vst v63  }
0x3c2: {  	s4 =	sand.u32 $0x1FFFFFF0, s11  }
0x3c3: {  	[tilespmem:s15], [sflag:$0x4] =	stream.linear.gather [hbm4b:s5+s2], $0x40, $0x38;
	[tilespmem:$0x16800] =	vst v63  }
0x3c4: {  	s19 =	simm.s32 $0x11D80;
	s17 =	spop (v2sf);
	s4 =	sadd.s32 s3, s4  }
0x3c5: {  	[tilespmem:s19], [sflag:$0x4] =	stream.strided.gather [hbm4b:s4+s9], $0x0, s10, s9, $0x38;
	[tilespmem:$0x16800] =	vst v63  }
0x3c6: {  	s5 =	sand.u32 $0x1FFFFFF0, s17  }
0x3c7: {  	[tilespmem:s19], [sflag:$0x4] =	stream.linear.gather [hbm4b:s4+s2], $0x40, $0x38;
	[tilespmem:$0x16800] =	vst v63  }
0x3c8: {  	s22 =	simm.s32 $0x11E00;
	s21 =	spop (v2sf);
	s5 =	sadd.s32 s3, s5  }
0x3c9: {  	[tilespmem:s22], [sflag:$0x4] =	stream.strided.gather [hbm4b:s5+s9], $0x0, s10, s9, $0x38;
	[tilespmem:$0x16800] =	vst v63  }
0x3ca: {  	s4 =	sand.u32 $0x1FFFFFF0, s21  }
0x3cb: {  	[tilespmem:s22], [sflag:$0x4] =	stream.linear.gather [hbm4b:s5+s2], $0x40, $0x38;
	[tilespmem:$0x16800] =	vst v63  }
0x3cc: {  	s24 =	simm.s32 $0x11E80;
	s23 =	spop (v2sf);
	s4 =	sadd.s32 s3, s4  }
0x3cd: {  	[tilespmem:s24], [sflag:$0x4] =	stream.strided.gather [hbm4b:s4+s9], $0x0, s10, s9, $0x38;
	[tilespmem:$0x16800] =	vst v63  }
0x3ce: {  	s5 =	sand.u32 $0x1FFFFFF0, s23  }
0x3cf: {  	[tilespmem:s24], [sflag:$0x4] =	stream.linear.gather [hbm4b:s4+s2], $0x40, $0x38;
	[tilespmem:$0x16800] =	vst v63  }
0x3d0: {  	s26 =	simm.s32 $0x11F00;
	s25 =	spop (v2sf);
	s5 =	sadd.s32 s3, s5  }
0x3d1: {  	[tilespmem:s26], [sflag:$0x4] =	stream.strided.gather [hbm4b:s5+s9], $0x0, s10, s9, $0x38;
	[tilespmem:$0x16800] =	vst v63  }
0x3d2: {  	s8 =	smov.u32 s30;
	s4 =	sand.u32 $0x1FFFFFF0, s25  }
0x3d3: {  	[tilespmem:s26], [sflag:$0x4] =	stream.linear.gather [hbm4b:s5+s2], $0x40, $0x38;
	[tilespmem:$0x16800] =	vst v63  }
0x3d4: {  	s11 =	simm.s32 $0x11F80;
	s25 =	sadd.s32 s3, s4;
	s5 =	simm.s32 $0x2000  }
0x3d5: {  	[tilespmem:s11], [sflag:$0x4] =	stream.strided.gather [hbm4b:s25+s9], $0x0, s10, s9, $0x38;
	[tilespmem:$0x16800] =	vst v63  }
.LBB2_30:
0x3d6: {  	p0 =	sne.s32 s5, $0x12000  }
0x3d7: {  	s8 =	sadd.s32 $0x10, s8;
	s4 =	smov.u32 s5;
	s5 =	sadd.s32 $0x2000, s5  }
0x3d8: {  	[tilespmem:s11], [sflag:$0x4] =	stream.linear.gather [hbm4b:s25+s2], $0x40, $0x38;
	[tilespmem:$0x16800] =	vst v63  }
0x3d9: {  	v0 =	vld [tilespmem:s8+$0x0];
	_ =	sdelay $0x4  }
0x3da: {  	v0 =	vshll.u32 v0, $0x4  }
0x3db: {  	(v2sf) =	vpush v0, $0x0  }
0x3dc: {  	(v2sf) =	vpush v0, $0x1  }
0x3dd: {  	(v2sf) =	vpush v0, $0x2;
	_ =	sdelay $0x2  }
0x3de: {  	(v2sf) =	vpush v0, $0x3;
	_ =	sdelay $0x1  }
0x3df: {  	(v2sf) =	vpush v0, $0x4;
	_ =	sdelay $0x1  }
0x3e0: {  	(v2sf) =	vpush v0, $0x5;
	_ =	sdelay $0x1  }
0x3e1: {  	(v2sf) =	vpush v0, $0x6;
	_ =	sdelay $0x1  }
0x3e2: {  	(v2sf) =	vpush v0, $0x7;
	_ =	sdelay $0x1  }
0x3e3: {  	s15 =	spop (v2sf);
	(v2sf) =	vpush v0, $0x8  }
0x3e4: {  	s11 =	sshra.s32 s4, $0x2;
	s4 =	sand.u32 $0x1FFFFFF0, s15;
	s15 =	spop (v2sf)  }
0x3e5: {  	s17 =	sadd.s32 $0x11880, s11;
	s4 =	sadd.s32 s3, s4;
	s19 =	spop (v2sf);
	(v2sf) =	vpush v0, $0x9  }
0x3e6: {  	s21 =	sadd.s32 $0x11800, s11;
	s15 =	sand.u32 $0x1FFFFFF0, s15;
	s19 =	sand.u32 $0x1FFFFFF0, s19  }
0x3e7: {  	[tilespmem:s21], [sflag:$0x4] =	stream.strided.gather [hbm4b:s4+s9], $0x0, s10, s9, $0x38;
	(v2sf) =	vpush v0, $0xA;
	[tilespmem:$0x16800] =	vst v63  }
0x3e8: {  	s22 =	spop (v2sf)  }
0x3e9: {  	[tilespmem:s21], [sflag:$0x4] =	stream.linear.gather [hbm4b:s4+s2], $0x40, $0x38;
	(v2sf) =	vpush v0, $0xB;
	[tilespmem:$0x16800] =	vst v63  }
0x3ea: {  	s4 =	sadd.s32 s3, s15;
	s15 =	sand.u32 $0x1FFFFFF0, s22;
	s21 =	spop (v2sf)  }
0x3eb: {  	[tilespmem:s17], [sflag:$0x4] =	stream.strided.gather [hbm4b:s4+s9], $0x0, s10, s9, $0x38;
	(v2sf) =	vpush v0, $0xC;
	[tilespmem:$0x16800] =	vst v63  }
0x3ec: {  	s22 =	sadd.s32 $0x11900, s11;
	s21 =	sand.u32 $0x1FFFFFF0, s21;
	s23 =	spop (v2sf)  }
0x3ed: {  	[tilespmem:s17], [sflag:$0x4] =	stream.linear.gather [hbm4b:s4+s2], $0x40, $0x38;
	[tilespmem:$0x16800] =	vst v63  }
0x3ee: {  	s4 =	sadd.s32 s3, s19;
	s17 =	sand.u32 $0x1FFFFFF0, s23;
	s19 =	spop (v2sf)  }
0x3ef: {  	[tilespmem:s22], [sflag:$0x4] =	stream.strided.gather [hbm4b:s4+s9], $0x0, s10, s9, $0x38;
	(v2sf) =	vpush v0, $0xD;
	[tilespmem:$0x16800] =	vst v63  }
0x3f0: {  	s23 =	sadd.s32 $0x11980, s11;
	s19 =	sand.u32 $0x1FFFFFF0, s19;
	s24 =	spop (v2sf)  }
0x3f1: {  	[tilespmem:s22], [sflag:$0x4] =	stream.linear.gather [hbm4b:s4+s2], $0x40, $0x38;
	[tilespmem:$0x16800] =	vst v63  }
0x3f2: {  	s4 =	sadd.s32 s3, s15;
	s15 =	sand.u32 $0x1FFFFFF0, s24;
	s22 =	spop (v2sf)  }
0x3f3: {  	[tilespmem:s23], [sflag:$0x4] =	stream.strided.gather [hbm4b:s4+s9], $0x0, s10, s9, $0x38;
	(v2sf) =	vpush v0, $0xE;
	[tilespmem:$0x16800] =	vst v63  }
0x3f4: {  	s24 =	sadd.s32 $0x11A00, s11;
	s22 =	sand.u32 $0x1FFFFFF0, s22;
	s25 =	spop (v2sf)  }
0x3f5: {  	[tilespmem:s23], [sflag:$0x4] =	stream.linear.gather [hbm4b:s4+s2], $0x40, $0x38;
	[tilespmem:$0x16800] =	vst v63  }
0x3f6: {  	s4 =	sadd.s32 s3, s21;
	s21 =	sand.u32 $0x1FFFFFF0, s25;
	s23 =	spop (v2sf)  }
0x3f7: {  	[tilespmem:s24], [sflag:$0x4] =	stream.strided.gather [hbm4b:s4+s9], $0x0, s10, s9, $0x38;
	(v2sf) =	vpush v0, $0xF;
	[tilespmem:$0x16800] =	vst v63  }
0x3f8: {  	s25 =	sadd.s32 $0x11A80, s11;
	s23 =	sand.u32 $0x1FFFFFF0, s23;
	s26 =	spop (v2sf)  }
0x3f9: {  	[tilespmem:s24], [sflag:$0x4] =	stream.linear.gather [hbm4b:s4+s2], $0x40, $0x38;
	[tilespmem:$0x16800] =	vst v63  }
0x3fa: {  	s4 =	sadd.s32 s3, s17;
	s17 =	sand.u32 $0x1FFFFFF0, s26;
	s24 =	spop (v2sf)  }
0x3fb: {  	[tilespmem:s25], [sflag:$0x4] =	stream.strided.gather [hbm4b:s4+s9], $0x0, s10, s9, $0x38;
	[tilespmem:$0x16800] =	vst v63  }
0x3fc: {  	s19 =	sadd.s32 s3, s19;
	s26 =	sadd.s32 $0x11B00, s11;
	s24 =	sand.u32 $0x1FFFFFF0, s24  }
0x3fd: {  	[tilespmem:s25], [sflag:$0x4] =	stream.linear.gather [hbm4b:s4+s2], $0x40, $0x38;
	[tilespmem:$0x16800] =	vst v63  }
0x3fe: {  	s4 =	spop (v2sf)  }
0x3ff: {  	[tilespmem:s26], [sflag:$0x4] =	stream.strided.gather [hbm4b:s19+s9], $0x0, s10, s9, $0x38;
	[tilespmem:$0x16800] =	vst v63  }
0x400: {  	s15 =	sadd.s32 s3, s15;
	s25 =	sadd.s32 $0x11B80, s11;
	s4 =	sand.u32 $0x1FFFFFF0, s4  }
0x401: {  	[tilespmem:s26], [sflag:$0x4] =	stream.linear.gather [hbm4b:s19+s2], $0x40, $0x38;
	[tilespmem:$0x16800] =	vst v63  }
0x402: {  	s19 =	spop (v2sf)  }
0x403: {  	[tilespmem:s25], [sflag:$0x4] =	stream.strided.gather [hbm4b:s15+s9], $0x0, s10, s9, $0x38;
	[tilespmem:$0x16800] =	vst v63  }
0x404: {  	s22 =	sadd.s32 s3, s22;
	s26 =	sadd.s32 $0x11C00, s11;
	s19 =	sand.u32 $0x1FFFFFF0, s19  }
0x405: {  	[tilespmem:s25], [sflag:$0x4] =	stream.linear.gather [hbm4b:s15+s2], $0x40, $0x38;
	[tilespmem:$0x16800] =	vst v63  }
0x406: {  	s15 =	spop (v2sf)  }
0x407: {  	[tilespmem:s26], [sflag:$0x4] =	stream.strided.gather [hbm4b:s22+s9], $0x0, s10, s9, $0x38;
	[tilespmem:$0x16800] =	vst v63  }
0x408: {  	s21 =	sadd.s32 s3, s21;
	s25 =	sadd.s32 $0x11C80, s11;
	s15 =	sand.u32 $0x1FFFFFF0, s15  }
0x409: {  	[tilespmem:s26], [sflag:$0x4] =	stream.linear.gather [hbm4b:s22+s2], $0x40, $0x38;
	[tilespmem:$0x16800] =	vst v63  }
0x40a: {  	_ = 	snop  }
0x40b: {  	[tilespmem:s25], [sflag:$0x4] =	stream.strided.gather [hbm4b:s21+s9], $0x0, s10, s9, $0x38;
	[tilespmem:$0x16800] =	vst v63  }
0x40c: {  	s23 =	sadd.s32 s3, s23;
	s22 =	sadd.s32 $0x11D00, s11  }
0x40d: {  	[tilespmem:s25], [sflag:$0x4] =	stream.linear.gather [hbm4b:s21+s2], $0x40, $0x38;
	[tilespmem:$0x16800] =	vst v63  }
0x40e: {  	_ = 	snop  }
0x40f: {  	[tilespmem:s22], [sflag:$0x4] =	stream.strided.gather [hbm4b:s23+s9], $0x0, s10, s9, $0x38;
	[tilespmem:$0x16800] =	vst v63  }
0x410: {  	s17 =	sadd.s32 s3, s17;
	s21 =	sadd.s32 $0x11D80, s11  }
0x411: {  	[tilespmem:s22], [sflag:$0x4] =	stream.linear.gather [hbm4b:s23+s2], $0x40, $0x38;
	[tilespmem:$0x16800] =	vst v63  }
0x412: {  	_ = 	snop  }
0x413: {  	[tilespmem:s21], [sflag:$0x4] =	stream.strided.gather [hbm4b:s17+s9], $0x0, s10, s9, $0x38;
	[tilespmem:$0x16800] =	vst v63  }
0x414: {  	s22 =	sadd.s32 $0x11E00, s11;
	s23 =	sadd.s32 s3, s24  }
0x415: {  	[tilespmem:s21], [sflag:$0x4] =	stream.linear.gather [hbm4b:s17+s2], $0x40, $0x38;
	[tilespmem:$0x16800] =	vst v63  }
0x416: {  	_ = 	snop  }
0x417: {  	[tilespmem:s22], [sflag:$0x4] =	stream.strided.gather [hbm4b:s23+s9], $0x0, s10, s9, $0x38;
	[tilespmem:$0x16800] =	vst v63  }
0x418: {  	s4 =	sadd.s32 s3, s4;
	s17 =	sadd.s32 $0x11E80, s11  }
0x419: {  	[tilespmem:s22], [sflag:$0x4] =	stream.linear.gather [hbm4b:s23+s2], $0x40, $0x38;
	[tilespmem:$0x16800] =	vst v63  }
0x41a: {  	_ = 	snop  }
0x41b: {  	[tilespmem:s17], [sflag:$0x4] =	stream.strided.gather [hbm4b:s4+s9], $0x0, s10, s9, $0x38;
	[tilespmem:$0x16800] =	vst v63  }
0x41c: {  	s19 =	sadd.s32 s3, s19;
	s21 =	sadd.s32 $0x11F00, s11  }
0x41d: {  	[tilespmem:s17], [sflag:$0x4] =	stream.linear.gather [hbm4b:s4+s2], $0x40, $0x38;
	[tilespmem:$0x16800] =	vst v63  }
0x41e: {  	_ = 	snop  }
0x41f: {  	[tilespmem:s21], [sflag:$0x4] =	stream.strided.gather [hbm4b:s19+s9], $0x0, s10, s9, $0x38;
	[tilespmem:$0x16800] =	vst v63  }
.Ltmp16:
0x420: {  	_ = 	snop;
	(pc) =	sbr.rel @p0 .LBB2_30-.Ltmp16, $4  }
0x421: {  	s25 =	sadd.s32 s3, s15;
	s11 =	sadd.s32 $0x11F80, s11  }
0x422: {  	[tilespmem:s21], [sflag:$0x4] =	stream.linear.gather [hbm4b:s19+s2], $0x40, $0x38;
	[tilespmem:$0x16800] =	vst v63  }
0x423: {  	_ = 	snop  }
0x424: {  	[tilespmem:s11], [sflag:$0x4] =	stream.strided.gather [hbm4b:s25+s9], $0x0, s10, s9, $0x38;
	[tilespmem:$0x16800] =	vst v63  }
0x425: {  	[tilespmem:s11], [sflag:$0x4] =	stream.linear.gather [hbm4b:s25+s2], $0x40, $0x38;
	[tilespmem:$0x16800] =	vst v63  }
0x426: {  	_ =	swait.ge [sflag:s20], $0x40  }
0x427: {  	[sflag:s20] =	ssyncset.done $0x0  }
0x428: {  	[sflag:s20] =	ssyncadd.s32 $0xFFFFFFC0  }
0x429: {  	_ =	swait.ge [sflag:s20], $0x40  }
0x42a: {  	[sflag:s20] =	ssyncset.done $0x0  }
0x42b: {  	[sflag:s20] =	ssyncadd.s32 $0xFFFFFFC0  }
0x42c: {  	_ =	swait.ge [sflag:s20], $0x40  }
0x42d: {  	[sflag:s20] =	ssyncset.done $0x0  }
0x42e: {  	[sflag:s20] =	ssyncadd.s32 $0xFFFFFFC0  }
0x42f: {  	_ =	swait.ge [sflag:s20], $0x40  }
0x430: {  	[sflag:s20] =	ssyncset.done $0x0  }
0x431: {  	[sflag:s20] =	ssyncadd.s32 $0xFFFFFFC0  }
0x432: {  	_ =	swait.ge [sflag:s20], $0x40  }
0x433: {  	[sflag:s20] =	ssyncset.done $0x0  }
0x434: {  	[sflag:s20] =	ssyncadd.s32 $0xFFFFFFC0  }
0x435: {  	_ =	swait.ge [sflag:s20], $0x40  }
0x436: {  	[sflag:s20] =	ssyncset.done $0x0  }
0x437: {  	[sflag:s20] =	ssyncadd.s32 $0xFFFFFFC0  }
0x438: {  	_ =	swait.ge [sflag:s20], $0x40  }
0x439: {  	[sflag:s20] =	ssyncset.done $0x0  }
0x43a: {  	[sflag:s20] =	ssyncadd.s32 $0xFFFFFFC0  }
0x43b: {  	_ =	swait.ge [sflag:s20], $0x40  }
0x43c: {  	[sflag:s20] =	ssyncset.done $0x0  }
0x43d: {  	[sflag:s20] =	ssyncadd.s32 $0xFFFFFFC0  }
0x43e: {  	_ =	swait.ge [sflag:s20], $0x40  }
0x43f: {  	[sflag:s20] =	ssyncset.done $0x0  }
0x440: {  	[sflag:s20] =	ssyncadd.s32 $0xFFFFFFC0  }
0x441: {  	_ =	swait.ge [sflag:s20], $0x40  }
0x442: {  	[sflag:s20] =	ssyncset.done $0x0  }
0x443: {  	[sflag:s20] =	ssyncadd.s32 $0xFFFFFFC0  }
0x444: {  	_ =	swait.ge [sflag:s20], $0x40  }
0x445: {  	[sflag:s20] =	ssyncset.done $0x0  }
0x446: {  	[sflag:s20] =	ssyncadd.s32 $0xFFFFFFC0  }
0x447: {  	_ =	swait.ge [sflag:s20], $0x40  }
0x448: {  	[sflag:s20] =	ssyncset.done $0x0  }
0x449: {  	[sflag:s20] =	ssyncadd.s32 $0xFFFFFFC0  }
0x44a: {  	_ =	swait.ge [sflag:s20], $0x40  }
0x44b: {  	[sflag:s20] =	ssyncset.done $0x0  }
0x44c: {  	[sflag:s20] =	ssyncadd.s32 $0xFFFFFFC0  }
0x44d: {  	_ =	swait.ge [sflag:s20], $0x40  }
0x44e: {  	[sflag:s20] =	ssyncset.done $0x0  }
0x44f: {  	[sflag:s20] =	ssyncadd.s32 $0xFFFFFFC0  }
0x450: {  	_ =	swait.ge [sflag:s20], $0x40  }
0x451: {  	[sflag:s20] =	ssyncset.done $0x0  }
0x452: {  	[sflag:s20] =	ssyncadd.s32 $0xFFFFFFC0  }
0x453: {  	_ =	swait.ge [sflag:s20], $0x40  }
0x454: {  	s5 =	simm.s32 $0x9;
	[sflag:s20] =	ssyncset.done $0x0  }
.LBB2_32:
0x455: {  	p0 =	sne.s32 s5, $0x1;
	s5 =	sadd.s32 $0xFFFFFFFF, s5;
	[sflag:s20] =	ssyncadd.s32 $0xFFFFFFC0  }
0x456: {  	_ =	swait.ge [sflag:s20], $0x40  }
0x457: {  	[sflag:s20] =	ssyncset.done $0x0  }
0x458: {  	[sflag:s20] =	ssyncadd.s32 $0xFFFFFFC0  }
0x459: {  	_ =	swait.ge [sflag:s20], $0x40  }
0x45a: {  	[sflag:s20] =	ssyncset.done $0x0  }
0x45b: {  	[sflag:s20] =	ssyncadd.s32 $0xFFFFFFC0  }
0x45c: {  	_ =	swait.ge [sflag:s20], $0x40  }
0x45d: {  	[sflag:s20] =	ssyncset.done $0x0  }
0x45e: {  	[sflag:s20] =	ssyncadd.s32 $0xFFFFFFC0  }
0x45f: {  	_ =	swait.ge [sflag:s20], $0x40  }
0x460: {  	[sflag:s20] =	ssyncset.done $0x0  }
0x461: {  	[sflag:s20] =	ssyncadd.s32 $0xFFFFFFC0  }
0x462: {  	_ =	swait.ge [sflag:s20], $0x40  }
0x463: {  	[sflag:s20] =	ssyncset.done $0x0  }
0x464: {  	[sflag:s20] =	ssyncadd.s32 $0xFFFFFFC0  }
0x465: {  	_ =	swait.ge [sflag:s20], $0x40  }
0x466: {  	[sflag:s20] =	ssyncset.done $0x0  }
0x467: {  	[sflag:s20] =	ssyncadd.s32 $0xFFFFFFC0  }
0x468: {  	_ =	swait.ge [sflag:s20], $0x40  }
0x469: {  	[sflag:s20] =	ssyncset.done $0x0  }
0x46a: {  	[sflag:s20] =	ssyncadd.s32 $0xFFFFFFC0  }
0x46b: {  	_ =	swait.ge [sflag:s20], $0x40  }
0x46c: {  	[sflag:s20] =	ssyncset.done $0x0  }
0x46d: {  	[sflag:s20] =	ssyncadd.s32 $0xFFFFFFC0  }
0x46e: {  	_ =	swait.ge [sflag:s20], $0x40  }
0x46f: {  	[sflag:s20] =	ssyncset.done $0x0  }
0x470: {  	[sflag:s20] =	ssyncadd.s32 $0xFFFFFFC0  }
0x471: {  	_ =	swait.ge [sflag:s20], $0x40  }
0x472: {  	[sflag:s20] =	ssyncset.done $0x0  }
0x473: {  	[sflag:s20] =	ssyncadd.s32 $0xFFFFFFC0  }
0x474: {  	_ =	swait.ge [sflag:s20], $0x40  }
0x475: {  	[sflag:s20] =	ssyncset.done $0x0  }
0x476: {  	[sflag:s20] =	ssyncadd.s32 $0xFFFFFFC0  }
0x477: {  	_ =	swait.ge [sflag:s20], $0x40  }
0x478: {  	[sflag:s20] =	ssyncset.done $0x0  }
0x479: {  	[sflag:s20] =	ssyncadd.s32 $0xFFFFFFC0  }
0x47a: {  	_ =	swait.ge [sflag:s20], $0x40  }
0x47b: {  	[sflag:s20] =	ssyncset.done $0x0  }
0x47c: {  	[sflag:s20] =	ssyncadd.s32 $0xFFFFFFC0  }
0x47d: {  	_ =	swait.ge [sflag:s20], $0x40  }
0x47e: {  	[sflag:s20] =	ssyncset.done $0x0  }
0x47f: {  	[sflag:s20] =	ssyncadd.s32 $0xFFFFFFC0  }
.Ltmp17:
0x480: {  	_ =	swait.ge [sflag:s20], $0x40;
	(pc) =	sbr.rel @p0 .LBB2_32-.Ltmp17, $4  }
0x481: {  	[sflag:s20] =	ssyncset.done $0x0  }
0x482: {  	[sflag:s20] =	ssyncadd.s32 $0xFFFFFFC0  }
0x483: {  	_ =	swait.ge [sflag:s20], $0x40  }
0x484: {  	[sflag:s20] =	ssyncset.done $0x0  }
.Ltmp18:
0x485: {  	(pc) =	sbr.rel .LBB2_2-.Ltmp18, $4  }
0x486: {  	s1 =	smul.u32 $0xC00, s1;
	[sflag:s20] =	ssyncadd.s32 $0xFFFFFFC0;
	s4 =	simm.s32 $0x7800  }
0x487: {  	s0 =	sadd.s32 $0x1, s0;
	s31 =	sadd.s32 $0x280, s31;
	s28 =	sadd.s32 $0x280, s28  }
0x488: {  	s29 =	sadd.s32 $0x280, s29;
	s30 =	sadd.s32 $0x280, s30;
	s1 =	sadd.s32 s7, s1  }
0x489: {  	[hbm4b:s1+s13] =	stream.strided.scatter [tilespmem:s4], [sflag:$0x6], $0x5000, s14, s13, $0x38;
	[tilespmem:$0x16800] =	vst v63  }
.LBB2_35:
0x48a: {  	_ =	sfence.sel $0x180000  }
0x48b: {  	[bflag:$0x0] =	sbarrier.arrive $0xFFFF  }
0x48c: {  	_ =	strace $0x90000047  }
0x48d: {  	s0 =	stileid.u32;
	[bflag:$0x2] =	sbarrier.arrive $0xFFFF  }
0x48e: {  	p0 =	sne.s32 s0, $0x0;
	s0 =	rddreg [dreg:$0x2]  }
0x48f: {  	s0 =	sadd.s32 @!p0 $0x100000, s0  }
0x490: {  	[sflag:s0] =	ssyncadd.tile.s32 @!p0 $0x1;
	_ =	shalt  }
.Lfunc_end2:
_tile_overlayer_lowered:
.L_overlay_start_2:
0x491: {  	(tag) =	ssettag $0x2  }
0x492: {  	s0 =	rddreg [dreg:$0x0];
	s2 =	stileid.u32  }
0x493: {  	s1 =	rddreg [dreg:$0x1];
	p0 =	sne.s32 s2, $0x0  }
0x494: {  	s3 =	rddreg [dreg:$0x2];
	[bflag:$0x3] =	sbarrier.arrive $0xFFFF;
	s2 =	simm.s32 @!p0 $0x1C09  }
0x495: {  	[timem:s3], [sflag:s2] =	dma.local @!p0 [hbm:s0], s1  }
0x496: {  	s0 =	simm.s32 @!p0 $0x9  }
0x497: {  	_ =	swait.ge @!p0 [sflag:s0], s1  }
0x498: {  	s1 =	ssub.s32 @!p0 $0x0, s1;
	[sflag:s0] =	ssyncset.done @!p0 $0x0  }
0x499: {  	[sflag:s0] =	ssyncadd.s32 @!p0 s1  }
0x49a: {  	[bflag:$0x3] =	sbarrier.arrive $0xFFFF  }
0x49b: {  	_ =	shalt  }

</sc_bundles>
